<compile_context>
chip_gen: v7x
topology: tpu7x:2x2x1
jax: 0.10.2.dev20260603
libtpu: 0.0.44.dev20260713+nightly
codegen_flags: <defaults>
</compile_context>

<pallas_src>
import functools

import jax
import jax.numpy as jnp
from jax import lax
from jax.experimental import pallas as pl
from jax.experimental.pallas import tpu as pltpu
from jax.experimental.pallas import tpu_sc as plsc

NC = 2
NS = 16
NW = NC * NS
L = 16

_params = pltpu.CompilerParams(needs_layout_passes=False,
                               use_tc_tiling_on_sc=False)


def _mesh():
    return plsc.VectorSubcoreMesh(core_axis_name="c", subcore_axis_name="s",
                                  num_cores=NC, num_subcores=NS)


@functools.lru_cache(maxsize=None)
def _build_repack_kernel(V):
    VB = 2000
    NCHUNK = V // VB

    @functools.partial(
        pl.kernel,
        out_type=[
            jax.ShapeDtypeStruct((V, 8), jnp.float32),
            jax.ShapeDtypeStruct((NW, 6 * L), jnp.float32),
        ],
        mesh=_mesh(),
        compiler_params=_params,
        scratch_types=[
            pltpu.VMEM((VB,), jnp.float32),
            pltpu.VMEM((VB,), jnp.float32),
            pltpu.VMEM((VB,), jnp.float32),
            pltpu.VMEM((VB, 8), jnp.float32),
            pltpu.VMEM((6 * L,), jnp.float32),
        ],
    )
    def repack(vx, vy, vz, packed_out, bpart_out, xb, yb, zb, pb, bacc):
        wid = lax.axis_index("s") * NC + lax.axis_index("c")
        lanes = lax.iota(jnp.int32, L)

        inf = jnp.float32(jnp.inf)
        acc0 = tuple(jnp.full((L,), inf, jnp.float32) for _ in range(3)) + \
               tuple(jnp.full((L,), -inf, jnp.float32) for _ in range(3))

        def chunk_body(k, acc):
            chunk = wid + k * NW
            base = chunk * VB
            pltpu.sync_copy(vx.at[pl.ds(base, VB)], xb)
            pltpu.sync_copy(vy.at[pl.ds(base, VB)], yb)
            pltpu.sync_copy(vz.at[pl.ds(base, VB)], zb)

            zero = jnp.full((L,), 0, jnp.int32)

            def step(t, acc):
                o = t * L
                x = xb[pl.ds(o, L)]
                y = yb[pl.ds(o, L)]
                z = zb[pl.ds(o, L)]
                i = o + lanes
                plsc.store_scatter(pb, [i, zero], x)
                plsc.store_scatter(pb, [i, zero + 1], y)
                plsc.store_scatter(pb, [i, zero + 2], z)
                mn0, mn1, mn2, mx0, mx1, mx2 = acc
                return (jnp.minimum(mn0, x), jnp.minimum(mn1, y),
                        jnp.minimum(mn2, z), jnp.maximum(mx0, x),
                        jnp.maximum(mx1, y), jnp.maximum(mx2, z))

            acc = lax.fori_loop(0, VB // L, step, acc)
            pltpu.sync_copy(pb, packed_out.at[pl.ds(chunk * VB, VB), :])
            return acc

        nch = (NCHUNK - 1 - wid) // NW + 1
        acc = lax.fori_loop(0, nch, chunk_body, acc0)
        for i in range(6):
            bacc[pl.ds(i * L, L)] = acc[i]
        pltpu.sync_copy(bacc, bpart_out.at[wid])

    return repack


@functools.lru_cache(maxsize=None)
def _build_main_kernel(V, F):
    C = 640
    NCHUNK = F // C
    G = C // L
    R = (3 * C) // 128

    @functools.partial(
        pl.kernel,
        out_type=[
            jax.ShapeDtypeStruct((F // 128, 4, 128), jnp.float32),
            jax.ShapeDtypeStruct((F // 128, 4, 128), jnp.float32),
            jax.ShapeDtypeStruct((F,), jnp.float32),
        ],
        mesh=_mesh(),
        compiler_params=_params,
        scratch_types=[
            [pltpu.VMEM((R, 128), jnp.int32),
             pltpu.VMEM((3 * C, 8), jnp.float32),
             pltpu.VMEM((C // 128, 4, 128), jnp.float32),
             pltpu.VMEM((C // 128, 4, 128), jnp.float32),
             pltpu.VMEM((C,), jnp.float32),
             [pltpu.SemaphoreType.DMA for _ in range(C // 128)],
             pltpu.SemaphoreType.DMA],
            [pltpu.VMEM((R, 128), jnp.int32),
             pltpu.VMEM((3 * C, 8), jnp.float32),
             pltpu.VMEM((C // 128, 4, 128), jnp.float32),
             pltpu.VMEM((C // 128, 4, 128), jnp.float32),
             pltpu.VMEM((C,), jnp.float32),
             [pltpu.SemaphoreType.DMA for _ in range(C // 128)],
             pltpu.SemaphoreType.DMA],
        ],
    )
    def main(packed, f0, f1, f2, cent_out, norm_out, area_out, set0, set1):
        wid = lax.axis_index("s") * NC + lax.axis_index("c")
        lanes = lax.iota(jnp.int32, L)
        TPC = C // 128

        def load_and_fire(chunk, bufs):
            qidx_v, rows_v, _, _, _, sems, _ = bufs
            row0 = chunk * TPC
            pltpu.sync_copy(f0.at[pl.ds(row0, TPC), :],
                            qidx_v.at[pl.ds(0, TPC), :])
            pltpu.sync_copy(f1.at[pl.ds(row0, TPC), :],
                            qidx_v.at[pl.ds(TPC, TPC), :])
            pltpu.sync_copy(f2.at[pl.ds(row0, TPC), :],
                            qidx_v.at[pl.ds(2 * TPC, TPC), :])
            for t in range(TPC):
                for k in range(3):
                    s = k * TPC + t
                    pltpu.async_copy(packed.at[qidx_v.at[s]],
                                     rows_v.at[pl.ds(s * 128, 128), :],
                                     sems[t])

        def out_copies(chunk, bufs):
            _, _, cb, nb, arb, _, osem = bufs
            fbase = chunk * C
            tile0 = chunk * TPC
            return (
                pltpu.make_async_copy(
                    cb, cent_out.at[pl.ds(tile0, TPC), :, :], osem),
                pltpu.make_async_copy(
                    nb, norm_out.at[pl.ds(tile0, TPC), :, :], osem),
                pltpu.make_async_copy(arb, area_out.at[pl.ds(fbase, C)],
                                      osem),
            )

        def drain_compute_store(chunk, bufs):
            qidx_v, rows_v, cb, nb, arb, sems, osem = bufs

            @pl.when(chunk >= wid + 2 * NW)
            def _():
                for d in out_copies(chunk - 2 * NW, bufs):
                    d.wait()

            zero = jnp.full((L,), 0, jnp.int32)

            def group(g, _):
                o = g * L
                f = o + lanes
                tri = []
                for k in range(3):
                    row = f + k * C
                    for c in range(3):
                        tri.append(plsc.load_gather(rows_v, [row, zero + c]))
                v0x, v0y, v0z, v1x, v1y, v1z, v2x, v2y, v2z = tri

                tb = g >> 3
                pos = (g & 7) * L
                third = jnp.float32(1.0 / 3.0)
                cb[tb, 0, pl.ds(pos, L)] = (v0x + v1x + v2x) * third
                cb[tb, 1, pl.ds(pos, L)] = (v0y + v1y + v2y) * third
                cb[tb, 2, pl.ds(pos, L)] = (v0z + v1z + v2z) * third

                e1x = v1x - v0x
                e1y = v1y - v0y
                e1z = v1z - v0z
                e2x = v2x - v1x
                e2y = v2y - v1y
                e2z = v2z - v1z
                cx = e1y * e2z - e1z * e2y
                cy = e1z * e2x - e1x * e2z
                cz = e1x * e2y - e1y * e2x
                s = cx * cx + cy * cy + cz * cz
                bits = plsc.bitcast(s, jnp.int32)
                y = plsc.bitcast(jnp.int32(0x5F3759DF) - (bits >> 1),
                                 jnp.float32)
                half_s = s * 0.5
                for _ in range(2):
                    y = y * (1.5 - half_s * y * y)
                nb[tb, 0, pl.ds(pos, L)] = cx * y
                nb[tb, 1, pl.ds(pos, L)] = cy * y
                nb[tb, 2, pl.ds(pos, L)] = cz * y
                arb[pl.ds(o, L)] = (s * y) * 0.5
                return 0

            for t in range(TPC):
                for k in range(3):
                    s = k * TPC + t
                    pltpu.make_async_copy(
                        packed.at[qidx_v.at[s]],
                        rows_v.at[pl.ds(s * 128, 128), :], sems[t]).wait()
                lax.fori_loop(t * 8, (t + 1) * 8, group, 0)
            for d in out_copies(chunk, bufs):
                d.start()

        def guarded(stage, chunk, bufs):
            @pl.when(chunk < NCHUNK)
            def _():
                stage(chunk, bufs)

        guarded(load_and_fire, wid, set0)

        def pair(m, _):
            c0 = wid + (2 * m) * NW
            c1 = c0 + NW
            c2 = c1 + NW
            guarded(load_and_fire, c1, set1)
            guarded(drain_compute_store, c0, set0)
            guarded(load_and_fire, c2, set0)
            guarded(drain_compute_store, c1, set1)
            return 0

        npair = (NCHUNK + 2 * NW - 1) // (2 * NW)
        lax.fori_loop(0, npair, pair, 0)
        for st in (set0, set1):
            for d in out_copies(wid, st):
                d.wait()

    return main


def kernel(vertices, faces):
    V = vertices.shape[0]
    F = faces.shape[0]
    vx, vy, vz = vertices[:, 0], vertices[:, 1], vertices[:, 2]
    f0 = faces[:, 0].reshape(F // 128, 128)
    f1 = faces[:, 1].reshape(F // 128, 128)
    f2 = faces[:, 2].reshape(F // 128, 128)
    packed, bpart = _build_repack_kernel(V)(vx, vy, vz)
    cent, norm, area = _build_main_kernel(V, F)(packed, f0, f1, f2)
    face_centers = cent.transpose(0, 2, 1).reshape(F, 4)[:, :3]
    face_normals = norm.transpose(0, 2, 1).reshape(F, 4)[:, :3]
    bpart = bpart.reshape(NW, 6, L)
    mins = jnp.min(bpart[:, 0:3, :], axis=(0, 2))
    maxs = jnp.max(bpart[:, 3:6, :], axis=(0, 2))
    bounds = jnp.stack([mins, maxs], axis=-1)
    return face_centers, face_normals, area, bounds

# --- scband reference (transcript-rebuilt; emitter-appended) ---
"""Pipeline reference for scband-mesh-23527830848030 (READ-ONLY COPY).

The authoritative reference and input builder live on the scoring server;
editing this copy changes nothing except your own understanding.
"""

import jax, jax.numpy as jnp
import numpy as np

N_VERTICES = 1000000
N_FACES = 2000000

def setup_inputs(seed: int = 0) -> dict:
    key = jax.random.key(seed)
    k1, k2 = jax.random.split(key)
    vertices = jax.random.normal(k1, (N_VERTICES, 3), dtype=jnp.float32)
    faces = jax.random.randint(k2, (N_FACES, 3), 0, N_VERTICES, dtype=jnp.int32)
    return {"vertices": vertices, "faces": faces}

def reference(vertices, faces):
    # Faithful translation of the Mesh module's derived-quantity properties.
    # Core op: gather vertex positions by face indices (embedding-style lookup).
    tri = vertices[faces]                      # [n_faces, 3, 3]
    # face_centers
    face_centers = jnp.mean(tri, axis=1)       # [n_faces, 3]
    # face_normals / face_areas share the same cross product
    e1 = tri[:, 1] - tri[:, 0]
    e2 = tri[:, 2] - tri[:, 1]
    cross = jnp.cross(e1, e2)                  # [n_faces, 3]
    cross_norm = jnp.linalg.norm(cross, axis=-1, keepdims=True)
    face_normals = cross / cross_norm          # [n_faces, 3]
    face_areas = cross_norm[..., 0] / 2        # [n_faces]
    # bounds
    mins = jnp.min(vertices, axis=0)
    maxs = jnp.max(vertices, axis=0)
    bounds = jnp.stack([mins, maxs], axis=-1)  # [3, 2]
    return face_centers, face_normals, face_areas, bounds

if __name__ == "__main__":
    import jax
    _d = setup_inputs()
    print(jax.jit(kernel)(*tuple(_d.values())))

</pallas_src>

<mosaic_0001>
#map = affine_map<(d0, d1) -> (0)>
#map1 = affine_map<(d0, d1) -> (0, 0)>
module attributes {stable_mosaic.version = 14 : i64} {
  func.func @repack(%arg0: i32, %arg1: i32, %arg2: memref<1000000xf32, #tpu.memory_space<hbm>>, %arg3: memref<1000000xf32, #tpu.memory_space<hbm>>, %arg4: memref<1000000xf32, #tpu.memory_space<hbm>>, %arg5: memref<1000000x8xf32, #tpu.memory_space<hbm>>, %arg6: memref<32x96xf32, #tpu.memory_space<hbm>>, %arg7: memref<2000xf32, #tpu.memory_space<vmem>>, %arg8: memref<2000xf32, #tpu.memory_space<vmem>>, %arg9: memref<2000xf32, #tpu.memory_space<vmem>>, %arg10: memref<2000x8xf32, #tpu.memory_space<vmem>>, %arg11: memref<96xf32, #tpu.memory_space<vmem>>) attributes {dimension_semantics = [#tpu.dimension_semantics<core_parallel>, #tpu.dimension_semantics<subcore_parallel>], iteration_bounds = array<i64: 2, 16>, scalar_prefetch = 0 : i64, scratch_operands = 5 : i64, tpu.core_type = #tpu.core_type<sc_vector_subcore>, window_params = [{transform_indices = #map}, {transform_indices = #map}, {transform_indices = #map}, {transform_indices = #map1}, {transform_indices = #map1}]} {
    %mul3A = arith.constant 2 : i32
    %mul3A_0 = arith.muli %arg1, %mul3A : i32
    %add3A = arith.addi %mul3A_0, %arg0 : i32
    %iota3A = tpu.iota {dimensions = array<i32: 0>} : vector<16xi32>
    %broadcast_in_dim3A = arith.constant 0x7F800000 : f32
    %broadcast_in_dim3A_1 = vector.broadcast %broadcast_in_dim3A : f32 to vector<16xf32>
    %broadcast_in_dim3A_2 = arith.constant 0x7F800000 : f32
    %broadcast_in_dim3A_3 = vector.broadcast %broadcast_in_dim3A_2 : f32 to vector<16xf32>
    %broadcast_in_dim3A_4 = arith.constant 0x7F800000 : f32
    %broadcast_in_dim3A_5 = vector.broadcast %broadcast_in_dim3A_4 : f32 to vector<16xf32>
    %neg3A = arith.constant 0.000000e+00 : f32
    %neg3A_6 = arith.constant 0x7F800000 : f32
    %neg3A_7 = arith.subf %neg3A, %neg3A_6 : f32
    %broadcast_in_dim3A_8 = vector.broadcast %neg3A_7 : f32 to vector<16xf32>
    %neg3A_9 = arith.constant 0.000000e+00 : f32
    %neg3A_10 = arith.constant 0x7F800000 : f32
    %neg3A_11 = arith.subf %neg3A_9, %neg3A_10 : f32
    %broadcast_in_dim3A_12 = vector.broadcast %neg3A_11 : f32 to vector<16xf32>
    %neg3A_13 = arith.constant 0.000000e+00 : f32
    %neg3A_14 = arith.constant 0x7F800000 : f32
    %neg3A_15 = arith.subf %neg3A_13, %neg3A_14 : f32
    %broadcast_in_dim3A_16 = vector.broadcast %neg3A_15 : f32 to vector<16xf32>
    %sub3A = arith.constant 499 : i32
    %sub3A_17 = arith.subi %sub3A, %add3A : i32
    %jit3A = arith.constant 32 : i32
    %div3A = arith.divsi %sub3A_17, %jit3A : i32
    %sign3A = arith.constant 0 : i32
    %sign3A_18 = arith.cmpi sgt, %sub3A_17, %sign3A : i32
    %sign3A_19 = arith.extui %sign3A_18 : i1 to i32
    %sign3A_20 = arith.constant 0 : i32
    %sign3A_21 = arith.cmpi slt, %sub3A_17, %sign3A_20 : i32
    %sign3A_22 = arith.extui %sign3A_21 : i1 to i32
    %sign3A_23 = arith.subi %sign3A_19, %sign3A_22 : i32
    %sign3A_24 = arith.constant 0 : i32
    %sign3A_25 = arith.cmpi sgt, %jit3A, %sign3A_24 : i32
    %sign3A_26 = arith.extui %sign3A_25 : i1 to i32
    %sign3A_27 = arith.constant 0 : i32
    %sign3A_28 = arith.cmpi slt, %jit3A, %sign3A_27 : i32
    %sign3A_29 = arith.extui %sign3A_28 : i1 to i32
    %sign3A_30 = arith.subi %sign3A_26, %sign3A_29 : i32
    %ne3A = arith.cmpi ne, %sign3A_23, %sign3A_30 : i32
    %rem3A = arith.remsi %sub3A_17, %jit3A : i32
    %ne3A_31 = arith.constant 0 : i32
    %ne3A_32 = arith.cmpi ne, %rem3A, %ne3A_31 : i32
    %and3A = arith.andi %ne3A, %ne3A_32 : i1
    %sub3A_33 = arith.constant 1 : i32
    %sub3A_34 = arith.subi %div3A, %sub3A_33 : i32
    %select_n3A = arith.select %and3A, %sub3A_34, %div3A : i32
    %add3A_35 = arith.constant 1 : i32
    %add3A_36 = arith.addi %select_n3A, %add3A_35 : i32
    %while3A = arith.constant 0 : i32
    %while3A_37 = arith.subi %add3A_36, %while3A : i32
    %while3A_38 = arith.addi %while3A, %while3A_37 : i32
    %while3A_39 = arith.constant 1 : i32
    %while3A_40 = arith.divsi %while3A_37, %while3A_39 : i32
    %while3A_41 = arith.muli %while3A_40, %while3A_39 : i32
    %while3A_42 = arith.addi %while3A, %while3A_41 : i32
    %while3A_43 = arith.constant 1 : i32
    %while3A_44:6 = scf.for %while3A_58 = %while3A to %while3A_42 step %while3A_43 iter_args(%while3A_59 = %broadcast_in_dim3A_1, %while3A_60 = %broadcast_in_dim3A_3, %while3A_61 = %broadcast_in_dim3A_5, %while3A_62 = %broadcast_in_dim3A_8, %while3A_63 = %broadcast_in_dim3A_12, %while3A_64 = %broadcast_in_dim3A_16) -> (vector<16xf32>, vector<16xf32>, vector<16xf32>, vector<16xf32>, vector<16xf32>, vector<16xf32>)  : i32 {
      %mul3A_65 = arith.constant 32 : i32
      %mul3A_66 = arith.muli %while3A_58, %mul3A_65 : i32
      %add3A_67 = arith.addi %add3A, %mul3A_66 : i32
      %mul3A_68 = arith.constant 2000 : i32
      %mul3A_69 = arith.muli %add3A_67, %mul3A_68 : i32
      "tpu.region"() ({
        %run_scoped3A = tpu.sem_alloc : memref<!tpu.dma_semaphore, #tpu.memory_space<semaphore_mem>>
        %dma_start3A = tpu.memref_slice %arg2[%mul3A_69] : memref<1000000xf32, #tpu.memory_space<hbm>> -> memref<2000xf32, #tpu.memory_space<hbm>>
        %dma_start3A_79 = tpu.memref_slice %arg2[%mul3A_69] : memref<1000000xf32, #tpu.memory_space<hbm>> -> memref<2000xf32, #tpu.memory_space<hbm>>
        tpu.enqueue_dma source(%dma_start3A_79 : memref<2000xf32, #tpu.memory_space<hbm>>) target(%arg7 : memref<2000xf32, #tpu.memory_space<vmem>>) target_semaphore(%run_scoped3A : memref<!tpu.dma_semaphore, #tpu.memory_space<semaphore_mem>>)
        %dma_wait3A = tpu.memref_slice %arg2[%mul3A_69] : memref<1000000xf32, #tpu.memory_space<hbm>> -> memref<2000xf32, #tpu.memory_space<hbm>>
        %dma_wait3A_80 = tpu.memref_slice %arg2[%mul3A_69] : memref<1000000xf32, #tpu.memory_space<hbm>> -> memref<2000xf32, #tpu.memory_space<hbm>>
        tpu.wait_dma2 semaphore(%run_scoped3A : memref<!tpu.dma_semaphore, #tpu.memory_space<semaphore_mem>>) src(%dma_wait3A_80 : memref<2000xf32, #tpu.memory_space<hbm>>) dst(%arg7 : memref<2000xf32, #tpu.memory_space<vmem>>)
        tpu.yield
      }) : () -> ()
      "tpu.region"() ({
        %run_scoped3A = tpu.sem_alloc : memref<!tpu.dma_semaphore, #tpu.memory_space<semaphore_mem>>
        %dma_start3A = tpu.memref_slice %arg3[%mul3A_69] : memref<1000000xf32, #tpu.memory_space<hbm>> -> memref<2000xf32, #tpu.memory_space<hbm>>
        %dma_start3A_79 = tpu.memref_slice %arg3[%mul3A_69] : memref<1000000xf32, #tpu.memory_space<hbm>> -> memref<2000xf32, #tpu.memory_space<hbm>>
        tpu.enqueue_dma source(%dma_start3A_79 : memref<2000xf32, #tpu.memory_space<hbm>>) target(%arg8 : memref<2000xf32, #tpu.memory_space<vmem>>) target_semaphore(%run_scoped3A : memref<!tpu.dma_semaphore, #tpu.memory_space<semaphore_mem>>)
        %dma_wait3A = tpu.memref_slice %arg3[%mul3A_69] : memref<1000000xf32, #tpu.memory_space<hbm>> -> memref<2000xf32, #tpu.memory_space<hbm>>
        %dma_wait3A_80 = tpu.memref_slice %arg3[%mul3A_69] : memref<1000000xf32, #tpu.memory_space<hbm>> -> memref<2000xf32, #tpu.memory_space<hbm>>
        tpu.wait_dma2 semaphore(%run_scoped3A : memref<!tpu.dma_semaphore, #tpu.memory_space<semaphore_mem>>) src(%dma_wait3A_80 : memref<2000xf32, #tpu.memory_space<hbm>>) dst(%arg8 : memref<2000xf32, #tpu.memory_space<vmem>>)
        tpu.yield
      }) : () -> ()
      "tpu.region"() ({
        %run_scoped3A = tpu.sem_alloc : memref<!tpu.dma_semaphore, #tpu.memory_space<semaphore_mem>>
        %dma_start3A = tpu.memref_slice %arg4[%mul3A_69] : memref<1000000xf32, #tpu.memory_space<hbm>> -> memref<2000xf32, #tpu.memory_space<hbm>>
        %dma_start3A_79 = tpu.memref_slice %arg4[%mul3A_69] : memref<1000000xf32, #tpu.memory_space<hbm>> -> memref<2000xf32, #tpu.memory_space<hbm>>
        tpu.enqueue_dma source(%dma_start3A_79 : memref<2000xf32, #tpu.memory_space<hbm>>) target(%arg9 : memref<2000xf32, #tpu.memory_space<vmem>>) target_semaphore(%run_scoped3A : memref<!tpu.dma_semaphore, #tpu.memory_space<semaphore_mem>>)
        %dma_wait3A = tpu.memref_slice %arg4[%mul3A_69] : memref<1000000xf32, #tpu.memory_space<hbm>> -> memref<2000xf32, #tpu.memory_space<hbm>>
        %dma_wait3A_80 = tpu.memref_slice %arg4[%mul3A_69] : memref<1000000xf32, #tpu.memory_space<hbm>> -> memref<2000xf32, #tpu.memory_space<hbm>>
        tpu.wait_dma2 semaphore(%run_scoped3A : memref<!tpu.dma_semaphore, #tpu.memory_space<semaphore_mem>>) src(%dma_wait3A_80 : memref<2000xf32, #tpu.memory_space<hbm>>) dst(%arg9 : memref<2000xf32, #tpu.memory_space<vmem>>)
        tpu.yield
      }) : () -> ()
      %broadcast_in_dim3A_70 = arith.constant 0 : i32
      %broadcast_in_dim3A_71 = vector.broadcast %broadcast_in_dim3A_70 : i32 to vector<16xi32>
      %scan3A = arith.constant 0 : i32
      %scan3A_72 = arith.constant 125 : i32
      %scan3A_73 = arith.addi %scan3A, %scan3A_72 : i32
      %scan3A_74 = arith.constant 1 : i32
      %scan3A_75:6 = scf.for %scan3A_79 = %scan3A to %scan3A_73 step %scan3A_74 iter_args(%scan3A_80 = %while3A_59, %scan3A_81 = %while3A_60, %scan3A_82 = %while3A_61, %scan3A_83 = %while3A_62, %scan3A_84 = %while3A_63, %scan3A_85 = %while3A_64) -> (vector<16xf32>, vector<16xf32>, vector<16xf32>, vector<16xf32>, vector<16xf32>, vector<16xf32>)  : i32 {
        %mul3A_86 = arith.constant 16 : i32
        %mul3A_87 = arith.muli %scan3A_79, %mul3A_86 : i32
        %get3A = arith.index_cast %mul3A_87 : i32 to index
        %get3A_88 = tpu.vector_load %arg7[%get3A] {strides = array<i32>} : memref<2000xf32, #tpu.memory_space<vmem>>, vector<16xf32>,
        %get3A_89 = arith.index_cast %mul3A_87 : i32 to index
        %get3A_90 = tpu.vector_load %arg8[%get3A_89] {strides = array<i32>} : memref<2000xf32, #tpu.memory_space<vmem>>, vector<16xf32>,
        %get3A_91 = arith.index_cast %mul3A_87 : i32 to index
        %get3A_92 = tpu.vector_load %arg9[%get3A_91] {strides = array<i32>} : memref<2000xf32, #tpu.memory_space<vmem>>, vector<16xf32>,
        %add3A_93 = vector.broadcast %mul3A_87 : i32 to vector<16xi32>
        %add3A_94 = arith.addi %add3A_93, %iota3A : vector<16xi32>
        tpu.vector_store_idx %arg10[%add3A_94, %broadcast_in_dim3A_71], %get3A_88 : memref<2000x8xf32, #tpu.memory_space<vmem>>[vector<16xi32>, vector<16xi32>], vector<16xf32>,
        %add3A_95 = arith.constant 1 : i32
        %add3A_96 = vector.broadcast %add3A_95 : i32 to vector<16xi32>
        %add3A_97 = arith.addi %broadcast_in_dim3A_71, %add3A_96 : vector<16xi32>
        tpu.vector_store_idx %arg10[%add3A_94, %add3A_97], %get3A_90 : memref<2000x8xf32, #tpu.memory_space<vmem>>[vector<16xi32>, vector<16xi32>], vector<16xf32>,
        %add3A_98 = arith.constant 2 : i32
        %add3A_99 = vector.broadcast %add3A_98 : i32 to vector<16xi32>
        %add3A_100 = arith.addi %broadcast_in_dim3A_71, %add3A_99 : vector<16xi32>
        tpu.vector_store_idx %arg10[%add3A_94, %add3A_100], %get3A_92 : memref<2000x8xf32, #tpu.memory_space<vmem>>[vector<16xi32>, vector<16xi32>], vector<16xf32>,
        %min3A = arith.minimumf %scan3A_80, %get3A_88 : vector<16xf32>
        %min3A_101 = arith.minimumf %scan3A_81, %get3A_90 : vector<16xf32>
        %min3A_102 = arith.minimumf %scan3A_82, %get3A_92 : vector<16xf32>
        %max3A = arith.maximumf %scan3A_83, %get3A_88 : vector<16xf32>
        %max3A_103 = arith.maximumf %scan3A_84, %get3A_90 : vector<16xf32>
        %max3A_104 = arith.maximumf %scan3A_85, %get3A_92 : vector<16xf32>
        scf.yield %min3A, %min3A_101, %min3A_102, %max3A, %max3A_103, %max3A_104 : vector<16xf32>, vector<16xf32>, vector<16xf32>, vector<16xf32>, vector<16xf32>, vector<16xf32>
      }
      %scan3A_76 = arith.constant 125 : i32
      %mul3A_77 = arith.constant 2000 : i32
      %mul3A_78 = arith.muli %add3A_67, %mul3A_77 : i32
      "tpu.region"() ({
        %run_scoped3A = tpu.sem_alloc : memref<!tpu.dma_semaphore, #tpu.memory_space<semaphore_mem>>
        %dma_start3A = arith.constant 0 : i32
        %dma_start3A_79 = tpu.memref_slice %arg5[%mul3A_78, %dma_start3A] : memref<1000000x8xf32, #tpu.memory_space<hbm>> -> memref<2000x8xf32, #tpu.memory_space<hbm>>
        %dma_start3A_80 = arith.constant 0 : i32
        %dma_start3A_81 = tpu.memref_slice %arg5[%mul3A_78, %dma_start3A_80] : memref<1000000x8xf32, #tpu.memory_space<hbm>> -> memref<2000x8xf32, #tpu.memory_space<hbm>>
        tpu.enqueue_dma source(%arg10 : memref<2000x8xf32, #tpu.memory_space<vmem>>) target(%dma_start3A_81 : memref<2000x8xf32, #tpu.memory_space<hbm>>) target_semaphore(%run_scoped3A : memref<!tpu.dma_semaphore, #tpu.memory_space<semaphore_mem>>)
        %dma_wait3A = arith.constant 0 : i32
        %dma_wait3A_82 = tpu.memref_slice %arg5[%mul3A_78, %dma_wait3A] : memref<1000000x8xf32, #tpu.memory_space<hbm>> -> memref<2000x8xf32, #tpu.memory_space<hbm>>
        %dma_wait3A_83 = arith.constant 0 : i32
        %dma_wait3A_84 = tpu.memref_slice %arg5[%mul3A_78, %dma_wait3A_83] : memref<1000000x8xf32, #tpu.memory_space<hbm>> -> memref<2000x8xf32, #tpu.memory_space<hbm>>
        tpu.wait_dma2 semaphore(%run_scoped3A : memref<!tpu.dma_semaphore, #tpu.memory_space<semaphore_mem>>) src(%arg10 : memref<2000x8xf32, #tpu.memory_space<vmem>>) dst(%dma_wait3A_84 : memref<2000x8xf32, #tpu.memory_space<hbm>>)
        tpu.yield
      }) : () -> ()
      scf.yield %scan3A_75#0, %scan3A_75#1, %scan3A_75#2, %scan3A_75#3, %scan3A_75#4, %scan3A_75#5 : vector<16xf32>, vector<16xf32>, vector<16xf32>, vector<16xf32>, vector<16xf32>, vector<16xf32>
    }
    %while3A_45 = arith.constant 1 : i32
    %while3A_46:6 = scf.for %while3A_58 = %while3A_42 to %while3A_38 step %while3A_45 iter_args(%while3A_59 = %while3A_44#0, %while3A_60 = %while3A_44#1, %while3A_61 = %while3A_44#2, %while3A_62 = %while3A_44#3, %while3A_63 = %while3A_44#4, %while3A_64 = %while3A_44#5) -> (vector<16xf32>, vector<16xf32>, vector<16xf32>, vector<16xf32>, vector<16xf32>, vector<16xf32>)  : i32 {
      %mul3A_65 = arith.constant 32 : i32
      %mul3A_66 = arith.muli %while3A_58, %mul3A_65 : i32
      %add3A_67 = arith.addi %add3A, %mul3A_66 : i32
      %mul3A_68 = arith.constant 2000 : i32
      %mul3A_69 = arith.muli %add3A_67, %mul3A_68 : i32
      "tpu.region"() ({
        %run_scoped3A = tpu.sem_alloc : memref<!tpu.dma_semaphore, #tpu.memory_space<semaphore_mem>>
        %dma_start3A = tpu.memref_slice %arg2[%mul3A_69] : memref<1000000xf32, #tpu.memory_space<hbm>> -> memref<2000xf32, #tpu.memory_space<hbm>>
        %dma_start3A_79 = tpu.memref_slice %arg2[%mul3A_69] : memref<1000000xf32, #tpu.memory_space<hbm>> -> memref<2000xf32, #tpu.memory_space<hbm>>
        tpu.enqueue_dma source(%dma_start3A_79 : memref<2000xf32, #tpu.memory_space<hbm>>) target(%arg7 : memref<2000xf32, #tpu.memory_space<vmem>>) target_semaphore(%run_scoped3A : memref<!tpu.dma_semaphore, #tpu.memory_space<semaphore_mem>>)
        %dma_wait3A = tpu.memref_slice %arg2[%mul3A_69] : memref<1000000xf32, #tpu.memory_space<hbm>> -> memref<2000xf32, #tpu.memory_space<hbm>>
        %dma_wait3A_80 = tpu.memref_slice %arg2[%mul3A_69] : memref<1000000xf32, #tpu.memory_space<hbm>> -> memref<2000xf32, #tpu.memory_space<hbm>>
        tpu.wait_dma2 semaphore(%run_scoped3A : memref<!tpu.dma_semaphore, #tpu.memory_space<semaphore_mem>>) src(%dma_wait3A_80 : memref<2000xf32, #tpu.memory_space<hbm>>) dst(%arg7 : memref<2000xf32, #tpu.memory_space<vmem>>)
        tpu.yield
      }) : () -> ()
      "tpu.region"() ({
        %run_scoped3A = tpu.sem_alloc : memref<!tpu.dma_semaphore, #tpu.memory_space<semaphore_mem>>
        %dma_start3A = tpu.memref_slice %arg3[%mul3A_69] : memref<1000000xf32, #tpu.memory_space<hbm>> -> memref<2000xf32, #tpu.memory_space<hbm>>
        %dma_start3A_79 = tpu.memref_slice %arg3[%mul3A_69] : memref<1000000xf32, #tpu.memory_space<hbm>> -> memref<2000xf32, #tpu.memory_space<hbm>>
        tpu.enqueue_dma source(%dma_start3A_79 : memref<2000xf32, #tpu.memory_space<hbm>>) target(%arg8 : memref<2000xf32, #tpu.memory_space<vmem>>) target_semaphore(%run_scoped3A : memref<!tpu.dma_semaphore, #tpu.memory_space<semaphore_mem>>)
        %dma_wait3A = tpu.memref_slice %arg3[%mul3A_69] : memref<1000000xf32, #tpu.memory_space<hbm>> -> memref<2000xf32, #tpu.memory_space<hbm>>
        %dma_wait3A_80 = tpu.memref_slice %arg3[%mul3A_69] : memref<1000000xf32, #tpu.memory_space<hbm>> -> memref<2000xf32, #tpu.memory_space<hbm>>
        tpu.wait_dma2 semaphore(%run_scoped3A : memref<!tpu.dma_semaphore, #tpu.memory_space<semaphore_mem>>) src(%dma_wait3A_80 : memref<2000xf32, #tpu.memory_space<hbm>>) dst(%arg8 : memref<2000xf32, #tpu.memory_space<vmem>>)
        tpu.yield
      }) : () -> ()
      "tpu.region"() ({
        %run_scoped3A = tpu.sem_alloc : memref<!tpu.dma_semaphore, #tpu.memory_space<semaphore_mem>>
        %dma_start3A = tpu.memref_slice %arg4[%mul3A_69] : memref<1000000xf32, #tpu.memory_space<hbm>> -> memref<2000xf32, #tpu.memory_space<hbm>>
        %dma_start3A_79 = tpu.memref_slice %arg4[%mul3A_69] : memref<1000000xf32, #tpu.memory_space<hbm>> -> memref<2000xf32, #tpu.memory_space<hbm>>
        tpu.enqueue_dma source(%dma_start3A_79 : memref<2000xf32, #tpu.memory_space<hbm>>) target(%arg9 : memref<2000xf32, #tpu.memory_space<vmem>>) target_semaphore(%run_scoped3A : memref<!tpu.dma_semaphore, #tpu.memory_space<semaphore_mem>>)
        %dma_wait3A = tpu.memref_slice %arg4[%mul3A_69] : memref<1000000xf32, #tpu.memory_space<hbm>> -> memref<2000xf32, #tpu.memory_space<hbm>>
        %dma_wait3A_80 = tpu.memref_slice %arg4[%mul3A_69] : memref<1000000xf32, #tpu.memory_space<hbm>> -> memref<2000xf32, #tpu.memory_space<hbm>>
        tpu.wait_dma2 semaphore(%run_scoped3A : memref<!tpu.dma_semaphore, #tpu.memory_space<semaphore_mem>>) src(%dma_wait3A_80 : memref<2000xf32, #tpu.memory_space<hbm>>) dst(%arg9 : memref<2000xf32, #tpu.memory_space<vmem>>)
        tpu.yield
      }) : () -> ()
      %broadcast_in_dim3A_70 = arith.constant 0 : i32
      %broadcast_in_dim3A_71 = vector.broadcast %broadcast_in_dim3A_70 : i32 to vector<16xi32>
      %scan3A = arith.constant 0 : i32
      %scan3A_72 = arith.constant 125 : i32
      %scan3A_73 = arith.addi %scan3A, %scan3A_72 : i32
      %scan3A_74 = arith.constant 1 : i32
      %scan3A_75:6 = scf.for %scan3A_79 = %scan3A to %scan3A_73 step %scan3A_74 iter_args(%scan3A_80 = %while3A_59, %scan3A_81 = %while3A_60, %scan3A_82 = %while3A_61, %scan3A_83 = %while3A_62, %scan3A_84 = %while3A_63, %scan3A_85 = %while3A_64) -> (vector<16xf32>, vector<16xf32>, vector<16xf32>, vector<16xf32>, vector<16xf32>, vector<16xf32>)  : i32 {
        %mul3A_86 = arith.constant 16 : i32
        %mul3A_87 = arith.muli %scan3A_79, %mul3A_86 : i32
        %get3A = arith.index_cast %mul3A_87 : i32 to index
        %get3A_88 = tpu.vector_load %arg7[%get3A] {strides = array<i32>} : memref<2000xf32, #tpu.memory_space<vmem>>, vector<16xf32>,
        %get3A_89 = arith.index_cast %mul3A_87 : i32 to index
        %get3A_90 = tpu.vector_load %arg8[%get3A_89] {strides = array<i32>} : memref<2000xf32, #tpu.memory_space<vmem>>, vector<16xf32>,
        %get3A_91 = arith.index_cast %mul3A_87 : i32 to index
        %get3A_92 = tpu.vector_load %arg9[%get3A_91] {strides = array<i32>} : memref<2000xf32, #tpu.memory_space<vmem>>, vector<16xf32>,
        %add3A_93 = vector.broadcast %mul3A_87 : i32 to vector<16xi32>
        %add3A_94 = arith.addi %add3A_93, %iota3A : vector<16xi32>
        tpu.vector_store_idx %arg10[%add3A_94, %broadcast_in_dim3A_71], %get3A_88 : memref<2000x8xf32, #tpu.memory_space<vmem>>[vector<16xi32>, vector<16xi32>], vector<16xf32>,
        %add3A_95 = arith.constant 1 : i32
        %add3A_96 = vector.broadcast %add3A_95 : i32 to vector<16xi32>
        %add3A_97 = arith.addi %broadcast_in_dim3A_71, %add3A_96 : vector<16xi32>
        tpu.vector_store_idx %arg10[%add3A_94, %add3A_97], %get3A_90 : memref<2000x8xf32, #tpu.memory_space<vmem>>[vector<16xi32>, vector<16xi32>], vector<16xf32>,
        %add3A_98 = arith.constant 2 : i32
        %add3A_99 = vector.broadcast %add3A_98 : i32 to vector<16xi32>
        %add3A_100 = arith.addi %broadcast_in_dim3A_71, %add3A_99 : vector<16xi32>
        tpu.vector_store_idx %arg10[%add3A_94, %add3A_100], %get3A_92 : memref<2000x8xf32, #tpu.memory_space<vmem>>[vector<16xi32>, vector<16xi32>], vector<16xf32>,
        %min3A = arith.minimumf %scan3A_80, %get3A_88 : vector<16xf32>
        %min3A_101 = arith.minimumf %scan3A_81, %get3A_90 : vector<16xf32>
        %min3A_102 = arith.minimumf %scan3A_82, %get3A_92 : vector<16xf32>
        %max3A = arith.maximumf %scan3A_83, %get3A_88 : vector<16xf32>
        %max3A_103 = arith.maximumf %scan3A_84, %get3A_90 : vector<16xf32>
        %max3A_104 = arith.maximumf %scan3A_85, %get3A_92 : vector<16xf32>
        scf.yield %min3A, %min3A_101, %min3A_102, %max3A, %max3A_103, %max3A_104 : vector<16xf32>, vector<16xf32>, vector<16xf32>, vector<16xf32>, vector<16xf32>, vector<16xf32>
      }
      %scan3A_76 = arith.constant 125 : i32
      %mul3A_77 = arith.constant 2000 : i32
      %mul3A_78 = arith.muli %add3A_67, %mul3A_77 : i32
      "tpu.region"() ({
        %run_scoped3A = tpu.sem_alloc : memref<!tpu.dma_semaphore, #tpu.memory_space<semaphore_mem>>
        %dma_start3A = arith.constant 0 : i32
        %dma_start3A_79 = tpu.memref_slice %arg5[%mul3A_78, %dma_start3A] : memref<1000000x8xf32, #tpu.memory_space<hbm>> -> memref<2000x8xf32, #tpu.memory_space<hbm>>
        %dma_start3A_80 = arith.constant 0 : i32
        %dma_start3A_81 = tpu.memref_slice %arg5[%mul3A_78, %dma_start3A_80] : memref<1000000x8xf32, #tpu.memory_space<hbm>> -> memref<2000x8xf32, #tpu.memory_space<hbm>>
        tpu.enqueue_dma source(%arg10 : memref<2000x8xf32, #tpu.memory_space<vmem>>) target(%dma_start3A_81 : memref<2000x8xf32, #tpu.memory_space<hbm>>) target_semaphore(%run_scoped3A : memref<!tpu.dma_semaphore, #tpu.memory_space<semaphore_mem>>)
        %dma_wait3A = arith.constant 0 : i32
        %dma_wait3A_82 = tpu.memref_slice %arg5[%mul3A_78, %dma_wait3A] : memref<1000000x8xf32, #tpu.memory_space<hbm>> -> memref<2000x8xf32, #tpu.memory_space<hbm>>
        %dma_wait3A_83 = arith.constant 0 : i32
        %dma_wait3A_84 = tpu.memref_slice %arg5[%mul3A_78, %dma_wait3A_83] : memref<1000000x8xf32, #tpu.memory_space<hbm>> -> memref<2000x8xf32, #tpu.memory_space<hbm>>
        tpu.wait_dma2 semaphore(%run_scoped3A : memref<!tpu.dma_semaphore, #tpu.memory_space<semaphore_mem>>) src(%arg10 : memref<2000x8xf32, #tpu.memory_space<vmem>>) dst(%dma_wait3A_84 : memref<2000x8xf32, #tpu.memory_space<hbm>>)
        tpu.yield
      }) : () -> ()
      scf.yield %scan3A_75#0, %scan3A_75#1, %scan3A_75#2, %scan3A_75#3, %scan3A_75#4, %scan3A_75#5 : vector<16xf32>, vector<16xf32>, vector<16xf32>, vector<16xf32>, vector<16xf32>, vector<16xf32>
    }
    %swap3A = arith.constant 0 : index
    %swap3A_47 = tpu.vector_load %arg11[%swap3A] {strides = array<i32>} : memref<96xf32, #tpu.memory_space<vmem>>, vector<16xf32>,
    tpu.vector_store %arg11[%swap3A], %while3A_46#0 {strides = array<i32>} : memref<96xf32, #tpu.memory_space<vmem>>, vector<16xf32>,
    %swap3A_48 = arith.constant 16 : index
    %swap3A_49 = tpu.vector_load %arg11[%swap3A_48] {strides = array<i32>} : memref<96xf32, #tpu.memory_space<vmem>>, vector<16xf32>,
    tpu.vector_store %arg11[%swap3A_48], %while3A_46#1 {strides = array<i32>} : memref<96xf32, #tpu.memory_space<vmem>>, vector<16xf32>,
    %swap3A_50 = arith.constant 32 : index
    %swap3A_51 = tpu.vector_load %arg11[%swap3A_50] {strides = array<i32>} : memref<96xf32, #tpu.memory_space<vmem>>, vector<16xf32>,
    tpu.vector_store %arg11[%swap3A_50], %while3A_46#2 {strides = array<i32>} : memref<96xf32, #tpu.memory_space<vmem>>, vector<16xf32>,
    %swap3A_52 = arith.constant 48 : index
    %swap3A_53 = tpu.vector_load %arg11[%swap3A_52] {strides = array<i32>} : memref<96xf32, #tpu.memory_space<vmem>>, vector<16xf32>,
    tpu.vector_store %arg11[%swap3A_52], %while3A_46#3 {strides = array<i32>} : memref<96xf32, #tpu.memory_space<vmem>>, vector<16xf32>,
    %swap3A_54 = arith.constant 64 : index
    %swap3A_55 = tpu.vector_load %arg11[%swap3A_54] {strides = array<i32>} : memref<96xf32, #tpu.memory_space<vmem>>, vector<16xf32>,
    tpu.vector_store %arg11[%swap3A_54], %while3A_46#4 {strides = array<i32>} : memref<96xf32, #tpu.memory_space<vmem>>, vector<16xf32>,
    %swap3A_56 = arith.constant 80 : index
    %swap3A_57 = tpu.vector_load %arg11[%swap3A_56] {strides = array<i32>} : memref<96xf32, #tpu.memory_space<vmem>>, vector<16xf32>,
    tpu.vector_store %arg11[%swap3A_56], %while3A_46#5 {strides = array<i32>} : memref<96xf32, #tpu.memory_space<vmem>>, vector<16xf32>,
    "tpu.region"() ({
      %run_scoped3A = tpu.sem_alloc : memref<!tpu.dma_semaphore, #tpu.memory_space<semaphore_mem>>
      %dma_start3A = arith.constant 0 : i32
      %dma_start3A_58 = tpu.memref_slice %arg6[%add3A, %dma_start3A] : memref<32x96xf32, #tpu.memory_space<hbm>> -> memref<1x96xf32, #tpu.memory_space<hbm>>
      %dma_start3A_59 = tpu.memref_squeeze %dma_start3A_58 : memref<1x96xf32, #tpu.memory_space<hbm>> -> memref<96xf32, #tpu.memory_space<hbm>>
      %dma_start3A_60 = arith.constant 0 : i32
      %dma_start3A_61 = tpu.memref_slice %arg6[%add3A, %dma_start3A_60] : memref<32x96xf32, #tpu.memory_space<hbm>> -> memref<1x96xf32, #tpu.memory_space<hbm>>
      %dma_start3A_62 = tpu.memref_squeeze %dma_start3A_61 : memref<1x96xf32, #tpu.memory_space<hbm>> -> memref<96xf32, #tpu.memory_space<hbm>>
      tpu.enqueue_dma source(%arg11 : memref<96xf32, #tpu.memory_space<vmem>>) target(%dma_start3A_62 : memref<96xf32, #tpu.memory_space<hbm>>) target_semaphore(%run_scoped3A : memref<!tpu.dma_semaphore, #tpu.memory_space<semaphore_mem>>)
      %dma_wait3A = arith.constant 0 : i32
      %dma_wait3A_63 = tpu.memref_slice %arg6[%add3A, %dma_wait3A] : memref<32x96xf32, #tpu.memory_space<hbm>> -> memref<1x96xf32, #tpu.memory_space<hbm>>
      %dma_wait3A_64 = tpu.memref_squeeze %dma_wait3A_63 : memref<1x96xf32, #tpu.memory_space<hbm>> -> memref<96xf32, #tpu.memory_space<hbm>>
      %dma_wait3A_65 = arith.constant 0 : i32
      %dma_wait3A_66 = tpu.memref_slice %arg6[%add3A, %dma_wait3A_65] : memref<32x96xf32, #tpu.memory_space<hbm>> -> memref<1x96xf32, #tpu.memory_space<hbm>>
      %dma_wait3A_67 = tpu.memref_squeeze %dma_wait3A_66 : memref<1x96xf32, #tpu.memory_space<hbm>> -> memref<96xf32, #tpu.memory_space<hbm>>
      tpu.wait_dma2 semaphore(%run_scoped3A : memref<!tpu.dma_semaphore, #tpu.memory_space<semaphore_mem>>) src(%arg11 : memref<96xf32, #tpu.memory_space<vmem>>) dst(%dma_wait3A_67 : memref<96xf32, #tpu.memory_space<hbm>>)
      tpu.yield
    }) : () -> ()
    return
  }
}

#map = affine_map<(d0, d1) -> (0, 0)>
#map1 = affine_map<(d0, d1) -> (0, 0, 0)>
#map2 = affine_map<(d0, d1) -> (0)>
module attributes {stable_mosaic.version = 14 : i64} {
  func.func @main(%arg0: i32, %arg1: i32, %arg2: memref<1000000x8xf32, #tpu.memory_space<hbm>>, %arg3: memref<15625x128xi32, #tpu.memory_space<hbm>>, %arg4: memref<15625x128xi32, #tpu.memory_space<hbm>>, %arg5: memref<15625x128xi32, #tpu.memory_space<hbm>>, %arg6: memref<15625x4x128xf32, #tpu.memory_space<hbm>>, %arg7: memref<15625x4x128xf32, #tpu.memory_space<hbm>>, %arg8: memref<2000000xf32, #tpu.memory_space<hbm>>, %arg9: memref<15x128xi32, #tpu.memory_space<vmem>>, %arg10: memref<1920x8xf32, #tpu.memory_space<vmem>>, %arg11: memref<5x4x128xf32, #tpu.memory_space<vmem>>, %arg12: memref<5x4x128xf32, #tpu.memory_space<vmem>>, %arg13: memref<640xf32, #tpu.memory_space<vmem>>, %arg14: memref<!tpu.dma_semaphore, #tpu.memory_space<semaphore_mem>>, %arg15: memref<!tpu.dma_semaphore, #tpu.memory_space<semaphore_mem>>, %arg16: memref<!tpu.dma_semaphore, #tpu.memory_space<semaphore_mem>>, %arg17: memref<!tpu.dma_semaphore, #tpu.memory_space<semaphore_mem>>, %arg18: memref<!tpu.dma_semaphore, #tpu.memory_space<semaphore_mem>>, %arg19: memref<!tpu.dma_semaphore, #tpu.memory_space<semaphore_mem>>, %arg20: memref<15x128xi32, #tpu.memory_space<vmem>>, %arg21: memref<1920x8xf32, #tpu.memory_space<vmem>>, %arg22: memref<5x4x128xf32, #tpu.memory_space<vmem>>, %arg23: memref<5x4x128xf32, #tpu.memory_space<vmem>>, %arg24: memref<640xf32, #tpu.memory_space<vmem>>, %arg25: memref<!tpu.dma_semaphore, #tpu.memory_space<semaphore_mem>>, %arg26: memref<!tpu.dma_semaphore, #tpu.memory_space<semaphore_mem>>, %arg27: memref<!tpu.dma_semaphore, #tpu.memory_space<semaphore_mem>>, %arg28: memref<!tpu.dma_semaphore, #tpu.memory_space<semaphore_mem>>, %arg29: memref<!tpu.dma_semaphore, #tpu.memory_space<semaphore_mem>>, %arg30: memref<!tpu.dma_semaphore, #tpu.memory_space<semaphore_mem>>) attributes {dimension_semantics = [#tpu.dimension_semantics<core_parallel>, #tpu.dimension_semantics<subcore_parallel>], iteration_bounds = array<i64: 2, 16>, scalar_prefetch = 0 : i64, scratch_operands = 22 : i64, tpu.core_type = #tpu.core_type<sc_vector_subcore>, window_params = [{transform_indices = #map}, {transform_indices = #map}, {transform_indices = #map}, {transform_indices = #map}, {transform_indices = #map1}, {transform_indices = #map1}, {transform_indices = #map2}]} {
    %mul3A = arith.constant 2 : i32
    %mul3A_0 = arith.muli %arg1, %mul3A : i32
    %add3A = arith.addi %mul3A_0, %arg0 : i32
    %iota3A = tpu.iota {dimensions = array<i32: 0>} : vector<16xi32>
    %lt3A = arith.constant 3125 : i32
    %lt3A_1 = arith.cmpi slt, %add3A, %lt3A : i32
    %convert_element_type3A = arith.extui %lt3A_1 : i1 to i32
    %cond3A = arith.constant 0 : i32
    %cond3A_2 = arith.cmpi ne, %convert_element_type3A, %cond3A : i32
    scf.if %cond3A_2 {
      %mul3A_44 = arith.constant 5 : i32
      %mul3A_45 = arith.muli %add3A, %mul3A_44 : i32
      "tpu.region"() ({
        %run_scoped3A = tpu.sem_alloc : memref<!tpu.dma_semaphore, #tpu.memory_space<semaphore_mem>>
        %dma_start3A_195 = arith.constant 0 : i32
        %dma_start3A_196 = arith.constant 0 : i32
        %dma_start3A_197 = tpu.memref_slice %arg9[%dma_start3A_195, %dma_start3A_196] : memref<15x128xi32, #tpu.memory_space<vmem>> -> memref<5x128xi32, #tpu.memory_space<vmem>>
        %dma_start3A_198 = arith.constant 0 : i32
        %dma_start3A_199 = tpu.memref_slice %arg3[%mul3A_45, %dma_start3A_198] : memref<15625x128xi32, #tpu.memory_space<hbm>> -> memref<5x128xi32, #tpu.memory_space<hbm>>
        %dma_start3A_200 = arith.constant 0 : i32
        %dma_start3A_201 = arith.constant 0 : i32
        %dma_start3A_202 = tpu.memref_slice %arg9[%dma_start3A_200, %dma_start3A_201] : memref<15x128xi32, #tpu.memory_space<vmem>> -> memref<5x128xi32, #tpu.memory_space<vmem>>
        %dma_start3A_203 = arith.constant 0 : i32
        %dma_start3A_204 = tpu.memref_slice %arg3[%mul3A_45, %dma_start3A_203] : memref<15625x128xi32, #tpu.memory_space<hbm>> -> memref<5x128xi32, #tpu.memory_space<hbm>>
        tpu.enqueue_dma source(%dma_start3A_204 : memref<5x128xi32, #tpu.memory_space<hbm>>) target(%dma_start3A_202 : memref<5x128xi32, #tpu.memory_space<vmem>>) target_semaphore(%run_scoped3A : memref<!tpu.dma_semaphore, #tpu.memory_space<semaphore_mem>>)
        %dma_wait3A_205 = arith.constant 0 : i32
        %dma_wait3A_206 = arith.constant 0 : i32
        %dma_wait3A_207 = tpu.memref_slice %arg9[%dma_wait3A_205, %dma_wait3A_206] : memref<15x128xi32, #tpu.memory_space<vmem>> -> memref<5x128xi32, #tpu.memory_space<vmem>>
        %dma_wait3A_208 = arith.constant 0 : i32
        %dma_wait3A_209 = tpu.memref_slice %arg3[%mul3A_45, %dma_wait3A_208] : memref<15625x128xi32, #tpu.memory_space<hbm>> -> memref<5x128xi32, #tpu.memory_space<hbm>>
        %dma_wait3A_210 = arith.constant 0 : i32
        %dma_wait3A_211 = arith.constant 0 : i32
        %dma_wait3A_212 = tpu.memref_slice %arg9[%dma_wait3A_210, %dma_wait3A_211] : memref<15x128xi32, #tpu.memory_space<vmem>> -> memref<5x128xi32, #tpu.memory_space<vmem>>
        %dma_wait3A_213 = arith.constant 0 : i32
        %dma_wait3A_214 = tpu.memref_slice %arg3[%mul3A_45, %dma_wait3A_213] : memref<15625x128xi32, #tpu.memory_space<hbm>> -> memref<5x128xi32, #tpu.memory_space<hbm>>
        tpu.wait_dma2 semaphore(%run_scoped3A : memref<!tpu.dma_semaphore, #tpu.memory_space<semaphore_mem>>) src(%dma_wait3A_214 : memref<5x128xi32, #tpu.memory_space<hbm>>) dst(%dma_wait3A_212 : memref<5x128xi32, #tpu.memory_space<vmem>>)
        tpu.yield
      }) : () -> ()
      "tpu.region"() ({
        %run_scoped3A = tpu.sem_alloc : memref<!tpu.dma_semaphore, #tpu.memory_space<semaphore_mem>>
        %dma_start3A_195 = arith.constant 5 : i32
        %dma_start3A_196 = arith.constant 0 : i32
        %dma_start3A_197 = tpu.memref_slice %arg9[%dma_start3A_195, %dma_start3A_196] : memref<15x128xi32, #tpu.memory_space<vmem>> -> memref<5x128xi32, #tpu.memory_space<vmem>>
        %dma_start3A_198 = arith.constant 0 : i32
        %dma_start3A_199 = tpu.memref_slice %arg4[%mul3A_45, %dma_start3A_198] : memref<15625x128xi32, #tpu.memory_space<hbm>> -> memref<5x128xi32, #tpu.memory_space<hbm>>
        %dma_start3A_200 = arith.constant 5 : i32
        %dma_start3A_201 = arith.constant 0 : i32
        %dma_start3A_202 = tpu.memref_slice %arg9[%dma_start3A_200, %dma_start3A_201] : memref<15x128xi32, #tpu.memory_space<vmem>> -> memref<5x128xi32, #tpu.memory_space<vmem>>
        %dma_start3A_203 = arith.constant 0 : i32
        %dma_start3A_204 = tpu.memref_slice %arg4[%mul3A_45, %dma_start3A_203] : memref<15625x128xi32, #tpu.memory_space<hbm>> -> memref<5x128xi32, #tpu.memory_space<hbm>>
        tpu.enqueue_dma source(%dma_start3A_204 : memref<5x128xi32, #tpu.memory_space<hbm>>) target(%dma_start3A_202 : memref<5x128xi32, #tpu.memory_space<vmem>>) target_semaphore(%run_scoped3A : memref<!tpu.dma_semaphore, #tpu.memory_space<semaphore_mem>>)
        %dma_wait3A_205 = arith.constant 5 : i32
        %dma_wait3A_206 = arith.constant 0 : i32
        %dma_wait3A_207 = tpu.memref_slice %arg9[%dma_wait3A_205, %dma_wait3A_206] : memref<15x128xi32, #tpu.memory_space<vmem>> -> memref<5x128xi32, #tpu.memory_space<vmem>>
        %dma_wait3A_208 = arith.constant 0 : i32
        %dma_wait3A_209 = tpu.memref_slice %arg4[%mul3A_45, %dma_wait3A_208] : memref<15625x128xi32, #tpu.memory_space<hbm>> -> memref<5x128xi32, #tpu.memory_space<hbm>>
        %dma_wait3A_210 = arith.constant 5 : i32
        %dma_wait3A_211 = arith.constant 0 : i32
        %dma_wait3A_212 = tpu.memref_slice %arg9[%dma_wait3A_210, %dma_wait3A_211] : memref<15x128xi32, #tpu.memory_space<vmem>> -> memref<5x128xi32, #tpu.memory_space<vmem>>
        %dma_wait3A_213 = arith.constant 0 : i32
        %dma_wait3A_214 = tpu.memref_slice %arg4[%mul3A_45, %dma_wait3A_213] : memref<15625x128xi32, #tpu.memory_space<hbm>> -> memref<5x128xi32, #tpu.memory_space<hbm>>
        tpu.wait_dma2 semaphore(%run_scoped3A : memref<!tpu.dma_semaphore, #tpu.memory_space<semaphore_mem>>) src(%dma_wait3A_214 : memref<5x128xi32, #tpu.memory_space<hbm>>) dst(%dma_wait3A_212 : memref<5x128xi32, #tpu.memory_space<vmem>>)
        tpu.yield
      }) : () -> ()
      "tpu.region"() ({
        %run_scoped3A = tpu.sem_alloc : memref<!tpu.dma_semaphore, #tpu.memory_space<semaphore_mem>>
        %dma_start3A_195 = arith.constant 10 : i32
        %dma_start3A_196 = arith.constant 0 : i32
        %dma_start3A_197 = tpu.memref_slice %arg9[%dma_start3A_195, %dma_start3A_196] : memref<15x128xi32, #tpu.memory_space<vmem>> -> memref<5x128xi32, #tpu.memory_space<vmem>>
        %dma_start3A_198 = arith.constant 0 : i32
        %dma_start3A_199 = tpu.memref_slice %arg5[%mul3A_45, %dma_start3A_198] : memref<15625x128xi32, #tpu.memory_space<hbm>> -> memref<5x128xi32, #tpu.memory_space<hbm>>
        %dma_start3A_200 = arith.constant 10 : i32
        %dma_start3A_201 = arith.constant 0 : i32
        %dma_start3A_202 = tpu.memref_slice %arg9[%dma_start3A_200, %dma_start3A_201] : memref<15x128xi32, #tpu.memory_space<vmem>> -> memref<5x128xi32, #tpu.memory_space<vmem>>
        %dma_start3A_203 = arith.constant 0 : i32
        %dma_start3A_204 = tpu.memref_slice %arg5[%mul3A_45, %dma_start3A_203] : memref<15625x128xi32, #tpu.memory_space<hbm>> -> memref<5x128xi32, #tpu.memory_space<hbm>>
        tpu.enqueue_dma source(%dma_start3A_204 : memref<5x128xi32, #tpu.memory_space<hbm>>) target(%dma_start3A_202 : memref<5x128xi32, #tpu.memory_space<vmem>>) target_semaphore(%run_scoped3A : memref<!tpu.dma_semaphore, #tpu.memory_space<semaphore_mem>>)
        %dma_wait3A_205 = arith.constant 10 : i32
        %dma_wait3A_206 = arith.constant 0 : i32
        %dma_wait3A_207 = tpu.memref_slice %arg9[%dma_wait3A_205, %dma_wait3A_206] : memref<15x128xi32, #tpu.memory_space<vmem>> -> memref<5x128xi32, #tpu.memory_space<vmem>>
        %dma_wait3A_208 = arith.constant 0 : i32
        %dma_wait3A_209 = tpu.memref_slice %arg5[%mul3A_45, %dma_wait3A_208] : memref<15625x128xi32, #tpu.memory_space<hbm>> -> memref<5x128xi32, #tpu.memory_space<hbm>>
        %dma_wait3A_210 = arith.constant 10 : i32
        %dma_wait3A_211 = arith.constant 0 : i32
        %dma_wait3A_212 = tpu.memref_slice %arg9[%dma_wait3A_210, %dma_wait3A_211] : memref<15x128xi32, #tpu.memory_space<vmem>> -> memref<5x128xi32, #tpu.memory_space<vmem>>
        %dma_wait3A_213 = arith.constant 0 : i32
        %dma_wait3A_214 = tpu.memref_slice %arg5[%mul3A_45, %dma_wait3A_213] : memref<15625x128xi32, #tpu.memory_space<hbm>> -> memref<5x128xi32, #tpu.memory_space<hbm>>
        tpu.wait_dma2 semaphore(%run_scoped3A : memref<!tpu.dma_semaphore, #tpu.memory_space<semaphore_mem>>) src(%dma_wait3A_214 : memref<5x128xi32, #tpu.memory_space<hbm>>) dst(%dma_wait3A_212 : memref<5x128xi32, #tpu.memory_space<vmem>>)
        tpu.yield
      }) : () -> ()
      %dma_start3A = arith.constant 0 : i32
      %dma_start3A_46 = arith.constant 0 : i32
      %dma_start3A_47 = arith.constant 0 : i32
      %dma_start3A_48 = tpu.memref_slice %arg10[%dma_start3A_46, %dma_start3A_47] : memref<1920x8xf32, #tpu.memory_space<vmem>> -> memref<128x8xf32, #tpu.memory_space<vmem>>
      %dma_start3A_49 = arith.constant 0 : i32
      %dma_start3A_50 = tpu.memref_slice %arg9[%dma_start3A, %dma_start3A_49] : memref<15x128xi32, #tpu.memory_space<vmem>> -> memref<1x128xi32, #tpu.memory_space<vmem>>
      %dma_start3A_51 = tpu.memref_squeeze %dma_start3A_50 : memref<1x128xi32, #tpu.memory_space<vmem>> -> memref<128xi32, #tpu.memory_space<vmem>>
      %dma_start3A_52 = arith.constant 0 : i32
      %dma_start3A_53 = arith.constant 0 : i32
      %dma_start3A_54 = tpu.memref_slice %arg2[%dma_start3A_52, %dma_start3A_53] : memref<1000000x8xf32, #tpu.memory_space<hbm>> -> memref<1000000x8xf32, #tpu.memory_space<hbm>>
      tpu.enqueue_indirect_dma source(%dma_start3A_54 : memref<1000000x8xf32, #tpu.memory_space<hbm>>) target(%dma_start3A_48 : memref<128x8xf32, #tpu.memory_space<vmem>>) offsets(%dma_start3A_51 : memref<128xi32, #tpu.memory_space<vmem>>) semaphore(%arg14 : memref<!tpu.dma_semaphore, #tpu.memory_space<semaphore_mem>>)
      %dma_start3A_55 = arith.constant 5 : i32
      %dma_start3A_56 = arith.constant 640 : i32
      %dma_start3A_57 = arith.constant 0 : i32
      %dma_start3A_58 = tpu.memref_slice %arg10[%dma_start3A_56, %dma_start3A_57] : memref<1920x8xf32, #tpu.memory_space<vmem>> -> memref<128x8xf32, #tpu.memory_space<vmem>>
      %dma_start3A_59 = arith.constant 0 : i32
      %dma_start3A_60 = tpu.memref_slice %arg9[%dma_start3A_55, %dma_start3A_59] : memref<15x128xi32, #tpu.memory_space<vmem>> -> memref<1x128xi32, #tpu.memory_space<vmem>>
      %dma_start3A_61 = tpu.memref_squeeze %dma_start3A_60 : memref<1x128xi32, #tpu.memory_space<vmem>> -> memref<128xi32, #tpu.memory_space<vmem>>
      %dma_start3A_62 = arith.constant 0 : i32
      %dma_start3A_63 = arith.constant 0 : i32
      %dma_start3A_64 = tpu.memref_slice %arg2[%dma_start3A_62, %dma_start3A_63] : memref<1000000x8xf32, #tpu.memory_space<hbm>> -> memref<1000000x8xf32, #tpu.memory_space<hbm>>
      tpu.enqueue_indirect_dma source(%dma_start3A_64 : memref<1000000x8xf32, #tpu.memory_space<hbm>>) target(%dma_start3A_58 : memref<128x8xf32, #tpu.memory_space<vmem>>) offsets(%dma_start3A_61 : memref<128xi32, #tpu.memory_space<vmem>>) semaphore(%arg14 : memref<!tpu.dma_semaphore, #tpu.memory_space<semaphore_mem>>)
      %dma_start3A_65 = arith.constant 10 : i32
      %dma_start3A_66 = arith.constant 1280 : i32
      %dma_start3A_67 = arith.constant 0 : i32
      %dma_start3A_68 = tpu.memref_slice %arg10[%dma_start3A_66, %dma_start3A_67] : memref<1920x8xf32, #tpu.memory_space<vmem>> -> memref<128x8xf32, #tpu.memory_space<vmem>>
      %dma_start3A_69 = arith.constant 0 : i32
      %dma_start3A_70 = tpu.memref_slice %arg9[%dma_start3A_65, %dma_start3A_69] : memref<15x128xi32, #tpu.memory_space<vmem>> -> memref<1x128xi32, #tpu.memory_space<vmem>>
      %dma_start3A_71 = tpu.memref_squeeze %dma_start3A_70 : memref<1x128xi32, #tpu.memory_space<vmem>> -> memref<128xi32, #tpu.memory_space<vmem>>
      %dma_start3A_72 = arith.constant 0 : i32
      %dma_start3A_73 = arith.constant 0 : i32
      %dma_start3A_74 = tpu.memref_slice %arg2[%dma_start3A_72, %dma_start3A_73] : memref<1000000x8xf32, #tpu.memory_space<hbm>> -> memref<1000000x8xf32, #tpu.memory_space<hbm>>
      tpu.enqueue_indirect_dma source(%dma_start3A_74 : memref<1000000x8xf32, #tpu.memory_space<hbm>>) target(%dma_start3A_68 : memref<128x8xf32, #tpu.memory_space<vmem>>) offsets(%dma_start3A_71 : memref<128xi32, #tpu.memory_space<vmem>>) semaphore(%arg14 : memref<!tpu.dma_semaphore, #tpu.memory_space<semaphore_mem>>)
      %dma_start3A_75 = arith.constant 1 : i32
      %dma_start3A_76 = arith.constant 128 : i32
      %dma_start3A_77 = arith.constant 0 : i32
      %dma_start3A_78 = tpu.memref_slice %arg10[%dma_start3A_76, %dma_start3A_77] : memref<1920x8xf32, #tpu.memory_space<vmem>> -> memref<128x8xf32, #tpu.memory_space<vmem>>
      %dma_start3A_79 = arith.constant 0 : i32
      %dma_start3A_80 = tpu.memref_slice %arg9[%dma_start3A_75, %dma_start3A_79] : memref<15x128xi32, #tpu.memory_space<vmem>> -> memref<1x128xi32, #tpu.memory_space<vmem>>
      %dma_start3A_81 = tpu.memref_squeeze %dma_start3A_80 : memref<1x128xi32, #tpu.memory_space<vmem>> -> memref<128xi32, #tpu.memory_space<vmem>>
      %dma_start3A_82 = arith.constant 0 : i32
      %dma_start3A_83 = arith.constant 0 : i32
      %dma_start3A_84 = tpu.memref_slice %arg2[%dma_start3A_82, %dma_start3A_83] : memref<1000000x8xf32, #tpu.memory_space<hbm>> -> memref<1000000x8xf32, #tpu.memory_space<hbm>>
      tpu.enqueue_indirect_dma source(%dma_start3A_84 : memref<1000000x8xf32, #tpu.memory_space<hbm>>) target(%dma_start3A_78 : memref<128x8xf32, #tpu.memory_space<vmem>>) offsets(%dma_start3A_81 : memref<128xi32, #tpu.memory_space<vmem>>) semaphore(%arg15 : memref<!tpu.dma_semaphore, #tpu.memory_space<semaphore_mem>>)
      %dma_start3A_85 = arith.constant 6 : i32
      %dma_start3A_86 = arith.constant 768 : i32
      %dma_start3A_87 = arith.constant 0 : i32
      %dma_start3A_88 = tpu.memref_slice %arg10[%dma_start3A_86, %dma_start3A_87] : memref<1920x8xf32, #tpu.memory_space<vmem>> -> memref<128x8xf32, #tpu.memory_space<vmem>>
      %dma_start3A_89 = arith.constant 0 : i32
      %dma_start3A_90 = tpu.memref_slice %arg9[%dma_start3A_85, %dma_start3A_89] : memref<15x128xi32, #tpu.memory_space<vmem>> -> memref<1x128xi32, #tpu.memory_space<vmem>>
      %dma_start3A_91 = tpu.memref_squeeze %dma_start3A_90 : memref<1x128xi32, #tpu.memory_space<vmem>> -> memref<128xi32, #tpu.memory_space<vmem>>
      %dma_start3A_92 = arith.constant 0 : i32
      %dma_start3A_93 = arith.constant 0 : i32
      %dma_start3A_94 = tpu.memref_slice %arg2[%dma_start3A_92, %dma_start3A_93] : memref<1000000x8xf32, #tpu.memory_space<hbm>> -> memref<1000000x8xf32, #tpu.memory_space<hbm>>
      tpu.enqueue_indirect_dma source(%dma_start3A_94 : memref<1000000x8xf32, #tpu.memory_space<hbm>>) target(%dma_start3A_88 : memref<128x8xf32, #tpu.memory_space<vmem>>) offsets(%dma_start3A_91 : memref<128xi32, #tpu.memory_space<vmem>>) semaphore(%arg15 : memref<!tpu.dma_semaphore, #tpu.memory_space<semaphore_mem>>)
      %dma_start3A_95 = arith.constant 11 : i32
      %dma_start3A_96 = arith.constant 1408 : i32
      %dma_start3A_97 = arith.constant 0 : i32
      %dma_start3A_98 = tpu.memref_slice %arg10[%dma_start3A_96, %dma_start3A_97] : memref<1920x8xf32, #tpu.memory_space<vmem>> -> memref<128x8xf32, #tpu.memory_space<vmem>>
      %dma_start3A_99 = arith.constant 0 : i32
      %dma_start3A_100 = tpu.memref_slice %arg9[%dma_start3A_95, %dma_start3A_99] : memref<15x128xi32, #tpu.memory_space<vmem>> -> memref<1x128xi32, #tpu.memory_space<vmem>>
      %dma_start3A_101 = tpu.memref_squeeze %dma_start3A_100 : memref<1x128xi32, #tpu.memory_space<vmem>> -> memref<128xi32, #tpu.memory_space<vmem>>
      %dma_start3A_102 = arith.constant 0 : i32
      %dma_start3A_103 = arith.constant 0 : i32
      %dma_start3A_104 = tpu.memref_slice %arg2[%dma_start3A_102, %dma_start3A_103] : memref<1000000x8xf32, #tpu.memory_space<hbm>> -> memref<1000000x8xf32, #tpu.memory_space<hbm>>
      tpu.enqueue_indirect_dma source(%dma_start3A_104 : memref<1000000x8xf32, #tpu.memory_space<hbm>>) target(%dma_start3A_98 : memref<128x8xf32, #tpu.memory_space<vmem>>) offsets(%dma_start3A_101 : memref<128xi32, #tpu.memory_space<vmem>>) semaphore(%arg15 : memref<!tpu.dma_semaphore, #tpu.memory_space<semaphore_mem>>)
      %dma_start3A_105 = arith.constant 2 : i32
      %dma_start3A_106 = arith.constant 256 : i32
      %dma_start3A_107 = arith.constant 0 : i32
      %dma_start3A_108 = tpu.memref_slice %arg10[%dma_start3A_106, %dma_start3A_107] : memref<1920x8xf32, #tpu.memory_space<vmem>> -> memref<128x8xf32, #tpu.memory_space<vmem>>
      %dma_start3A_109 = arith.constant 0 : i32
      %dma_start3A_110 = tpu.memref_slice %arg9[%dma_start3A_105, %dma_start3A_109] : memref<15x128xi32, #tpu.memory_space<vmem>> -> memref<1x128xi32, #tpu.memory_space<vmem>>
      %dma_start3A_111 = tpu.memref_squeeze %dma_start3A_110 : memref<1x128xi32, #tpu.memory_space<vmem>> -> memref<128xi32, #tpu.memory_space<vmem>>
      %dma_start3A_112 = arith.constant 0 : i32
      %dma_start3A_113 = arith.constant 0 : i32
      %dma_start3A_114 = tpu.memref_slice %arg2[%dma_start3A_112, %dma_start3A_113] : memref<1000000x8xf32, #tpu.memory_space<hbm>> -> memref<1000000x8xf32, #tpu.memory_space<hbm>>
      tpu.enqueue_indirect_dma source(%dma_start3A_114 : memref<1000000x8xf32, #tpu.memory_space<hbm>>) target(%dma_start3A_108 : memref<128x8xf32, #tpu.memory_space<vmem>>) offsets(%dma_start3A_111 : memref<128xi32, #tpu.memory_space<vmem>>) semaphore(%arg16 : memref<!tpu.dma_semaphore, #tpu.memory_space<semaphore_mem>>)
      %dma_start3A_115 = arith.constant 7 : i32
      %dma_start3A_116 = arith.constant 896 : i32
      %dma_start3A_117 = arith.constant 0 : i32
      %dma_start3A_118 = tpu.memref_slice %arg10[%dma_start3A_116, %dma_start3A_117] : memref<1920x8xf32, #tpu.memory_space<vmem>> -> memref<128x8xf32, #tpu.memory_space<vmem>>
      %dma_start3A_119 = arith.constant 0 : i32
      %dma_start3A_120 = tpu.memref_slice %arg9[%dma_start3A_115, %dma_start3A_119] : memref<15x128xi32, #tpu.memory_space<vmem>> -> memref<1x128xi32, #tpu.memory_space<vmem>>
      %dma_start3A_121 = tpu.memref_squeeze %dma_start3A_120 : memref<1x128xi32, #tpu.memory_space<vmem>> -> memref<128xi32, #tpu.memory_space<vmem>>
      %dma_start3A_122 = arith.constant 0 : i32
      %dma_start3A_123 = arith.constant 0 : i32
      %dma_start3A_124 = tpu.memref_slice %arg2[%dma_start3A_122, %dma_start3A_123] : memref<1000000x8xf32, #tpu.memory_space<hbm>> -> memref<1000000x8xf32, #tpu.memory_space<hbm>>
      tpu.enqueue_indirect_dma source(%dma_start3A_124 : memref<1000000x8xf32, #tpu.memory_space<hbm>>) target(%dma_start3A_118 : memref<128x8xf32, #tpu.memory_space<vmem>>) offsets(%dma_start3A_121 : memref<128xi32, #tpu.memory_space<vmem>>) semaphore(%arg16 : memref<!tpu.dma_semaphore, #tpu.memory_space<semaphore_mem>>)
      %dma_start3A_125 = arith.constant 12 : i32
      %dma_start3A_126 = arith.constant 1536 : i32
      %dma_start3A_127 = arith.constant 0 : i32
      %dma_start3A_128 = tpu.memref_slice %arg10[%dma_start3A_126, %dma_start3A_127] : memref<1920x8xf32, #tpu.memory_space<vmem>> -> memref<128x8xf32, #tpu.memory_space<vmem>>
      %dma_start3A_129 = arith.constant 0 : i32
      %dma_start3A_130 = tpu.memref_slice %arg9[%dma_start3A_125, %dma_start3A_129] : memref<15x128xi32, #tpu.memory_space<vmem>> -> memref<1x128xi32, #tpu.memory_space<vmem>>
      %dma_start3A_131 = tpu.memref_squeeze %dma_start3A_130 : memref<1x128xi32, #tpu.memory_space<vmem>> -> memref<128xi32, #tpu.memory_space<vmem>>
      %dma_start3A_132 = arith.constant 0 : i32
      %dma_start3A_133 = arith.constant 0 : i32
      %dma_start3A_134 = tpu.memref_slice %arg2[%dma_start3A_132, %dma_start3A_133] : memref<1000000x8xf32, #tpu.memory_space<hbm>> -> memref<1000000x8xf32, #tpu.memory_space<hbm>>
      tpu.enqueue_indirect_dma source(%dma_start3A_134 : memref<1000000x8xf32, #tpu.memory_space<hbm>>) target(%dma_start3A_128 : memref<128x8xf32, #tpu.memory_space<vmem>>) offsets(%dma_start3A_131 : memref<128xi32, #tpu.memory_space<vmem>>) semaphore(%arg16 : memref<!tpu.dma_semaphore, #tpu.memory_space<semaphore_mem>>)
      %dma_start3A_135 = arith.constant 3 : i32
      %dma_start3A_136 = arith.constant 384 : i32
      %dma_start3A_137 = arith.constant 0 : i32
      %dma_start3A_138 = tpu.memref_slice %arg10[%dma_start3A_136, %dma_start3A_137] : memref<1920x8xf32, #tpu.memory_space<vmem>> -> memref<128x8xf32, #tpu.memory_space<vmem>>
      %dma_start3A_139 = arith.constant 0 : i32
      %dma_start3A_140 = tpu.memref_slice %arg9[%dma_start3A_135, %dma_start3A_139] : memref<15x128xi32, #tpu.memory_space<vmem>> -> memref<1x128xi32, #tpu.memory_space<vmem>>
      %dma_start3A_141 = tpu.memref_squeeze %dma_start3A_140 : memref<1x128xi32, #tpu.memory_space<vmem>> -> memref<128xi32, #tpu.memory_space<vmem>>
      %dma_start3A_142 = arith.constant 0 : i32
      %dma_start3A_143 = arith.constant 0 : i32
      %dma_start3A_144 = tpu.memref_slice %arg2[%dma_start3A_142, %dma_start3A_143] : memref<1000000x8xf32, #tpu.memory_space<hbm>> -> memref<1000000x8xf32, #tpu.memory_space<hbm>>
      tpu.enqueue_indirect_dma source(%dma_start3A_144 : memref<1000000x8xf32, #tpu.memory_space<hbm>>) target(%dma_start3A_138 : memref<128x8xf32, #tpu.memory_space<vmem>>) offsets(%dma_start3A_141 : memref<128xi32, #tpu.memory_space<vmem>>) semaphore(%arg17 : memref<!tpu.dma_semaphore, #tpu.memory_space<semaphore_mem>>)
      %dma_start3A_145 = arith.constant 8 : i32
      %dma_start3A_146 = arith.constant 1024 : i32
      %dma_start3A_147 = arith.constant 0 : i32
      %dma_start3A_148 = tpu.memref_slice %arg10[%dma_start3A_146, %dma_start3A_147] : memref<1920x8xf32, #tpu.memory_space<vmem>> -> memref<128x8xf32, #tpu.memory_space<vmem>>
      %dma_start3A_149 = arith.constant 0 : i32
      %dma_start3A_150 = tpu.memref_slice %arg9[%dma_start3A_145, %dma_start3A_149] : memref<15x128xi32, #tpu.memory_space<vmem>> -> memref<1x128xi32, #tpu.memory_space<vmem>>
      %dma_start3A_151 = tpu.memref_squeeze %dma_start3A_150 : memref<1x128xi32, #tpu.memory_space<vmem>> -> memref<128xi32, #tpu.memory_space<vmem>>
      %dma_start3A_152 = arith.constant 0 : i32
      %dma_start3A_153 = arith.constant 0 : i32
      %dma_start3A_154 = tpu.memref_slice %arg2[%dma_start3A_152, %dma_start3A_153] : memref<1000000x8xf32, #tpu.memory_space<hbm>> -> memref<1000000x8xf32, #tpu.memory_space<hbm>>
      tpu.enqueue_indirect_dma source(%dma_start3A_154 : memref<1000000x8xf32, #tpu.memory_space<hbm>>) target(%dma_start3A_148 : memref<128x8xf32, #tpu.memory_space<vmem>>) offsets(%dma_start3A_151 : memref<128xi32, #tpu.memory_space<vmem>>) semaphore(%arg17 : memref<!tpu.dma_semaphore, #tpu.memory_space<semaphore_mem>>)
      %dma_start3A_155 = arith.constant 13 : i32
      %dma_start3A_156 = arith.constant 1664 : i32
      %dma_start3A_157 = arith.constant 0 : i32
      %dma_start3A_158 = tpu.memref_slice %arg10[%dma_start3A_156, %dma_start3A_157] : memref<1920x8xf32, #tpu.memory_space<vmem>> -> memref<128x8xf32, #tpu.memory_space<vmem>>
      %dma_start3A_159 = arith.constant 0 : i32
      %dma_start3A_160 = tpu.memref_slice %arg9[%dma_start3A_155, %dma_start3A_159] : memref<15x128xi32, #tpu.memory_space<vmem>> -> memref<1x128xi32, #tpu.memory_space<vmem>>
      %dma_start3A_161 = tpu.memref_squeeze %dma_start3A_160 : memref<1x128xi32, #tpu.memory_space<vmem>> -> memref<128xi32, #tpu.memory_space<vmem>>
      %dma_start3A_162 = arith.constant 0 : i32
      %dma_start3A_163 = arith.constant 0 : i32
      %dma_start3A_164 = tpu.memref_slice %arg2[%dma_start3A_162, %dma_start3A_163] : memref<1000000x8xf32, #tpu.memory_space<hbm>> -> memref<1000000x8xf32, #tpu.memory_space<hbm>>
      tpu.enqueue_indirect_dma source(%dma_start3A_164 : memref<1000000x8xf32, #tpu.memory_space<hbm>>) target(%dma_start3A_158 : memref<128x8xf32, #tpu.memory_space<vmem>>) offsets(%dma_start3A_161 : memref<128xi32, #tpu.memory_space<vmem>>) semaphore(%arg17 : memref<!tpu.dma_semaphore, #tpu.memory_space<semaphore_mem>>)
      %dma_start3A_165 = arith.constant 4 : i32
      %dma_start3A_166 = arith.constant 512 : i32
      %dma_start3A_167 = arith.constant 0 : i32
      %dma_start3A_168 = tpu.memref_slice %arg10[%dma_start3A_166, %dma_start3A_167] : memref<1920x8xf32, #tpu.memory_space<vmem>> -> memref<128x8xf32, #tpu.memory_space<vmem>>
      %dma_start3A_169 = arith.constant 0 : i32
      %dma_start3A_170 = tpu.memref_slice %arg9[%dma_start3A_165, %dma_start3A_169] : memref<15x128xi32, #tpu.memory_space<vmem>> -> memref<1x128xi32, #tpu.memory_space<vmem>>
      %dma_start3A_171 = tpu.memref_squeeze %dma_start3A_170 : memref<1x128xi32, #tpu.memory_space<vmem>> -> memref<128xi32, #tpu.memory_space<vmem>>
      %dma_start3A_172 = arith.constant 0 : i32
      %dma_start3A_173 = arith.constant 0 : i32
      %dma_start3A_174 = tpu.memref_slice %arg2[%dma_start3A_172, %dma_start3A_173] : memref<1000000x8xf32, #tpu.memory_space<hbm>> -> memref<1000000x8xf32, #tpu.memory_space<hbm>>
      tpu.enqueue_indirect_dma source(%dma_start3A_174 : memref<1000000x8xf32, #tpu.memory_space<hbm>>) target(%dma_start3A_168 : memref<128x8xf32, #tpu.memory_space<vmem>>) offsets(%dma_start3A_171 : memref<128xi32, #tpu.memory_space<vmem>>) semaphore(%arg18 : memref<!tpu.dma_semaphore, #tpu.memory_space<semaphore_mem>>)
      %dma_start3A_175 = arith.constant 9 : i32
      %dma_start3A_176 = arith.constant 1152 : i32
      %dma_start3A_177 = arith.constant 0 : i32
      %dma_start3A_178 = tpu.memref_slice %arg10[%dma_start3A_176, %dma_start3A_177] : memref<1920x8xf32, #tpu.memory_space<vmem>> -> memref<128x8xf32, #tpu.memory_space<vmem>>
      %dma_start3A_179 = arith.constant 0 : i32
      %dma_start3A_180 = tpu.memref_slice %arg9[%dma_start3A_175, %dma_start3A_179] : memref<15x128xi32, #tpu.memory_space<vmem>> -> memref<1x128xi32, #tpu.memory_space<vmem>>
      %dma_start3A_181 = tpu.memref_squeeze %dma_start3A_180 : memref<1x128xi32, #tpu.memory_space<vmem>> -> memref<128xi32, #tpu.memory_space<vmem>>
      %dma_start3A_182 = arith.constant 0 : i32
      %dma_start3A_183 = arith.constant 0 : i32
      %dma_start3A_184 = tpu.memref_slice %arg2[%dma_start3A_182, %dma_start3A_183] : memref<1000000x8xf32, #tpu.memory_space<hbm>> -> memref<1000000x8xf32, #tpu.memory_space<hbm>>
      tpu.enqueue_indirect_dma source(%dma_start3A_184 : memref<1000000x8xf32, #tpu.memory_space<hbm>>) target(%dma_start3A_178 : memref<128x8xf32, #tpu.memory_space<vmem>>) offsets(%dma_start3A_181 : memref<128xi32, #tpu.memory_space<vmem>>) semaphore(%arg18 : memref<!tpu.dma_semaphore, #tpu.memory_space<semaphore_mem>>)
      %dma_start3A_185 = arith.constant 14 : i32
      %dma_start3A_186 = arith.constant 1792 : i32
      %dma_start3A_187 = arith.constant 0 : i32
      %dma_start3A_188 = tpu.memref_slice %arg10[%dma_start3A_186, %dma_start3A_187] : memref<1920x8xf32, #tpu.memory_space<vmem>> -> memref<128x8xf32, #tpu.memory_space<vmem>>
      %dma_start3A_189 = arith.constant 0 : i32
      %dma_start3A_190 = tpu.memref_slice %arg9[%dma_start3A_185, %dma_start3A_189] : memref<15x128xi32, #tpu.memory_space<vmem>> -> memref<1x128xi32, #tpu.memory_space<vmem>>
      %dma_start3A_191 = tpu.memref_squeeze %dma_start3A_190 : memref<1x128xi32, #tpu.memory_space<vmem>> -> memref<128xi32, #tpu.memory_space<vmem>>
      %dma_start3A_192 = arith.constant 0 : i32
      %dma_start3A_193 = arith.constant 0 : i32
      %dma_start3A_194 = tpu.memref_slice %arg2[%dma_start3A_192, %dma_start3A_193] : memref<1000000x8xf32, #tpu.memory_space<hbm>> -> memref<1000000x8xf32, #tpu.memory_space<hbm>>
      tpu.enqueue_indirect_dma source(%dma_start3A_194 : memref<1000000x8xf32, #tpu.memory_space<hbm>>) target(%dma_start3A_188 : memref<128x8xf32, #tpu.memory_space<vmem>>) offsets(%dma_start3A_191 : memref<128xi32, #tpu.memory_space<vmem>>) semaphore(%arg18 : memref<!tpu.dma_semaphore, #tpu.memory_space<semaphore_mem>>)
    } else {
    }
    %scan3A = arith.constant 0 : i32
    %scan3A_3 = arith.constant 0 : i32
    %scan3A_4 = arith.constant 49 : i32
    %scan3A_5 = arith.addi %scan3A_3, %scan3A_4 : i32
    %scan3A_6 = arith.constant 1 : i32
    %scan3A_7 = scf.for %scan3A_44 = %scan3A_3 to %scan3A_5 step %scan3A_6 iter_args(%scan3A_45 = %scan3A) -> (i32)  : i32 {
      %mul3A_46 = arith.constant 2 : i32
      %mul3A_47 = arith.muli %mul3A_46, %scan3A_44 : i32
      %mul3A_48 = arith.constant 32 : i32
      %mul3A_49 = arith.muli %mul3A_47, %mul3A_48 : i32
      %add3A_50 = arith.addi %add3A, %mul3A_49 : i32
      %add3A_51 = arith.constant 32 : i32
      %add3A_52 = arith.addi %add3A_50, %add3A_51 : i32
      %add3A_53 = arith.constant 32 : i32
      %add3A_54 = arith.addi %add3A_52, %add3A_53 : i32
      %lt3A_55 = arith.constant 3125 : i32
      %lt3A_56 = arith.cmpi slt, %add3A_52, %lt3A_55 : i32
      %convert_element_type3A_57 = arith.extui %lt3A_56 : i1 to i32
      %cond3A_58 = arith.constant 0 : i32
      %cond3A_59 = arith.cmpi ne, %convert_element_type3A_57, %cond3A_58 : i32
      scf.if %cond3A_59 {
        %mul3A_76 = arith.constant 5 : i32
        %mul3A_77 = arith.muli %add3A_52, %mul3A_76 : i32
        "tpu.region"() ({
          %run_scoped3A = tpu.sem_alloc : memref<!tpu.dma_semaphore, #tpu.memory_space<semaphore_mem>>
          %dma_start3A_227 = arith.constant 0 : i32
          %dma_start3A_228 = arith.constant 0 : i32
          %dma_start3A_229 = tpu.memref_slice %arg20[%dma_start3A_227, %dma_start3A_228] : memref<15x128xi32, #tpu.memory_space<vmem>> -> memref<5x128xi32, #tpu.memory_space<vmem>>
          %dma_start3A_230 = arith.constant 0 : i32
          %dma_start3A_231 = tpu.memref_slice %arg3[%mul3A_77, %dma_start3A_230] : memref<15625x128xi32, #tpu.memory_space<hbm>> -> memref<5x128xi32, #tpu.memory_space<hbm>>
          %dma_start3A_232 = arith.constant 0 : i32
          %dma_start3A_233 = arith.constant 0 : i32
          %dma_start3A_234 = tpu.memref_slice %arg20[%dma_start3A_232, %dma_start3A_233] : memref<15x128xi32, #tpu.memory_space<vmem>> -> memref<5x128xi32, #tpu.memory_space<vmem>>
          %dma_start3A_235 = arith.constant 0 : i32
          %dma_start3A_236 = tpu.memref_slice %arg3[%mul3A_77, %dma_start3A_235] : memref<15625x128xi32, #tpu.memory_space<hbm>> -> memref<5x128xi32, #tpu.memory_space<hbm>>
          tpu.enqueue_dma source(%dma_start3A_236 : memref<5x128xi32, #tpu.memory_space<hbm>>) target(%dma_start3A_234 : memref<5x128xi32, #tpu.memory_space<vmem>>) target_semaphore(%run_scoped3A : memref<!tpu.dma_semaphore, #tpu.memory_space<semaphore_mem>>)
          %dma_wait3A_237 = arith.constant 0 : i32
          %dma_wait3A_238 = arith.constant 0 : i32
          %dma_wait3A_239 = tpu.memref_slice %arg20[%dma_wait3A_237, %dma_wait3A_238] : memref<15x128xi32, #tpu.memory_space<vmem>> -> memref<5x128xi32, #tpu.memory_space<vmem>>
          %dma_wait3A_240 = arith.constant 0 : i32
          %dma_wait3A_241 = tpu.memref_slice %arg3[%mul3A_77, %dma_wait3A_240] : memref<15625x128xi32, #tpu.memory_space<hbm>> -> memref<5x128xi32, #tpu.memory_space<hbm>>
          %dma_wait3A_242 = arith.constant 0 : i32
          %dma_wait3A_243 = arith.constant 0 : i32
          %dma_wait3A_244 = tpu.memref_slice %arg20[%dma_wait3A_242, %dma_wait3A_243] : memref<15x128xi32, #tpu.memory_space<vmem>> -> memref<5x128xi32, #tpu.memory_space<vmem>>
          %dma_wait3A_245 = arith.constant 0 : i32
          %dma_wait3A_246 = tpu.memref_slice %arg3[%mul3A_77, %dma_wait3A_245] : memref<15625x128xi32, #tpu.memory_space<hbm>> -> memref<5x128xi32, #tpu.memory_space<hbm>>
          tpu.wait_dma2 semaphore(%run_scoped3A : memref<!tpu.dma_semaphore, #tpu.memory_space<semaphore_mem>>) src(%dma_wait3A_246 : memref<5x128xi32, #tpu.memory_space<hbm>>) dst(%dma_wait3A_244 : memref<5x128xi32, #tpu.memory_space<vmem>>)
          tpu.yield
        }) : () -> ()
        "tpu.region"() ({
          %run_scoped3A = tpu.sem_alloc : memref<!tpu.dma_semaphore, #tpu.memory_space<semaphore_mem>>
          %dma_start3A_227 = arith.constant 5 : i32
          %dma_start3A_228 = arith.constant 0 : i32
          %dma_start3A_229 = tpu.memref_slice %arg20[%dma_start3A_227, %dma_start3A_228] : memref<15x128xi32, #tpu.memory_space<vmem>> -> memref<5x128xi32, #tpu.memory_space<vmem>>
          %dma_start3A_230 = arith.constant 0 : i32
          %dma_start3A_231 = tpu.memref_slice %arg4[%mul3A_77, %dma_start3A_230] : memref<15625x128xi32, #tpu.memory_space<hbm>> -> memref<5x128xi32, #tpu.memory_space<hbm>>
          %dma_start3A_232 = arith.constant 5 : i32
          %dma_start3A_233 = arith.constant 0 : i32
          %dma_start3A_234 = tpu.memref_slice %arg20[%dma_start3A_232, %dma_start3A_233] : memref<15x128xi32, #tpu.memory_space<vmem>> -> memref<5x128xi32, #tpu.memory_space<vmem>>
          %dma_start3A_235 = arith.constant 0 : i32
          %dma_start3A_236 = tpu.memref_slice %arg4[%mul3A_77, %dma_start3A_235] : memref<15625x128xi32, #tpu.memory_space<hbm>> -> memref<5x128xi32, #tpu.memory_space<hbm>>
          tpu.enqueue_dma source(%dma_start3A_236 : memref<5x128xi32, #tpu.memory_space<hbm>>) target(%dma_start3A_234 : memref<5x128xi32, #tpu.memory_space<vmem>>) target_semaphore(%run_scoped3A : memref<!tpu.dma_semaphore, #tpu.memory_space<semaphore_mem>>)
          %dma_wait3A_237 = arith.constant 5 : i32
          %dma_wait3A_238 = arith.constant 0 : i32
          %dma_wait3A_239 = tpu.memref_slice %arg20[%dma_wait3A_237, %dma_wait3A_238] : memref<15x128xi32, #tpu.memory_space<vmem>> -> memref<5x128xi32, #tpu.memory_space<vmem>>
          %dma_wait3A_240 = arith.constant 0 : i32
          %dma_wait3A_241 = tpu.memref_slice %arg4[%mul3A_77, %dma_wait3A_240] : memref<15625x128xi32, #tpu.memory_space<hbm>> -> memref<5x128xi32, #tpu.memory_space<hbm>>
          %dma_wait3A_242 = arith.constant 5 : i32
          %dma_wait3A_243 = arith.constant 0 : i32
          %dma_wait3A_244 = tpu.memref_slice %arg20[%dma_wait3A_242, %dma_wait3A_243] : memref<15x128xi32, #tpu.memory_space<vmem>> -> memref<5x128xi32, #tpu.memory_space<vmem>>
          %dma_wait3A_245 = arith.constant 0 : i32
          %dma_wait3A_246 = tpu.memref_slice %arg4[%mul3A_77, %dma_wait3A_245] : memref<15625x128xi32, #tpu.memory_space<hbm>> -> memref<5x128xi32, #tpu.memory_space<hbm>>
          tpu.wait_dma2 semaphore(%run_scoped3A : memref<!tpu.dma_semaphore, #tpu.memory_space<semaphore_mem>>) src(%dma_wait3A_246 : memref<5x128xi32, #tpu.memory_space<hbm>>) dst(%dma_wait3A_244 : memref<5x128xi32, #tpu.memory_space<vmem>>)
          tpu.yield
        }) : () -> ()
        "tpu.region"() ({
          %run_scoped3A = tpu.sem_alloc : memref<!tpu.dma_semaphore, #tpu.memory_space<semaphore_mem>>
          %dma_start3A_227 = arith.constant 10 : i32
          %dma_start3A_228 = arith.constant 0 : i32
          %dma_start3A_229 = tpu.memref_slice %arg20[%dma_start3A_227, %dma_start3A_228] : memref<15x128xi32, #tpu.memory_space<vmem>> -> memref<5x128xi32, #tpu.memory_space<vmem>>
          %dma_start3A_230 = arith.constant 0 : i32
          %dma_start3A_231 = tpu.memref_slice %arg5[%mul3A_77, %dma_start3A_230] : memref<15625x128xi32, #tpu.memory_space<hbm>> -> memref<5x128xi32, #tpu.memory_space<hbm>>
          %dma_start3A_232 = arith.constant 10 : i32
          %dma_start3A_233 = arith.constant 0 : i32
          %dma_start3A_234 = tpu.memref_slice %arg20[%dma_start3A_232, %dma_start3A_233] : memref<15x128xi32, #tpu.memory_space<vmem>> -> memref<5x128xi32, #tpu.memory_space<vmem>>
          %dma_start3A_235 = arith.constant 0 : i32
          %dma_start3A_236 = tpu.memref_slice %arg5[%mul3A_77, %dma_start3A_235] : memref<15625x128xi32, #tpu.memory_space<hbm>> -> memref<5x128xi32, #tpu.memory_space<hbm>>
          tpu.enqueue_dma source(%dma_start3A_236 : memref<5x128xi32, #tpu.memory_space<hbm>>) target(%dma_start3A_234 : memref<5x128xi32, #tpu.memory_space<vmem>>) target_semaphore(%run_scoped3A : memref<!tpu.dma_semaphore, #tpu.memory_space<semaphore_mem>>)
          %dma_wait3A_237 = arith.constant 10 : i32
          %dma_wait3A_238 = arith.constant 0 : i32
          %dma_wait3A_239 = tpu.memref_slice %arg20[%dma_wait3A_237, %dma_wait3A_238] : memref<15x128xi32, #tpu.memory_space<vmem>> -> memref<5x128xi32, #tpu.memory_space<vmem>>
          %dma_wait3A_240 = arith.constant 0 : i32
          %dma_wait3A_241 = tpu.memref_slice %arg5[%mul3A_77, %dma_wait3A_240] : memref<15625x128xi32, #tpu.memory_space<hbm>> -> memref<5x128xi32, #tpu.memory_space<hbm>>
          %dma_wait3A_242 = arith.constant 10 : i32
          %dma_wait3A_243 = arith.constant 0 : i32
          %dma_wait3A_244 = tpu.memref_slice %arg20[%dma_wait3A_242, %dma_wait3A_243] : memref<15x128xi32, #tpu.memory_space<vmem>> -> memref<5x128xi32, #tpu.memory_space<vmem>>
          %dma_wait3A_245 = arith.constant 0 : i32
          %dma_wait3A_246 = tpu.memref_slice %arg5[%mul3A_77, %dma_wait3A_245] : memref<15625x128xi32, #tpu.memory_space<hbm>> -> memref<5x128xi32, #tpu.memory_space<hbm>>
          tpu.wait_dma2 semaphore(%run_scoped3A : memref<!tpu.dma_semaphore, #tpu.memory_space<semaphore_mem>>) src(%dma_wait3A_246 : memref<5x128xi32, #tpu.memory_space<hbm>>) dst(%dma_wait3A_244 : memref<5x128xi32, #tpu.memory_space<vmem>>)
          tpu.yield
        }) : () -> ()
        %dma_start3A = arith.constant 0 : i32
        %dma_start3A_78 = arith.constant 0 : i32
        %dma_start3A_79 = arith.constant 0 : i32
        %dma_start3A_80 = tpu.memref_slice %arg21[%dma_start3A_78, %dma_start3A_79] : memref<1920x8xf32, #tpu.memory_space<vmem>> -> memref<128x8xf32, #tpu.memory_space<vmem>>
        %dma_start3A_81 = arith.constant 0 : i32
        %dma_start3A_82 = tpu.memref_slice %arg20[%dma_start3A, %dma_start3A_81] : memref<15x128xi32, #tpu.memory_space<vmem>> -> memref<1x128xi32, #tpu.memory_space<vmem>>
        %dma_start3A_83 = tpu.memref_squeeze %dma_start3A_82 : memref<1x128xi32, #tpu.memory_space<vmem>> -> memref<128xi32, #tpu.memory_space<vmem>>
        %dma_start3A_84 = arith.constant 0 : i32
        %dma_start3A_85 = arith.constant 0 : i32
        %dma_start3A_86 = tpu.memref_slice %arg2[%dma_start3A_84, %dma_start3A_85] : memref<1000000x8xf32, #tpu.memory_space<hbm>> -> memref<1000000x8xf32, #tpu.memory_space<hbm>>
        tpu.enqueue_indirect_dma source(%dma_start3A_86 : memref<1000000x8xf32, #tpu.memory_space<hbm>>) target(%dma_start3A_80 : memref<128x8xf32, #tpu.memory_space<vmem>>) offsets(%dma_start3A_83 : memref<128xi32, #tpu.memory_space<vmem>>) semaphore(%arg25 : memref<!tpu.dma_semaphore, #tpu.memory_space<semaphore_mem>>)
        %dma_start3A_87 = arith.constant 5 : i32
        %dma_start3A_88 = arith.constant 640 : i32
        %dma_start3A_89 = arith.constant 0 : i32
        %dma_start3A_90 = tpu.memref_slice %arg21[%dma_start3A_88, %dma_start3A_89] : memref<1920x8xf32, #tpu.memory_space<vmem>> -> memref<128x8xf32, #tpu.memory_space<vmem>>
        %dma_start3A_91 = arith.constant 0 : i32
        %dma_start3A_92 = tpu.memref_slice %arg20[%dma_start3A_87, %dma_start3A_91] : memref<15x128xi32, #tpu.memory_space<vmem>> -> memref<1x128xi32, #tpu.memory_space<vmem>>
        %dma_start3A_93 = tpu.memref_squeeze %dma_start3A_92 : memref<1x128xi32, #tpu.memory_space<vmem>> -> memref<128xi32, #tpu.memory_space<vmem>>
        %dma_start3A_94 = arith.constant 0 : i32
        %dma_start3A_95 = arith.constant 0 : i32
        %dma_start3A_96 = tpu.memref_slice %arg2[%dma_start3A_94, %dma_start3A_95] : memref<1000000x8xf32, #tpu.memory_space<hbm>> -> memref<1000000x8xf32, #tpu.memory_space<hbm>>
        tpu.enqueue_indirect_dma source(%dma_start3A_96 : memref<1000000x8xf32, #tpu.memory_space<hbm>>) target(%dma_start3A_90 : memref<128x8xf32, #tpu.memory_space<vmem>>) offsets(%dma_start3A_93 : memref<128xi32, #tpu.memory_space<vmem>>) semaphore(%arg25 : memref<!tpu.dma_semaphore, #tpu.memory_space<semaphore_mem>>)
        %dma_start3A_97 = arith.constant 10 : i32
        %dma_start3A_98 = arith.constant 1280 : i32
        %dma_start3A_99 = arith.constant 0 : i32
        %dma_start3A_100 = tpu.memref_slice %arg21[%dma_start3A_98, %dma_start3A_99] : memref<1920x8xf32, #tpu.memory_space<vmem>> -> memref<128x8xf32, #tpu.memory_space<vmem>>
        %dma_start3A_101 = arith.constant 0 : i32
        %dma_start3A_102 = tpu.memref_slice %arg20[%dma_start3A_97, %dma_start3A_101] : memref<15x128xi32, #tpu.memory_space<vmem>> -> memref<1x128xi32, #tpu.memory_space<vmem>>
        %dma_start3A_103 = tpu.memref_squeeze %dma_start3A_102 : memref<1x128xi32, #tpu.memory_space<vmem>> -> memref<128xi32, #tpu.memory_space<vmem>>
        %dma_start3A_104 = arith.constant 0 : i32
        %dma_start3A_105 = arith.constant 0 : i32
        %dma_start3A_106 = tpu.memref_slice %arg2[%dma_start3A_104, %dma_start3A_105] : memref<1000000x8xf32, #tpu.memory_space<hbm>> -> memref<1000000x8xf32, #tpu.memory_space<hbm>>
        tpu.enqueue_indirect_dma source(%dma_start3A_106 : memref<1000000x8xf32, #tpu.memory_space<hbm>>) target(%dma_start3A_100 : memref<128x8xf32, #tpu.memory_space<vmem>>) offsets(%dma_start3A_103 : memref<128xi32, #tpu.memory_space<vmem>>) semaphore(%arg25 : memref<!tpu.dma_semaphore, #tpu.memory_space<semaphore_mem>>)
        %dma_start3A_107 = arith.constant 1 : i32
        %dma_start3A_108 = arith.constant 128 : i32
        %dma_start3A_109 = arith.constant 0 : i32
        %dma_start3A_110 = tpu.memref_slice %arg21[%dma_start3A_108, %dma_start3A_109] : memref<1920x8xf32, #tpu.memory_space<vmem>> -> memref<128x8xf32, #tpu.memory_space<vmem>>
        %dma_start3A_111 = arith.constant 0 : i32
        %dma_start3A_112 = tpu.memref_slice %arg20[%dma_start3A_107, %dma_start3A_111] : memref<15x128xi32, #tpu.memory_space<vmem>> -> memref<1x128xi32, #tpu.memory_space<vmem>>
        %dma_start3A_113 = tpu.memref_squeeze %dma_start3A_112 : memref<1x128xi32, #tpu.memory_space<vmem>> -> memref<128xi32, #tpu.memory_space<vmem>>
        %dma_start3A_114 = arith.constant 0 : i32
        %dma_start3A_115 = arith.constant 0 : i32
        %dma_start3A_116 = tpu.memref_slice %arg2[%dma_start3A_114, %dma_start3A_115] : memref<1000000x8xf32, #tpu.memory_space<hbm>> -> memref<1000000x8xf32, #tpu.memory_space<hbm>>
        tpu.enqueue_indirect_dma source(%dma_start3A_116 : memref<1000000x8xf32, #tpu.memory_space<hbm>>) target(%dma_start3A_110 : memref<128x8xf32, #tpu.memory_space<vmem>>) offsets(%dma_start3A_113 : memref<128xi32, #tpu.memory_space<vmem>>) semaphore(%arg26 : memref<!tpu.dma_semaphore, #tpu.memory_space<semaphore_mem>>)
        %dma_start3A_117 = arith.constant 6 : i32
        %dma_start3A_118 = arith.constant 768 : i32
        %dma_start3A_119 = arith.constant 0 : i32
        %dma_start3A_120 = tpu.memref_slice %arg21[%dma_start3A_118, %dma_start3A_119] : memref<1920x8xf32, #tpu.memory_space<vmem>> -> memref<128x8xf32, #tpu.memory_space<vmem>>
        %dma_start3A_121 = arith.constant 0 : i32
        %dma_start3A_122 = tpu.memref_slice %arg20[%dma_start3A_117, %dma_start3A_121] : memref<15x128xi32, #tpu.memory_space<vmem>> -> memref<1x128xi32, #tpu.memory_space<vmem>>
        %dma_start3A_123 = tpu.memref_squeeze %dma_start3A_122 : memref<1x128xi32, #tpu.memory_space<vmem>> -> memref<128xi32, #tpu.memory_space<vmem>>
        %dma_start3A_124 = arith.constant 0 : i32
        %dma_start3A_125 = arith.constant 0 : i32
        %dma_start3A_126 = tpu.memref_slice %arg2[%dma_start3A_124, %dma_start3A_125] : memref<1000000x8xf32, #tpu.memory_space<hbm>> -> memref<1000000x8xf32, #tpu.memory_space<hbm>>
        tpu.enqueue_indirect_dma source(%dma_start3A_126 : memref<1000000x8xf32, #tpu.memory_space<hbm>>) target(%dma_start3A_120 : memref<128x8xf32, #tpu.memory_space<vmem>>) offsets(%dma_start3A_123 : memref<128xi32, #tpu.memory_space<vmem>>) semaphore(%arg26 : memref<!tpu.dma_semaphore, #tpu.memory_space<semaphore_mem>>)
        %dma_start3A_127 = arith.constant 11 : i32
        %dma_start3A_128 = arith.constant 1408 : i32
        %dma_start3A_129 = arith.constant 0 : i32
        %dma_start3A_130 = tpu.memref_slice %arg21[%dma_start3A_128, %dma_start3A_129] : memref<1920x8xf32, #tpu.memory_space<vmem>> -> memref<128x8xf32, #tpu.memory_space<vmem>>
        %dma_start3A_131 = arith.constant 0 : i32
        %dma_start3A_132 = tpu.memref_slice %arg20[%dma_start3A_127, %dma_start3A_131] : memref<15x128xi32, #tpu.memory_space<vmem>> -> memref<1x128xi32, #tpu.memory_space<vmem>>
        %dma_start3A_133 = tpu.memref_squeeze %dma_start3A_132 : memref<1x128xi32, #tpu.memory_space<vmem>> -> memref<128xi32, #tpu.memory_space<vmem>>
        %dma_start3A_134 = arith.constant 0 : i32
        %dma_start3A_135 = arith.constant 0 : i32
        %dma_start3A_136 = tpu.memref_slice %arg2[%dma_start3A_134, %dma_start3A_135] : memref<1000000x8xf32, #tpu.memory_space<hbm>> -> memref<1000000x8xf32, #tpu.memory_space<hbm>>
        tpu.enqueue_indirect_dma source(%dma_start3A_136 : memref<1000000x8xf32, #tpu.memory_space<hbm>>) target(%dma_start3A_130 : memref<128x8xf32, #tpu.memory_space<vmem>>) offsets(%dma_start3A_133 : memref<128xi32, #tpu.memory_space<vmem>>) semaphore(%arg26 : memref<!tpu.dma_semaphore, #tpu.memory_space<semaphore_mem>>)
        %dma_start3A_137 = arith.constant 2 : i32
        %dma_start3A_138 = arith.constant 256 : i32
        %dma_start3A_139 = arith.constant 0 : i32
        %dma_start3A_140 = tpu.memref_slice %arg21[%dma_start3A_138, %dma_start3A_139] : memref<1920x8xf32, #tpu.memory_space<vmem>> -> memref<128x8xf32, #tpu.memory_space<vmem>>
        %dma_start3A_141 = arith.constant 0 : i32
        %dma_start3A_142 = tpu.memref_slice %arg20[%dma_start3A_137, %dma_start3A_141] : memref<15x128xi32, #tpu.memory_space<vmem>> -> memref<1x128xi32, #tpu.memory_space<vmem>>
        %dma_start3A_143 = tpu.memref_squeeze %dma_start3A_142 : memref<1x128xi32, #tpu.memory_space<vmem>> -> memref<128xi32, #tpu.memory_space<vmem>>
        %dma_start3A_144 = arith.constant 0 : i32
        %dma_start3A_145 = arith.constant 0 : i32
        %dma_start3A_146 = tpu.memref_slice %arg2[%dma_start3A_144, %dma_start3A_145] : memref<1000000x8xf32, #tpu.memory_space<hbm>> -> memref<1000000x8xf32, #tpu.memory_space<hbm>>
        tpu.enqueue_indirect_dma source(%dma_start3A_146 : memref<1000000x8xf32, #tpu.memory_space<hbm>>) target(%dma_start3A_140 : memref<128x8xf32, #tpu.memory_space<vmem>>) offsets(%dma_start3A_143 : memref<128xi32, #tpu.memory_space<vmem>>) semaphore(%arg27 : memref<!tpu.dma_semaphore, #tpu.memory_space<semaphore_mem>>)
        %dma_start3A_147 = arith.constant 7 : i32
        %dma_start3A_148 = arith.constant 896 : i32
        %dma_start3A_149 = arith.constant 0 : i32
        %dma_start3A_150 = tpu.memref_slice %arg21[%dma_start3A_148, %dma_start3A_149] : memref<1920x8xf32, #tpu.memory_space<vmem>> -> memref<128x8xf32, #tpu.memory_space<vmem>>
        %dma_start3A_151 = arith.constant 0 : i32
        %dma_start3A_152 = tpu.memref_slice %arg20[%dma_start3A_147, %dma_start3A_151] : memref<15x128xi32, #tpu.memory_space<vmem>> -> memref<1x128xi32, #tpu.memory_space<vmem>>
        %dma_start3A_153 = tpu.memref_squeeze %dma_start3A_152 : memref<1x128xi32, #tpu.memory_space<vmem>> -> memref<128xi32, #tpu.memory_space<vmem>>
        %dma_start3A_154 = arith.constant 0 : i32
        %dma_start3A_155 = arith.constant 0 : i32
        %dma_start3A_156 = tpu.memref_slice %arg2[%dma_start3A_154, %dma_start3A_155] : memref<1000000x8xf32, #tpu.memory_space<hbm>> -> memref<1000000x8xf32, #tpu.memory_space<hbm>>
        tpu.enqueue_indirect_dma source(%dma_start3A_156 : memref<1000000x8xf32, #tpu.memory_space<hbm>>) target(%dma_start3A_150 : memref<128x8xf32, #tpu.memory_space<vmem>>) offsets(%dma_start3A_153 : memref<128xi32, #tpu.memory_space<vmem>>) semaphore(%arg27 : memref<!tpu.dma_semaphore, #tpu.memory_space<semaphore_mem>>)
        %dma_start3A_157 = arith.constant 12 : i32
        %dma_start3A_158 = arith.constant 1536 : i32
        %dma_start3A_159 = arith.constant 0 : i32
        %dma_start3A_160 = tpu.memref_slice %arg21[%dma_start3A_158, %dma_start3A_159] : memref<1920x8xf32, #tpu.memory_space<vmem>> -> memref<128x8xf32, #tpu.memory_space<vmem>>
        %dma_start3A_161 = arith.constant 0 : i32
        %dma_start3A_162 = tpu.memref_slice %arg20[%dma_start3A_157, %dma_start3A_161] : memref<15x128xi32, #tpu.memory_space<vmem>> -> memref<1x128xi32, #tpu.memory_space<vmem>>
        %dma_start3A_163 = tpu.memref_squeeze %dma_start3A_162 : memref<1x128xi32, #tpu.memory_space<vmem>> -> memref<128xi32, #tpu.memory_space<vmem>>
        %dma_start3A_164 = arith.constant 0 : i32
        %dma_start3A_165 = arith.constant 0 : i32
        %dma_start3A_166 = tpu.memref_slice %arg2[%dma_start3A_164, %dma_start3A_165] : memref<1000000x8xf32, #tpu.memory_space<hbm>> -> memref<1000000x8xf32, #tpu.memory_space<hbm>>
        tpu.enqueue_indirect_dma source(%dma_start3A_166 : memref<1000000x8xf32, #tpu.memory_space<hbm>>) target(%dma_start3A_160 : memref<128x8xf32, #tpu.memory_space<vmem>>) offsets(%dma_start3A_163 : memref<128xi32, #tpu.memory_space<vmem>>) semaphore(%arg27 : memref<!tpu.dma_semaphore, #tpu.memory_space<semaphore_mem>>)
        %dma_start3A_167 = arith.constant 3 : i32
        %dma_start3A_168 = arith.constant 384 : i32
        %dma_start3A_169 = arith.constant 0 : i32
        %dma_start3A_170 = tpu.memref_slice %arg21[%dma_start3A_168, %dma_start3A_169] : memref<1920x8xf32, #tpu.memory_space<vmem>> -> memref<128x8xf32, #tpu.memory_space<vmem>>
        %dma_start3A_171 = arith.constant 0 : i32
        %dma_start3A_172 = tpu.memref_slice %arg20[%dma_start3A_167, %dma_start3A_171] : memref<15x128xi32, #tpu.memory_space<vmem>> -> memref<1x128xi32, #tpu.memory_space<vmem>>
        %dma_start3A_173 = tpu.memref_squeeze %dma_start3A_172 : memref<1x128xi32, #tpu.memory_space<vmem>> -> memref<128xi32, #tpu.memory_space<vmem>>
        %dma_start3A_174 = arith.constant 0 : i32
        %dma_start3A_175 = arith.constant 0 : i32
        %dma_start3A_176 = tpu.memref_slice %arg2[%dma_start3A_174, %dma_start3A_175] : memref<1000000x8xf32, #tpu.memory_space<hbm>> -> memref<1000000x8xf32, #tpu.memory_space<hbm>>
        tpu.enqueue_indirect_dma source(%dma_start3A_176 : memref<1000000x8xf32, #tpu.memory_space<hbm>>) target(%dma_start3A_170 : memref<128x8xf32, #tpu.memory_space<vmem>>) offsets(%dma_start3A_173 : memref<128xi32, #tpu.memory_space<vmem>>) semaphore(%arg28 : memref<!tpu.dma_semaphore, #tpu.memory_space<semaphore_mem>>)
        %dma_start3A_177 = arith.constant 8 : i32
        %dma_start3A_178 = arith.constant 1024 : i32
        %dma_start3A_179 = arith.constant 0 : i32
        %dma_start3A_180 = tpu.memref_slice %arg21[%dma_start3A_178, %dma_start3A_179] : memref<1920x8xf32, #tpu.memory_space<vmem>> -> memref<128x8xf32, #tpu.memory_space<vmem>>
        %dma_start3A_181 = arith.constant 0 : i32
        %dma_start3A_182 = tpu.memref_slice %arg20[%dma_start3A_177, %dma_start3A_181] : memref<15x128xi32, #tpu.memory_space<vmem>> -> memref<1x128xi32, #tpu.memory_space<vmem>>
        %dma_start3A_183 = tpu.memref_squeeze %dma_start3A_182 : memref<1x128xi32, #tpu.memory_space<vmem>> -> memref<128xi32, #tpu.memory_space<vmem>>
        %dma_start3A_184 = arith.constant 0 : i32
        %dma_start3A_185 = arith.constant 0 : i32
        %dma_start3A_186 = tpu.memref_slice %arg2[%dma_start3A_184, %dma_start3A_185] : memref<1000000x8xf32, #tpu.memory_space<hbm>> -> memref<1000000x8xf32, #tpu.memory_space<hbm>>
        tpu.enqueue_indirect_dma source(%dma_start3A_186 : memref<1000000x8xf32, #tpu.memory_space<hbm>>) target(%dma_start3A_180 : memref<128x8xf32, #tpu.memory_space<vmem>>) offsets(%dma_start3A_183 : memref<128xi32, #tpu.memory_space<vmem>>) semaphore(%arg28 : memref<!tpu.dma_semaphore, #tpu.memory_space<semaphore_mem>>)
        %dma_start3A_187 = arith.constant 13 : i32
        %dma_start3A_188 = arith.constant 1664 : i32
        %dma_start3A_189 = arith.constant 0 : i32
        %dma_start3A_190 = tpu.memref_slice %arg21[%dma_start3A_188, %dma_start3A_189] : memref<1920x8xf32, #tpu.memory_space<vmem>> -> memref<128x8xf32, #tpu.memory_space<vmem>>
        %dma_start3A_191 = arith.constant 0 : i32
        %dma_start3A_192 = tpu.memref_slice %arg20[%dma_start3A_187, %dma_start3A_191] : memref<15x128xi32, #tpu.memory_space<vmem>> -> memref<1x128xi32, #tpu.memory_space<vmem>>
        %dma_start3A_193 = tpu.memref_squeeze %dma_start3A_192 : memref<1x128xi32, #tpu.memory_space<vmem>> -> memref<128xi32, #tpu.memory_space<vmem>>
        %dma_start3A_194 = arith.constant 0 : i32
        %dma_start3A_195 = arith.constant 0 : i32
        %dma_start3A_196 = tpu.memref_slice %arg2[%dma_start3A_194, %dma_start3A_195] : memref<1000000x8xf32, #tpu.memory_space<hbm>> -> memref<1000000x8xf32, #tpu.memory_space<hbm>>
        tpu.enqueue_indirect_dma source(%dma_start3A_196 : memref<1000000x8xf32, #tpu.memory_space<hbm>>) target(%dma_start3A_190 : memref<128x8xf32, #tpu.memory_space<vmem>>) offsets(%dma_start3A_193 : memref<128xi32, #tpu.memory_space<vmem>>) semaphore(%arg28 : memref<!tpu.dma_semaphore, #tpu.memory_space<semaphore_mem>>)
        %dma_start3A_197 = arith.constant 4 : i32
        %dma_start3A_198 = arith.constant 512 : i32
        %dma_start3A_199 = arith.constant 0 : i32
        %dma_start3A_200 = tpu.memref_slice %arg21[%dma_start3A_198, %dma_start3A_199] : memref<1920x8xf32, #tpu.memory_space<vmem>> -> memref<128x8xf32, #tpu.memory_space<vmem>>
        %dma_start3A_201 = arith.constant 0 : i32
        %dma_start3A_202 = tpu.memref_slice %arg20[%dma_start3A_197, %dma_start3A_201] : memref<15x128xi32, #tpu.memory_space<vmem>> -> memref<1x128xi32, #tpu.memory_space<vmem>>
        %dma_start3A_203 = tpu.memref_squeeze %dma_start3A_202 : memref<1x128xi32, #tpu.memory_space<vmem>> -> memref<128xi32, #tpu.memory_space<vmem>>
        %dma_start3A_204 = arith.constant 0 : i32
        %dma_start3A_205 = arith.constant 0 : i32
        %dma_start3A_206 = tpu.memref_slice %arg2[%dma_start3A_204, %dma_start3A_205] : memref<1000000x8xf32, #tpu.memory_space<hbm>> -> memref<1000000x8xf32, #tpu.memory_space<hbm>>
        tpu.enqueue_indirect_dma source(%dma_start3A_206 : memref<1000000x8xf32, #tpu.memory_space<hbm>>) target(%dma_start3A_200 : memref<128x8xf32, #tpu.memory_space<vmem>>) offsets(%dma_start3A_203 : memref<128xi32, #tpu.memory_space<vmem>>) semaphore(%arg29 : memref<!tpu.dma_semaphore, #tpu.memory_space<semaphore_mem>>)
        %dma_start3A_207 = arith.constant 9 : i32
        %dma_start3A_208 = arith.constant 1152 : i32
        %dma_start3A_209 = arith.constant 0 : i32
        %dma_start3A_210 = tpu.memref_slice %arg21[%dma_start3A_208, %dma_start3A_209] : memref<1920x8xf32, #tpu.memory_space<vmem>> -> memref<128x8xf32, #tpu.memory_space<vmem>>
        %dma_start3A_211 = arith.constant 0 : i32
        %dma_start3A_212 = tpu.memref_slice %arg20[%dma_start3A_207, %dma_start3A_211] : memref<15x128xi32, #tpu.memory_space<vmem>> -> memref<1x128xi32, #tpu.memory_space<vmem>>
        %dma_start3A_213 = tpu.memref_squeeze %dma_start3A_212 : memref<1x128xi32, #tpu.memory_space<vmem>> -> memref<128xi32, #tpu.memory_space<vmem>>
        %dma_start3A_214 = arith.constant 0 : i32
        %dma_start3A_215 = arith.constant 0 : i32
        %dma_start3A_216 = tpu.memref_slice %arg2[%dma_start3A_214, %dma_start3A_215] : memref<1000000x8xf32, #tpu.memory_space<hbm>> -> memref<1000000x8xf32, #tpu.memory_space<hbm>>
        tpu.enqueue_indirect_dma source(%dma_start3A_216 : memref<1000000x8xf32, #tpu.memory_space<hbm>>) target(%dma_start3A_210 : memref<128x8xf32, #tpu.memory_space<vmem>>) offsets(%dma_start3A_213 : memref<128xi32, #tpu.memory_space<vmem>>) semaphore(%arg29 : memref<!tpu.dma_semaphore, #tpu.memory_space<semaphore_mem>>)
        %dma_start3A_217 = arith.constant 14 : i32
        %dma_start3A_218 = arith.constant 1792 : i32
        %dma_start3A_219 = arith.constant 0 : i32
        %dma_start3A_220 = tpu.memref_slice %arg21[%dma_start3A_218, %dma_start3A_219] : memref<1920x8xf32, #tpu.memory_space<vmem>> -> memref<128x8xf32, #tpu.memory_space<vmem>>
        %dma_start3A_221 = arith.constant 0 : i32
        %dma_start3A_222 = tpu.memref_slice %arg20[%dma_start3A_217, %dma_start3A_221] : memref<15x128xi32, #tpu.memory_space<vmem>> -> memref<1x128xi32, #tpu.memory_space<vmem>>
        %dma_start3A_223 = tpu.memref_squeeze %dma_start3A_222 : memref<1x128xi32, #tpu.memory_space<vmem>> -> memref<128xi32, #tpu.memory_space<vmem>>
        %dma_start3A_224 = arith.constant 0 : i32
        %dma_start3A_225 = arith.constant 0 : i32
        %dma_start3A_226 = tpu.memref_slice %arg2[%dma_start3A_224, %dma_start3A_225] : memref<1000000x8xf32, #tpu.memory_space<hbm>> -> memref<1000000x8xf32, #tpu.memory_space<hbm>>
        tpu.enqueue_indirect_dma source(%dma_start3A_226 : memref<1000000x8xf32, #tpu.memory_space<hbm>>) target(%dma_start3A_220 : memref<128x8xf32, #tpu.memory_space<vmem>>) offsets(%dma_start3A_223 : memref<128xi32, #tpu.memory_space<vmem>>) semaphore(%arg29 : memref<!tpu.dma_semaphore, #tpu.memory_space<semaphore_mem>>)
      } else {
      }
      %lt3A_60 = arith.constant 3125 : i32
      %lt3A_61 = arith.cmpi slt, %add3A_50, %lt3A_60 : i32
      %convert_element_type3A_62 = arith.extui %lt3A_61 : i1 to i32
      %cond3A_63 = arith.constant 0 : i32
      %cond3A_64 = arith.cmpi ne, %convert_element_type3A_62, %cond3A_63 : i32
      scf.if %cond3A_64 {
        %add3A_76 = arith.constant 64 : i32
        %add3A_77 = arith.addi %add3A, %add3A_76 : i32
        %ge3A = arith.cmpi sge, %add3A_50, %add3A_77 : i32
        %convert_element_type3A_78 = arith.extui %ge3A : i1 to i32
        %cond3A_79 = arith.constant 0 : i32
        %cond3A_80 = arith.cmpi ne, %convert_element_type3A_78, %cond3A_79 : i32
        scf.if %cond3A_80 {
          %sub3A = arith.constant 64 : i32
          %sub3A_284 = arith.subi %add3A_50, %sub3A : i32
          %mul3A_285 = arith.constant 640 : i32
          %mul3A_286 = arith.muli %sub3A_284, %mul3A_285 : i32
          %mul3A_287 = arith.constant 5 : i32
          %mul3A_288 = arith.muli %sub3A_284, %mul3A_287 : i32
          %dma_wait3A_289 = arith.constant 0 : i32
          %dma_wait3A_290 = arith.constant 0 : i32
          %dma_wait3A_291 = tpu.memref_slice %arg6[%mul3A_288, %dma_wait3A_289, %dma_wait3A_290] : memref<15625x4x128xf32, #tpu.memory_space<hbm>> -> memref<5x4x128xf32, #tpu.memory_space<hbm>>
          %dma_wait3A_292 = arith.constant 0 : i32
          %dma_wait3A_293 = arith.constant 0 : i32
          %dma_wait3A_294 = tpu.memref_slice %arg6[%mul3A_288, %dma_wait3A_292, %dma_wait3A_293] : memref<15625x4x128xf32, #tpu.memory_space<hbm>> -> memref<5x4x128xf32, #tpu.memory_space<hbm>>
          tpu.wait_dma2 semaphore(%arg19 : memref<!tpu.dma_semaphore, #tpu.memory_space<semaphore_mem>>) src(%arg11 : memref<5x4x128xf32, #tpu.memory_space<vmem>>) dst(%dma_wait3A_294 : memref<5x4x128xf32, #tpu.memory_space<hbm>>)
          %dma_wait3A_295 = arith.constant 0 : i32
          %dma_wait3A_296 = arith.constant 0 : i32
          %dma_wait3A_297 = tpu.memref_slice %arg7[%mul3A_288, %dma_wait3A_295, %dma_wait3A_296] : memref<15625x4x128xf32, #tpu.memory_space<hbm>> -> memref<5x4x128xf32, #tpu.memory_space<hbm>>
          %dma_wait3A_298 = arith.constant 0 : i32
          %dma_wait3A_299 = arith.constant 0 : i32
          %dma_wait3A_300 = tpu.memref_slice %arg7[%mul3A_288, %dma_wait3A_298, %dma_wait3A_299] : memref<15625x4x128xf32, #tpu.memory_space<hbm>> -> memref<5x4x128xf32, #tpu.memory_space<hbm>>
          tpu.wait_dma2 semaphore(%arg19 : memref<!tpu.dma_semaphore, #tpu.memory_space<semaphore_mem>>) src(%arg12 : memref<5x4x128xf32, #tpu.memory_space<vmem>>) dst(%dma_wait3A_300 : memref<5x4x128xf32, #tpu.memory_space<hbm>>)
          %dma_wait3A_301 = tpu.memref_slice %arg8[%mul3A_286] : memref<2000000xf32, #tpu.memory_space<hbm>> -> memref<640xf32, #tpu.memory_space<hbm>>
          %dma_wait3A_302 = tpu.memref_slice %arg8[%mul3A_286] : memref<2000000xf32, #tpu.memory_space<hbm>> -> memref<640xf32, #tpu.memory_space<hbm>>
          tpu.wait_dma2 semaphore(%arg19 : memref<!tpu.dma_semaphore, #tpu.memory_space<semaphore_mem>>) src(%arg13 : memref<640xf32, #tpu.memory_space<vmem>>) dst(%dma_wait3A_302 : memref<640xf32, #tpu.memory_space<hbm>>)
        } else {
        }
        %broadcast_in_dim3A = arith.constant 0 : i32
        %broadcast_in_dim3A_81 = vector.broadcast %broadcast_in_dim3A : i32 to vector<16xi32>
        %dma_wait3A_82 = arith.constant 0 : i32
        %dma_wait3A_83 = arith.constant 0 : i32
        %dma_wait3A_84 = arith.constant 0 : i32
        %dma_wait3A_85 = tpu.memref_slice %arg10[%dma_wait3A_83, %dma_wait3A_84] : memref<1920x8xf32, #tpu.memory_space<vmem>> -> memref<128x8xf32, #tpu.memory_space<vmem>>
        %dma_wait3A_86 = arith.constant 0 : i32
        %dma_wait3A_87 = tpu.memref_slice %arg9[%dma_wait3A_82, %dma_wait3A_86] : memref<15x128xi32, #tpu.memory_space<vmem>> -> memref<1x128xi32, #tpu.memory_space<vmem>>
        %dma_wait3A_88 = tpu.memref_squeeze %dma_wait3A_87 : memref<1x128xi32, #tpu.memory_space<vmem>> -> memref<128xi32, #tpu.memory_space<vmem>>
        %dma_wait3A_89 = arith.constant 0 : i32
        %dma_wait3A_90 = arith.constant 0 : i32
        %dma_wait3A_91 = tpu.memref_slice %arg2[%dma_wait3A_89, %dma_wait3A_90] : memref<1000000x8xf32, #tpu.memory_space<hbm>> -> memref<1000000x8xf32, #tpu.memory_space<hbm>>
        tpu.wait_indirect_dma semaphore(%arg14 : memref<!tpu.dma_semaphore, #tpu.memory_space<semaphore_mem>>) src(%dma_wait3A_91 : memref<1000000x8xf32, #tpu.memory_space<hbm>>) dst(%dma_wait3A_85 : memref<128x8xf32, #tpu.memory_space<vmem>>)
        %dma_wait3A_92 = arith.constant 5 : i32
        %dma_wait3A_93 = arith.constant 640 : i32
        %dma_wait3A_94 = arith.constant 0 : i32
        %dma_wait3A_95 = tpu.memref_slice %arg10[%dma_wait3A_93, %dma_wait3A_94] : memref<1920x8xf32, #tpu.memory_space<vmem>> -> memref<128x8xf32, #tpu.memory_space<vmem>>
        %dma_wait3A_96 = arith.constant 0 : i32
        %dma_wait3A_97 = tpu.memref_slice %arg9[%dma_wait3A_92, %dma_wait3A_96] : memref<15x128xi32, #tpu.memory_space<vmem>> -> memref<1x128xi32, #tpu.memory_space<vmem>>
        %dma_wait3A_98 = tpu.memref_squeeze %dma_wait3A_97 : memref<1x128xi32, #tpu.memory_space<vmem>> -> memref<128xi32, #tpu.memory_space<vmem>>
        %dma_wait3A_99 = arith.constant 0 : i32
        %dma_wait3A_100 = arith.constant 0 : i32
        %dma_wait3A_101 = tpu.memref_slice %arg2[%dma_wait3A_99, %dma_wait3A_100] : memref<1000000x8xf32, #tpu.memory_space<hbm>> -> memref<1000000x8xf32, #tpu.memory_space<hbm>>
        tpu.wait_indirect_dma semaphore(%arg14 : memref<!tpu.dma_semaphore, #tpu.memory_space<semaphore_mem>>) src(%dma_wait3A_101 : memref<1000000x8xf32, #tpu.memory_space<hbm>>) dst(%dma_wait3A_95 : memref<128x8xf32, #tpu.memory_space<vmem>>)
        %dma_wait3A_102 = arith.constant 10 : i32
        %dma_wait3A_103 = arith.constant 1280 : i32
        %dma_wait3A_104 = arith.constant 0 : i32
        %dma_wait3A_105 = tpu.memref_slice %arg10[%dma_wait3A_103, %dma_wait3A_104] : memref<1920x8xf32, #tpu.memory_space<vmem>> -> memref<128x8xf32, #tpu.memory_space<vmem>>
        %dma_wait3A_106 = arith.constant 0 : i32
        %dma_wait3A_107 = tpu.memref_slice %arg9[%dma_wait3A_102, %dma_wait3A_106] : memref<15x128xi32, #tpu.memory_space<vmem>> -> memref<1x128xi32, #tpu.memory_space<vmem>>
        %dma_wait3A_108 = tpu.memref_squeeze %dma_wait3A_107 : memref<1x128xi32, #tpu.memory_space<vmem>> -> memref<128xi32, #tpu.memory_space<vmem>>
        %dma_wait3A_109 = arith.constant 0 : i32
        %dma_wait3A_110 = arith.constant 0 : i32
        %dma_wait3A_111 = tpu.memref_slice %arg2[%dma_wait3A_109, %dma_wait3A_110] : memref<1000000x8xf32, #tpu.memory_space<hbm>> -> memref<1000000x8xf32, #tpu.memory_space<hbm>>
        tpu.wait_indirect_dma semaphore(%arg14 : memref<!tpu.dma_semaphore, #tpu.memory_space<semaphore_mem>>) src(%dma_wait3A_111 : memref<1000000x8xf32, #tpu.memory_space<hbm>>) dst(%dma_wait3A_105 : memref<128x8xf32, #tpu.memory_space<vmem>>)
        %scan3A_112 = arith.constant 0 : i32
        %scan3A_113 = arith.constant 0 : i32
        %scan3A_114 = arith.constant 8 : i32
        %scan3A_115 = arith.addi %scan3A_113, %scan3A_114 : i32
        %scan3A_116 = arith.constant 1 : i32
        %scan3A_117 = scf.for %scan3A_284 = %scan3A_113 to %scan3A_115 step %scan3A_116 iter_args(%scan3A_285 = %scan3A_112) -> (i32)  : i32 {
          %mul3A_286 = arith.constant 16 : i32
          %mul3A_287 = arith.muli %scan3A_284, %mul3A_286 : i32
          %add3A_288 = vector.broadcast %mul3A_287 : i32 to vector<16xi32>
          %add3A_289 = arith.addi %add3A_288, %iota3A : vector<16xi32>
          %add3A_290 = arith.constant 0 : i32
          %add3A_291 = vector.broadcast %add3A_290 : i32 to vector<16xi32>
          %add3A_292 = arith.addi %add3A_289, %add3A_291 : vector<16xi32>
          %add3A_293 = arith.constant 0 : i32
          %add3A_294 = vector.broadcast %add3A_293 : i32 to vector<16xi32>
          %add3A_295 = arith.addi %broadcast_in_dim3A_81, %add3A_294 : vector<16xi32>
          %gather3A = tpu.vector_load_idx %arg10[%add3A_292, %add3A_295] : memref<1920x8xf32, #tpu.memory_space<vmem>>[vector<16xi32>, vector<16xi32>], vector<16xf32>,
          %add3A_296 = arith.constant 1 : i32
          %add3A_297 = vector.broadcast %add3A_296 : i32 to vector<16xi32>
          %add3A_298 = arith.addi %broadcast_in_dim3A_81, %add3A_297 : vector<16xi32>
          %gather3A_299 = tpu.vector_load_idx %arg10[%add3A_292, %add3A_298] : memref<1920x8xf32, #tpu.memory_space<vmem>>[vector<16xi32>, vector<16xi32>], vector<16xf32>,
          %add3A_300 = arith.constant 2 : i32
          %add3A_301 = vector.broadcast %add3A_300 : i32 to vector<16xi32>
          %add3A_302 = arith.addi %broadcast_in_dim3A_81, %add3A_301 : vector<16xi32>
          %gather3A_303 = tpu.vector_load_idx %arg10[%add3A_292, %add3A_302] : memref<1920x8xf32, #tpu.memory_space<vmem>>[vector<16xi32>, vector<16xi32>], vector<16xf32>,
          %add3A_304 = arith.constant 640 : i32
          %add3A_305 = vector.broadcast %add3A_304 : i32 to vector<16xi32>
          %add3A_306 = arith.addi %add3A_289, %add3A_305 : vector<16xi32>
          %add3A_307 = arith.constant 0 : i32
          %add3A_308 = vector.broadcast %add3A_307 : i32 to vector<16xi32>
          %add3A_309 = arith.addi %broadcast_in_dim3A_81, %add3A_308 : vector<16xi32>
          %gather3A_310 = tpu.vector_load_idx %arg10[%add3A_306, %add3A_309] : memref<1920x8xf32, #tpu.memory_space<vmem>>[vector<16xi32>, vector<16xi32>], vector<16xf32>,
          %add3A_311 = arith.constant 1 : i32
          %add3A_312 = vector.broadcast %add3A_311 : i32 to vector<16xi32>
          %add3A_313 = arith.addi %broadcast_in_dim3A_81, %add3A_312 : vector<16xi32>
          %gather3A_314 = tpu.vector_load_idx %arg10[%add3A_306, %add3A_313] : memref<1920x8xf32, #tpu.memory_space<vmem>>[vector<16xi32>, vector<16xi32>], vector<16xf32>,
          %add3A_315 = arith.constant 2 : i32
          %add3A_316 = vector.broadcast %add3A_315 : i32 to vector<16xi32>
          %add3A_317 = arith.addi %broadcast_in_dim3A_81, %add3A_316 : vector<16xi32>
          %gather3A_318 = tpu.vector_load_idx %arg10[%add3A_306, %add3A_317] : memref<1920x8xf32, #tpu.memory_space<vmem>>[vector<16xi32>, vector<16xi32>], vector<16xf32>,
          %add3A_319 = arith.constant 1280 : i32
          %add3A_320 = vector.broadcast %add3A_319 : i32 to vector<16xi32>
          %add3A_321 = arith.addi %add3A_289, %add3A_320 : vector<16xi32>
          %add3A_322 = arith.constant 0 : i32
          %add3A_323 = vector.broadcast %add3A_322 : i32 to vector<16xi32>
          %add3A_324 = arith.addi %broadcast_in_dim3A_81, %add3A_323 : vector<16xi32>
          %gather3A_325 = tpu.vector_load_idx %arg10[%add3A_321, %add3A_324] : memref<1920x8xf32, #tpu.memory_space<vmem>>[vector<16xi32>, vector<16xi32>], vector<16xf32>,
          %add3A_326 = arith.constant 1 : i32
          %add3A_327 = vector.broadcast %add3A_326 : i32 to vector<16xi32>
          %add3A_328 = arith.addi %broadcast_in_dim3A_81, %add3A_327 : vector<16xi32>
          %gather3A_329 = tpu.vector_load_idx %arg10[%add3A_321, %add3A_328] : memref<1920x8xf32, #tpu.memory_space<vmem>>[vector<16xi32>, vector<16xi32>], vector<16xf32>,
          %add3A_330 = arith.constant 2 : i32
          %add3A_331 = vector.broadcast %add3A_330 : i32 to vector<16xi32>
          %add3A_332 = arith.addi %broadcast_in_dim3A_81, %add3A_331 : vector<16xi32>
          %gather3A_333 = tpu.vector_load_idx %arg10[%add3A_321, %add3A_332] : memref<1920x8xf32, #tpu.memory_space<vmem>>[vector<16xi32>, vector<16xi32>], vector<16xf32>,
          %shift_right_arithmetic3A = arith.constant 3 : i32
          %shift_right_arithmetic3A_334 = arith.shrsi %scan3A_284, %shift_right_arithmetic3A : i32
          %and3A = arith.constant 7 : i32
          %and3A_335 = arith.andi %scan3A_284, %and3A : i32
          %mul3A_336 = arith.constant 16 : i32
          %mul3A_337 = arith.muli %and3A_335, %mul3A_336 : i32
          %add3A_338 = arith.addf %gather3A, %gather3A_310 : vector<16xf32>
          %add3A_339 = arith.addf %add3A_338, %gather3A_325 : vector<16xf32>
          %mul3A_340 = arith.constant 0.333333343 : f32
          %mul3A_341 = vector.broadcast %mul3A_340 : f32 to vector<16xf32>
          %mul3A_342 = arith.mulf %add3A_339, %mul3A_341 : vector<16xf32>
          %swap3A = arith.constant 0 : i32
          %swap3A_343 = arith.index_cast %shift_right_arithmetic3A_334 : i32 to index
          %swap3A_344 = arith.index_cast %swap3A : i32 to index
          %swap3A_345 = arith.index_cast %mul3A_337 : i32 to index
          %swap3A_346 = tpu.vector_load %arg11[%swap3A_343, %swap3A_344, %swap3A_345] {strides = array<i32>} : memref<5x4x128xf32, #tpu.memory_space<vmem>>, vector<16xf32>,
          tpu.vector_store %arg11[%swap3A_343, %swap3A_344, %swap3A_345], %mul3A_342 {strides = array<i32>} : memref<5x4x128xf32, #tpu.memory_space<vmem>>, vector<16xf32>,
          %add3A_347 = arith.addf %gather3A_299, %gather3A_314 : vector<16xf32>
          %add3A_348 = arith.addf %add3A_347, %gather3A_329 : vector<16xf32>
          %mul3A_349 = arith.constant 0.333333343 : f32
          %mul3A_350 = vector.broadcast %mul3A_349 : f32 to vector<16xf32>
          %mul3A_351 = arith.mulf %add3A_348, %mul3A_350 : vector<16xf32>
          %swap3A_352 = arith.constant 1 : i32
          %swap3A_353 = arith.index_cast %shift_right_arithmetic3A_334 : i32 to index
          %swap3A_354 = arith.index_cast %swap3A_352 : i32 to index
          %swap3A_355 = arith.index_cast %mul3A_337 : i32 to index
          %swap3A_356 = tpu.vector_load %arg11[%swap3A_353, %swap3A_354, %swap3A_355] {strides = array<i32>} : memref<5x4x128xf32, #tpu.memory_space<vmem>>, vector<16xf32>,
          tpu.vector_store %arg11[%swap3A_353, %swap3A_354, %swap3A_355], %mul3A_351 {strides = array<i32>} : memref<5x4x128xf32, #tpu.memory_space<vmem>>, vector<16xf32>,
          %add3A_357 = arith.addf %gather3A_303, %gather3A_318 : vector<16xf32>
          %add3A_358 = arith.addf %add3A_357, %gather3A_333 : vector<16xf32>
          %mul3A_359 = arith.constant 0.333333343 : f32
          %mul3A_360 = vector.broadcast %mul3A_359 : f32 to vector<16xf32>
          %mul3A_361 = arith.mulf %add3A_358, %mul3A_360 : vector<16xf32>
          %swap3A_362 = arith.constant 2 : i32
          %swap3A_363 = arith.index_cast %shift_right_arithmetic3A_334 : i32 to index
          %swap3A_364 = arith.index_cast %swap3A_362 : i32 to index
          %swap3A_365 = arith.index_cast %mul3A_337 : i32 to index
          %swap3A_366 = tpu.vector_load %arg11[%swap3A_363, %swap3A_364, %swap3A_365] {strides = array<i32>} : memref<5x4x128xf32, #tpu.memory_space<vmem>>, vector<16xf32>,
          tpu.vector_store %arg11[%swap3A_363, %swap3A_364, %swap3A_365], %mul3A_361 {strides = array<i32>} : memref<5x4x128xf32, #tpu.memory_space<vmem>>, vector<16xf32>,
          %sub3A = arith.subf %gather3A_310, %gather3A : vector<16xf32>
          %sub3A_367 = arith.subf %gather3A_314, %gather3A_299 : vector<16xf32>
          %sub3A_368 = arith.subf %gather3A_318, %gather3A_303 : vector<16xf32>
          %sub3A_369 = arith.subf %gather3A_325, %gather3A_310 : vector<16xf32>
          %sub3A_370 = arith.subf %gather3A_329, %gather3A_314 : vector<16xf32>
          %sub3A_371 = arith.subf %gather3A_333, %gather3A_318 : vector<16xf32>
          %mul3A_372 = arith.mulf %sub3A_367, %sub3A_371 : vector<16xf32>
          %mul3A_373 = arith.mulf %sub3A_368, %sub3A_370 : vector<16xf32>
          %sub3A_374 = arith.subf %mul3A_372, %mul3A_373 : vector<16xf32>
          %mul3A_375 = arith.mulf %sub3A_368, %sub3A_369 : vector<16xf32>
          %mul3A_376 = arith.mulf %sub3A, %sub3A_371 : vector<16xf32>
          %sub3A_377 = arith.subf %mul3A_375, %mul3A_376 : vector<16xf32>
          %mul3A_378 = arith.mulf %sub3A, %sub3A_370 : vector<16xf32>
          %mul3A_379 = arith.mulf %sub3A_367, %sub3A_369 : vector<16xf32>
          %sub3A_380 = arith.subf %mul3A_378, %mul3A_379 : vector<16xf32>
          %mul3A_381 = arith.mulf %sub3A_374, %sub3A_374 : vector<16xf32>
          %mul3A_382 = arith.mulf %sub3A_377, %sub3A_377 : vector<16xf32>
          %add3A_383 = arith.addf %mul3A_381, %mul3A_382 : vector<16xf32>
          %mul3A_384 = arith.mulf %sub3A_380, %sub3A_380 : vector<16xf32>
          %add3A_385 = arith.addf %add3A_383, %mul3A_384 : vector<16xf32>
          %bitcast3A = vector.bitcast %add3A_385 : vector<16xf32> to vector<16xi32>
          %shift_right_arithmetic3A_386 = arith.constant 1 : i32
          %shift_right_arithmetic3A_387 = vector.broadcast %shift_right_arithmetic3A_386 : i32 to vector<16xi32>
          %shift_right_arithmetic3A_388 = arith.shrsi %bitcast3A, %shift_right_arithmetic3A_387 : vector<16xi32>
          %sub3A_389 = arith.constant 1597463007 : i32
          %sub3A_390 = vector.broadcast %sub3A_389 : i32 to vector<16xi32>
          %sub3A_391 = arith.subi %sub3A_390, %shift_right_arithmetic3A_388 : vector<16xi32>
          %bitcast3A_392 = vector.bitcast %sub3A_391 : vector<16xi32> to vector<16xf32>
          %mul3A_393 = arith.constant 5.000000e-01 : f32
          %mul3A_394 = vector.broadcast %mul3A_393 : f32 to vector<16xf32>
          %mul3A_395 = arith.mulf %add3A_385, %mul3A_394 : vector<16xf32>
          %mul3A_396 = arith.mulf %mul3A_395, %bitcast3A_392 : vector<16xf32>
          %mul3A_397 = arith.mulf %mul3A_396, %bitcast3A_392 : vector<16xf32>
          %sub3A_398 = arith.constant 1.500000e+00 : f32
          %sub3A_399 = vector.broadcast %sub3A_398 : f32 to vector<16xf32>
          %sub3A_400 = arith.subf %sub3A_399, %mul3A_397 : vector<16xf32>
          %mul3A_401 = arith.mulf %bitcast3A_392, %sub3A_400 : vector<16xf32>
          %mul3A_402 = arith.mulf %mul3A_395, %mul3A_401 : vector<16xf32>
          %mul3A_403 = arith.mulf %mul3A_402, %mul3A_401 : vector<16xf32>
          %sub3A_404 = arith.constant 1.500000e+00 : f32
          %sub3A_405 = vector.broadcast %sub3A_404 : f32 to vector<16xf32>
          %sub3A_406 = arith.subf %sub3A_405, %mul3A_403 : vector<16xf32>
          %mul3A_407 = arith.mulf %mul3A_401, %sub3A_406 : vector<16xf32>
          %mul3A_408 = arith.mulf %sub3A_374, %mul3A_407 : vector<16xf32>
          %swap3A_409 = arith.constant 0 : i32
          %swap3A_410 = arith.index_cast %shift_right_arithmetic3A_334 : i32 to index
          %swap3A_411 = arith.index_cast %swap3A_409 : i32 to index
          %swap3A_412 = arith.index_cast %mul3A_337 : i32 to index
          %swap3A_413 = tpu.vector_load %arg12[%swap3A_410, %swap3A_411, %swap3A_412] {strides = array<i32>} : memref<5x4x128xf32, #tpu.memory_space<vmem>>, vector<16xf32>,
          tpu.vector_store %arg12[%swap3A_410, %swap3A_411, %swap3A_412], %mul3A_408 {strides = array<i32>} : memref<5x4x128xf32, #tpu.memory_space<vmem>>, vector<16xf32>,
          %mul3A_414 = arith.mulf %sub3A_377, %mul3A_407 : vector<16xf32>
          %swap3A_415 = arith.constant 1 : i32
          %swap3A_416 = arith.index_cast %shift_right_arithmetic3A_334 : i32 to index
          %swap3A_417 = arith.index_cast %swap3A_415 : i32 to index
          %swap3A_418 = arith.index_cast %mul3A_337 : i32 to index
          %swap3A_419 = tpu.vector_load %arg12[%swap3A_416, %swap3A_417, %swap3A_418] {strides = array<i32>} : memref<5x4x128xf32, #tpu.memory_space<vmem>>, vector<16xf32>,
          tpu.vector_store %arg12[%swap3A_416, %swap3A_417, %swap3A_418], %mul3A_414 {strides = array<i32>} : memref<5x4x128xf32, #tpu.memory_space<vmem>>, vector<16xf32>,
          %mul3A_420 = arith.mulf %sub3A_380, %mul3A_407 : vector<16xf32>
          %swap3A_421 = arith.constant 2 : i32
          %swap3A_422 = arith.index_cast %shift_right_arithmetic3A_334 : i32 to index
          %swap3A_423 = arith.index_cast %swap3A_421 : i32 to index
          %swap3A_424 = arith.index_cast %mul3A_337 : i32 to index
          %swap3A_425 = tpu.vector_load %arg12[%swap3A_422, %swap3A_423, %swap3A_424] {strides = array<i32>} : memref<5x4x128xf32, #tpu.memory_space<vmem>>, vector<16xf32>,
          tpu.vector_store %arg12[%swap3A_422, %swap3A_423, %swap3A_424], %mul3A_420 {strides = array<i32>} : memref<5x4x128xf32, #tpu.memory_space<vmem>>, vector<16xf32>,
          %mul3A_426 = arith.mulf %add3A_385, %mul3A_407 : vector<16xf32>
          %mul3A_427 = arith.constant 5.000000e-01 : f32
          %mul3A_428 = vector.broadcast %mul3A_427 : f32 to vector<16xf32>
          %mul3A_429 = arith.mulf %mul3A_426, %mul3A_428 : vector<16xf32>
          %swap3A_430 = arith.index_cast %mul3A_287 : i32 to index
          %swap3A_431 = tpu.vector_load %arg13[%swap3A_430] {strides = array<i32>} : memref<640xf32, #tpu.memory_space<vmem>>, vector<16xf32>,
          tpu.vector_store %arg13[%swap3A_430], %mul3A_429 {strides = array<i32>} : memref<640xf32, #tpu.memory_space<vmem>>, vector<16xf32>,
          %scan3A_432 = arith.constant 0 : i32
          scf.yield %scan3A_432 : i32
        }
        %scan3A_118 = arith.constant 8 : i32
        %dma_wait3A_119 = arith.constant 1 : i32
        %dma_wait3A_120 = arith.constant 128 : i32
        %dma_wait3A_121 = arith.constant 0 : i32
        %dma_wait3A_122 = tpu.memref_slice %arg10[%dma_wait3A_120, %dma_wait3A_121] : memref<1920x8xf32, #tpu.memory_space<vmem>> -> memref<128x8xf32, #tpu.memory_space<vmem>>
        %dma_wait3A_123 = arith.constant 0 : i32
        %dma_wait3A_124 = tpu.memref_slice %arg9[%dma_wait3A_119, %dma_wait3A_123] : memref<15x128xi32, #tpu.memory_space<vmem>> -> memref<1x128xi32, #tpu.memory_space<vmem>>
        %dma_wait3A_125 = tpu.memref_squeeze %dma_wait3A_124 : memref<1x128xi32, #tpu.memory_space<vmem>> -> memref<128xi32, #tpu.memory_space<vmem>>
        %dma_wait3A_126 = arith.constant 0 : i32
        %dma_wait3A_127 = arith.constant 0 : i32
        %dma_wait3A_128 = tpu.memref_slice %arg2[%dma_wait3A_126, %dma_wait3A_127] : memref<1000000x8xf32, #tpu.memory_space<hbm>> -> memref<1000000x8xf32, #tpu.memory_space<hbm>>
        tpu.wait_indirect_dma semaphore(%arg15 : memref<!tpu.dma_semaphore, #tpu.memory_space<semaphore_mem>>) src(%dma_wait3A_128 : memref<1000000x8xf32, #tpu.memory_space<hbm>>) dst(%dma_wait3A_122 : memref<128x8xf32, #tpu.memory_space<vmem>>)
        %dma_wait3A_129 = arith.constant 6 : i32
        %dma_wait3A_130 = arith.constant 768 : i32
        %dma_wait3A_131 = arith.constant 0 : i32
        %dma_wait3A_132 = tpu.memref_slice %arg10[%dma_wait3A_130, %dma_wait3A_131] : memref<1920x8xf32, #tpu.memory_space<vmem>> -> memref<128x8xf32, #tpu.memory_space<vmem>>
        %dma_wait3A_133 = arith.constant 0 : i32
        %dma_wait3A_134 = tpu.memref_slice %arg9[%dma_wait3A_129, %dma_wait3A_133] : memref<15x128xi32, #tpu.memory_space<vmem>> -> memref<1x128xi32, #tpu.memory_space<vmem>>
        %dma_wait3A_135 = tpu.memref_squeeze %dma_wait3A_134 : memref<1x128xi32, #tpu.memory_space<vmem>> -> memref<128xi32, #tpu.memory_space<vmem>>
        %dma_wait3A_136 = arith.constant 0 : i32
        %dma_wait3A_137 = arith.constant 0 : i32
        %dma_wait3A_138 = tpu.memref_slice %arg2[%dma_wait3A_136, %dma_wait3A_137] : memref<1000000x8xf32, #tpu.memory_space<hbm>> -> memref<1000000x8xf32, #tpu.memory_space<hbm>>
        tpu.wait_indirect_dma semaphore(%arg15 : memref<!tpu.dma_semaphore, #tpu.memory_space<semaphore_mem>>) src(%dma_wait3A_138 : memref<1000000x8xf32, #tpu.memory_space<hbm>>) dst(%dma_wait3A_132 : memref<128x8xf32, #tpu.memory_space<vmem>>)
        %dma_wait3A_139 = arith.constant 11 : i32
        %dma_wait3A_140 = arith.constant 1408 : i32
        %dma_wait3A_141 = arith.constant 0 : i32
        %dma_wait3A_142 = tpu.memref_slice %arg10[%dma_wait3A_140, %dma_wait3A_141] : memref<1920x8xf32, #tpu.memory_space<vmem>> -> memref<128x8xf32, #tpu.memory_space<vmem>>
        %dma_wait3A_143 = arith.constant 0 : i32
        %dma_wait3A_144 = tpu.memref_slice %arg9[%dma_wait3A_139, %dma_wait3A_143] : memref<15x128xi32, #tpu.memory_space<vmem>> -> memref<1x128xi32, #tpu.memory_space<vmem>>
        %dma_wait3A_145 = tpu.memref_squeeze %dma_wait3A_144 : memref<1x128xi32, #tpu.memory_space<vmem>> -> memref<128xi32, #tpu.memory_space<vmem>>
        %dma_wait3A_146 = arith.constant 0 : i32
        %dma_wait3A_147 = arith.constant 0 : i32
        %dma_wait3A_148 = tpu.memref_slice %arg2[%dma_wait3A_146, %dma_wait3A_147] : memref<1000000x8xf32, #tpu.memory_space<hbm>> -> memref<1000000x8xf32, #tpu.memory_space<hbm>>
        tpu.wait_indirect_dma semaphore(%arg15 : memref<!tpu.dma_semaphore, #tpu.memory_space<semaphore_mem>>) src(%dma_wait3A_148 : memref<1000000x8xf32, #tpu.memory_space<hbm>>) dst(%dma_wait3A_142 : memref<128x8xf32, #tpu.memory_space<vmem>>)
        %scan3A_149 = arith.constant 0 : i32
        %scan3A_150 = arith.constant 8 : i32
        %scan3A_151 = arith.constant 8 : i32
        %scan3A_152 = arith.addi %scan3A_150, %scan3A_151 : i32
        %scan3A_153 = arith.constant 1 : i32
        %scan3A_154 = scf.for %scan3A_284 = %scan3A_150 to %scan3A_152 step %scan3A_153 iter_args(%scan3A_285 = %scan3A_149) -> (i32)  : i32 {
          %mul3A_286 = arith.constant 16 : i32
          %mul3A_287 = arith.muli %scan3A_284, %mul3A_286 : i32
          %add3A_288 = vector.broadcast %mul3A_287 : i32 to vector<16xi32>
          %add3A_289 = arith.addi %add3A_288, %iota3A : vector<16xi32>
          %add3A_290 = arith.constant 0 : i32
          %add3A_291 = vector.broadcast %add3A_290 : i32 to vector<16xi32>
          %add3A_292 = arith.addi %add3A_289, %add3A_291 : vector<16xi32>
          %add3A_293 = arith.constant 0 : i32
          %add3A_294 = vector.broadcast %add3A_293 : i32 to vector<16xi32>
          %add3A_295 = arith.addi %broadcast_in_dim3A_81, %add3A_294 : vector<16xi32>
          %gather3A = tpu.vector_load_idx %arg10[%add3A_292, %add3A_295] : memref<1920x8xf32, #tpu.memory_space<vmem>>[vector<16xi32>, vector<16xi32>], vector<16xf32>,
          %add3A_296 = arith.constant 1 : i32
          %add3A_297 = vector.broadcast %add3A_296 : i32 to vector<16xi32>
          %add3A_298 = arith.addi %broadcast_in_dim3A_81, %add3A_297 : vector<16xi32>
          %gather3A_299 = tpu.vector_load_idx %arg10[%add3A_292, %add3A_298] : memref<1920x8xf32, #tpu.memory_space<vmem>>[vector<16xi32>, vector<16xi32>], vector<16xf32>,
          %add3A_300 = arith.constant 2 : i32
          %add3A_301 = vector.broadcast %add3A_300 : i32 to vector<16xi32>
          %add3A_302 = arith.addi %broadcast_in_dim3A_81, %add3A_301 : vector<16xi32>
          %gather3A_303 = tpu.vector_load_idx %arg10[%add3A_292, %add3A_302] : memref<1920x8xf32, #tpu.memory_space<vmem>>[vector<16xi32>, vector<16xi32>], vector<16xf32>,
          %add3A_304 = arith.constant 640 : i32
          %add3A_305 = vector.broadcast %add3A_304 : i32 to vector<16xi32>
          %add3A_306 = arith.addi %add3A_289, %add3A_305 : vector<16xi32>
          %add3A_307 = arith.constant 0 : i32
          %add3A_308 = vector.broadcast %add3A_307 : i32 to vector<16xi32>
          %add3A_309 = arith.addi %broadcast_in_dim3A_81, %add3A_308 : vector<16xi32>
          %gather3A_310 = tpu.vector_load_idx %arg10[%add3A_306, %add3A_309] : memref<1920x8xf32, #tpu.memory_space<vmem>>[vector<16xi32>, vector<16xi32>], vector<16xf32>,
          %add3A_311 = arith.constant 1 : i32
          %add3A_312 = vector.broadcast %add3A_311 : i32 to vector<16xi32>
          %add3A_313 = arith.addi %broadcast_in_dim3A_81, %add3A_312 : vector<16xi32>
          %gather3A_314 = tpu.vector_load_idx %arg10[%add3A_306, %add3A_313] : memref<1920x8xf32, #tpu.memory_space<vmem>>[vector<16xi32>, vector<16xi32>], vector<16xf32>,
          %add3A_315 = arith.constant 2 : i32
          %add3A_316 = vector.broadcast %add3A_315 : i32 to vector<16xi32>
          %add3A_317 = arith.addi %broadcast_in_dim3A_81, %add3A_316 : vector<16xi32>
          %gather3A_318 = tpu.vector_load_idx %arg10[%add3A_306, %add3A_317] : memref<1920x8xf32, #tpu.memory_space<vmem>>[vector<16xi32>, vector<16xi32>], vector<16xf32>,
          %add3A_319 = arith.constant 1280 : i32
          %add3A_320 = vector.broadcast %add3A_319 : i32 to vector<16xi32>
          %add3A_321 = arith.addi %add3A_289, %add3A_320 : vector<16xi32>
          %add3A_322 = arith.constant 0 : i32
          %add3A_323 = vector.broadcast %add3A_322 : i32 to vector<16xi32>
          %add3A_324 = arith.addi %broadcast_in_dim3A_81, %add3A_323 : vector<16xi32>
          %gather3A_325 = tpu.vector_load_idx %arg10[%add3A_321, %add3A_324] : memref<1920x8xf32, #tpu.memory_space<vmem>>[vector<16xi32>, vector<16xi32>], vector<16xf32>,
          %add3A_326 = arith.constant 1 : i32
          %add3A_327 = vector.broadcast %add3A_326 : i32 to vector<16xi32>
          %add3A_328 = arith.addi %broadcast_in_dim3A_81, %add3A_327 : vector<16xi32>
          %gather3A_329 = tpu.vector_load_idx %arg10[%add3A_321, %add3A_328] : memref<1920x8xf32, #tpu.memory_space<vmem>>[vector<16xi32>, vector<16xi32>], vector<16xf32>,
          %add3A_330 = arith.constant 2 : i32
          %add3A_331 = vector.broadcast %add3A_330 : i32 to vector<16xi32>
          %add3A_332 = arith.addi %broadcast_in_dim3A_81, %add3A_331 : vector<16xi32>
          %gather3A_333 = tpu.vector_load_idx %arg10[%add3A_321, %add3A_332] : memref<1920x8xf32, #tpu.memory_space<vmem>>[vector<16xi32>, vector<16xi32>], vector<16xf32>,
          %shift_right_arithmetic3A = arith.constant 3 : i32
          %shift_right_arithmetic3A_334 = arith.shrsi %scan3A_284, %shift_right_arithmetic3A : i32
          %and3A = arith.constant 7 : i32
          %and3A_335 = arith.andi %scan3A_284, %and3A : i32
          %mul3A_336 = arith.constant 16 : i32
          %mul3A_337 = arith.muli %and3A_335, %mul3A_336 : i32
          %add3A_338 = arith.addf %gather3A, %gather3A_310 : vector<16xf32>
          %add3A_339 = arith.addf %add3A_338, %gather3A_325 : vector<16xf32>
          %mul3A_340 = arith.constant 0.333333343 : f32
          %mul3A_341 = vector.broadcast %mul3A_340 : f32 to vector<16xf32>
          %mul3A_342 = arith.mulf %add3A_339, %mul3A_341 : vector<16xf32>
          %swap3A = arith.constant 0 : i32
          %swap3A_343 = arith.index_cast %shift_right_arithmetic3A_334 : i32 to index
          %swap3A_344 = arith.index_cast %swap3A : i32 to index
          %swap3A_345 = arith.index_cast %mul3A_337 : i32 to index
          %swap3A_346 = tpu.vector_load %arg11[%swap3A_343, %swap3A_344, %swap3A_345] {strides = array<i32>} : memref<5x4x128xf32, #tpu.memory_space<vmem>>, vector<16xf32>,
          tpu.vector_store %arg11[%swap3A_343, %swap3A_344, %swap3A_345], %mul3A_342 {strides = array<i32>} : memref<5x4x128xf32, #tpu.memory_space<vmem>>, vector<16xf32>,
          %add3A_347 = arith.addf %gather3A_299, %gather3A_314 : vector<16xf32>
          %add3A_348 = arith.addf %add3A_347, %gather3A_329 : vector<16xf32>
          %mul3A_349 = arith.constant 0.333333343 : f32
          %mul3A_350 = vector.broadcast %mul3A_349 : f32 to vector<16xf32>
          %mul3A_351 = arith.mulf %add3A_348, %mul3A_350 : vector<16xf32>
          %swap3A_352 = arith.constant 1 : i32
          %swap3A_353 = arith.index_cast %shift_right_arithmetic3A_334 : i32 to index
          %swap3A_354 = arith.index_cast %swap3A_352 : i32 to index
          %swap3A_355 = arith.index_cast %mul3A_337 : i32 to index
          %swap3A_356 = tpu.vector_load %arg11[%swap3A_353, %swap3A_354, %swap3A_355] {strides = array<i32>} : memref<5x4x128xf32, #tpu.memory_space<vmem>>, vector<16xf32>,
          tpu.vector_store %arg11[%swap3A_353, %swap3A_354, %swap3A_355], %mul3A_351 {strides = array<i32>} : memref<5x4x128xf32, #tpu.memory_space<vmem>>, vector<16xf32>,
          %add3A_357 = arith.addf %gather3A_303, %gather3A_318 : vector<16xf32>
          %add3A_358 = arith.addf %add3A_357, %gather3A_333 : vector<16xf32>
          %mul3A_359 = arith.constant 0.333333343 : f32
          %mul3A_360 = vector.broadcast %mul3A_359 : f32 to vector<16xf32>
          %mul3A_361 = arith.mulf %add3A_358, %mul3A_360 : vector<16xf32>
          %swap3A_362 = arith.constant 2 : i32
          %swap3A_363 = arith.index_cast %shift_right_arithmetic3A_334 : i32 to index
          %swap3A_364 = arith.index_cast %swap3A_362 : i32 to index
          %swap3A_365 = arith.index_cast %mul3A_337 : i32 to index
          %swap3A_366 = tpu.vector_load %arg11[%swap3A_363, %swap3A_364, %swap3A_365] {strides = array<i32>} : memref<5x4x128xf32, #tpu.memory_space<vmem>>, vector<16xf32>,
          tpu.vector_store %arg11[%swap3A_363, %swap3A_364, %swap3A_365], %mul3A_361 {strides = array<i32>} : memref<5x4x128xf32, #tpu.memory_space<vmem>>, vector<16xf32>,
          %sub3A = arith.subf %gather3A_310, %gather3A : vector<16xf32>
          %sub3A_367 = arith.subf %gather3A_314, %gather3A_299 : vector<16xf32>
          %sub3A_368 = arith.subf %gather3A_318, %gather3A_303 : vector<16xf32>
          %sub3A_369 = arith.subf %gather3A_325, %gather3A_310 : vector<16xf32>
          %sub3A_370 = arith.subf %gather3A_329, %gather3A_314 : vector<16xf32>
          %sub3A_371 = arith.subf %gather3A_333, %gather3A_318 : vector<16xf32>
          %mul3A_372 = arith.mulf %sub3A_367, %sub3A_371 : vector<16xf32>
          %mul3A_373 = arith.mulf %sub3A_368, %sub3A_370 : vector<16xf32>
          %sub3A_374 = arith.subf %mul3A_372, %mul3A_373 : vector<16xf32>
          %mul3A_375 = arith.mulf %sub3A_368, %sub3A_369 : vector<16xf32>
          %mul3A_376 = arith.mulf %sub3A, %sub3A_371 : vector<16xf32>
          %sub3A_377 = arith.subf %mul3A_375, %mul3A_376 : vector<16xf32>
          %mul3A_378 = arith.mulf %sub3A, %sub3A_370 : vector<16xf32>
          %mul3A_379 = arith.mulf %sub3A_367, %sub3A_369 : vector<16xf32>
          %sub3A_380 = arith.subf %mul3A_378, %mul3A_379 : vector<16xf32>
          %mul3A_381 = arith.mulf %sub3A_374, %sub3A_374 : vector<16xf32>
          %mul3A_382 = arith.mulf %sub3A_377, %sub3A_377 : vector<16xf32>
          %add3A_383 = arith.addf %mul3A_381, %mul3A_382 : vector<16xf32>
          %mul3A_384 = arith.mulf %sub3A_380, %sub3A_380 : vector<16xf32>
          %add3A_385 = arith.addf %add3A_383, %mul3A_384 : vector<16xf32>
          %bitcast3A = vector.bitcast %add3A_385 : vector<16xf32> to vector<16xi32>
          %shift_right_arithmetic3A_386 = arith.constant 1 : i32
          %shift_right_arithmetic3A_387 = vector.broadcast %shift_right_arithmetic3A_386 : i32 to vector<16xi32>
          %shift_right_arithmetic3A_388 = arith.shrsi %bitcast3A, %shift_right_arithmetic3A_387 : vector<16xi32>
          %sub3A_389 = arith.constant 1597463007 : i32
          %sub3A_390 = vector.broadcast %sub3A_389 : i32 to vector<16xi32>
          %sub3A_391 = arith.subi %sub3A_390, %shift_right_arithmetic3A_388 : vector<16xi32>
          %bitcast3A_392 = vector.bitcast %sub3A_391 : vector<16xi32> to vector<16xf32>
          %mul3A_393 = arith.constant 5.000000e-01 : f32
          %mul3A_394 = vector.broadcast %mul3A_393 : f32 to vector<16xf32>
          %mul3A_395 = arith.mulf %add3A_385, %mul3A_394 : vector<16xf32>
          %mul3A_396 = arith.mulf %mul3A_395, %bitcast3A_392 : vector<16xf32>
          %mul3A_397 = arith.mulf %mul3A_396, %bitcast3A_392 : vector<16xf32>
          %sub3A_398 = arith.constant 1.500000e+00 : f32
          %sub3A_399 = vector.broadcast %sub3A_398 : f32 to vector<16xf32>
          %sub3A_400 = arith.subf %sub3A_399, %mul3A_397 : vector<16xf32>
          %mul3A_401 = arith.mulf %bitcast3A_392, %sub3A_400 : vector<16xf32>
          %mul3A_402 = arith.mulf %mul3A_395, %mul3A_401 : vector<16xf32>
          %mul3A_403 = arith.mulf %mul3A_402, %mul3A_401 : vector<16xf32>
          %sub3A_404 = arith.constant 1.500000e+00 : f32
          %sub3A_405 = vector.broadcast %sub3A_404 : f32 to vector<16xf32>
          %sub3A_406 = arith.subf %sub3A_405, %mul3A_403 : vector<16xf32>
          %mul3A_407 = arith.mulf %mul3A_401, %sub3A_406 : vector<16xf32>
          %mul3A_408 = arith.mulf %sub3A_374, %mul3A_407 : vector<16xf32>
          %swap3A_409 = arith.constant 0 : i32
          %swap3A_410 = arith.index_cast %shift_right_arithmetic3A_334 : i32 to index
          %swap3A_411 = arith.index_cast %swap3A_409 : i32 to index
          %swap3A_412 = arith.index_cast %mul3A_337 : i32 to index
          %swap3A_413 = tpu.vector_load %arg12[%swap3A_410, %swap3A_411, %swap3A_412] {strides = array<i32>} : memref<5x4x128xf32, #tpu.memory_space<vmem>>, vector<16xf32>,
          tpu.vector_store %arg12[%swap3A_410, %swap3A_411, %swap3A_412], %mul3A_408 {strides = array<i32>} : memref<5x4x128xf32, #tpu.memory_space<vmem>>, vector<16xf32>,
          %mul3A_414 = arith.mulf %sub3A_377, %mul3A_407 : vector<16xf32>
          %swap3A_415 = arith.constant 1 : i32
          %swap3A_416 = arith.index_cast %shift_right_arithmetic3A_334 : i32 to index
          %swap3A_417 = arith.index_cast %swap3A_415 : i32 to index
          %swap3A_418 = arith.index_cast %mul3A_337 : i32 to index
          %swap3A_419 = tpu.vector_load %arg12[%swap3A_416, %swap3A_417, %swap3A_418] {strides = array<i32>} : memref<5x4x128xf32, #tpu.memory_space<vmem>>, vector<16xf32>,
          tpu.vector_store %arg12[%swap3A_416, %swap3A_417, %swap3A_418], %mul3A_414 {strides = array<i32>} : memref<5x4x128xf32, #tpu.memory_space<vmem>>, vector<16xf32>,
          %mul3A_420 = arith.mulf %sub3A_380, %mul3A_407 : vector<16xf32>
          %swap3A_421 = arith.constant 2 : i32
          %swap3A_422 = arith.index_cast %shift_right_arithmetic3A_334 : i32 to index
          %swap3A_423 = arith.index_cast %swap3A_421 : i32 to index
          %swap3A_424 = arith.index_cast %mul3A_337 : i32 to index
          %swap3A_425 = tpu.vector_load %arg12[%swap3A_422, %swap3A_423, %swap3A_424] {strides = array<i32>} : memref<5x4x128xf32, #tpu.memory_space<vmem>>, vector<16xf32>,
          tpu.vector_store %arg12[%swap3A_422, %swap3A_423, %swap3A_424], %mul3A_420 {strides = array<i32>} : memref<5x4x128xf32, #tpu.memory_space<vmem>>, vector<16xf32>,
          %mul3A_426 = arith.mulf %add3A_385, %mul3A_407 : vector<16xf32>
          %mul3A_427 = arith.constant 5.000000e-01 : f32
          %mul3A_428 = vector.broadcast %mul3A_427 : f32 to vector<16xf32>
          %mul3A_429 = arith.mulf %mul3A_426, %mul3A_428 : vector<16xf32>
          %swap3A_430 = arith.index_cast %mul3A_287 : i32 to index
          %swap3A_431 = tpu.vector_load %arg13[%swap3A_430] {strides = array<i32>} : memref<640xf32, #tpu.memory_space<vmem>>, vector<16xf32>,
          tpu.vector_store %arg13[%swap3A_430], %mul3A_429 {strides = array<i32>} : memref<640xf32, #tpu.memory_space<vmem>>, vector<16xf32>,
          %scan3A_432 = arith.constant 0 : i32
          scf.yield %scan3A_432 : i32
        }
        %scan3A_155 = arith.constant 8 : i32
        %dma_wait3A_156 = arith.constant 2 : i32
        %dma_wait3A_157 = arith.constant 256 : i32
        %dma_wait3A_158 = arith.constant 0 : i32
        %dma_wait3A_159 = tpu.memref_slice %arg10[%dma_wait3A_157, %dma_wait3A_158] : memref<1920x8xf32, #tpu.memory_space<vmem>> -> memref<128x8xf32, #tpu.memory_space<vmem>>
        %dma_wait3A_160 = arith.constant 0 : i32
        %dma_wait3A_161 = tpu.memref_slice %arg9[%dma_wait3A_156, %dma_wait3A_160] : memref<15x128xi32, #tpu.memory_space<vmem>> -> memref<1x128xi32, #tpu.memory_space<vmem>>
        %dma_wait3A_162 = tpu.memref_squeeze %dma_wait3A_161 : memref<1x128xi32, #tpu.memory_space<vmem>> -> memref<128xi32, #tpu.memory_space<vmem>>
        %dma_wait3A_163 = arith.constant 0 : i32
        %dma_wait3A_164 = arith.constant 0 : i32
        %dma_wait3A_165 = tpu.memref_slice %arg2[%dma_wait3A_163, %dma_wait3A_164] : memref<1000000x8xf32, #tpu.memory_space<hbm>> -> memref<1000000x8xf32, #tpu.memory_space<hbm>>
        tpu.wait_indirect_dma semaphore(%arg16 : memref<!tpu.dma_semaphore, #tpu.memory_space<semaphore_mem>>) src(%dma_wait3A_165 : memref<1000000x8xf32, #tpu.memory_space<hbm>>) dst(%dma_wait3A_159 : memref<128x8xf32, #tpu.memory_space<vmem>>)
        %dma_wait3A_166 = arith.constant 7 : i32
        %dma_wait3A_167 = arith.constant 896 : i32
        %dma_wait3A_168 = arith.constant 0 : i32
        %dma_wait3A_169 = tpu.memref_slice %arg10[%dma_wait3A_167, %dma_wait3A_168] : memref<1920x8xf32, #tpu.memory_space<vmem>> -> memref<128x8xf32, #tpu.memory_space<vmem>>
        %dma_wait3A_170 = arith.constant 0 : i32
        %dma_wait3A_171 = tpu.memref_slice %arg9[%dma_wait3A_166, %dma_wait3A_170] : memref<15x128xi32, #tpu.memory_space<vmem>> -> memref<1x128xi32, #tpu.memory_space<vmem>>
        %dma_wait3A_172 = tpu.memref_squeeze %dma_wait3A_171 : memref<1x128xi32, #tpu.memory_space<vmem>> -> memref<128xi32, #tpu.memory_space<vmem>>
        %dma_wait3A_173 = arith.constant 0 : i32
        %dma_wait3A_174 = arith.constant 0 : i32
        %dma_wait3A_175 = tpu.memref_slice %arg2[%dma_wait3A_173, %dma_wait3A_174] : memref<1000000x8xf32, #tpu.memory_space<hbm>> -> memref<1000000x8xf32, #tpu.memory_space<hbm>>
        tpu.wait_indirect_dma semaphore(%arg16 : memref<!tpu.dma_semaphore, #tpu.memory_space<semaphore_mem>>) src(%dma_wait3A_175 : memref<1000000x8xf32, #tpu.memory_space<hbm>>) dst(%dma_wait3A_169 : memref<128x8xf32, #tpu.memory_space<vmem>>)
        %dma_wait3A_176 = arith.constant 12 : i32
        %dma_wait3A_177 = arith.constant 1536 : i32
        %dma_wait3A_178 = arith.constant 0 : i32
        %dma_wait3A_179 = tpu.memref_slice %arg10[%dma_wait3A_177, %dma_wait3A_178] : memref<1920x8xf32, #tpu.memory_space<vmem>> -> memref<128x8xf32, #tpu.memory_space<vmem>>
        %dma_wait3A_180 = arith.constant 0 : i32
        %dma_wait3A_181 = tpu.memref_slice %arg9[%dma_wait3A_176, %dma_wait3A_180] : memref<15x128xi32, #tpu.memory_space<vmem>> -> memref<1x128xi32, #tpu.memory_space<vmem>>
        %dma_wait3A_182 = tpu.memref_squeeze %dma_wait3A_181 : memref<1x128xi32, #tpu.memory_space<vmem>> -> memref<128xi32, #tpu.memory_space<vmem>>
        %dma_wait3A_183 = arith.constant 0 : i32
        %dma_wait3A_184 = arith.constant 0 : i32
        %dma_wait3A_185 = tpu.memref_slice %arg2[%dma_wait3A_183, %dma_wait3A_184] : memref<1000000x8xf32, #tpu.memory_space<hbm>> -> memref<1000000x8xf32, #tpu.memory_space<hbm>>
        tpu.wait_indirect_dma semaphore(%arg16 : memref<!tpu.dma_semaphore, #tpu.memory_space<semaphore_mem>>) src(%dma_wait3A_185 : memref<1000000x8xf32, #tpu.memory_space<hbm>>) dst(%dma_wait3A_179 : memref<128x8xf32, #tpu.memory_space<vmem>>)
        %scan3A_186 = arith.constant 0 : i32
        %scan3A_187 = arith.constant 16 : i32
        %scan3A_188 = arith.constant 8 : i32
        %scan3A_189 = arith.addi %scan3A_187, %scan3A_188 : i32
        %scan3A_190 = arith.constant 1 : i32
        %scan3A_191 = scf.for %scan3A_284 = %scan3A_187 to %scan3A_189 step %scan3A_190 iter_args(%scan3A_285 = %scan3A_186) -> (i32)  : i32 {
          %mul3A_286 = arith.constant 16 : i32
          %mul3A_287 = arith.muli %scan3A_284, %mul3A_286 : i32
          %add3A_288 = vector.broadcast %mul3A_287 : i32 to vector<16xi32>
          %add3A_289 = arith.addi %add3A_288, %iota3A : vector<16xi32>
          %add3A_290 = arith.constant 0 : i32
          %add3A_291 = vector.broadcast %add3A_290 : i32 to vector<16xi32>
          %add3A_292 = arith.addi %add3A_289, %add3A_291 : vector<16xi32>
          %add3A_293 = arith.constant 0 : i32
          %add3A_294 = vector.broadcast %add3A_293 : i32 to vector<16xi32>
          %add3A_295 = arith.addi %broadcast_in_dim3A_81, %add3A_294 : vector<16xi32>
          %gather3A = tpu.vector_load_idx %arg10[%add3A_292, %add3A_295] : memref<1920x8xf32, #tpu.memory_space<vmem>>[vector<16xi32>, vector<16xi32>], vector<16xf32>,
          %add3A_296 = arith.constant 1 : i32
          %add3A_297 = vector.broadcast %add3A_296 : i32 to vector<16xi32>
          %add3A_298 = arith.addi %broadcast_in_dim3A_81, %add3A_297 : vector<16xi32>
          %gather3A_299 = tpu.vector_load_idx %arg10[%add3A_292, %add3A_298] : memref<1920x8xf32, #tpu.memory_space<vmem>>[vector<16xi32>, vector<16xi32>], vector<16xf32>,
          %add3A_300 = arith.constant 2 : i32
          %add3A_301 = vector.broadcast %add3A_300 : i32 to vector<16xi32>
          %add3A_302 = arith.addi %broadcast_in_dim3A_81, %add3A_301 : vector<16xi32>
          %gather3A_303 = tpu.vector_load_idx %arg10[%add3A_292, %add3A_302] : memref<1920x8xf32, #tpu.memory_space<vmem>>[vector<16xi32>, vector<16xi32>], vector<16xf32>,
          %add3A_304 = arith.constant 640 : i32
          %add3A_305 = vector.broadcast %add3A_304 : i32 to vector<16xi32>
          %add3A_306 = arith.addi %add3A_289, %add3A_305 : vector<16xi32>
          %add3A_307 = arith.constant 0 : i32
          %add3A_308 = vector.broadcast %add3A_307 : i32 to vector<16xi32>
          %add3A_309 = arith.addi %broadcast_in_dim3A_81, %add3A_308 : vector<16xi32>
          %gather3A_310 = tpu.vector_load_idx %arg10[%add3A_306, %add3A_309] : memref<1920x8xf32, #tpu.memory_space<vmem>>[vector<16xi32>, vector<16xi32>], vector<16xf32>,
          %add3A_311 = arith.constant 1 : i32
          %add3A_312 = vector.broadcast %add3A_311 : i32 to vector<16xi32>
          %add3A_313 = arith.addi %broadcast_in_dim3A_81, %add3A_312 : vector<16xi32>
          %gather3A_314 = tpu.vector_load_idx %arg10[%add3A_306, %add3A_313] : memref<1920x8xf32, #tpu.memory_space<vmem>>[vector<16xi32>, vector<16xi32>], vector<16xf32>,
          %add3A_315 = arith.constant 2 : i32
          %add3A_316 = vector.broadcast %add3A_315 : i32 to vector<16xi32>
          %add3A_317 = arith.addi %broadcast_in_dim3A_81, %add3A_316 : vector<16xi32>
          %gather3A_318 = tpu.vector_load_idx %arg10[%add3A_306, %add3A_317] : memref<1920x8xf32, #tpu.memory_space<vmem>>[vector<16xi32>, vector<16xi32>], vector<16xf32>,
          %add3A_319 = arith.constant 1280 : i32
          %add3A_320 = vector.broadcast %add3A_319 : i32 to vector<16xi32>
          %add3A_321 = arith.addi %add3A_289, %add3A_320 : vector<16xi32>
          %add3A_322 = arith.constant 0 : i32
          %add3A_323 = vector.broadcast %add3A_322 : i32 to vector<16xi32>
          %add3A_324 = arith.addi %broadcast_in_dim3A_81, %add3A_323 : vector<16xi32>
          %gather3A_325 = tpu.vector_load_idx %arg10[%add3A_321, %add3A_324] : memref<1920x8xf32, #tpu.memory_space<vmem>>[vector<16xi32>, vector<16xi32>], vector<16xf32>,
          %add3A_326 = arith.constant 1 : i32
          %add3A_327 = vector.broadcast %add3A_326 : i32 to vector<16xi32>
          %add3A_328 = arith.addi %broadcast_in_dim3A_81, %add3A_327 : vector<16xi32>
          %gather3A_329 = tpu.vector_load_idx %arg10[%add3A_321, %add3A_328] : memref<1920x8xf32, #tpu.memory_space<vmem>>[vector<16xi32>, vector<16xi32>], vector<16xf32>,
          %add3A_330 = arith.constant 2 : i32
          %add3A_331 = vector.broadcast %add3A_330 : i32 to vector<16xi32>
          %add3A_332 = arith.addi %broadcast_in_dim3A_81, %add3A_331 : vector<16xi32>
          %gather3A_333 = tpu.vector_load_idx %arg10[%add3A_321, %add3A_332] : memref<1920x8xf32, #tpu.memory_space<vmem>>[vector<16xi32>, vector<16xi32>], vector<16xf32>,
          %shift_right_arithmetic3A = arith.constant 3 : i32
          %shift_right_arithmetic3A_334 = arith.shrsi %scan3A_284, %shift_right_arithmetic3A : i32
          %and3A = arith.constant 7 : i32
          %and3A_335 = arith.andi %scan3A_284, %and3A : i32
          %mul3A_336 = arith.constant 16 : i32
          %mul3A_337 = arith.muli %and3A_335, %mul3A_336 : i32
          %add3A_338 = arith.addf %gather3A, %gather3A_310 : vector<16xf32>
          %add3A_339 = arith.addf %add3A_338, %gather3A_325 : vector<16xf32>
          %mul3A_340 = arith.constant 0.333333343 : f32
          %mul3A_341 = vector.broadcast %mul3A_340 : f32 to vector<16xf32>
          %mul3A_342 = arith.mulf %add3A_339, %mul3A_341 : vector<16xf32>
          %swap3A = arith.constant 0 : i32
          %swap3A_343 = arith.index_cast %shift_right_arithmetic3A_334 : i32 to index
          %swap3A_344 = arith.index_cast %swap3A : i32 to index
          %swap3A_345 = arith.index_cast %mul3A_337 : i32 to index
          %swap3A_346 = tpu.vector_load %arg11[%swap3A_343, %swap3A_344, %swap3A_345] {strides = array<i32>} : memref<5x4x128xf32, #tpu.memory_space<vmem>>, vector<16xf32>,
          tpu.vector_store %arg11[%swap3A_343, %swap3A_344, %swap3A_345], %mul3A_342 {strides = array<i32>} : memref<5x4x128xf32, #tpu.memory_space<vmem>>, vector<16xf32>,
          %add3A_347 = arith.addf %gather3A_299, %gather3A_314 : vector<16xf32>
          %add3A_348 = arith.addf %add3A_347, %gather3A_329 : vector<16xf32>
          %mul3A_349 = arith.constant 0.333333343 : f32
          %mul3A_350 = vector.broadcast %mul3A_349 : f32 to vector<16xf32>
          %mul3A_351 = arith.mulf %add3A_348, %mul3A_350 : vector<16xf32>
          %swap3A_352 = arith.constant 1 : i32
          %swap3A_353 = arith.index_cast %shift_right_arithmetic3A_334 : i32 to index
          %swap3A_354 = arith.index_cast %swap3A_352 : i32 to index
          %swap3A_355 = arith.index_cast %mul3A_337 : i32 to index
          %swap3A_356 = tpu.vector_load %arg11[%swap3A_353, %swap3A_354, %swap3A_355] {strides = array<i32>} : memref<5x4x128xf32, #tpu.memory_space<vmem>>, vector<16xf32>,
          tpu.vector_store %arg11[%swap3A_353, %swap3A_354, %swap3A_355], %mul3A_351 {strides = array<i32>} : memref<5x4x128xf32, #tpu.memory_space<vmem>>, vector<16xf32>,
          %add3A_357 = arith.addf %gather3A_303, %gather3A_318 : vector<16xf32>
          %add3A_358 = arith.addf %add3A_357, %gather3A_333 : vector<16xf32>
          %mul3A_359 = arith.constant 0.333333343 : f32
          %mul3A_360 = vector.broadcast %mul3A_359 : f32 to vector<16xf32>
          %mul3A_361 = arith.mulf %add3A_358, %mul3A_360 : vector<16xf32>
          %swap3A_362 = arith.constant 2 : i32
          %swap3A_363 = arith.index_cast %shift_right_arithmetic3A_334 : i32 to index
          %swap3A_364 = arith.index_cast %swap3A_362 : i32 to index
          %swap3A_365 = arith.index_cast %mul3A_337 : i32 to index
          %swap3A_366 = tpu.vector_load %arg11[%swap3A_363, %swap3A_364, %swap3A_365] {strides = array<i32>} : memref<5x4x128xf32, #tpu.memory_space<vmem>>, vector<16xf32>,
          tpu.vector_store %arg11[%swap3A_363, %swap3A_364, %swap3A_365], %mul3A_361 {strides = array<i32>} : memref<5x4x128xf32, #tpu.memory_space<vmem>>, vector<16xf32>,
          %sub3A = arith.subf %gather3A_310, %gather3A : vector<16xf32>
          %sub3A_367 = arith.subf %gather3A_314, %gather3A_299 : vector<16xf32>
          %sub3A_368 = arith.subf %gather3A_318, %gather3A_303 : vector<16xf32>
          %sub3A_369 = arith.subf %gather3A_325, %gather3A_310 : vector<16xf32>
          %sub3A_370 = arith.subf %gather3A_329, %gather3A_314 : vector<16xf32>
          %sub3A_371 = arith.subf %gather3A_333, %gather3A_318 : vector<16xf32>
          %mul3A_372 = arith.mulf %sub3A_367, %sub3A_371 : vector<16xf32>
          %mul3A_373 = arith.mulf %sub3A_368, %sub3A_370 : vector<16xf32>
          %sub3A_374 = arith.subf %mul3A_372, %mul3A_373 : vector<16xf32>
          %mul3A_375 = arith.mulf %sub3A_368, %sub3A_369 : vector<16xf32>
          %mul3A_376 = arith.mulf %sub3A, %sub3A_371 : vector<16xf32>
          %sub3A_377 = arith.subf %mul3A_375, %mul3A_376 : vector<16xf32>
          %mul3A_378 = arith.mulf %sub3A, %sub3A_370 : vector<16xf32>
          %mul3A_379 = arith.mulf %sub3A_367, %sub3A_369 : vector<16xf32>
          %sub3A_380 = arith.subf %mul3A_378, %mul3A_379 : vector<16xf32>
          %mul3A_381 = arith.mulf %sub3A_374, %sub3A_374 : vector<16xf32>
          %mul3A_382 = arith.mulf %sub3A_377, %sub3A_377 : vector<16xf32>
          %add3A_383 = arith.addf %mul3A_381, %mul3A_382 : vector<16xf32>
          %mul3A_384 = arith.mulf %sub3A_380, %sub3A_380 : vector<16xf32>
          %add3A_385 = arith.addf %add3A_383, %mul3A_384 : vector<16xf32>
          %bitcast3A = vector.bitcast %add3A_385 : vector<16xf32> to vector<16xi32>
          %shift_right_arithmetic3A_386 = arith.constant 1 : i32
          %shift_right_arithmetic3A_387 = vector.broadcast %shift_right_arithmetic3A_386 : i32 to vector<16xi32>
          %shift_right_arithmetic3A_388 = arith.shrsi %bitcast3A, %shift_right_arithmetic3A_387 : vector<16xi32>
          %sub3A_389 = arith.constant 1597463007 : i32
          %sub3A_390 = vector.broadcast %sub3A_389 : i32 to vector<16xi32>
          %sub3A_391 = arith.subi %sub3A_390, %shift_right_arithmetic3A_388 : vector<16xi32>
          %bitcast3A_392 = vector.bitcast %sub3A_391 : vector<16xi32> to vector<16xf32>
          %mul3A_393 = arith.constant 5.000000e-01 : f32
          %mul3A_394 = vector.broadcast %mul3A_393 : f32 to vector<16xf32>
          %mul3A_395 = arith.mulf %add3A_385, %mul3A_394 : vector<16xf32>
          %mul3A_396 = arith.mulf %mul3A_395, %bitcast3A_392 : vector<16xf32>
          %mul3A_397 = arith.mulf %mul3A_396, %bitcast3A_392 : vector<16xf32>
          %sub3A_398 = arith.constant 1.500000e+00 : f32
          %sub3A_399 = vector.broadcast %sub3A_398 : f32 to vector<16xf32>
          %sub3A_400 = arith.subf %sub3A_399, %mul3A_397 : vector<16xf32>
          %mul3A_401 = arith.mulf %bitcast3A_392, %sub3A_400 : vector<16xf32>
          %mul3A_402 = arith.mulf %mul3A_395, %mul3A_401 : vector<16xf32>
          %mul3A_403 = arith.mulf %mul3A_402, %mul3A_401 : vector<16xf32>
          %sub3A_404 = arith.constant 1.500000e+00 : f32
          %sub3A_405 = vector.broadcast %sub3A_404 : f32 to vector<16xf32>
          %sub3A_406 = arith.subf %sub3A_405, %mul3A_403 : vector<16xf32>
          %mul3A_407 = arith.mulf %mul3A_401, %sub3A_406 : vector<16xf32>
          %mul3A_408 = arith.mulf %sub3A_374, %mul3A_407 : vector<16xf32>
          %swap3A_409 = arith.constant 0 : i32
          %swap3A_410 = arith.index_cast %shift_right_arithmetic3A_334 : i32 to index
          %swap3A_411 = arith.index_cast %swap3A_409 : i32 to index
          %swap3A_412 = arith.index_cast %mul3A_337 : i32 to index
          %swap3A_413 = tpu.vector_load %arg12[%swap3A_410, %swap3A_411, %swap3A_412] {strides = array<i32>} : memref<5x4x128xf32, #tpu.memory_space<vmem>>, vector<16xf32>,
          tpu.vector_store %arg12[%swap3A_410, %swap3A_411, %swap3A_412], %mul3A_408 {strides = array<i32>} : memref<5x4x128xf32, #tpu.memory_space<vmem>>, vector<16xf32>,
          %mul3A_414 = arith.mulf %sub3A_377, %mul3A_407 : vector<16xf32>
          %swap3A_415 = arith.constant 1 : i32
          %swap3A_416 = arith.index_cast %shift_right_arithmetic3A_334 : i32 to index
          %swap3A_417 = arith.index_cast %swap3A_415 : i32 to index
          %swap3A_418 = arith.index_cast %mul3A_337 : i32 to index
          %swap3A_419 = tpu.vector_load %arg12[%swap3A_416, %swap3A_417, %swap3A_418] {strides = array<i32>} : memref<5x4x128xf32, #tpu.memory_space<vmem>>, vector<16xf32>,
          tpu.vector_store %arg12[%swap3A_416, %swap3A_417, %swap3A_418], %mul3A_414 {strides = array<i32>} : memref<5x4x128xf32, #tpu.memory_space<vmem>>, vector<16xf32>,
          %mul3A_420 = arith.mulf %sub3A_380, %mul3A_407 : vector<16xf32>
          %swap3A_421 = arith.constant 2 : i32
          %swap3A_422 = arith.index_cast %shift_right_arithmetic3A_334 : i32 to index
          %swap3A_423 = arith.index_cast %swap3A_421 : i32 to index
          %swap3A_424 = arith.index_cast %mul3A_337 : i32 to index
          %swap3A_425 = tpu.vector_load %arg12[%swap3A_422, %swap3A_423, %swap3A_424] {strides = array<i32>} : memref<5x4x128xf32, #tpu.memory_space<vmem>>, vector<16xf32>,
          tpu.vector_store %arg12[%swap3A_422, %swap3A_423, %swap3A_424], %mul3A_420 {strides = array<i32>} : memref<5x4x128xf32, #tpu.memory_space<vmem>>, vector<16xf32>,
          %mul3A_426 = arith.mulf %add3A_385, %mul3A_407 : vector<16xf32>
          %mul3A_427 = arith.constant 5.000000e-01 : f32
          %mul3A_428 = vector.broadcast %mul3A_427 : f32 to vector<16xf32>
          %mul3A_429 = arith.mulf %mul3A_426, %mul3A_428 : vector<16xf32>
          %swap3A_430 = arith.index_cast %mul3A_287 : i32 to index
          %swap3A_431 = tpu.vector_load %arg13[%swap3A_430] {strides = array<i32>} : memref<640xf32, #tpu.memory_space<vmem>>, vector<16xf32>,
          tpu.vector_store %arg13[%swap3A_430], %mul3A_429 {strides = array<i32>} : memref<640xf32, #tpu.memory_space<vmem>>, vector<16xf32>,
          %scan3A_432 = arith.constant 0 : i32
          scf.yield %scan3A_432 : i32
        }
        %scan3A_192 = arith.constant 8 : i32
        %dma_wait3A_193 = arith.constant 3 : i32
        %dma_wait3A_194 = arith.constant 384 : i32
        %dma_wait3A_195 = arith.constant 0 : i32
        %dma_wait3A_196 = tpu.memref_slice %arg10[%dma_wait3A_194, %dma_wait3A_195] : memref<1920x8xf32, #tpu.memory_space<vmem>> -> memref<128x8xf32, #tpu.memory_space<vmem>>
        %dma_wait3A_197 = arith.constant 0 : i32
        %dma_wait3A_198 = tpu.memref_slice %arg9[%dma_wait3A_193, %dma_wait3A_197] : memref<15x128xi32, #tpu.memory_space<vmem>> -> memref<1x128xi32, #tpu.memory_space<vmem>>
        %dma_wait3A_199 = tpu.memref_squeeze %dma_wait3A_198 : memref<1x128xi32, #tpu.memory_space<vmem>> -> memref<128xi32, #tpu.memory_space<vmem>>
        %dma_wait3A_200 = arith.constant 0 : i32
        %dma_wait3A_201 = arith.constant 0 : i32
        %dma_wait3A_202 = tpu.memref_slice %arg2[%dma_wait3A_200, %dma_wait3A_201] : memref<1000000x8xf32, #tpu.memory_space<hbm>> -> memref<1000000x8xf32, #tpu.memory_space<hbm>>
        tpu.wait_indirect_dma semaphore(%arg17 : memref<!tpu.dma_semaphore, #tpu.memory_space<semaphore_mem>>) src(%dma_wait3A_202 : memref<1000000x8xf32, #tpu.memory_space<hbm>>) dst(%dma_wait3A_196 : memref<128x8xf32, #tpu.memory_space<vmem>>)
        %dma_wait3A_203 = arith.constant 8 : i32
        %dma_wait3A_204 = arith.constant 1024 : i32
        %dma_wait3A_205 = arith.constant 0 : i32
        %dma_wait3A_206 = tpu.memref_slice %arg10[%dma_wait3A_204, %dma_wait3A_205] : memref<1920x8xf32, #tpu.memory_space<vmem>> -> memref<128x8xf32, #tpu.memory_space<vmem>>
        %dma_wait3A_207 = arith.constant 0 : i32
        %dma_wait3A_208 = tpu.memref_slice %arg9[%dma_wait3A_203, %dma_wait3A_207] : memref<15x128xi32, #tpu.memory_space<vmem>> -> memref<1x128xi32, #tpu.memory_space<vmem>>
        %dma_wait3A_209 = tpu.memref_squeeze %dma_wait3A_208 : memref<1x128xi32, #tpu.memory_space<vmem>> -> memref<128xi32, #tpu.memory_space<vmem>>
        %dma_wait3A_210 = arith.constant 0 : i32
        %dma_wait3A_211 = arith.constant 0 : i32
        %dma_wait3A_212 = tpu.memref_slice %arg2[%dma_wait3A_210, %dma_wait3A_211] : memref<1000000x8xf32, #tpu.memory_space<hbm>> -> memref<1000000x8xf32, #tpu.memory_space<hbm>>
        tpu.wait_indirect_dma semaphore(%arg17 : memref<!tpu.dma_semaphore, #tpu.memory_space<semaphore_mem>>) src(%dma_wait3A_212 : memref<1000000x8xf32, #tpu.memory_space<hbm>>) dst(%dma_wait3A_206 : memref<128x8xf32, #tpu.memory_space<vmem>>)
        %dma_wait3A_213 = arith.constant 13 : i32
        %dma_wait3A_214 = arith.constant 1664 : i32
        %dma_wait3A_215 = arith.constant 0 : i32
        %dma_wait3A_216 = tpu.memref_slice %arg10[%dma_wait3A_214, %dma_wait3A_215] : memref<1920x8xf32, #tpu.memory_space<vmem>> -> memref<128x8xf32, #tpu.memory_space<vmem>>
        %dma_wait3A_217 = arith.constant 0 : i32
        %dma_wait3A_218 = tpu.memref_slice %arg9[%dma_wait3A_213, %dma_wait3A_217] : memref<15x128xi32, #tpu.memory_space<vmem>> -> memref<1x128xi32, #tpu.memory_space<vmem>>
        %dma_wait3A_219 = tpu.memref_squeeze %dma_wait3A_218 : memref<1x128xi32, #tpu.memory_space<vmem>> -> memref<128xi32, #tpu.memory_space<vmem>>
        %dma_wait3A_220 = arith.constant 0 : i32
        %dma_wait3A_221 = arith.constant 0 : i32
        %dma_wait3A_222 = tpu.memref_slice %arg2[%dma_wait3A_220, %dma_wait3A_221] : memref<1000000x8xf32, #tpu.memory_space<hbm>> -> memref<1000000x8xf32, #tpu.memory_space<hbm>>
        tpu.wait_indirect_dma semaphore(%arg17 : memref<!tpu.dma_semaphore, #tpu.memory_space<semaphore_mem>>) src(%dma_wait3A_222 : memref<1000000x8xf32, #tpu.memory_space<hbm>>) dst(%dma_wait3A_216 : memref<128x8xf32, #tpu.memory_space<vmem>>)
        %scan3A_223 = arith.constant 0 : i32
        %scan3A_224 = arith.constant 24 : i32
        %scan3A_225 = arith.constant 8 : i32
        %scan3A_226 = arith.addi %scan3A_224, %scan3A_225 : i32
        %scan3A_227 = arith.constant 1 : i32
        %scan3A_228 = scf.for %scan3A_284 = %scan3A_224 to %scan3A_226 step %scan3A_227 iter_args(%scan3A_285 = %scan3A_223) -> (i32)  : i32 {
          %mul3A_286 = arith.constant 16 : i32
          %mul3A_287 = arith.muli %scan3A_284, %mul3A_286 : i32
          %add3A_288 = vector.broadcast %mul3A_287 : i32 to vector<16xi32>
          %add3A_289 = arith.addi %add3A_288, %iota3A : vector<16xi32>
          %add3A_290 = arith.constant 0 : i32
          %add3A_291 = vector.broadcast %add3A_290 : i32 to vector<16xi32>
          %add3A_292 = arith.addi %add3A_289, %add3A_291 : vector<16xi32>
          %add3A_293 = arith.constant 0 : i32
          %add3A_294 = vector.broadcast %add3A_293 : i32 to vector<16xi32>
          %add3A_295 = arith.addi %broadcast_in_dim3A_81, %add3A_294 : vector<16xi32>
          %gather3A = tpu.vector_load_idx %arg10[%add3A_292, %add3A_295] : memref<1920x8xf32, #tpu.memory_space<vmem>>[vector<16xi32>, vector<16xi32>], vector<16xf32>,
          %add3A_296 = arith.constant 1 : i32
          %add3A_297 = vector.broadcast %add3A_296 : i32 to vector<16xi32>
          %add3A_298 = arith.addi %broadcast_in_dim3A_81, %add3A_297 : vector<16xi32>
          %gather3A_299 = tpu.vector_load_idx %arg10[%add3A_292, %add3A_298] : memref<1920x8xf32, #tpu.memory_space<vmem>>[vector<16xi32>, vector<16xi32>], vector<16xf32>,
          %add3A_300 = arith.constant 2 : i32
          %add3A_301 = vector.broadcast %add3A_300 : i32 to vector<16xi32>
          %add3A_302 = arith.addi %broadcast_in_dim3A_81, %add3A_301 : vector<16xi32>
          %gather3A_303 = tpu.vector_load_idx %arg10[%add3A_292, %add3A_302] : memref<1920x8xf32, #tpu.memory_space<vmem>>[vector<16xi32>, vector<16xi32>], vector<16xf32>,
          %add3A_304 = arith.constant 640 : i32
          %add3A_305 = vector.broadcast %add3A_304 : i32 to vector<16xi32>
          %add3A_306 = arith.addi %add3A_289, %add3A_305 : vector<16xi32>
          %add3A_307 = arith.constant 0 : i32
          %add3A_308 = vector.broadcast %add3A_307 : i32 to vector<16xi32>
          %add3A_309 = arith.addi %broadcast_in_dim3A_81, %add3A_308 : vector<16xi32>
          %gather3A_310 = tpu.vector_load_idx %arg10[%add3A_306, %add3A_309] : memref<1920x8xf32, #tpu.memory_space<vmem>>[vector<16xi32>, vector<16xi32>], vector<16xf32>,
          %add3A_311 = arith.constant 1 : i32
          %add3A_312 = vector.broadcast %add3A_311 : i32 to vector<16xi32>
          %add3A_313 = arith.addi %broadcast_in_dim3A_81, %add3A_312 : vector<16xi32>
          %gather3A_314 = tpu.vector_load_idx %arg10[%add3A_306, %add3A_313] : memref<1920x8xf32, #tpu.memory_space<vmem>>[vector<16xi32>, vector<16xi32>], vector<16xf32>,
          %add3A_315 = arith.constant 2 : i32
          %add3A_316 = vector.broadcast %add3A_315 : i32 to vector<16xi32>
          %add3A_317 = arith.addi %broadcast_in_dim3A_81, %add3A_316 : vector<16xi32>
          %gather3A_318 = tpu.vector_load_idx %arg10[%add3A_306, %add3A_317] : memref<1920x8xf32, #tpu.memory_space<vmem>>[vector<16xi32>, vector<16xi32>], vector<16xf32>,
          %add3A_319 = arith.constant 1280 : i32
          %add3A_320 = vector.broadcast %add3A_319 : i32 to vector<16xi32>
          %add3A_321 = arith.addi %add3A_289, %add3A_320 : vector<16xi32>
          %add3A_322 = arith.constant 0 : i32
          %add3A_323 = vector.broadcast %add3A_322 : i32 to vector<16xi32>
          %add3A_324 = arith.addi %broadcast_in_dim3A_81, %add3A_323 : vector<16xi32>
          %gather3A_325 = tpu.vector_load_idx %arg10[%add3A_321, %add3A_324] : memref<1920x8xf32, #tpu.memory_space<vmem>>[vector<16xi32>, vector<16xi32>], vector<16xf32>,
          %add3A_326 = arith.constant 1 : i32
          %add3A_327 = vector.broadcast %add3A_326 : i32 to vector<16xi32>
          %add3A_328 = arith.addi %broadcast_in_dim3A_81, %add3A_327 : vector<16xi32>
          %gather3A_329 = tpu.vector_load_idx %arg10[%add3A_321, %add3A_328] : memref<1920x8xf32, #tpu.memory_space<vmem>>[vector<16xi32>, vector<16xi32>], vector<16xf32>,
          %add3A_330 = arith.constant 2 : i32
          %add3A_331 = vector.broadcast %add3A_330 : i32 to vector<16xi32>
          %add3A_332 = arith.addi %broadcast_in_dim3A_81, %add3A_331 : vector<16xi32>
          %gather3A_333 = tpu.vector_load_idx %arg10[%add3A_321, %add3A_332] : memref<1920x8xf32, #tpu.memory_space<vmem>>[vector<16xi32>, vector<16xi32>], vector<16xf32>,
          %shift_right_arithmetic3A = arith.constant 3 : i32
          %shift_right_arithmetic3A_334 = arith.shrsi %scan3A_284, %shift_right_arithmetic3A : i32
          %and3A = arith.constant 7 : i32
          %and3A_335 = arith.andi %scan3A_284, %and3A : i32
          %mul3A_336 = arith.constant 16 : i32
          %mul3A_337 = arith.muli %and3A_335, %mul3A_336 : i32
          %add3A_338 = arith.addf %gather3A, %gather3A_310 : vector<16xf32>
          %add3A_339 = arith.addf %add3A_338, %gather3A_325 : vector<16xf32>
          %mul3A_340 = arith.constant 0.333333343 : f32
          %mul3A_341 = vector.broadcast %mul3A_340 : f32 to vector<16xf32>
          %mul3A_342 = arith.mulf %add3A_339, %mul3A_341 : vector<16xf32>
          %swap3A = arith.constant 0 : i32
          %swap3A_343 = arith.index_cast %shift_right_arithmetic3A_334 : i32 to index
          %swap3A_344 = arith.index_cast %swap3A : i32 to index
          %swap3A_345 = arith.index_cast %mul3A_337 : i32 to index
          %swap3A_346 = tpu.vector_load %arg11[%swap3A_343, %swap3A_344, %swap3A_345] {strides = array<i32>} : memref<5x4x128xf32, #tpu.memory_space<vmem>>, vector<16xf32>,
          tpu.vector_store %arg11[%swap3A_343, %swap3A_344, %swap3A_345], %mul3A_342 {strides = array<i32>} : memref<5x4x128xf32, #tpu.memory_space<vmem>>, vector<16xf32>,
          %add3A_347 = arith.addf %gather3A_299, %gather3A_314 : vector<16xf32>
          %add3A_348 = arith.addf %add3A_347, %gather3A_329 : vector<16xf32>
          %mul3A_349 = arith.constant 0.333333343 : f32
          %mul3A_350 = vector.broadcast %mul3A_349 : f32 to vector<16xf32>
          %mul3A_351 = arith.mulf %add3A_348, %mul3A_350 : vector<16xf32>
          %swap3A_352 = arith.constant 1 : i32
          %swap3A_353 = arith.index_cast %shift_right_arithmetic3A_334 : i32 to index
          %swap3A_354 = arith.index_cast %swap3A_352 : i32 to index
          %swap3A_355 = arith.index_cast %mul3A_337 : i32 to index
          %swap3A_356 = tpu.vector_load %arg11[%swap3A_353, %swap3A_354, %swap3A_355] {strides = array<i32>} : memref<5x4x128xf32, #tpu.memory_space<vmem>>, vector<16xf32>,
          tpu.vector_store %arg11[%swap3A_353, %swap3A_354, %swap3A_355], %mul3A_351 {strides = array<i32>} : memref<5x4x128xf32, #tpu.memory_space<vmem>>, vector<16xf32>,
          %add3A_357 = arith.addf %gather3A_303, %gather3A_318 : vector<16xf32>
          %add3A_358 = arith.addf %add3A_357, %gather3A_333 : vector<16xf32>
          %mul3A_359 = arith.constant 0.333333343 : f32
          %mul3A_360 = vector.broadcast %mul3A_359 : f32 to vector<16xf32>
          %mul3A_361 = arith.mulf %add3A_358, %mul3A_360 : vector<16xf32>
          %swap3A_362 = arith.constant 2 : i32
          %swap3A_363 = arith.index_cast %shift_right_arithmetic3A_334 : i32 to index
          %swap3A_364 = arith.index_cast %swap3A_362 : i32 to index
          %swap3A_365 = arith.index_cast %mul3A_337 : i32 to index
          %swap3A_366 = tpu.vector_load %arg11[%swap3A_363, %swap3A_364, %swap3A_365] {strides = array<i32>} : memref<5x4x128xf32, #tpu.memory_space<vmem>>, vector<16xf32>,
          tpu.vector_store %arg11[%swap3A_363, %swap3A_364, %swap3A_365], %mul3A_361 {strides = array<i32>} : memref<5x4x128xf32, #tpu.memory_space<vmem>>, vector<16xf32>,
          %sub3A = arith.subf %gather3A_310, %gather3A : vector<16xf32>
          %sub3A_367 = arith.subf %gather3A_314, %gather3A_299 : vector<16xf32>
          %sub3A_368 = arith.subf %gather3A_318, %gather3A_303 : vector<16xf32>
          %sub3A_369 = arith.subf %gather3A_325, %gather3A_310 : vector<16xf32>
          %sub3A_370 = arith.subf %gather3A_329, %gather3A_314 : vector<16xf32>
          %sub3A_371 = arith.subf %gather3A_333, %gather3A_318 : vector<16xf32>
          %mul3A_372 = arith.mulf %sub3A_367, %sub3A_371 : vector<16xf32>
          %mul3A_373 = arith.mulf %sub3A_368, %sub3A_370 : vector<16xf32>
          %sub3A_374 = arith.subf %mul3A_372, %mul3A_373 : vector<16xf32>
          %mul3A_375 = arith.mulf %sub3A_368, %sub3A_369 : vector<16xf32>
          %mul3A_376 = arith.mulf %sub3A, %sub3A_371 : vector<16xf32>
          %sub3A_377 = arith.subf %mul3A_375, %mul3A_376 : vector<16xf32>
          %mul3A_378 = arith.mulf %sub3A, %sub3A_370 : vector<16xf32>
          %mul3A_379 = arith.mulf %sub3A_367, %sub3A_369 : vector<16xf32>
          %sub3A_380 = arith.subf %mul3A_378, %mul3A_379 : vector<16xf32>
          %mul3A_381 = arith.mulf %sub3A_374, %sub3A_374 : vector<16xf32>
          %mul3A_382 = arith.mulf %sub3A_377, %sub3A_377 : vector<16xf32>
          %add3A_383 = arith.addf %mul3A_381, %mul3A_382 : vector<16xf32>
          %mul3A_384 = arith.mulf %sub3A_380, %sub3A_380 : vector<16xf32>
          %add3A_385 = arith.addf %add3A_383, %mul3A_384 : vector<16xf32>
          %bitcast3A = vector.bitcast %add3A_385 : vector<16xf32> to vector<16xi32>
          %shift_right_arithmetic3A_386 = arith.constant 1 : i32
          %shift_right_arithmetic3A_387 = vector.broadcast %shift_right_arithmetic3A_386 : i32 to vector<16xi32>
          %shift_right_arithmetic3A_388 = arith.shrsi %bitcast3A, %shift_right_arithmetic3A_387 : vector<16xi32>
          %sub3A_389 = arith.constant 1597463007 : i32
          %sub3A_390 = vector.broadcast %sub3A_389 : i32 to vector<16xi32>
          %sub3A_391 = arith.subi %sub3A_390, %shift_right_arithmetic3A_388 : vector<16xi32>
          %bitcast3A_392 = vector.bitcast %sub3A_391 : vector<16xi32> to vector<16xf32>
          %mul3A_393 = arith.constant 5.000000e-01 : f32
          %mul3A_394 = vector.broadcast %mul3A_393 : f32 to vector<16xf32>
          %mul3A_395 = arith.mulf %add3A_385, %mul3A_394 : vector<16xf32>
          %mul3A_396 = arith.mulf %mul3A_395, %bitcast3A_392 : vector<16xf32>
          %mul3A_397 = arith.mulf %mul3A_396, %bitcast3A_392 : vector<16xf32>
          %sub3A_398 = arith.constant 1.500000e+00 : f32
          %sub3A_399 = vector.broadcast %sub3A_398 : f32 to vector<16xf32>
          %sub3A_400 = arith.subf %sub3A_399, %mul3A_397 : vector<16xf32>
          %mul3A_401 = arith.mulf %bitcast3A_392, %sub3A_400 : vector<16xf32>
          %mul3A_402 = arith.mulf %mul3A_395, %mul3A_401 : vector<16xf32>
          %mul3A_403 = arith.mulf %mul3A_402, %mul3A_401 : vector<16xf32>
          %sub3A_404 = arith.constant 1.500000e+00 : f32
          %sub3A_405 = vector.broadcast %sub3A_404 : f32 to vector<16xf32>
          %sub3A_406 = arith.subf %sub3A_405, %mul3A_403 : vector<16xf32>
          %mul3A_407 = arith.mulf %mul3A_401, %sub3A_406 : vector<16xf32>
          %mul3A_408 = arith.mulf %sub3A_374, %mul3A_407 : vector<16xf32>
          %swap3A_409 = arith.constant 0 : i32
          %swap3A_410 = arith.index_cast %shift_right_arithmetic3A_334 : i32 to index
          %swap3A_411 = arith.index_cast %swap3A_409 : i32 to index
          %swap3A_412 = arith.index_cast %mul3A_337 : i32 to index
          %swap3A_413 = tpu.vector_load %arg12[%swap3A_410, %swap3A_411, %swap3A_412] {strides = array<i32>} : memref<5x4x128xf32, #tpu.memory_space<vmem>>, vector<16xf32>,
          tpu.vector_store %arg12[%swap3A_410, %swap3A_411, %swap3A_412], %mul3A_408 {strides = array<i32>} : memref<5x4x128xf32, #tpu.memory_space<vmem>>, vector<16xf32>,
          %mul3A_414 = arith.mulf %sub3A_377, %mul3A_407 : vector<16xf32>
          %swap3A_415 = arith.constant 1 : i32
          %swap3A_416 = arith.index_cast %shift_right_arithmetic3A_334 : i32 to index
          %swap3A_417 = arith.index_cast %swap3A_415 : i32 to index
          %swap3A_418 = arith.index_cast %mul3A_337 : i32 to index
          %swap3A_419 = tpu.vector_load %arg12[%swap3A_416, %swap3A_417, %swap3A_418] {strides = array<i32>} : memref<5x4x128xf32, #tpu.memory_space<vmem>>, vector<16xf32>,
          tpu.vector_store %arg12[%swap3A_416, %swap3A_417, %swap3A_418], %mul3A_414 {strides = array<i32>} : memref<5x4x128xf32, #tpu.memory_space<vmem>>, vector<16xf32>,
          %mul3A_420 = arith.mulf %sub3A_380, %mul3A_407 : vector<16xf32>
          %swap3A_421 = arith.constant 2 : i32
          %swap3A_422 = arith.index_cast %shift_right_arithmetic3A_334 : i32 to index
          %swap3A_423 = arith.index_cast %swap3A_421 : i32 to index
          %swap3A_424 = arith.index_cast %mul3A_337 : i32 to index
          %swap3A_425 = tpu.vector_load %arg12[%swap3A_422, %swap3A_423, %swap3A_424] {strides = array<i32>} : memref<5x4x128xf32, #tpu.memory_space<vmem>>, vector<16xf32>,
          tpu.vector_store %arg12[%swap3A_422, %swap3A_423, %swap3A_424], %mul3A_420 {strides = array<i32>} : memref<5x4x128xf32, #tpu.memory_space<vmem>>, vector<16xf32>,
          %mul3A_426 = arith.mulf %add3A_385, %mul3A_407 : vector<16xf32>
          %mul3A_427 = arith.constant 5.000000e-01 : f32
          %mul3A_428 = vector.broadcast %mul3A_427 : f32 to vector<16xf32>
          %mul3A_429 = arith.mulf %mul3A_426, %mul3A_428 : vector<16xf32>
          %swap3A_430 = arith.index_cast %mul3A_287 : i32 to index
          %swap3A_431 = tpu.vector_load %arg13[%swap3A_430] {strides = array<i32>} : memref<640xf32, #tpu.memory_space<vmem>>, vector<16xf32>,
          tpu.vector_store %arg13[%swap3A_430], %mul3A_429 {strides = array<i32>} : memref<640xf32, #tpu.memory_space<vmem>>, vector<16xf32>,
          %scan3A_432 = arith.constant 0 : i32
          scf.yield %scan3A_432 : i32
        }
        %scan3A_229 = arith.constant 8 : i32
        %dma_wait3A_230 = arith.constant 4 : i32
        %dma_wait3A_231 = arith.constant 512 : i32
        %dma_wait3A_232 = arith.constant 0 : i32
        %dma_wait3A_233 = tpu.memref_slice %arg10[%dma_wait3A_231, %dma_wait3A_232] : memref<1920x8xf32, #tpu.memory_space<vmem>> -> memref<128x8xf32, #tpu.memory_space<vmem>>
        %dma_wait3A_234 = arith.constant 0 : i32
        %dma_wait3A_235 = tpu.memref_slice %arg9[%dma_wait3A_230, %dma_wait3A_234] : memref<15x128xi32, #tpu.memory_space<vmem>> -> memref<1x128xi32, #tpu.memory_space<vmem>>
        %dma_wait3A_236 = tpu.memref_squeeze %dma_wait3A_235 : memref<1x128xi32, #tpu.memory_space<vmem>> -> memref<128xi32, #tpu.memory_space<vmem>>
        %dma_wait3A_237 = arith.constant 0 : i32
        %dma_wait3A_238 = arith.constant 0 : i32
        %dma_wait3A_239 = tpu.memref_slice %arg2[%dma_wait3A_237, %dma_wait3A_238] : memref<1000000x8xf32, #tpu.memory_space<hbm>> -> memref<1000000x8xf32, #tpu.memory_space<hbm>>
        tpu.wait_indirect_dma semaphore(%arg18 : memref<!tpu.dma_semaphore, #tpu.memory_space<semaphore_mem>>) src(%dma_wait3A_239 : memref<1000000x8xf32, #tpu.memory_space<hbm>>) dst(%dma_wait3A_233 : memref<128x8xf32, #tpu.memory_space<vmem>>)
        %dma_wait3A_240 = arith.constant 9 : i32
        %dma_wait3A_241 = arith.constant 1152 : i32
        %dma_wait3A_242 = arith.constant 0 : i32
        %dma_wait3A_243 = tpu.memref_slice %arg10[%dma_wait3A_241, %dma_wait3A_242] : memref<1920x8xf32, #tpu.memory_space<vmem>> -> memref<128x8xf32, #tpu.memory_space<vmem>>
        %dma_wait3A_244 = arith.constant 0 : i32
        %dma_wait3A_245 = tpu.memref_slice %arg9[%dma_wait3A_240, %dma_wait3A_244] : memref<15x128xi32, #tpu.memory_space<vmem>> -> memref<1x128xi32, #tpu.memory_space<vmem>>
        %dma_wait3A_246 = tpu.memref_squeeze %dma_wait3A_245 : memref<1x128xi32, #tpu.memory_space<vmem>> -> memref<128xi32, #tpu.memory_space<vmem>>
        %dma_wait3A_247 = arith.constant 0 : i32
        %dma_wait3A_248 = arith.constant 0 : i32
        %dma_wait3A_249 = tpu.memref_slice %arg2[%dma_wait3A_247, %dma_wait3A_248] : memref<1000000x8xf32, #tpu.memory_space<hbm>> -> memref<1000000x8xf32, #tpu.memory_space<hbm>>
        tpu.wait_indirect_dma semaphore(%arg18 : memref<!tpu.dma_semaphore, #tpu.memory_space<semaphore_mem>>) src(%dma_wait3A_249 : memref<1000000x8xf32, #tpu.memory_space<hbm>>) dst(%dma_wait3A_243 : memref<128x8xf32, #tpu.memory_space<vmem>>)
        %dma_wait3A_250 = arith.constant 14 : i32
        %dma_wait3A_251 = arith.constant 1792 : i32
        %dma_wait3A_252 = arith.constant 0 : i32
        %dma_wait3A_253 = tpu.memref_slice %arg10[%dma_wait3A_251, %dma_wait3A_252] : memref<1920x8xf32, #tpu.memory_space<vmem>> -> memref<128x8xf32, #tpu.memory_space<vmem>>
        %dma_wait3A_254 = arith.constant 0 : i32
        %dma_wait3A_255 = tpu.memref_slice %arg9[%dma_wait3A_250, %dma_wait3A_254] : memref<15x128xi32, #tpu.memory_space<vmem>> -> memref<1x128xi32, #tpu.memory_space<vmem>>
        %dma_wait3A_256 = tpu.memref_squeeze %dma_wait3A_255 : memref<1x128xi32, #tpu.memory_space<vmem>> -> memref<128xi32, #tpu.memory_space<vmem>>
        %dma_wait3A_257 = arith.constant 0 : i32
        %dma_wait3A_258 = arith.constant 0 : i32
        %dma_wait3A_259 = tpu.memref_slice %arg2[%dma_wait3A_257, %dma_wait3A_258] : memref<1000000x8xf32, #tpu.memory_space<hbm>> -> memref<1000000x8xf32, #tpu.memory_space<hbm>>
        tpu.wait_indirect_dma semaphore(%arg18 : memref<!tpu.dma_semaphore, #tpu.memory_space<semaphore_mem>>) src(%dma_wait3A_259 : memref<1000000x8xf32, #tpu.memory_space<hbm>>) dst(%dma_wait3A_253 : memref<128x8xf32, #tpu.memory_space<vmem>>)
        %scan3A_260 = arith.constant 0 : i32
        %scan3A_261 = arith.constant 32 : i32
        %scan3A_262 = arith.constant 8 : i32
        %scan3A_263 = arith.addi %scan3A_261, %scan3A_262 : i32
        %scan3A_264 = arith.constant 1 : i32
        %scan3A_265 = scf.for %scan3A_284 = %scan3A_261 to %scan3A_263 step %scan3A_264 iter_args(%scan3A_285 = %scan3A_260) -> (i32)  : i32 {
          %mul3A_286 = arith.constant 16 : i32
          %mul3A_287 = arith.muli %scan3A_284, %mul3A_286 : i32
          %add3A_288 = vector.broadcast %mul3A_287 : i32 to vector<16xi32>
          %add3A_289 = arith.addi %add3A_288, %iota3A : vector<16xi32>
          %add3A_290 = arith.constant 0 : i32
          %add3A_291 = vector.broadcast %add3A_290 : i32 to vector<16xi32>
          %add3A_292 = arith.addi %add3A_289, %add3A_291 : vector<16xi32>
          %add3A_293 = arith.constant 0 : i32
          %add3A_294 = vector.broadcast %add3A_293 : i32 to vector<16xi32>
          %add3A_295 = arith.addi %broadcast_in_dim3A_81, %add3A_294 : vector<16xi32>
          %gather3A = tpu.vector_load_idx %arg10[%add3A_292, %add3A_295] : memref<1920x8xf32, #tpu.memory_space<vmem>>[vector<16xi32>, vector<16xi32>], vector<16xf32>,
          %add3A_296 = arith.constant 1 : i32
          %add3A_297 = vector.broadcast %add3A_296 : i32 to vector<16xi32>
          %add3A_298 = arith.addi %broadcast_in_dim3A_81, %add3A_297 : vector<16xi32>
          %gather3A_299 = tpu.vector_load_idx %arg10[%add3A_292, %add3A_298] : memref<1920x8xf32, #tpu.memory_space<vmem>>[vector<16xi32>, vector<16xi32>], vector<16xf32>,
          %add3A_300 = arith.constant 2 : i32
          %add3A_301 = vector.broadcast %add3A_300 : i32 to vector<16xi32>
          %add3A_302 = arith.addi %broadcast_in_dim3A_81, %add3A_301 : vector<16xi32>
          %gather3A_303 = tpu.vector_load_idx %arg10[%add3A_292, %add3A_302] : memref<1920x8xf32, #tpu.memory_space<vmem>>[vector<16xi32>, vector<16xi32>], vector<16xf32>,
          %add3A_304 = arith.constant 640 : i32
          %add3A_305 = vector.broadcast %add3A_304 : i32 to vector<16xi32>
          %add3A_306 = arith.addi %add3A_289, %add3A_305 : vector<16xi32>
          %add3A_307 = arith.constant 0 : i32
          %add3A_308 = vector.broadcast %add3A_307 : i32 to vector<16xi32>
          %add3A_309 = arith.addi %broadcast_in_dim3A_81, %add3A_308 : vector<16xi32>
          %gather3A_310 = tpu.vector_load_idx %arg10[%add3A_306, %add3A_309] : memref<1920x8xf32, #tpu.memory_space<vmem>>[vector<16xi32>, vector<16xi32>], vector<16xf32>,
          %add3A_311 = arith.constant 1 : i32
          %add3A_312 = vector.broadcast %add3A_311 : i32 to vector<16xi32>
          %add3A_313 = arith.addi %broadcast_in_dim3A_81, %add3A_312 : vector<16xi32>
          %gather3A_314 = tpu.vector_load_idx %arg10[%add3A_306, %add3A_313] : memref<1920x8xf32, #tpu.memory_space<vmem>>[vector<16xi32>, vector<16xi32>], vector<16xf32>,
          %add3A_315 = arith.constant 2 : i32
          %add3A_316 = vector.broadcast %add3A_315 : i32 to vector<16xi32>
          %add3A_317 = arith.addi %broadcast_in_dim3A_81, %add3A_316 : vector<16xi32>
          %gather3A_318 = tpu.vector_load_idx %arg10[%add3A_306, %add3A_317] : memref<1920x8xf32, #tpu.memory_space<vmem>>[vector<16xi32>, vector<16xi32>], vector<16xf32>,
          %add3A_319 = arith.constant 1280 : i32
          %add3A_320 = vector.broadcast %add3A_319 : i32 to vector<16xi32>
          %add3A_321 = arith.addi %add3A_289, %add3A_320 : vector<16xi32>
          %add3A_322 = arith.constant 0 : i32
          %add3A_323 = vector.broadcast %add3A_322 : i32 to vector<16xi32>
          %add3A_324 = arith.addi %broadcast_in_dim3A_81, %add3A_323 : vector<16xi32>
          %gather3A_325 = tpu.vector_load_idx %arg10[%add3A_321, %add3A_324] : memref<1920x8xf32, #tpu.memory_space<vmem>>[vector<16xi32>, vector<16xi32>], vector<16xf32>,
          %add3A_326 = arith.constant 1 : i32
          %add3A_327 = vector.broadcast %add3A_326 : i32 to vector<16xi32>
          %add3A_328 = arith.addi %broadcast_in_dim3A_81, %add3A_327 : vector<16xi32>
          %gather3A_329 = tpu.vector_load_idx %arg10[%add3A_321, %add3A_328] : memref<1920x8xf32, #tpu.memory_space<vmem>>[vector<16xi32>, vector<16xi32>], vector<16xf32>,
          %add3A_330 = arith.constant 2 : i32
          %add3A_331 = vector.broadcast %add3A_330 : i32 to vector<16xi32>
          %add3A_332 = arith.addi %broadcast_in_dim3A_81, %add3A_331 : vector<16xi32>
          %gather3A_333 = tpu.vector_load_idx %arg10[%add3A_321, %add3A_332] : memref<1920x8xf32, #tpu.memory_space<vmem>>[vector<16xi32>, vector<16xi32>], vector<16xf32>,
          %shift_right_arithmetic3A = arith.constant 3 : i32
          %shift_right_arithmetic3A_334 = arith.shrsi %scan3A_284, %shift_right_arithmetic3A : i32
          %and3A = arith.constant 7 : i32
          %and3A_335 = arith.andi %scan3A_284, %and3A : i32
          %mul3A_336 = arith.constant 16 : i32
          %mul3A_337 = arith.muli %and3A_335, %mul3A_336 : i32
          %add3A_338 = arith.addf %gather3A, %gather3A_310 : vector<16xf32>
          %add3A_339 = arith.addf %add3A_338, %gather3A_325 : vector<16xf32>
          %mul3A_340 = arith.constant 0.333333343 : f32
          %mul3A_341 = vector.broadcast %mul3A_340 : f32 to vector<16xf32>
          %mul3A_342 = arith.mulf %add3A_339, %mul3A_341 : vector<16xf32>
          %swap3A = arith.constant 0 : i32
          %swap3A_343 = arith.index_cast %shift_right_arithmetic3A_334 : i32 to index
          %swap3A_344 = arith.index_cast %swap3A : i32 to index
          %swap3A_345 = arith.index_cast %mul3A_337 : i32 to index
          %swap3A_346 = tpu.vector_load %arg11[%swap3A_343, %swap3A_344, %swap3A_345] {strides = array<i32>} : memref<5x4x128xf32, #tpu.memory_space<vmem>>, vector<16xf32>,
          tpu.vector_store %arg11[%swap3A_343, %swap3A_344, %swap3A_345], %mul3A_342 {strides = array<i32>} : memref<5x4x128xf32, #tpu.memory_space<vmem>>, vector<16xf32>,
          %add3A_347 = arith.addf %gather3A_299, %gather3A_314 : vector<16xf32>
          %add3A_348 = arith.addf %add3A_347, %gather3A_329 : vector<16xf32>
          %mul3A_349 = arith.constant 0.333333343 : f32
          %mul3A_350 = vector.broadcast %mul3A_349 : f32 to vector<16xf32>
          %mul3A_351 = arith.mulf %add3A_348, %mul3A_350 : vector<16xf32>
          %swap3A_352 = arith.constant 1 : i32
          %swap3A_353 = arith.index_cast %shift_right_arithmetic3A_334 : i32 to index
          %swap3A_354 = arith.index_cast %swap3A_352 : i32 to index
          %swap3A_355 = arith.index_cast %mul3A_337 : i32 to index
          %swap3A_356 = tpu.vector_load %arg11[%swap3A_353, %swap3A_354, %swap3A_355] {strides = array<i32>} : memref<5x4x128xf32, #tpu.memory_space<vmem>>, vector<16xf32>,
          tpu.vector_store %arg11[%swap3A_353, %swap3A_354, %swap3A_355], %mul3A_351 {strides = array<i32>} : memref<5x4x128xf32, #tpu.memory_space<vmem>>, vector<16xf32>,
          %add3A_357 = arith.addf %gather3A_303, %gather3A_318 : vector<16xf32>
          %add3A_358 = arith.addf %add3A_357, %gather3A_333 : vector<16xf32>
          %mul3A_359 = arith.constant 0.333333343 : f32
          %mul3A_360 = vector.broadcast %mul3A_359 : f32 to vector<16xf32>
          %mul3A_361 = arith.mulf %add3A_358, %mul3A_360 : vector<16xf32>
          %swap3A_362 = arith.constant 2 : i32
          %swap3A_363 = arith.index_cast %shift_right_arithmetic3A_334 : i32 to index
          %swap3A_364 = arith.index_cast %swap3A_362 : i32 to index
          %swap3A_365 = arith.index_cast %mul3A_337 : i32 to index
          %swap3A_366 = tpu.vector_load %arg11[%swap3A_363, %swap3A_364, %swap3A_365] {strides = array<i32>} : memref<5x4x128xf32, #tpu.memory_space<vmem>>, vector<16xf32>,
          tpu.vector_store %arg11[%swap3A_363, %swap3A_364, %swap3A_365], %mul3A_361 {strides = array<i32>} : memref<5x4x128xf32, #tpu.memory_space<vmem>>, vector<16xf32>,
          %sub3A = arith.subf %gather3A_310, %gather3A : vector<16xf32>
          %sub3A_367 = arith.subf %gather3A_314, %gather3A_299 : vector<16xf32>
          %sub3A_368 = arith.subf %gather3A_318, %gather3A_303 : vector<16xf32>
          %sub3A_369 = arith.subf %gather3A_325, %gather3A_310 : vector<16xf32>
          %sub3A_370 = arith.subf %gather3A_329, %gather3A_314 : vector<16xf32>
          %sub3A_371 = arith.subf %gather3A_333, %gather3A_318 : vector<16xf32>
          %mul3A_372 = arith.mulf %sub3A_367, %sub3A_371 : vector<16xf32>
          %mul3A_373 = arith.mulf %sub3A_368, %sub3A_370 : vector<16xf32>
          %sub3A_374 = arith.subf %mul3A_372, %mul3A_373 : vector<16xf32>
          %mul3A_375 = arith.mulf %sub3A_368, %sub3A_369 : vector<16xf32>
          %mul3A_376 = arith.mulf %sub3A, %sub3A_371 : vector<16xf32>
          %sub3A_377 = arith.subf %mul3A_375, %mul3A_376 : vector<16xf32>
          %mul3A_378 = arith.mulf %sub3A, %sub3A_370 : vector<16xf32>
          %mul3A_379 = arith.mulf %sub3A_367, %sub3A_369 : vector<16xf32>
          %sub3A_380 = arith.subf %mul3A_378, %mul3A_379 : vector<16xf32>
          %mul3A_381 = arith.mulf %sub3A_374, %sub3A_374 : vector<16xf32>
          %mul3A_382 = arith.mulf %sub3A_377, %sub3A_377 : vector<16xf32>
          %add3A_383 = arith.addf %mul3A_381, %mul3A_382 : vector<16xf32>
          %mul3A_384 = arith.mulf %sub3A_380, %sub3A_380 : vector<16xf32>
          %add3A_385 = arith.addf %add3A_383, %mul3A_384 : vector<16xf32>
          %bitcast3A = vector.bitcast %add3A_385 : vector<16xf32> to vector<16xi32>
          %shift_right_arithmetic3A_386 = arith.constant 1 : i32
          %shift_right_arithmetic3A_387 = vector.broadcast %shift_right_arithmetic3A_386 : i32 to vector<16xi32>
          %shift_right_arithmetic3A_388 = arith.shrsi %bitcast3A, %shift_right_arithmetic3A_387 : vector<16xi32>
          %sub3A_389 = arith.constant 1597463007 : i32
          %sub3A_390 = vector.broadcast %sub3A_389 : i32 to vector<16xi32>
          %sub3A_391 = arith.subi %sub3A_390, %shift_right_arithmetic3A_388 : vector<16xi32>
          %bitcast3A_392 = vector.bitcast %sub3A_391 : vector<16xi32> to vector<16xf32>
          %mul3A_393 = arith.constant 5.000000e-01 : f32
          %mul3A_394 = vector.broadcast %mul3A_393 : f32 to vector<16xf32>
          %mul3A_395 = arith.mulf %add3A_385, %mul3A_394 : vector<16xf32>
          %mul3A_396 = arith.mulf %mul3A_395, %bitcast3A_392 : vector<16xf32>
          %mul3A_397 = arith.mulf %mul3A_396, %bitcast3A_392 : vector<16xf32>
          %sub3A_398 = arith.constant 1.500000e+00 : f32
          %sub3A_399 = vector.broadcast %sub3A_398 : f32 to vector<16xf32>
          %sub3A_400 = arith.subf %sub3A_399, %mul3A_397 : vector<16xf32>
          %mul3A_401 = arith.mulf %bitcast3A_392, %sub3A_400 : vector<16xf32>
          %mul3A_402 = arith.mulf %mul3A_395, %mul3A_401 : vector<16xf32>
          %mul3A_403 = arith.mulf %mul3A_402, %mul3A_401 : vector<16xf32>
          %sub3A_404 = arith.constant 1.500000e+00 : f32
          %sub3A_405 = vector.broadcast %sub3A_404 : f32 to vector<16xf32>
          %sub3A_406 = arith.subf %sub3A_405, %mul3A_403 : vector<16xf32>
          %mul3A_407 = arith.mulf %mul3A_401, %sub3A_406 : vector<16xf32>
          %mul3A_408 = arith.mulf %sub3A_374, %mul3A_407 : vector<16xf32>
          %swap3A_409 = arith.constant 0 : i32
          %swap3A_410 = arith.index_cast %shift_right_arithmetic3A_334 : i32 to index
          %swap3A_411 = arith.index_cast %swap3A_409 : i32 to index
          %swap3A_412 = arith.index_cast %mul3A_337 : i32 to index
          %swap3A_413 = tpu.vector_load %arg12[%swap3A_410, %swap3A_411, %swap3A_412] {strides = array<i32>} : memref<5x4x128xf32, #tpu.memory_space<vmem>>, vector<16xf32>,
          tpu.vector_store %arg12[%swap3A_410, %swap3A_411, %swap3A_412], %mul3A_408 {strides = array<i32>} : memref<5x4x128xf32, #tpu.memory_space<vmem>>, vector<16xf32>,
          %mul3A_414 = arith.mulf %sub3A_377, %mul3A_407 : vector<16xf32>
          %swap3A_415 = arith.constant 1 : i32
          %swap3A_416 = arith.index_cast %shift_right_arithmetic3A_334 : i32 to index
          %swap3A_417 = arith.index_cast %swap3A_415 : i32 to index
          %swap3A_418 = arith.index_cast %mul3A_337 : i32 to index
          %swap3A_419 = tpu.vector_load %arg12[%swap3A_416, %swap3A_417, %swap3A_418] {strides = array<i32>} : memref<5x4x128xf32, #tpu.memory_space<vmem>>, vector<16xf32>,
          tpu.vector_store %arg12[%swap3A_416, %swap3A_417, %swap3A_418], %mul3A_414 {strides = array<i32>} : memref<5x4x128xf32, #tpu.memory_space<vmem>>, vector<16xf32>,
          %mul3A_420 = arith.mulf %sub3A_380, %mul3A_407 : vector<16xf32>
          %swap3A_421 = arith.constant 2 : i32
          %swap3A_422 = arith.index_cast %shift_right_arithmetic3A_334 : i32 to index
          %swap3A_423 = arith.index_cast %swap3A_421 : i32 to index
          %swap3A_424 = arith.index_cast %mul3A_337 : i32 to index
          %swap3A_425 = tpu.vector_load %arg12[%swap3A_422, %swap3A_423, %swap3A_424] {strides = array<i32>} : memref<5x4x128xf32, #tpu.memory_space<vmem>>, vector<16xf32>,
          tpu.vector_store %arg12[%swap3A_422, %swap3A_423, %swap3A_424], %mul3A_420 {strides = array<i32>} : memref<5x4x128xf32, #tpu.memory_space<vmem>>, vector<16xf32>,
          %mul3A_426 = arith.mulf %add3A_385, %mul3A_407 : vector<16xf32>
          %mul3A_427 = arith.constant 5.000000e-01 : f32
          %mul3A_428 = vector.broadcast %mul3A_427 : f32 to vector<16xf32>
          %mul3A_429 = arith.mulf %mul3A_426, %mul3A_428 : vector<16xf32>
          %swap3A_430 = arith.index_cast %mul3A_287 : i32 to index
          %swap3A_431 = tpu.vector_load %arg13[%swap3A_430] {strides = array<i32>} : memref<640xf32, #tpu.memory_space<vmem>>, vector<16xf32>,
          tpu.vector_store %arg13[%swap3A_430], %mul3A_429 {strides = array<i32>} : memref<640xf32, #tpu.memory_space<vmem>>, vector<16xf32>,
          %scan3A_432 = arith.constant 0 : i32
          scf.yield %scan3A_432 : i32
        }
        %scan3A_266 = arith.constant 8 : i32
        %mul3A_267 = arith.constant 640 : i32
        %mul3A_268 = arith.muli %add3A_50, %mul3A_267 : i32
        %mul3A_269 = arith.constant 5 : i32
        %mul3A_270 = arith.muli %add3A_50, %mul3A_269 : i32
        %dma_start3A = arith.constant 0 : i32
        %dma_start3A_271 = arith.constant 0 : i32
        %dma_start3A_272 = tpu.memref_slice %arg6[%mul3A_270, %dma_start3A, %dma_start3A_271] : memref<15625x4x128xf32, #tpu.memory_space<hbm>> -> memref<5x4x128xf32, #tpu.memory_space<hbm>>
        %dma_start3A_273 = arith.constant 0 : i32
        %dma_start3A_274 = arith.constant 0 : i32
        %dma_start3A_275 = tpu.memref_slice %arg6[%mul3A_270, %dma_start3A_273, %dma_start3A_274] : memref<15625x4x128xf32, #tpu.memory_space<hbm>> -> memref<5x4x128xf32, #tpu.memory_space<hbm>>
        tpu.enqueue_dma source(%arg11 : memref<5x4x128xf32, #tpu.memory_space<vmem>>) target(%dma_start3A_275 : memref<5x4x128xf32, #tpu.memory_space<hbm>>) target_semaphore(%arg19 : memref<!tpu.dma_semaphore, #tpu.memory_space<semaphore_mem>>)
        %dma_start3A_276 = arith.constant 0 : i32
        %dma_start3A_277 = arith.constant 0 : i32
        %dma_start3A_278 = tpu.memref_slice %arg7[%mul3A_270, %dma_start3A_276, %dma_start3A_277] : memref<15625x4x128xf32, #tpu.memory_space<hbm>> -> memref<5x4x128xf32, #tpu.memory_space<hbm>>
        %dma_start3A_279 = arith.constant 0 : i32
        %dma_start3A_280 = arith.constant 0 : i32
        %dma_start3A_281 = tpu.memref_slice %arg7[%mul3A_270, %dma_start3A_279, %dma_start3A_280] : memref<15625x4x128xf32, #tpu.memory_space<hbm>> -> memref<5x4x128xf32, #tpu.memory_space<hbm>>
        tpu.enqueue_dma source(%arg12 : memref<5x4x128xf32, #tpu.memory_space<vmem>>) target(%dma_start3A_281 : memref<5x4x128xf32, #tpu.memory_space<hbm>>) target_semaphore(%arg19 : memref<!tpu.dma_semaphore, #tpu.memory_space<semaphore_mem>>)
        %dma_start3A_282 = tpu.memref_slice %arg8[%mul3A_268] : memref<2000000xf32, #tpu.memory_space<hbm>> -> memref<640xf32, #tpu.memory_space<hbm>>
        %dma_start3A_283 = tpu.memref_slice %arg8[%mul3A_268] : memref<2000000xf32, #tpu.memory_space<hbm>> -> memref<640xf32, #tpu.memory_space<hbm>>
        tpu.enqueue_dma source(%arg13 : memref<640xf32, #tpu.memory_space<vmem>>) target(%dma_start3A_283 : memref<640xf32, #tpu.memory_space<hbm>>) target_semaphore(%arg19 : memref<!tpu.dma_semaphore, #tpu.memory_space<semaphore_mem>>)
      } else {
      }
      %lt3A_65 = arith.constant 3125 : i32
      %lt3A_66 = arith.cmpi slt, %add3A_54, %lt3A_65 : i32
      %convert_element_type3A_67 = arith.extui %lt3A_66 : i1 to i32
      %cond3A_68 = arith.constant 0 : i32
      %cond3A_69 = arith.cmpi ne, %convert_element_type3A_67, %cond3A_68 : i32
      scf.if %cond3A_69 {
        %mul3A_76 = arith.constant 5 : i32
        %mul3A_77 = arith.muli %add3A_54, %mul3A_76 : i32
        "tpu.region"() ({
          %run_scoped3A = tpu.sem_alloc : memref<!tpu.dma_semaphore, #tpu.memory_space<semaphore_mem>>
          %dma_start3A_227 = arith.constant 0 : i32
          %dma_start3A_228 = arith.constant 0 : i32
          %dma_start3A_229 = tpu.memref_slice %arg9[%dma_start3A_227, %dma_start3A_228] : memref<15x128xi32, #tpu.memory_space<vmem>> -> memref<5x128xi32, #tpu.memory_space<vmem>>
          %dma_start3A_230 = arith.constant 0 : i32
          %dma_start3A_231 = tpu.memref_slice %arg3[%mul3A_77, %dma_start3A_230] : memref<15625x128xi32, #tpu.memory_space<hbm>> -> memref<5x128xi32, #tpu.memory_space<hbm>>
          %dma_start3A_232 = arith.constant 0 : i32
          %dma_start3A_233 = arith.constant 0 : i32
          %dma_start3A_234 = tpu.memref_slice %arg9[%dma_start3A_232, %dma_start3A_233] : memref<15x128xi32, #tpu.memory_space<vmem>> -> memref<5x128xi32, #tpu.memory_space<vmem>>
          %dma_start3A_235 = arith.constant 0 : i32
          %dma_start3A_236 = tpu.memref_slice %arg3[%mul3A_77, %dma_start3A_235] : memref<15625x128xi32, #tpu.memory_space<hbm>> -> memref<5x128xi32, #tpu.memory_space<hbm>>
          tpu.enqueue_dma source(%dma_start3A_236 : memref<5x128xi32, #tpu.memory_space<hbm>>) target(%dma_start3A_234 : memref<5x128xi32, #tpu.memory_space<vmem>>) target_semaphore(%run_scoped3A : memref<!tpu.dma_semaphore, #tpu.memory_space<semaphore_mem>>)
          %dma_wait3A_237 = arith.constant 0 : i32
          %dma_wait3A_238 = arith.constant 0 : i32
          %dma_wait3A_239 = tpu.memref_slice %arg9[%dma_wait3A_237, %dma_wait3A_238] : memref<15x128xi32, #tpu.memory_space<vmem>> -> memref<5x128xi32, #tpu.memory_space<vmem>>
          %dma_wait3A_240 = arith.constant 0 : i32
          %dma_wait3A_241 = tpu.memref_slice %arg3[%mul3A_77, %dma_wait3A_240] : memref<15625x128xi32, #tpu.memory_space<hbm>> -> memref<5x128xi32, #tpu.memory_space<hbm>>
          %dma_wait3A_242 = arith.constant 0 : i32
          %dma_wait3A_243 = arith.constant 0 : i32
          %dma_wait3A_244 = tpu.memref_slice %arg9[%dma_wait3A_242, %dma_wait3A_243] : memref<15x128xi32, #tpu.memory_space<vmem>> -> memref<5x128xi32, #tpu.memory_space<vmem>>
          %dma_wait3A_245 = arith.constant 0 : i32
          %dma_wait3A_246 = tpu.memref_slice %arg3[%mul3A_77, %dma_wait3A_245] : memref<15625x128xi32, #tpu.memory_space<hbm>> -> memref<5x128xi32, #tpu.memory_space<hbm>>
          tpu.wait_dma2 semaphore(%run_scoped3A : memref<!tpu.dma_semaphore, #tpu.memory_space<semaphore_mem>>) src(%dma_wait3A_246 : memref<5x128xi32, #tpu.memory_space<hbm>>) dst(%dma_wait3A_244 : memref<5x128xi32, #tpu.memory_space<vmem>>)
          tpu.yield
        }) : () -> ()
        "tpu.region"() ({
          %run_scoped3A = tpu.sem_alloc : memref<!tpu.dma_semaphore, #tpu.memory_space<semaphore_mem>>
          %dma_start3A_227 = arith.constant 5 : i32
          %dma_start3A_228 = arith.constant 0 : i32
          %dma_start3A_229 = tpu.memref_slice %arg9[%dma_start3A_227, %dma_start3A_228] : memref<15x128xi32, #tpu.memory_space<vmem>> -> memref<5x128xi32, #tpu.memory_space<vmem>>
          %dma_start3A_230 = arith.constant 0 : i32
          %dma_start3A_231 = tpu.memref_slice %arg4[%mul3A_77, %dma_start3A_230] : memref<15625x128xi32, #tpu.memory_space<hbm>> -> memref<5x128xi32, #tpu.memory_space<hbm>>
          %dma_start3A_232 = arith.constant 5 : i32
          %dma_start3A_233 = arith.constant 0 : i32
          %dma_start3A_234 = tpu.memref_slice %arg9[%dma_start3A_232, %dma_start3A_233] : memref<15x128xi32, #tpu.memory_space<vmem>> -> memref<5x128xi32, #tpu.memory_space<vmem>>
          %dma_start3A_235 = arith.constant 0 : i32
          %dma_start3A_236 = tpu.memref_slice %arg4[%mul3A_77, %dma_start3A_235] : memref<15625x128xi32, #tpu.memory_space<hbm>> -> memref<5x128xi32, #tpu.memory_space<hbm>>
          tpu.enqueue_dma source(%dma_start3A_236 : memref<5x128xi32, #tpu.memory_space<hbm>>) target(%dma_start3A_234 : memref<5x128xi32, #tpu.memory_space<vmem>>) target_semaphore(%run_scoped3A : memref<!tpu.dma_semaphore, #tpu.memory_space<semaphore_mem>>)
          %dma_wait3A_237 = arith.constant 5 : i32
          %dma_wait3A_238 = arith.constant 0 : i32
          %dma_wait3A_239 = tpu.memref_slice %arg9[%dma_wait3A_237, %dma_wait3A_238] : memref<15x128xi32, #tpu.memory_space<vmem>> -> memref<5x128xi32, #tpu.memory_space<vmem>>
          %dma_wait3A_240 = arith.constant 0 : i32
          %dma_wait3A_241 = tpu.memref_slice %arg4[%mul3A_77, %dma_wait3A_240] : memref<15625x128xi32, #tpu.memory_space<hbm>> -> memref<5x128xi32, #tpu.memory_space<hbm>>
          %dma_wait3A_242 = arith.constant 5 : i32
          %dma_wait3A_243 = arith.constant 0 : i32
          %dma_wait3A_244 = tpu.memref_slice %arg9[%dma_wait3A_242, %dma_wait3A_243] : memref<15x128xi32, #tpu.memory_space<vmem>> -> memref<5x128xi32, #tpu.memory_space<vmem>>
          %dma_wait3A_245 = arith.constant 0 : i32
          %dma_wait3A_246 = tpu.memref_slice %arg4[%mul3A_77, %dma_wait3A_245] : memref<15625x128xi32, #tpu.memory_space<hbm>> -> memref<5x128xi32, #tpu.memory_space<hbm>>
          tpu.wait_dma2 semaphore(%run_scoped3A : memref<!tpu.dma_semaphore, #tpu.memory_space<semaphore_mem>>) src(%dma_wait3A_246 : memref<5x128xi32, #tpu.memory_space<hbm>>) dst(%dma_wait3A_244 : memref<5x128xi32, #tpu.memory_space<vmem>>)
          tpu.yield
        }) : () -> ()
        "tpu.region"() ({
          %run_scoped3A = tpu.sem_alloc : memref<!tpu.dma_semaphore, #tpu.memory_space<semaphore_mem>>
          %dma_start3A_227 = arith.constant 10 : i32
          %dma_start3A_228 = arith.constant 0 : i32
          %dma_start3A_229 = tpu.memref_slice %arg9[%dma_start3A_227, %dma_start3A_228] : memref<15x128xi32, #tpu.memory_space<vmem>> -> memref<5x128xi32, #tpu.memory_space<vmem>>
          %dma_start3A_230 = arith.constant 0 : i32
          %dma_start3A_231 = tpu.memref_slice %arg5[%mul3A_77, %dma_start3A_230] : memref<15625x128xi32, #tpu.memory_space<hbm>> -> memref<5x128xi32, #tpu.memory_space<hbm>>
          %dma_start3A_232 = arith.constant 10 : i32
          %dma_start3A_233 = arith.constant 0 : i32
          %dma_start3A_234 = tpu.memref_slice %arg9[%dma_start3A_232, %dma_start3A_233] : memref<15x128xi32, #tpu.memory_space<vmem>> -> memref<5x128xi32, #tpu.memory_space<vmem>>
          %dma_start3A_235 = arith.constant 0 : i32
          %dma_start3A_236 = tpu.memref_slice %arg5[%mul3A_77, %dma_start3A_235] : memref<15625x128xi32, #tpu.memory_space<hbm>> -> memref<5x128xi32, #tpu.memory_space<hbm>>
          tpu.enqueue_dma source(%dma_start3A_236 : memref<5x128xi32, #tpu.memory_space<hbm>>) target(%dma_start3A_234 : memref<5x128xi32, #tpu.memory_space<vmem>>) target_semaphore(%run_scoped3A : memref<!tpu.dma_semaphore, #tpu.memory_space<semaphore_mem>>)
          %dma_wait3A_237 = arith.constant 10 : i32
          %dma_wait3A_238 = arith.constant 0 : i32
          %dma_wait3A_239 = tpu.memref_slice %arg9[%dma_wait3A_237, %dma_wait3A_238] : memref<15x128xi32, #tpu.memory_space<vmem>> -> memref<5x128xi32, #tpu.memory_space<vmem>>
          %dma_wait3A_240 = arith.constant 0 : i32
          %dma_wait3A_241 = tpu.memref_slice %arg5[%mul3A_77, %dma_wait3A_240] : memref<15625x128xi32, #tpu.memory_space<hbm>> -> memref<5x128xi32, #tpu.memory_space<hbm>>
          %dma_wait3A_242 = arith.constant 10 : i32
          %dma_wait3A_243 = arith.constant 0 : i32
          %dma_wait3A_244 = tpu.memref_slice %arg9[%dma_wait3A_242, %dma_wait3A_243] : memref<15x128xi32, #tpu.memory_space<vmem>> -> memref<5x128xi32, #tpu.memory_space<vmem>>
          %dma_wait3A_245 = arith.constant 0 : i32
          %dma_wait3A_246 = tpu.memref_slice %arg5[%mul3A_77, %dma_wait3A_245] : memref<15625x128xi32, #tpu.memory_space<hbm>> -> memref<5x128xi32, #tpu.memory_space<hbm>>
          tpu.wait_dma2 semaphore(%run_scoped3A : memref<!tpu.dma_semaphore, #tpu.memory_space<semaphore_mem>>) src(%dma_wait3A_246 : memref<5x128xi32, #tpu.memory_space<hbm>>) dst(%dma_wait3A_244 : memref<5x128xi32, #tpu.memory_space<vmem>>)
          tpu.yield
        }) : () -> ()
        %dma_start3A = arith.constant 0 : i32
        %dma_start3A_78 = arith.constant 0 : i32
        %dma_start3A_79 = arith.constant 0 : i32
        %dma_start3A_80 = tpu.memref_slice %arg10[%dma_start3A_78, %dma_start3A_79] : memref<1920x8xf32, #tpu.memory_space<vmem>> -> memref<128x8xf32, #tpu.memory_space<vmem>>
        %dma_start3A_81 = arith.constant 0 : i32
        %dma_start3A_82 = tpu.memref_slice %arg9[%dma_start3A, %dma_start3A_81] : memref<15x128xi32, #tpu.memory_space<vmem>> -> memref<1x128xi32, #tpu.memory_space<vmem>>
        %dma_start3A_83 = tpu.memref_squeeze %dma_start3A_82 : memref<1x128xi32, #tpu.memory_space<vmem>> -> memref<128xi32, #tpu.memory_space<vmem>>
        %dma_start3A_84 = arith.constant 0 : i32
        %dma_start3A_85 = arith.constant 0 : i32
        %dma_start3A_86 = tpu.memref_slice %arg2[%dma_start3A_84, %dma_start3A_85] : memref<1000000x8xf32, #tpu.memory_space<hbm>> -> memref<1000000x8xf32, #tpu.memory_space<hbm>>
        tpu.enqueue_indirect_dma source(%dma_start3A_86 : memref<1000000x8xf32, #tpu.memory_space<hbm>>) target(%dma_start3A_80 : memref<128x8xf32, #tpu.memory_space<vmem>>) offsets(%dma_start3A_83 : memref<128xi32, #tpu.memory_space<vmem>>) semaphore(%arg14 : memref<!tpu.dma_semaphore, #tpu.memory_space<semaphore_mem>>)
        %dma_start3A_87 = arith.constant 5 : i32
        %dma_start3A_88 = arith.constant 640 : i32
        %dma_start3A_89 = arith.constant 0 : i32
        %dma_start3A_90 = tpu.memref_slice %arg10[%dma_start3A_88, %dma_start3A_89] : memref<1920x8xf32, #tpu.memory_space<vmem>> -> memref<128x8xf32, #tpu.memory_space<vmem>>
        %dma_start3A_91 = arith.constant 0 : i32
        %dma_start3A_92 = tpu.memref_slice %arg9[%dma_start3A_87, %dma_start3A_91] : memref<15x128xi32, #tpu.memory_space<vmem>> -> memref<1x128xi32, #tpu.memory_space<vmem>>
        %dma_start3A_93 = tpu.memref_squeeze %dma_start3A_92 : memref<1x128xi32, #tpu.memory_space<vmem>> -> memref<128xi32, #tpu.memory_space<vmem>>
        %dma_start3A_94 = arith.constant 0 : i32
        %dma_start3A_95 = arith.constant 0 : i32
        %dma_start3A_96 = tpu.memref_slice %arg2[%dma_start3A_94, %dma_start3A_95] : memref<1000000x8xf32, #tpu.memory_space<hbm>> -> memref<1000000x8xf32, #tpu.memory_space<hbm>>
        tpu.enqueue_indirect_dma source(%dma_start3A_96 : memref<1000000x8xf32, #tpu.memory_space<hbm>>) target(%dma_start3A_90 : memref<128x8xf32, #tpu.memory_space<vmem>>) offsets(%dma_start3A_93 : memref<128xi32, #tpu.memory_space<vmem>>) semaphore(%arg14 : memref<!tpu.dma_semaphore, #tpu.memory_space<semaphore_mem>>)
        %dma_start3A_97 = arith.constant 10 : i32
        %dma_start3A_98 = arith.constant 1280 : i32
        %dma_start3A_99 = arith.constant 0 : i32
        %dma_start3A_100 = tpu.memref_slice %arg10[%dma_start3A_98, %dma_start3A_99] : memref<1920x8xf32, #tpu.memory_space<vmem>> -> memref<128x8xf32, #tpu.memory_space<vmem>>
        %dma_start3A_101 = arith.constant 0 : i32
        %dma_start3A_102 = tpu.memref_slice %arg9[%dma_start3A_97, %dma_start3A_101] : memref<15x128xi32, #tpu.memory_space<vmem>> -> memref<1x128xi32, #tpu.memory_space<vmem>>
        %dma_start3A_103 = tpu.memref_squeeze %dma_start3A_102 : memref<1x128xi32, #tpu.memory_space<vmem>> -> memref<128xi32, #tpu.memory_space<vmem>>
        %dma_start3A_104 = arith.constant 0 : i32
        %dma_start3A_105 = arith.constant 0 : i32
        %dma_start3A_106 = tpu.memref_slice %arg2[%dma_start3A_104, %dma_start3A_105] : memref<1000000x8xf32, #tpu.memory_space<hbm>> -> memref<1000000x8xf32, #tpu.memory_space<hbm>>
        tpu.enqueue_indirect_dma source(%dma_start3A_106 : memref<1000000x8xf32, #tpu.memory_space<hbm>>) target(%dma_start3A_100 : memref<128x8xf32, #tpu.memory_space<vmem>>) offsets(%dma_start3A_103 : memref<128xi32, #tpu.memory_space<vmem>>) semaphore(%arg14 : memref<!tpu.dma_semaphore, #tpu.memory_space<semaphore_mem>>)
        %dma_start3A_107 = arith.constant 1 : i32
        %dma_start3A_108 = arith.constant 128 : i32
        %dma_start3A_109 = arith.constant 0 : i32
        %dma_start3A_110 = tpu.memref_slice %arg10[%dma_start3A_108, %dma_start3A_109] : memref<1920x8xf32, #tpu.memory_space<vmem>> -> memref<128x8xf32, #tpu.memory_space<vmem>>
        %dma_start3A_111 = arith.constant 0 : i32
        %dma_start3A_112 = tpu.memref_slice %arg9[%dma_start3A_107, %dma_start3A_111] : memref<15x128xi32, #tpu.memory_space<vmem>> -> memref<1x128xi32, #tpu.memory_space<vmem>>
        %dma_start3A_113 = tpu.memref_squeeze %dma_start3A_112 : memref<1x128xi32, #tpu.memory_space<vmem>> -> memref<128xi32, #tpu.memory_space<vmem>>
        %dma_start3A_114 = arith.constant 0 : i32
        %dma_start3A_115 = arith.constant 0 : i32
        %dma_start3A_116 = tpu.memref_slice %arg2[%dma_start3A_114, %dma_start3A_115] : memref<1000000x8xf32, #tpu.memory_space<hbm>> -> memref<1000000x8xf32, #tpu.memory_space<hbm>>
        tpu.enqueue_indirect_dma source(%dma_start3A_116 : memref<1000000x8xf32, #tpu.memory_space<hbm>>) target(%dma_start3A_110 : memref<128x8xf32, #tpu.memory_space<vmem>>) offsets(%dma_start3A_113 : memref<128xi32, #tpu.memory_space<vmem>>) semaphore(%arg15 : memref<!tpu.dma_semaphore, #tpu.memory_space<semaphore_mem>>)
        %dma_start3A_117 = arith.constant 6 : i32
        %dma_start3A_118 = arith.constant 768 : i32
        %dma_start3A_119 = arith.constant 0 : i32
        %dma_start3A_120 = tpu.memref_slice %arg10[%dma_start3A_118, %dma_start3A_119] : memref<1920x8xf32, #tpu.memory_space<vmem>> -> memref<128x8xf32, #tpu.memory_space<vmem>>
        %dma_start3A_121 = arith.constant 0 : i32
        %dma_start3A_122 = tpu.memref_slice %arg9[%dma_start3A_117, %dma_start3A_121] : memref<15x128xi32, #tpu.memory_space<vmem>> -> memref<1x128xi32, #tpu.memory_space<vmem>>
        %dma_start3A_123 = tpu.memref_squeeze %dma_start3A_122 : memref<1x128xi32, #tpu.memory_space<vmem>> -> memref<128xi32, #tpu.memory_space<vmem>>
        %dma_start3A_124 = arith.constant 0 : i32
        %dma_start3A_125 = arith.constant 0 : i32
        %dma_start3A_126 = tpu.memref_slice %arg2[%dma_start3A_124, %dma_start3A_125] : memref<1000000x8xf32, #tpu.memory_space<hbm>> -> memref<1000000x8xf32, #tpu.memory_space<hbm>>
        tpu.enqueue_indirect_dma source(%dma_start3A_126 : memref<1000000x8xf32, #tpu.memory_space<hbm>>) target(%dma_start3A_120 : memref<128x8xf32, #tpu.memory_space<vmem>>) offsets(%dma_start3A_123 : memref<128xi32, #tpu.memory_space<vmem>>) semaphore(%arg15 : memref<!tpu.dma_semaphore, #tpu.memory_space<semaphore_mem>>)
        %dma_start3A_127 = arith.constant 11 : i32
        %dma_start3A_128 = arith.constant 1408 : i32
        %dma_start3A_129 = arith.constant 0 : i32
        %dma_start3A_130 = tpu.memref_slice %arg10[%dma_start3A_128, %dma_start3A_129] : memref<1920x8xf32, #tpu.memory_space<vmem>> -> memref<128x8xf32, #tpu.memory_space<vmem>>
        %dma_start3A_131 = arith.constant 0 : i32
        %dma_start3A_132 = tpu.memref_slice %arg9[%dma_start3A_127, %dma_start3A_131] : memref<15x128xi32, #tpu.memory_space<vmem>> -> memref<1x128xi32, #tpu.memory_space<vmem>>
        %dma_start3A_133 = tpu.memref_squeeze %dma_start3A_132 : memref<1x128xi32, #tpu.memory_space<vmem>> -> memref<128xi32, #tpu.memory_space<vmem>>
        %dma_start3A_134 = arith.constant 0 : i32
        %dma_start3A_135 = arith.constant 0 : i32
        %dma_start3A_136 = tpu.memref_slice %arg2[%dma_start3A_134, %dma_start3A_135] : memref<1000000x8xf32, #tpu.memory_space<hbm>> -> memref<1000000x8xf32, #tpu.memory_space<hbm>>
        tpu.enqueue_indirect_dma source(%dma_start3A_136 : memref<1000000x8xf32, #tpu.memory_space<hbm>>) target(%dma_start3A_130 : memref<128x8xf32, #tpu.memory_space<vmem>>) offsets(%dma_start3A_133 : memref<128xi32, #tpu.memory_space<vmem>>) semaphore(%arg15 : memref<!tpu.dma_semaphore, #tpu.memory_space<semaphore_mem>>)
        %dma_start3A_137 = arith.constant 2 : i32
        %dma_start3A_138 = arith.constant 256 : i32
        %dma_start3A_139 = arith.constant 0 : i32
        %dma_start3A_140 = tpu.memref_slice %arg10[%dma_start3A_138, %dma_start3A_139] : memref<1920x8xf32, #tpu.memory_space<vmem>> -> memref<128x8xf32, #tpu.memory_space<vmem>>
        %dma_start3A_141 = arith.constant 0 : i32
        %dma_start3A_142 = tpu.memref_slice %arg9[%dma_start3A_137, %dma_start3A_141] : memref<15x128xi32, #tpu.memory_space<vmem>> -> memref<1x128xi32, #tpu.memory_space<vmem>>
        %dma_start3A_143 = tpu.memref_squeeze %dma_start3A_142 : memref<1x128xi32, #tpu.memory_space<vmem>> -> memref<128xi32, #tpu.memory_space<vmem>>
        %dma_start3A_144 = arith.constant 0 : i32
        %dma_start3A_145 = arith.constant 0 : i32
        %dma_start3A_146 = tpu.memref_slice %arg2[%dma_start3A_144, %dma_start3A_145] : memref<1000000x8xf32, #tpu.memory_space<hbm>> -> memref<1000000x8xf32, #tpu.memory_space<hbm>>
        tpu.enqueue_indirect_dma source(%dma_start3A_146 : memref<1000000x8xf32, #tpu.memory_space<hbm>>) target(%dma_start3A_140 : memref<128x8xf32, #tpu.memory_space<vmem>>) offsets(%dma_start3A_143 : memref<128xi32, #tpu.memory_space<vmem>>) semaphore(%arg16 : memref<!tpu.dma_semaphore, #tpu.memory_space<semaphore_mem>>)
        %dma_start3A_147 = arith.constant 7 : i32
        %dma_start3A_148 = arith.constant 896 : i32
        %dma_start3A_149 = arith.constant 0 : i32
        %dma_start3A_150 = tpu.memref_slice %arg10[%dma_start3A_148, %dma_start3A_149] : memref<1920x8xf32, #tpu.memory_space<vmem>> -> memref<128x8xf32, #tpu.memory_space<vmem>>
        %dma_start3A_151 = arith.constant 0 : i32
        %dma_start3A_152 = tpu.memref_slice %arg9[%dma_start3A_147, %dma_start3A_151] : memref<15x128xi32, #tpu.memory_space<vmem>> -> memref<1x128xi32, #tpu.memory_space<vmem>>
        %dma_start3A_153 = tpu.memref_squeeze %dma_start3A_152 : memref<1x128xi32, #tpu.memory_space<vmem>> -> memref<128xi32, #tpu.memory_space<vmem>>
        %dma_start3A_154 = arith.constant 0 : i32
        %dma_start3A_155 = arith.constant 0 : i32
        %dma_start3A_156 = tpu.memref_slice %arg2[%dma_start3A_154, %dma_start3A_155] : memref<1000000x8xf32, #tpu.memory_space<hbm>> -> memref<1000000x8xf32, #tpu.memory_space<hbm>>
        tpu.enqueue_indirect_dma source(%dma_start3A_156 : memref<1000000x8xf32, #tpu.memory_space<hbm>>) target(%dma_start3A_150 : memref<128x8xf32, #tpu.memory_space<vmem>>) offsets(%dma_start3A_153 : memref<128xi32, #tpu.memory_space<vmem>>) semaphore(%arg16 : memref<!tpu.dma_semaphore, #tpu.memory_space<semaphore_mem>>)
        %dma_start3A_157 = arith.constant 12 : i32
        %dma_start3A_158 = arith.constant 1536 : i32
        %dma_start3A_159 = arith.constant 0 : i32
        %dma_start3A_160 = tpu.memref_slice %arg10[%dma_start3A_158, %dma_start3A_159] : memref<1920x8xf32, #tpu.memory_space<vmem>> -> memref<128x8xf32, #tpu.memory_space<vmem>>
        %dma_start3A_161 = arith.constant 0 : i32
        %dma_start3A_162 = tpu.memref_slice %arg9[%dma_start3A_157, %dma_start3A_161] : memref<15x128xi32, #tpu.memory_space<vmem>> -> memref<1x128xi32, #tpu.memory_space<vmem>>
        %dma_start3A_163 = tpu.memref_squeeze %dma_start3A_162 : memref<1x128xi32, #tpu.memory_space<vmem>> -> memref<128xi32, #tpu.memory_space<vmem>>
        %dma_start3A_164 = arith.constant 0 : i32
        %dma_start3A_165 = arith.constant 0 : i32
        %dma_start3A_166 = tpu.memref_slice %arg2[%dma_start3A_164, %dma_start3A_165] : memref<1000000x8xf32, #tpu.memory_space<hbm>> -> memref<1000000x8xf32, #tpu.memory_space<hbm>>
        tpu.enqueue_indirect_dma source(%dma_start3A_166 : memref<1000000x8xf32, #tpu.memory_space<hbm>>) target(%dma_start3A_160 : memref<128x8xf32, #tpu.memory_space<vmem>>) offsets(%dma_start3A_163 : memref<128xi32, #tpu.memory_space<vmem>>) semaphore(%arg16 : memref<!tpu.dma_semaphore, #tpu.memory_space<semaphore_mem>>)
        %dma_start3A_167 = arith.constant 3 : i32
        %dma_start3A_168 = arith.constant 384 : i32
        %dma_start3A_169 = arith.constant 0 : i32
        %dma_start3A_170 = tpu.memref_slice %arg10[%dma_start3A_168, %dma_start3A_169] : memref<1920x8xf32, #tpu.memory_space<vmem>> -> memref<128x8xf32, #tpu.memory_space<vmem>>
        %dma_start3A_171 = arith.constant 0 : i32
        %dma_start3A_172 = tpu.memref_slice %arg9[%dma_start3A_167, %dma_start3A_171] : memref<15x128xi32, #tpu.memory_space<vmem>> -> memref<1x128xi32, #tpu.memory_space<vmem>>
        %dma_start3A_173 = tpu.memref_squeeze %dma_start3A_172 : memref<1x128xi32, #tpu.memory_space<vmem>> -> memref<128xi32, #tpu.memory_space<vmem>>
        %dma_start3A_174 = arith.constant 0 : i32
        %dma_start3A_175 = arith.constant 0 : i32
        %dma_start3A_176 = tpu.memref_slice %arg2[%dma_start3A_174, %dma_start3A_175] : memref<1000000x8xf32, #tpu.memory_space<hbm>> -> memref<1000000x8xf32, #tpu.memory_space<hbm>>
        tpu.enqueue_indirect_dma source(%dma_start3A_176 : memref<1000000x8xf32, #tpu.memory_space<hbm>>) target(%dma_start3A_170 : memref<128x8xf32, #tpu.memory_space<vmem>>) offsets(%dma_start3A_173 : memref<128xi32, #tpu.memory_space<vmem>>) semaphore(%arg17 : memref<!tpu.dma_semaphore, #tpu.memory_space<semaphore_mem>>)
        %dma_start3A_177 = arith.constant 8 : i32
        %dma_start3A_178 = arith.constant 1024 : i32
        %dma_start3A_179 = arith.constant 0 : i32
        %dma_start3A_180 = tpu.memref_slice %arg10[%dma_start3A_178, %dma_start3A_179] : memref<1920x8xf32, #tpu.memory_space<vmem>> -> memref<128x8xf32, #tpu.memory_space<vmem>>
        %dma_start3A_181 = arith.constant 0 : i32
        %dma_start3A_182 = tpu.memref_slice %arg9[%dma_start3A_177, %dma_start3A_181] : memref<15x128xi32, #tpu.memory_space<vmem>> -> memref<1x128xi32, #tpu.memory_space<vmem>>
        %dma_start3A_183 = tpu.memref_squeeze %dma_start3A_182 : memref<1x128xi32, #tpu.memory_space<vmem>> -> memref<128xi32, #tpu.memory_space<vmem>>
        %dma_start3A_184 = arith.constant 0 : i32
        %dma_start3A_185 = arith.constant 0 : i32
        %dma_start3A_186 = tpu.memref_slice %arg2[%dma_start3A_184, %dma_start3A_185] : memref<1000000x8xf32, #tpu.memory_space<hbm>> -> memref<1000000x8xf32, #tpu.memory_space<hbm>>
        tpu.enqueue_indirect_dma source(%dma_start3A_186 : memref<1000000x8xf32, #tpu.memory_space<hbm>>) target(%dma_start3A_180 : memref<128x8xf32, #tpu.memory_space<vmem>>) offsets(%dma_start3A_183 : memref<128xi32, #tpu.memory_space<vmem>>) semaphore(%arg17 : memref<!tpu.dma_semaphore, #tpu.memory_space<semaphore_mem>>)
        %dma_start3A_187 = arith.constant 13 : i32
        %dma_start3A_188 = arith.constant 1664 : i32
        %dma_start3A_189 = arith.constant 0 : i32
        %dma_start3A_190 = tpu.memref_slice %arg10[%dma_start3A_188, %dma_start3A_189] : memref<1920x8xf32, #tpu.memory_space<vmem>> -> memref<128x8xf32, #tpu.memory_space<vmem>>
        %dma_start3A_191 = arith.constant 0 : i32
        %dma_start3A_192 = tpu.memref_slice %arg9[%dma_start3A_187, %dma_start3A_191] : memref<15x128xi32, #tpu.memory_space<vmem>> -> memref<1x128xi32, #tpu.memory_space<vmem>>
        %dma_start3A_193 = tpu.memref_squeeze %dma_start3A_192 : memref<1x128xi32, #tpu.memory_space<vmem>> -> memref<128xi32, #tpu.memory_space<vmem>>
        %dma_start3A_194 = arith.constant 0 : i32
        %dma_start3A_195 = arith.constant 0 : i32
        %dma_start3A_196 = tpu.memref_slice %arg2[%dma_start3A_194, %dma_start3A_195] : memref<1000000x8xf32, #tpu.memory_space<hbm>> -> memref<1000000x8xf32, #tpu.memory_space<hbm>>
        tpu.enqueue_indirect_dma source(%dma_start3A_196 : memref<1000000x8xf32, #tpu.memory_space<hbm>>) target(%dma_start3A_190 : memref<128x8xf32, #tpu.memory_space<vmem>>) offsets(%dma_start3A_193 : memref<128xi32, #tpu.memory_space<vmem>>) semaphore(%arg17 : memref<!tpu.dma_semaphore, #tpu.memory_space<semaphore_mem>>)
        %dma_start3A_197 = arith.constant 4 : i32
        %dma_start3A_198 = arith.constant 512 : i32
        %dma_start3A_199 = arith.constant 0 : i32
        %dma_start3A_200 = tpu.memref_slice %arg10[%dma_start3A_198, %dma_start3A_199] : memref<1920x8xf32, #tpu.memory_space<vmem>> -> memref<128x8xf32, #tpu.memory_space<vmem>>
        %dma_start3A_201 = arith.constant 0 : i32
        %dma_start3A_202 = tpu.memref_slice %arg9[%dma_start3A_197, %dma_start3A_201] : memref<15x128xi32, #tpu.memory_space<vmem>> -> memref<1x128xi32, #tpu.memory_space<vmem>>
        %dma_start3A_203 = tpu.memref_squeeze %dma_start3A_202 : memref<1x128xi32, #tpu.memory_space<vmem>> -> memref<128xi32, #tpu.memory_space<vmem>>
        %dma_start3A_204 = arith.constant 0 : i32
        %dma_start3A_205 = arith.constant 0 : i32
        %dma_start3A_206 = tpu.memref_slice %arg2[%dma_start3A_204, %dma_start3A_205] : memref<1000000x8xf32, #tpu.memory_space<hbm>> -> memref<1000000x8xf32, #tpu.memory_space<hbm>>
        tpu.enqueue_indirect_dma source(%dma_start3A_206 : memref<1000000x8xf32, #tpu.memory_space<hbm>>) target(%dma_start3A_200 : memref<128x8xf32, #tpu.memory_space<vmem>>) offsets(%dma_start3A_203 : memref<128xi32, #tpu.memory_space<vmem>>) semaphore(%arg18 : memref<!tpu.dma_semaphore, #tpu.memory_space<semaphore_mem>>)
        %dma_start3A_207 = arith.constant 9 : i32
        %dma_start3A_208 = arith.constant 1152 : i32
        %dma_start3A_209 = arith.constant 0 : i32
        %dma_start3A_210 = tpu.memref_slice %arg10[%dma_start3A_208, %dma_start3A_209] : memref<1920x8xf32, #tpu.memory_space<vmem>> -> memref<128x8xf32, #tpu.memory_space<vmem>>
        %dma_start3A_211 = arith.constant 0 : i32
        %dma_start3A_212 = tpu.memref_slice %arg9[%dma_start3A_207, %dma_start3A_211] : memref<15x128xi32, #tpu.memory_space<vmem>> -> memref<1x128xi32, #tpu.memory_space<vmem>>
        %dma_start3A_213 = tpu.memref_squeeze %dma_start3A_212 : memref<1x128xi32, #tpu.memory_space<vmem>> -> memref<128xi32, #tpu.memory_space<vmem>>
        %dma_start3A_214 = arith.constant 0 : i32
        %dma_start3A_215 = arith.constant 0 : i32
        %dma_start3A_216 = tpu.memref_slice %arg2[%dma_start3A_214, %dma_start3A_215] : memref<1000000x8xf32, #tpu.memory_space<hbm>> -> memref<1000000x8xf32, #tpu.memory_space<hbm>>
        tpu.enqueue_indirect_dma source(%dma_start3A_216 : memref<1000000x8xf32, #tpu.memory_space<hbm>>) target(%dma_start3A_210 : memref<128x8xf32, #tpu.memory_space<vmem>>) offsets(%dma_start3A_213 : memref<128xi32, #tpu.memory_space<vmem>>) semaphore(%arg18 : memref<!tpu.dma_semaphore, #tpu.memory_space<semaphore_mem>>)
        %dma_start3A_217 = arith.constant 14 : i32
        %dma_start3A_218 = arith.constant 1792 : i32
        %dma_start3A_219 = arith.constant 0 : i32
        %dma_start3A_220 = tpu.memref_slice %arg10[%dma_start3A_218, %dma_start3A_219] : memref<1920x8xf32, #tpu.memory_space<vmem>> -> memref<128x8xf32, #tpu.memory_space<vmem>>
        %dma_start3A_221 = arith.constant 0 : i32
        %dma_start3A_222 = tpu.memref_slice %arg9[%dma_start3A_217, %dma_start3A_221] : memref<15x128xi32, #tpu.memory_space<vmem>> -> memref<1x128xi32, #tpu.memory_space<vmem>>
        %dma_start3A_223 = tpu.memref_squeeze %dma_start3A_222 : memref<1x128xi32, #tpu.memory_space<vmem>> -> memref<128xi32, #tpu.memory_space<vmem>>
        %dma_start3A_224 = arith.constant 0 : i32
        %dma_start3A_225 = arith.constant 0 : i32
        %dma_start3A_226 = tpu.memref_slice %arg2[%dma_start3A_224, %dma_start3A_225] : memref<1000000x8xf32, #tpu.memory_space<hbm>> -> memref<1000000x8xf32, #tpu.memory_space<hbm>>
        tpu.enqueue_indirect_dma source(%dma_start3A_226 : memref<1000000x8xf32, #tpu.memory_space<hbm>>) target(%dma_start3A_220 : memref<128x8xf32, #tpu.memory_space<vmem>>) offsets(%dma_start3A_223 : memref<128xi32, #tpu.memory_space<vmem>>) semaphore(%arg18 : memref<!tpu.dma_semaphore, #tpu.memory_space<semaphore_mem>>)
      } else {
      }
      %lt3A_70 = arith.constant 3125 : i32
      %lt3A_71 = arith.cmpi slt, %add3A_52, %lt3A_70 : i32
      %convert_element_type3A_72 = arith.extui %lt3A_71 : i1 to i32
      %cond3A_73 = arith.constant 0 : i32
      %cond3A_74 = arith.cmpi ne, %convert_element_type3A_72, %cond3A_73 : i32
      scf.if %cond3A_74 {
        %add3A_76 = arith.constant 64 : i32
        %add3A_77 = arith.addi %add3A, %add3A_76 : i32
        %ge3A = arith.cmpi sge, %add3A_52, %add3A_77 : i32
        %convert_element_type3A_78 = arith.extui %ge3A : i1 to i32
        %cond3A_79 = arith.constant 0 : i32
        %cond3A_80 = arith.cmpi ne, %convert_element_type3A_78, %cond3A_79 : i32
        scf.if %cond3A_80 {
          %sub3A = arith.constant 64 : i32
          %sub3A_284 = arith.subi %add3A_52, %sub3A : i32
          %mul3A_285 = arith.constant 640 : i32
          %mul3A_286 = arith.muli %sub3A_284, %mul3A_285 : i32
          %mul3A_287 = arith.constant 5 : i32
          %mul3A_288 = arith.muli %sub3A_284, %mul3A_287 : i32
          %dma_wait3A_289 = arith.constant 0 : i32
          %dma_wait3A_290 = arith.constant 0 : i32
          %dma_wait3A_291 = tpu.memref_slice %arg6[%mul3A_288, %dma_wait3A_289, %dma_wait3A_290] : memref<15625x4x128xf32, #tpu.memory_space<hbm>> -> memref<5x4x128xf32, #tpu.memory_space<hbm>>
          %dma_wait3A_292 = arith.constant 0 : i32
          %dma_wait3A_293 = arith.constant 0 : i32
          %dma_wait3A_294 = tpu.memref_slice %arg6[%mul3A_288, %dma_wait3A_292, %dma_wait3A_293] : memref<15625x4x128xf32, #tpu.memory_space<hbm>> -> memref<5x4x128xf32, #tpu.memory_space<hbm>>
          tpu.wait_dma2 semaphore(%arg30 : memref<!tpu.dma_semaphore, #tpu.memory_space<semaphore_mem>>) src(%arg22 : memref<5x4x128xf32, #tpu.memory_space<vmem>>) dst(%dma_wait3A_294 : memref<5x4x128xf32, #tpu.memory_space<hbm>>)
          %dma_wait3A_295 = arith.constant 0 : i32
          %dma_wait3A_296 = arith.constant 0 : i32
          %dma_wait3A_297 = tpu.memref_slice %arg7[%mul3A_288, %dma_wait3A_295, %dma_wait3A_296] : memref<15625x4x128xf32, #tpu.memory_space<hbm>> -> memref<5x4x128xf32, #tpu.memory_space<hbm>>
          %dma_wait3A_298 = arith.constant 0 : i32
          %dma_wait3A_299 = arith.constant 0 : i32
          %dma_wait3A_300 = tpu.memref_slice %arg7[%mul3A_288, %dma_wait3A_298, %dma_wait3A_299] : memref<15625x4x128xf32, #tpu.memory_space<hbm>> -> memref<5x4x128xf32, #tpu.memory_space<hbm>>
          tpu.wait_dma2 semaphore(%arg30 : memref<!tpu.dma_semaphore, #tpu.memory_space<semaphore_mem>>) src(%arg23 : memref<5x4x128xf32, #tpu.memory_space<vmem>>) dst(%dma_wait3A_300 : memref<5x4x128xf32, #tpu.memory_space<hbm>>)
          %dma_wait3A_301 = tpu.memref_slice %arg8[%mul3A_286] : memref<2000000xf32, #tpu.memory_space<hbm>> -> memref<640xf32, #tpu.memory_space<hbm>>
          %dma_wait3A_302 = tpu.memref_slice %arg8[%mul3A_286] : memref<2000000xf32, #tpu.memory_space<hbm>> -> memref<640xf32, #tpu.memory_space<hbm>>
          tpu.wait_dma2 semaphore(%arg30 : memref<!tpu.dma_semaphore, #tpu.memory_space<semaphore_mem>>) src(%arg24 : memref<640xf32, #tpu.memory_space<vmem>>) dst(%dma_wait3A_302 : memref<640xf32, #tpu.memory_space<hbm>>)
        } else {
        }
        %broadcast_in_dim3A = arith.constant 0 : i32
        %broadcast_in_dim3A_81 = vector.broadcast %broadcast_in_dim3A : i32 to vector<16xi32>
        %dma_wait3A_82 = arith.constant 0 : i32
        %dma_wait3A_83 = arith.constant 0 : i32
        %dma_wait3A_84 = arith.constant 0 : i32
        %dma_wait3A_85 = tpu.memref_slice %arg21[%dma_wait3A_83, %dma_wait3A_84] : memref<1920x8xf32, #tpu.memory_space<vmem>> -> memref<128x8xf32, #tpu.memory_space<vmem>>
        %dma_wait3A_86 = arith.constant 0 : i32
        %dma_wait3A_87 = tpu.memref_slice %arg20[%dma_wait3A_82, %dma_wait3A_86] : memref<15x128xi32, #tpu.memory_space<vmem>> -> memref<1x128xi32, #tpu.memory_space<vmem>>
        %dma_wait3A_88 = tpu.memref_squeeze %dma_wait3A_87 : memref<1x128xi32, #tpu.memory_space<vmem>> -> memref<128xi32, #tpu.memory_space<vmem>>
        %dma_wait3A_89 = arith.constant 0 : i32
        %dma_wait3A_90 = arith.constant 0 : i32
        %dma_wait3A_91 = tpu.memref_slice %arg2[%dma_wait3A_89, %dma_wait3A_90] : memref<1000000x8xf32, #tpu.memory_space<hbm>> -> memref<1000000x8xf32, #tpu.memory_space<hbm>>
        tpu.wait_indirect_dma semaphore(%arg25 : memref<!tpu.dma_semaphore, #tpu.memory_space<semaphore_mem>>) src(%dma_wait3A_91 : memref<1000000x8xf32, #tpu.memory_space<hbm>>) dst(%dma_wait3A_85 : memref<128x8xf32, #tpu.memory_space<vmem>>)
        %dma_wait3A_92 = arith.constant 5 : i32
        %dma_wait3A_93 = arith.constant 640 : i32
        %dma_wait3A_94 = arith.constant 0 : i32
        %dma_wait3A_95 = tpu.memref_slice %arg21[%dma_wait3A_93, %dma_wait3A_94] : memref<1920x8xf32, #tpu.memory_space<vmem>> -> memref<128x8xf32, #tpu.memory_space<vmem>>
        %dma_wait3A_96 = arith.constant 0 : i32
        %dma_wait3A_97 = tpu.memref_slice %arg20[%dma_wait3A_92, %dma_wait3A_96] : memref<15x128xi32, #tpu.memory_space<vmem>> -> memref<1x128xi32, #tpu.memory_space<vmem>>
        %dma_wait3A_98 = tpu.memref_squeeze %dma_wait3A_97 : memref<1x128xi32, #tpu.memory_space<vmem>> -> memref<128xi32, #tpu.memory_space<vmem>>
        %dma_wait3A_99 = arith.constant 0 : i32
        %dma_wait3A_100 = arith.constant 0 : i32
        %dma_wait3A_101 = tpu.memref_slice %arg2[%dma_wait3A_99, %dma_wait3A_100] : memref<1000000x8xf32, #tpu.memory_space<hbm>> -> memref<1000000x8xf32, #tpu.memory_space<hbm>>
        tpu.wait_indirect_dma semaphore(%arg25 : memref<!tpu.dma_semaphore, #tpu.memory_space<semaphore_mem>>) src(%dma_wait3A_101 : memref<1000000x8xf32, #tpu.memory_space<hbm>>) dst(%dma_wait3A_95 : memref<128x8xf32, #tpu.memory_space<vmem>>)
        %dma_wait3A_102 = arith.constant 10 : i32
        %dma_wait3A_103 = arith.constant 1280 : i32
        %dma_wait3A_104 = arith.constant 0 : i32
        %dma_wait3A_105 = tpu.memref_slice %arg21[%dma_wait3A_103, %dma_wait3A_104] : memref<1920x8xf32, #tpu.memory_space<vmem>> -> memref<128x8xf32, #tpu.memory_space<vmem>>
        %dma_wait3A_106 = arith.constant 0 : i32
        %dma_wait3A_107 = tpu.memref_slice %arg20[%dma_wait3A_102, %dma_wait3A_106] : memref<15x128xi32, #tpu.memory_space<vmem>> -> memref<1x128xi32, #tpu.memory_space<vmem>>
        %dma_wait3A_108 = tpu.memref_squeeze %dma_wait3A_107 : memref<1x128xi32, #tpu.memory_space<vmem>> -> memref<128xi32, #tpu.memory_space<vmem>>
        %dma_wait3A_109 = arith.constant 0 : i32
        %dma_wait3A_110 = arith.constant 0 : i32
        %dma_wait3A_111 = tpu.memref_slice %arg2[%dma_wait3A_109, %dma_wait3A_110] : memref<1000000x8xf32, #tpu.memory_space<hbm>> -> memref<1000000x8xf32, #tpu.memory_space<hbm>>
        tpu.wait_indirect_dma semaphore(%arg25 : memref<!tpu.dma_semaphore, #tpu.memory_space<semaphore_mem>>) src(%dma_wait3A_111 : memref<1000000x8xf32, #tpu.memory_space<hbm>>) dst(%dma_wait3A_105 : memref<128x8xf32, #tpu.memory_space<vmem>>)
        %scan3A_112 = arith.constant 0 : i32
        %scan3A_113 = arith.constant 0 : i32
        %scan3A_114 = arith.constant 8 : i32
        %scan3A_115 = arith.addi %scan3A_113, %scan3A_114 : i32
        %scan3A_116 = arith.constant 1 : i32
        %scan3A_117 = scf.for %scan3A_284 = %scan3A_113 to %scan3A_115 step %scan3A_116 iter_args(%scan3A_285 = %scan3A_112) -> (i32)  : i32 {
          %mul3A_286 = arith.constant 16 : i32
          %mul3A_287 = arith.muli %scan3A_284, %mul3A_286 : i32
          %add3A_288 = vector.broadcast %mul3A_287 : i32 to vector<16xi32>
          %add3A_289 = arith.addi %add3A_288, %iota3A : vector<16xi32>
          %add3A_290 = arith.constant 0 : i32
          %add3A_291 = vector.broadcast %add3A_290 : i32 to vector<16xi32>
          %add3A_292 = arith.addi %add3A_289, %add3A_291 : vector<16xi32>
          %add3A_293 = arith.constant 0 : i32
          %add3A_294 = vector.broadcast %add3A_293 : i32 to vector<16xi32>
          %add3A_295 = arith.addi %broadcast_in_dim3A_81, %add3A_294 : vector<16xi32>
          %gather3A = tpu.vector_load_idx %arg21[%add3A_292, %add3A_295] : memref<1920x8xf32, #tpu.memory_space<vmem>>[vector<16xi32>, vector<16xi32>], vector<16xf32>,
          %add3A_296 = arith.constant 1 : i32
          %add3A_297 = vector.broadcast %add3A_296 : i32 to vector<16xi32>
          %add3A_298 = arith.addi %broadcast_in_dim3A_81, %add3A_297 : vector<16xi32>
          %gather3A_299 = tpu.vector_load_idx %arg21[%add3A_292, %add3A_298] : memref<1920x8xf32, #tpu.memory_space<vmem>>[vector<16xi32>, vector<16xi32>], vector<16xf32>,
          %add3A_300 = arith.constant 2 : i32
          %add3A_301 = vector.broadcast %add3A_300 : i32 to vector<16xi32>
          %add3A_302 = arith.addi %broadcast_in_dim3A_81, %add3A_301 : vector<16xi32>
          %gather3A_303 = tpu.vector_load_idx %arg21[%add3A_292, %add3A_302] : memref<1920x8xf32, #tpu.memory_space<vmem>>[vector<16xi32>, vector<16xi32>], vector<16xf32>,
          %add3A_304 = arith.constant 640 : i32
          %add3A_305 = vector.broadcast %add3A_304 : i32 to vector<16xi32>
          %add3A_306 = arith.addi %add3A_289, %add3A_305 : vector<16xi32>
          %add3A_307 = arith.constant 0 : i32
          %add3A_308 = vector.broadcast %add3A_307 : i32 to vector<16xi32>
          %add3A_309 = arith.addi %broadcast_in_dim3A_81, %add3A_308 : vector<16xi32>
          %gather3A_310 = tpu.vector_load_idx %arg21[%add3A_306, %add3A_309] : memref<1920x8xf32, #tpu.memory_space<vmem>>[vector<16xi32>, vector<16xi32>], vector<16xf32>,
          %add3A_311 = arith.constant 1 : i32
          %add3A_312 = vector.broadcast %add3A_311 : i32 to vector<16xi32>
          %add3A_313 = arith.addi %broadcast_in_dim3A_81, %add3A_312 : vector<16xi32>
          %gather3A_314 = tpu.vector_load_idx %arg21[%add3A_306, %add3A_313] : memref<1920x8xf32, #tpu.memory_space<vmem>>[vector<16xi32>, vector<16xi32>], vector<16xf32>,
          %add3A_315 = arith.constant 2 : i32
          %add3A_316 = vector.broadcast %add3A_315 : i32 to vector<16xi32>
          %add3A_317 = arith.addi %broadcast_in_dim3A_81, %add3A_316 : vector<16xi32>
          %gather3A_318 = tpu.vector_load_idx %arg21[%add3A_306, %add3A_317] : memref<1920x8xf32, #tpu.memory_space<vmem>>[vector<16xi32>, vector<16xi32>], vector<16xf32>,
          %add3A_319 = arith.constant 1280 : i32
          %add3A_320 = vector.broadcast %add3A_319 : i32 to vector<16xi32>
          %add3A_321 = arith.addi %add3A_289, %add3A_320 : vector<16xi32>
          %add3A_322 = arith.constant 0 : i32
          %add3A_323 = vector.broadcast %add3A_322 : i32 to vector<16xi32>
          %add3A_324 = arith.addi %broadcast_in_dim3A_81, %add3A_323 : vector<16xi32>
          %gather3A_325 = tpu.vector_load_idx %arg21[%add3A_321, %add3A_324] : memref<1920x8xf32, #tpu.memory_space<vmem>>[vector<16xi32>, vector<16xi32>], vector<16xf32>,
          %add3A_326 = arith.constant 1 : i32
          %add3A_327 = vector.broadcast %add3A_326 : i32 to vector<16xi32>
          %add3A_328 = arith.addi %broadcast_in_dim3A_81, %add3A_327 : vector<16xi32>
          %gather3A_329 = tpu.vector_load_idx %arg21[%add3A_321, %add3A_328] : memref<1920x8xf32, #tpu.memory_space<vmem>>[vector<16xi32>, vector<16xi32>], vector<16xf32>,
          %add3A_330 = arith.constant 2 : i32
          %add3A_331 = vector.broadcast %add3A_330 : i32 to vector<16xi32>
          %add3A_332 = arith.addi %broadcast_in_dim3A_81, %add3A_331 : vector<16xi32>
          %gather3A_333 = tpu.vector_load_idx %arg21[%add3A_321, %add3A_332] : memref<1920x8xf32, #tpu.memory_space<vmem>>[vector<16xi32>, vector<16xi32>], vector<16xf32>,
          %shift_right_arithmetic3A = arith.constant 3 : i32
          %shift_right_arithmetic3A_334 = arith.shrsi %scan3A_284, %shift_right_arithmetic3A : i32
          %and3A = arith.constant 7 : i32
          %and3A_335 = arith.andi %scan3A_284, %and3A : i32
          %mul3A_336 = arith.constant 16 : i32
          %mul3A_337 = arith.muli %and3A_335, %mul3A_336 : i32
          %add3A_338 = arith.addf %gather3A, %gather3A_310 : vector<16xf32>
          %add3A_339 = arith.addf %add3A_338, %gather3A_325 : vector<16xf32>
          %mul3A_340 = arith.constant 0.333333343 : f32
          %mul3A_341 = vector.broadcast %mul3A_340 : f32 to vector<16xf32>
          %mul3A_342 = arith.mulf %add3A_339, %mul3A_341 : vector<16xf32>
          %swap3A = arith.constant 0 : i32
          %swap3A_343 = arith.index_cast %shift_right_arithmetic3A_334 : i32 to index
          %swap3A_344 = arith.index_cast %swap3A : i32 to index
          %swap3A_345 = arith.index_cast %mul3A_337 : i32 to index
          %swap3A_346 = tpu.vector_load %arg22[%swap3A_343, %swap3A_344, %swap3A_345] {strides = array<i32>} : memref<5x4x128xf32, #tpu.memory_space<vmem>>, vector<16xf32>,
          tpu.vector_store %arg22[%swap3A_343, %swap3A_344, %swap3A_345], %mul3A_342 {strides = array<i32>} : memref<5x4x128xf32, #tpu.memory_space<vmem>>, vector<16xf32>,
          %add3A_347 = arith.addf %gather3A_299, %gather3A_314 : vector<16xf32>
          %add3A_348 = arith.addf %add3A_347, %gather3A_329 : vector<16xf32>
          %mul3A_349 = arith.constant 0.333333343 : f32
          %mul3A_350 = vector.broadcast %mul3A_349 : f32 to vector<16xf32>
          %mul3A_351 = arith.mulf %add3A_348, %mul3A_350 : vector<16xf32>
          %swap3A_352 = arith.constant 1 : i32
          %swap3A_353 = arith.index_cast %shift_right_arithmetic3A_334 : i32 to index
          %swap3A_354 = arith.index_cast %swap3A_352 : i32 to index
          %swap3A_355 = arith.index_cast %mul3A_337 : i32 to index
          %swap3A_356 = tpu.vector_load %arg22[%swap3A_353, %swap3A_354, %swap3A_355] {strides = array<i32>} : memref<5x4x128xf32, #tpu.memory_space<vmem>>, vector<16xf32>,
          tpu.vector_store %arg22[%swap3A_353, %swap3A_354, %swap3A_355], %mul3A_351 {strides = array<i32>} : memref<5x4x128xf32, #tpu.memory_space<vmem>>, vector<16xf32>,
          %add3A_357 = arith.addf %gather3A_303, %gather3A_318 : vector<16xf32>
          %add3A_358 = arith.addf %add3A_357, %gather3A_333 : vector<16xf32>
          %mul3A_359 = arith.constant 0.333333343 : f32
          %mul3A_360 = vector.broadcast %mul3A_359 : f32 to vector<16xf32>
          %mul3A_361 = arith.mulf %add3A_358, %mul3A_360 : vector<16xf32>
          %swap3A_362 = arith.constant 2 : i32
          %swap3A_363 = arith.index_cast %shift_right_arithmetic3A_334 : i32 to index
          %swap3A_364 = arith.index_cast %swap3A_362 : i32 to index
          %swap3A_365 = arith.index_cast %mul3A_337 : i32 to index
          %swap3A_366 = tpu.vector_load %arg22[%swap3A_363, %swap3A_364, %swap3A_365] {strides = array<i32>} : memref<5x4x128xf32, #tpu.memory_space<vmem>>, vector<16xf32>,
          tpu.vector_store %arg22[%swap3A_363, %swap3A_364, %swap3A_365], %mul3A_361 {strides = array<i32>} : memref<5x4x128xf32, #tpu.memory_space<vmem>>, vector<16xf32>,
          %sub3A = arith.subf %gather3A_310, %gather3A : vector<16xf32>
          %sub3A_367 = arith.subf %gather3A_314, %gather3A_299 : vector<16xf32>
          %sub3A_368 = arith.subf %gather3A_318, %gather3A_303 : vector<16xf32>
          %sub3A_369 = arith.subf %gather3A_325, %gather3A_310 : vector<16xf32>
          %sub3A_370 = arith.subf %gather3A_329, %gather3A_314 : vector<16xf32>
          %sub3A_371 = arith.subf %gather3A_333, %gather3A_318 : vector<16xf32>
          %mul3A_372 = arith.mulf %sub3A_367, %sub3A_371 : vector<16xf32>
          %mul3A_373 = arith.mulf %sub3A_368, %sub3A_370 : vector<16xf32>
          %sub3A_374 = arith.subf %mul3A_372, %mul3A_373 : vector<16xf32>
          %mul3A_375 = arith.mulf %sub3A_368, %sub3A_369 : vector<16xf32>
          %mul3A_376 = arith.mulf %sub3A, %sub3A_371 : vector<16xf32>
          %sub3A_377 = arith.subf %mul3A_375, %mul3A_376 : vector<16xf32>
          %mul3A_378 = arith.mulf %sub3A, %sub3A_370 : vector<16xf32>
          %mul3A_379 = arith.mulf %sub3A_367, %sub3A_369 : vector<16xf32>
          %sub3A_380 = arith.subf %mul3A_378, %mul3A_379 : vector<16xf32>
          %mul3A_381 = arith.mulf %sub3A_374, %sub3A_374 : vector<16xf32>
          %mul3A_382 = arith.mulf %sub3A_377, %sub3A_377 : vector<16xf32>
          %add3A_383 = arith.addf %mul3A_381, %mul3A_382 : vector<16xf32>
          %mul3A_384 = arith.mulf %sub3A_380, %sub3A_380 : vector<16xf32>
          %add3A_385 = arith.addf %add3A_383, %mul3A_384 : vector<16xf32>
          %bitcast3A = vector.bitcast %add3A_385 : vector<16xf32> to vector<16xi32>
          %shift_right_arithmetic3A_386 = arith.constant 1 : i32
          %shift_right_arithmetic3A_387 = vector.broadcast %shift_right_arithmetic3A_386 : i32 to vector<16xi32>
          %shift_right_arithmetic3A_388 = arith.shrsi %bitcast3A, %shift_right_arithmetic3A_387 : vector<16xi32>
          %sub3A_389 = arith.constant 1597463007 : i32
          %sub3A_390 = vector.broadcast %sub3A_389 : i32 to vector<16xi32>
          %sub3A_391 = arith.subi %sub3A_390, %shift_right_arithmetic3A_388 : vector<16xi32>
          %bitcast3A_392 = vector.bitcast %sub3A_391 : vector<16xi32> to vector<16xf32>
          %mul3A_393 = arith.constant 5.000000e-01 : f32
          %mul3A_394 = vector.broadcast %mul3A_393 : f32 to vector<16xf32>
          %mul3A_395 = arith.mulf %add3A_385, %mul3A_394 : vector<16xf32>
          %mul3A_396 = arith.mulf %mul3A_395, %bitcast3A_392 : vector<16xf32>
          %mul3A_397 = arith.mulf %mul3A_396, %bitcast3A_392 : vector<16xf32>
          %sub3A_398 = arith.constant 1.500000e+00 : f32
          %sub3A_399 = vector.broadcast %sub3A_398 : f32 to vector<16xf32>
          %sub3A_400 = arith.subf %sub3A_399, %mul3A_397 : vector<16xf32>
          %mul3A_401 = arith.mulf %bitcast3A_392, %sub3A_400 : vector<16xf32>
          %mul3A_402 = arith.mulf %mul3A_395, %mul3A_401 : vector<16xf32>
          %mul3A_403 = arith.mulf %mul3A_402, %mul3A_401 : vector<16xf32>
          %sub3A_404 = arith.constant 1.500000e+00 : f32
          %sub3A_405 = vector.broadcast %sub3A_404 : f32 to vector<16xf32>
          %sub3A_406 = arith.subf %sub3A_405, %mul3A_403 : vector<16xf32>
          %mul3A_407 = arith.mulf %mul3A_401, %sub3A_406 : vector<16xf32>
          %mul3A_408 = arith.mulf %sub3A_374, %mul3A_407 : vector<16xf32>
          %swap3A_409 = arith.constant 0 : i32
          %swap3A_410 = arith.index_cast %shift_right_arithmetic3A_334 : i32 to index
          %swap3A_411 = arith.index_cast %swap3A_409 : i32 to index
          %swap3A_412 = arith.index_cast %mul3A_337 : i32 to index
          %swap3A_413 = tpu.vector_load %arg23[%swap3A_410, %swap3A_411, %swap3A_412] {strides = array<i32>} : memref<5x4x128xf32, #tpu.memory_space<vmem>>, vector<16xf32>,
          tpu.vector_store %arg23[%swap3A_410, %swap3A_411, %swap3A_412], %mul3A_408 {strides = array<i32>} : memref<5x4x128xf32, #tpu.memory_space<vmem>>, vector<16xf32>,
          %mul3A_414 = arith.mulf %sub3A_377, %mul3A_407 : vector<16xf32>
          %swap3A_415 = arith.constant 1 : i32
          %swap3A_416 = arith.index_cast %shift_right_arithmetic3A_334 : i32 to index
          %swap3A_417 = arith.index_cast %swap3A_415 : i32 to index
          %swap3A_418 = arith.index_cast %mul3A_337 : i32 to index
          %swap3A_419 = tpu.vector_load %arg23[%swap3A_416, %swap3A_417, %swap3A_418] {strides = array<i32>} : memref<5x4x128xf32, #tpu.memory_space<vmem>>, vector<16xf32>,
          tpu.vector_store %arg23[%swap3A_416, %swap3A_417, %swap3A_418], %mul3A_414 {strides = array<i32>} : memref<5x4x128xf32, #tpu.memory_space<vmem>>, vector<16xf32>,
          %mul3A_420 = arith.mulf %sub3A_380, %mul3A_407 : vector<16xf32>
          %swap3A_421 = arith.constant 2 : i32
          %swap3A_422 = arith.index_cast %shift_right_arithmetic3A_334 : i32 to index
          %swap3A_423 = arith.index_cast %swap3A_421 : i32 to index
          %swap3A_424 = arith.index_cast %mul3A_337 : i32 to index
          %swap3A_425 = tpu.vector_load %arg23[%swap3A_422, %swap3A_423, %swap3A_424] {strides = array<i32>} : memref<5x4x128xf32, #tpu.memory_space<vmem>>, vector<16xf32>,
          tpu.vector_store %arg23[%swap3A_422, %swap3A_423, %swap3A_424], %mul3A_420 {strides = array<i32>} : memref<5x4x128xf32, #tpu.memory_space<vmem>>, vector<16xf32>,
          %mul3A_426 = arith.mulf %add3A_385, %mul3A_407 : vector<16xf32>
          %mul3A_427 = arith.constant 5.000000e-01 : f32
          %mul3A_428 = vector.broadcast %mul3A_427 : f32 to vector<16xf32>
          %mul3A_429 = arith.mulf %mul3A_426, %mul3A_428 : vector<16xf32>
          %swap3A_430 = arith.index_cast %mul3A_287 : i32 to index
          %swap3A_431 = tpu.vector_load %arg24[%swap3A_430] {strides = array<i32>} : memref<640xf32, #tpu.memory_space<vmem>>, vector<16xf32>,
          tpu.vector_store %arg24[%swap3A_430], %mul3A_429 {strides = array<i32>} : memref<640xf32, #tpu.memory_space<vmem>>, vector<16xf32>,
          %scan3A_432 = arith.constant 0 : i32
          scf.yield %scan3A_432 : i32
        }
        %scan3A_118 = arith.constant 8 : i32
        %dma_wait3A_119 = arith.constant 1 : i32
        %dma_wait3A_120 = arith.constant 128 : i32
        %dma_wait3A_121 = arith.constant 0 : i32
        %dma_wait3A_122 = tpu.memref_slice %arg21[%dma_wait3A_120, %dma_wait3A_121] : memref<1920x8xf32, #tpu.memory_space<vmem>> -> memref<128x8xf32, #tpu.memory_space<vmem>>
        %dma_wait3A_123 = arith.constant 0 : i32
        %dma_wait3A_124 = tpu.memref_slice %arg20[%dma_wait3A_119, %dma_wait3A_123] : memref<15x128xi32, #tpu.memory_space<vmem>> -> memref<1x128xi32, #tpu.memory_space<vmem>>
        %dma_wait3A_125 = tpu.memref_squeeze %dma_wait3A_124 : memref<1x128xi32, #tpu.memory_space<vmem>> -> memref<128xi32, #tpu.memory_space<vmem>>
        %dma_wait3A_126 = arith.constant 0 : i32
        %dma_wait3A_127 = arith.constant 0 : i32
        %dma_wait3A_128 = tpu.memref_slice %arg2[%dma_wait3A_126, %dma_wait3A_127] : memref<1000000x8xf32, #tpu.memory_space<hbm>> -> memref<1000000x8xf32, #tpu.memory_space<hbm>>
        tpu.wait_indirect_dma semaphore(%arg26 : memref<!tpu.dma_semaphore, #tpu.memory_space<semaphore_mem>>) src(%dma_wait3A_128 : memref<1000000x8xf32, #tpu.memory_space<hbm>>) dst(%dma_wait3A_122 : memref<128x8xf32, #tpu.memory_space<vmem>>)
        %dma_wait3A_129 = arith.constant 6 : i32
        %dma_wait3A_130 = arith.constant 768 : i32
        %dma_wait3A_131 = arith.constant 0 : i32
        %dma_wait3A_132 = tpu.memref_slice %arg21[%dma_wait3A_130, %dma_wait3A_131] : memref<1920x8xf32, #tpu.memory_space<vmem>> -> memref<128x8xf32, #tpu.memory_space<vmem>>
        %dma_wait3A_133 = arith.constant 0 : i32
        %dma_wait3A_134 = tpu.memref_slice %arg20[%dma_wait3A_129, %dma_wait3A_133] : memref<15x128xi32, #tpu.memory_space<vmem>> -> memref<1x128xi32, #tpu.memory_space<vmem>>
        %dma_wait3A_135 = tpu.memref_squeeze %dma_wait3A_134 : memref<1x128xi32, #tpu.memory_space<vmem>> -> memref<128xi32, #tpu.memory_space<vmem>>
        %dma_wait3A_136 = arith.constant 0 : i32
        %dma_wait3A_137 = arith.constant 0 : i32
        %dma_wait3A_138 = tpu.memref_slice %arg2[%dma_wait3A_136, %dma_wait3A_137] : memref<1000000x8xf32, #tpu.memory_space<hbm>> -> memref<1000000x8xf32, #tpu.memory_space<hbm>>
        tpu.wait_indirect_dma semaphore(%arg26 : memref<!tpu.dma_semaphore, #tpu.memory_space<semaphore_mem>>) src(%dma_wait3A_138 : memref<1000000x8xf32, #tpu.memory_space<hbm>>) dst(%dma_wait3A_132 : memref<128x8xf32, #tpu.memory_space<vmem>>)
        %dma_wait3A_139 = arith.constant 11 : i32
        %dma_wait3A_140 = arith.constant 1408 : i32
        %dma_wait3A_141 = arith.constant 0 : i32
        %dma_wait3A_142 = tpu.memref_slice %arg21[%dma_wait3A_140, %dma_wait3A_141] : memref<1920x8xf32, #tpu.memory_space<vmem>> -> memref<128x8xf32, #tpu.memory_space<vmem>>
        %dma_wait3A_143 = arith.constant 0 : i32
        %dma_wait3A_144 = tpu.memref_slice %arg20[%dma_wait3A_139, %dma_wait3A_143] : memref<15x128xi32, #tpu.memory_space<vmem>> -> memref<1x128xi32, #tpu.memory_space<vmem>>
        %dma_wait3A_145 = tpu.memref_squeeze %dma_wait3A_144 : memref<1x128xi32, #tpu.memory_space<vmem>> -> memref<128xi32, #tpu.memory_space<vmem>>
        %dma_wait3A_146 = arith.constant 0 : i32
        %dma_wait3A_147 = arith.constant 0 : i32
        %dma_wait3A_148 = tpu.memref_slice %arg2[%dma_wait3A_146, %dma_wait3A_147] : memref<1000000x8xf32, #tpu.memory_space<hbm>> -> memref<1000000x8xf32, #tpu.memory_space<hbm>>
        tpu.wait_indirect_dma semaphore(%arg26 : memref<!tpu.dma_semaphore, #tpu.memory_space<semaphore_mem>>) src(%dma_wait3A_148 : memref<1000000x8xf32, #tpu.memory_space<hbm>>) dst(%dma_wait3A_142 : memref<128x8xf32, #tpu.memory_space<vmem>>)
        %scan3A_149 = arith.constant 0 : i32
        %scan3A_150 = arith.constant 8 : i32
        %scan3A_151 = arith.constant 8 : i32
        %scan3A_152 = arith.addi %scan3A_150, %scan3A_151 : i32
        %scan3A_153 = arith.constant 1 : i32
        %scan3A_154 = scf.for %scan3A_284 = %scan3A_150 to %scan3A_152 step %scan3A_153 iter_args(%scan3A_285 = %scan3A_149) -> (i32)  : i32 {
          %mul3A_286 = arith.constant 16 : i32
          %mul3A_287 = arith.muli %scan3A_284, %mul3A_286 : i32
          %add3A_288 = vector.broadcast %mul3A_287 : i32 to vector<16xi32>
          %add3A_289 = arith.addi %add3A_288, %iota3A : vector<16xi32>
          %add3A_290 = arith.constant 0 : i32
          %add3A_291 = vector.broadcast %add3A_290 : i32 to vector<16xi32>
          %add3A_292 = arith.addi %add3A_289, %add3A_291 : vector<16xi32>
          %add3A_293 = arith.constant 0 : i32
          %add3A_294 = vector.broadcast %add3A_293 : i32 to vector<16xi32>
          %add3A_295 = arith.addi %broadcast_in_dim3A_81, %add3A_294 : vector<16xi32>
          %gather3A = tpu.vector_load_idx %arg21[%add3A_292, %add3A_295] : memref<1920x8xf32, #tpu.memory_space<vmem>>[vector<16xi32>, vector<16xi32>], vector<16xf32>,
          %add3A_296 = arith.constant 1 : i32
          %add3A_297 = vector.broadcast %add3A_296 : i32 to vector<16xi32>
          %add3A_298 = arith.addi %broadcast_in_dim3A_81, %add3A_297 : vector<16xi32>
          %gather3A_299 = tpu.vector_load_idx %arg21[%add3A_292, %add3A_298] : memref<1920x8xf32, #tpu.memory_space<vmem>>[vector<16xi32>, vector<16xi32>], vector<16xf32>,
          %add3A_300 = arith.constant 2 : i32
          %add3A_301 = vector.broadcast %add3A_300 : i32 to vector<16xi32>
          %add3A_302 = arith.addi %broadcast_in_dim3A_81, %add3A_301 : vector<16xi32>
          %gather3A_303 = tpu.vector_load_idx %arg21[%add3A_292, %add3A_302] : memref<1920x8xf32, #tpu.memory_space<vmem>>[vector<16xi32>, vector<16xi32>], vector<16xf32>,
          %add3A_304 = arith.constant 640 : i32
          %add3A_305 = vector.broadcast %add3A_304 : i32 to vector<16xi32>
          %add3A_306 = arith.addi %add3A_289, %add3A_305 : vector<16xi32>
          %add3A_307 = arith.constant 0 : i32
          %add3A_308 = vector.broadcast %add3A_307 : i32 to vector<16xi32>
          %add3A_309 = arith.addi %broadcast_in_dim3A_81, %add3A_308 : vector<16xi32>
          %gather3A_310 = tpu.vector_load_idx %arg21[%add3A_306, %add3A_309] : memref<1920x8xf32, #tpu.memory_space<vmem>>[vector<16xi32>, vector<16xi32>], vector<16xf32>,
          %add3A_311 = arith.constant 1 : i32
          %add3A_312 = vector.broadcast %add3A_311 : i32 to vector<16xi32>
          %add3A_313 = arith.addi %broadcast_in_dim3A_81, %add3A_312 : vector<16xi32>
          %gather3A_314 = tpu.vector_load_idx %arg21[%add3A_306, %add3A_313] : memref<1920x8xf32, #tpu.memory_space<vmem>>[vector<16xi32>, vector<16xi32>], vector<16xf32>,
          %add3A_315 = arith.constant 2 : i32
          %add3A_316 = vector.broadcast %add3A_315 : i32 to vector<16xi32>
          %add3A_317 = arith.addi %broadcast_in_dim3A_81, %add3A_316 : vector<16xi32>
          %gather3A_318 = tpu.vector_load_idx %arg21[%add3A_306, %add3A_317] : memref<1920x8xf32, #tpu.memory_space<vmem>>[vector<16xi32>, vector<16xi32>], vector<16xf32>,
          %add3A_319 = arith.constant 1280 : i32
          %add3A_320 = vector.broadcast %add3A_319 : i32 to vector<16xi32>
          %add3A_321 = arith.addi %add3A_289, %add3A_320 : vector<16xi32>
          %add3A_322 = arith.constant 0 : i32
          %add3A_323 = vector.broadcast %add3A_322 : i32 to vector<16xi32>
          %add3A_324 = arith.addi %broadcast_in_dim3A_81, %add3A_323 : vector<16xi32>
          %gather3A_325 = tpu.vector_load_idx %arg21[%add3A_321, %add3A_324] : memref<1920x8xf32, #tpu.memory_space<vmem>>[vector<16xi32>, vector<16xi32>], vector<16xf32>,
          %add3A_326 = arith.constant 1 : i32
          %add3A_327 = vector.broadcast %add3A_326 : i32 to vector<16xi32>
          %add3A_328 = arith.addi %broadcast_in_dim3A_81, %add3A_327 : vector<16xi32>
          %gather3A_329 = tpu.vector_load_idx %arg21[%add3A_321, %add3A_328] : memref<1920x8xf32, #tpu.memory_space<vmem>>[vector<16xi32>, vector<16xi32>], vector<16xf32>,
          %add3A_330 = arith.constant 2 : i32
          %add3A_331 = vector.broadcast %add3A_330 : i32 to vector<16xi32>
          %add3A_332 = arith.addi %broadcast_in_dim3A_81, %add3A_331 : vector<16xi32>
          %gather3A_333 = tpu.vector_load_idx %arg21[%add3A_321, %add3A_332] : memref<1920x8xf32, #tpu.memory_space<vmem>>[vector<16xi32>, vector<16xi32>], vector<16xf32>,
          %shift_right_arithmetic3A = arith.constant 3 : i32
          %shift_right_arithmetic3A_334 = arith.shrsi %scan3A_284, %shift_right_arithmetic3A : i32
          %and3A = arith.constant 7 : i32
          %and3A_335 = arith.andi %scan3A_284, %and3A : i32
          %mul3A_336 = arith.constant 16 : i32
          %mul3A_337 = arith.muli %and3A_335, %mul3A_336 : i32
          %add3A_338 = arith.addf %gather3A, %gather3A_310 : vector<16xf32>
          %add3A_339 = arith.addf %add3A_338, %gather3A_325 : vector<16xf32>
          %mul3A_340 = arith.constant 0.333333343 : f32
          %mul3A_341 = vector.broadcast %mul3A_340 : f32 to vector<16xf32>
          %mul3A_342 = arith.mulf %add3A_339, %mul3A_341 : vector<16xf32>
          %swap3A = arith.constant 0 : i32
          %swap3A_343 = arith.index_cast %shift_right_arithmetic3A_334 : i32 to index
          %swap3A_344 = arith.index_cast %swap3A : i32 to index
          %swap3A_345 = arith.index_cast %mul3A_337 : i32 to index
          %swap3A_346 = tpu.vector_load %arg22[%swap3A_343, %swap3A_344, %swap3A_345] {strides = array<i32>} : memref<5x4x128xf32, #tpu.memory_space<vmem>>, vector<16xf32>,
          tpu.vector_store %arg22[%swap3A_343, %swap3A_344, %swap3A_345], %mul3A_342 {strides = array<i32>} : memref<5x4x128xf32, #tpu.memory_space<vmem>>, vector<16xf32>,
          %add3A_347 = arith.addf %gather3A_299, %gather3A_314 : vector<16xf32>
          %add3A_348 = arith.addf %add3A_347, %gather3A_329 : vector<16xf32>
          %mul3A_349 = arith.constant 0.333333343 : f32
          %mul3A_350 = vector.broadcast %mul3A_349 : f32 to vector<16xf32>
          %mul3A_351 = arith.mulf %add3A_348, %mul3A_350 : vector<16xf32>
          %swap3A_352 = arith.constant 1 : i32
          %swap3A_353 = arith.index_cast %shift_right_arithmetic3A_334 : i32 to index
          %swap3A_354 = arith.index_cast %swap3A_352 : i32 to index
          %swap3A_355 = arith.index_cast %mul3A_337 : i32 to index
          %swap3A_356 = tpu.vector_load %arg22[%swap3A_353, %swap3A_354, %swap3A_355] {strides = array<i32>} : memref<5x4x128xf32, #tpu.memory_space<vmem>>, vector<16xf32>,
          tpu.vector_store %arg22[%swap3A_353, %swap3A_354, %swap3A_355], %mul3A_351 {strides = array<i32>} : memref<5x4x128xf32, #tpu.memory_space<vmem>>, vector<16xf32>,
          %add3A_357 = arith.addf %gather3A_303, %gather3A_318 : vector<16xf32>
          %add3A_358 = arith.addf %add3A_357, %gather3A_333 : vector<16xf32>
          %mul3A_359 = arith.constant 0.333333343 : f32
          %mul3A_360 = vector.broadcast %mul3A_359 : f32 to vector<16xf32>
          %mul3A_361 = arith.mulf %add3A_358, %mul3A_360 : vector<16xf32>
          %swap3A_362 = arith.constant 2 : i32
          %swap3A_363 = arith.index_cast %shift_right_arithmetic3A_334 : i32 to index
          %swap3A_364 = arith.index_cast %swap3A_362 : i32 to index
          %swap3A_365 = arith.index_cast %mul3A_337 : i32 to index
          %swap3A_366 = tpu.vector_load %arg22[%swap3A_363, %swap3A_364, %swap3A_365] {strides = array<i32>} : memref<5x4x128xf32, #tpu.memory_space<vmem>>, vector<16xf32>,
          tpu.vector_store %arg22[%swap3A_363, %swap3A_364, %swap3A_365], %mul3A_361 {strides = array<i32>} : memref<5x4x128xf32, #tpu.memory_space<vmem>>, vector<16xf32>,
          %sub3A = arith.subf %gather3A_310, %gather3A : vector<16xf32>
          %sub3A_367 = arith.subf %gather3A_314, %gather3A_299 : vector<16xf32>
          %sub3A_368 = arith.subf %gather3A_318, %gather3A_303 : vector<16xf32>
          %sub3A_369 = arith.subf %gather3A_325, %gather3A_310 : vector<16xf32>
          %sub3A_370 = arith.subf %gather3A_329, %gather3A_314 : vector<16xf32>
          %sub3A_371 = arith.subf %gather3A_333, %gather3A_318 : vector<16xf32>
          %mul3A_372 = arith.mulf %sub3A_367, %sub3A_371 : vector<16xf32>
          %mul3A_373 = arith.mulf %sub3A_368, %sub3A_370 : vector<16xf32>
          %sub3A_374 = arith.subf %mul3A_372, %mul3A_373 : vector<16xf32>
          %mul3A_375 = arith.mulf %sub3A_368, %sub3A_369 : vector<16xf32>
          %mul3A_376 = arith.mulf %sub3A, %sub3A_371 : vector<16xf32>
          %sub3A_377 = arith.subf %mul3A_375, %mul3A_376 : vector<16xf32>
          %mul3A_378 = arith.mulf %sub3A, %sub3A_370 : vector<16xf32>
          %mul3A_379 = arith.mulf %sub3A_367, %sub3A_369 : vector<16xf32>
          %sub3A_380 = arith.subf %mul3A_378, %mul3A_379 : vector<16xf32>
          %mul3A_381 = arith.mulf %sub3A_374, %sub3A_374 : vector<16xf32>
          %mul3A_382 = arith.mulf %sub3A_377, %sub3A_377 : vector<16xf32>
          %add3A_383 = arith.addf %mul3A_381, %mul3A_382 : vector<16xf32>
          %mul3A_384 = arith.mulf %sub3A_380, %sub3A_380 : vector<16xf32>
          %add3A_385 = arith.addf %add3A_383, %mul3A_384 : vector<16xf32>
          %bitcast3A = vector.bitcast %add3A_385 : vector<16xf32> to vector<16xi32>
          %shift_right_arithmetic3A_386 = arith.constant 1 : i32
          %shift_right_arithmetic3A_387 = vector.broadcast %shift_right_arithmetic3A_386 : i32 to vector<16xi32>
          %shift_right_arithmetic3A_388 = arith.shrsi %bitcast3A, %shift_right_arithmetic3A_387 : vector<16xi32>
          %sub3A_389 = arith.constant 1597463007 : i32
          %sub3A_390 = vector.broadcast %sub3A_389 : i32 to vector<16xi32>
          %sub3A_391 = arith.subi %sub3A_390, %shift_right_arithmetic3A_388 : vector<16xi32>
          %bitcast3A_392 = vector.bitcast %sub3A_391 : vector<16xi32> to vector<16xf32>
          %mul3A_393 = arith.constant 5.000000e-01 : f32
          %mul3A_394 = vector.broadcast %mul3A_393 : f32 to vector<16xf32>
          %mul3A_395 = arith.mulf %add3A_385, %mul3A_394 : vector<16xf32>
          %mul3A_396 = arith.mulf %mul3A_395, %bitcast3A_392 : vector<16xf32>
          %mul3A_397 = arith.mulf %mul3A_396, %bitcast3A_392 : vector<16xf32>
          %sub3A_398 = arith.constant 1.500000e+00 : f32
          %sub3A_399 = vector.broadcast %sub3A_398 : f32 to vector<16xf32>
          %sub3A_400 = arith.subf %sub3A_399, %mul3A_397 : vector<16xf32>
          %mul3A_401 = arith.mulf %bitcast3A_392, %sub3A_400 : vector<16xf32>
          %mul3A_402 = arith.mulf %mul3A_395, %mul3A_401 : vector<16xf32>
          %mul3A_403 = arith.mulf %mul3A_402, %mul3A_401 : vector<16xf32>
          %sub3A_404 = arith.constant 1.500000e+00 : f32
          %sub3A_405 = vector.broadcast %sub3A_404 : f32 to vector<16xf32>
          %sub3A_406 = arith.subf %sub3A_405, %mul3A_403 : vector<16xf32>
          %mul3A_407 = arith.mulf %mul3A_401, %sub3A_406 : vector<16xf32>
          %mul3A_408 = arith.mulf %sub3A_374, %mul3A_407 : vector<16xf32>
          %swap3A_409 = arith.constant 0 : i32
          %swap3A_410 = arith.index_cast %shift_right_arithmetic3A_334 : i32 to index
          %swap3A_411 = arith.index_cast %swap3A_409 : i32 to index
          %swap3A_412 = arith.index_cast %mul3A_337 : i32 to index
          %swap3A_413 = tpu.vector_load %arg23[%swap3A_410, %swap3A_411, %swap3A_412] {strides = array<i32>} : memref<5x4x128xf32, #tpu.memory_space<vmem>>, vector<16xf32>,
          tpu.vector_store %arg23[%swap3A_410, %swap3A_411, %swap3A_412], %mul3A_408 {strides = array<i32>} : memref<5x4x128xf32, #tpu.memory_space<vmem>>, vector<16xf32>,
          %mul3A_414 = arith.mulf %sub3A_377, %mul3A_407 : vector<16xf32>
          %swap3A_415 = arith.constant 1 : i32
          %swap3A_416 = arith.index_cast %shift_right_arithmetic3A_334 : i32 to index
          %swap3A_417 = arith.index_cast %swap3A_415 : i32 to index
          %swap3A_418 = arith.index_cast %mul3A_337 : i32 to index
          %swap3A_419 = tpu.vector_load %arg23[%swap3A_416, %swap3A_417, %swap3A_418] {strides = array<i32>} : memref<5x4x128xf32, #tpu.memory_space<vmem>>, vector<16xf32>,
          tpu.vector_store %arg23[%swap3A_416, %swap3A_417, %swap3A_418], %mul3A_414 {strides = array<i32>} : memref<5x4x128xf32, #tpu.memory_space<vmem>>, vector<16xf32>,
          %mul3A_420 = arith.mulf %sub3A_380, %mul3A_407 : vector<16xf32>
          %swap3A_421 = arith.constant 2 : i32
          %swap3A_422 = arith.index_cast %shift_right_arithmetic3A_334 : i32 to index
          %swap3A_423 = arith.index_cast %swap3A_421 : i32 to index
          %swap3A_424 = arith.index_cast %mul3A_337 : i32 to index
          %swap3A_425 = tpu.vector_load %arg23[%swap3A_422, %swap3A_423, %swap3A_424] {strides = array<i32>} : memref<5x4x128xf32, #tpu.memory_space<vmem>>, vector<16xf32>,
          tpu.vector_store %arg23[%swap3A_422, %swap3A_423, %swap3A_424], %mul3A_420 {strides = array<i32>} : memref<5x4x128xf32, #tpu.memory_space<vmem>>, vector<16xf32>,
          %mul3A_426 = arith.mulf %add3A_385, %mul3A_407 : vector<16xf32>
          %mul3A_427 = arith.constant 5.000000e-01 : f32
          %mul3A_428 = vector.broadcast %mul3A_427 : f32 to vector<16xf32>
          %mul3A_429 = arith.mulf %mul3A_426, %mul3A_428 : vector<16xf32>
          %swap3A_430 = arith.index_cast %mul3A_287 : i32 to index
          %swap3A_431 = tpu.vector_load %arg24[%swap3A_430] {strides = array<i32>} : memref<640xf32, #tpu.memory_space<vmem>>, vector<16xf32>,
          tpu.vector_store %arg24[%swap3A_430], %mul3A_429 {strides = array<i32>} : memref<640xf32, #tpu.memory_space<vmem>>, vector<16xf32>,
          %scan3A_432 = arith.constant 0 : i32
          scf.yield %scan3A_432 : i32
        }
        %scan3A_155 = arith.constant 8 : i32
        %dma_wait3A_156 = arith.constant 2 : i32
        %dma_wait3A_157 = arith.constant 256 : i32
        %dma_wait3A_158 = arith.constant 0 : i32
        %dma_wait3A_159 = tpu.memref_slice %arg21[%dma_wait3A_157, %dma_wait3A_158] : memref<1920x8xf32, #tpu.memory_space<vmem>> -> memref<128x8xf32, #tpu.memory_space<vmem>>
        %dma_wait3A_160 = arith.constant 0 : i32
        %dma_wait3A_161 = tpu.memref_slice %arg20[%dma_wait3A_156, %dma_wait3A_160] : memref<15x128xi32, #tpu.memory_space<vmem>> -> memref<1x128xi32, #tpu.memory_space<vmem>>
        %dma_wait3A_162 = tpu.memref_squeeze %dma_wait3A_161 : memref<1x128xi32, #tpu.memory_space<vmem>> -> memref<128xi32, #tpu.memory_space<vmem>>
        %dma_wait3A_163 = arith.constant 0 : i32
        %dma_wait3A_164 = arith.constant 0 : i32
        %dma_wait3A_165 = tpu.memref_slice %arg2[%dma_wait3A_163, %dma_wait3A_164] : memref<1000000x8xf32, #tpu.memory_space<hbm>> -> memref<1000000x8xf32, #tpu.memory_space<hbm>>
        tpu.wait_indirect_dma semaphore(%arg27 : memref<!tpu.dma_semaphore, #tpu.memory_space<semaphore_mem>>) src(%dma_wait3A_165 : memref<1000000x8xf32, #tpu.memory_space<hbm>>) dst(%dma_wait3A_159 : memref<128x8xf32, #tpu.memory_space<vmem>>)
        %dma_wait3A_166 = arith.constant 7 : i32
        %dma_wait3A_167 = arith.constant 896 : i32
        %dma_wait3A_168 = arith.constant 0 : i32
        %dma_wait3A_169 = tpu.memref_slice %arg21[%dma_wait3A_167, %dma_wait3A_168] : memref<1920x8xf32, #tpu.memory_space<vmem>> -> memref<128x8xf32, #tpu.memory_space<vmem>>
        %dma_wait3A_170 = arith.constant 0 : i32
        %dma_wait3A_171 = tpu.memref_slice %arg20[%dma_wait3A_166, %dma_wait3A_170] : memref<15x128xi32, #tpu.memory_space<vmem>> -> memref<1x128xi32, #tpu.memory_space<vmem>>
        %dma_wait3A_172 = tpu.memref_squeeze %dma_wait3A_171 : memref<1x128xi32, #tpu.memory_space<vmem>> -> memref<128xi32, #tpu.memory_space<vmem>>
        %dma_wait3A_173 = arith.constant 0 : i32
        %dma_wait3A_174 = arith.constant 0 : i32
        %dma_wait3A_175 = tpu.memref_slice %arg2[%dma_wait3A_173, %dma_wait3A_174] : memref<1000000x8xf32, #tpu.memory_space<hbm>> -> memref<1000000x8xf32, #tpu.memory_space<hbm>>
        tpu.wait_indirect_dma semaphore(%arg27 : memref<!tpu.dma_semaphore, #tpu.memory_space<semaphore_mem>>) src(%dma_wait3A_175 : memref<1000000x8xf32, #tpu.memory_space<hbm>>) dst(%dma_wait3A_169 : memref<128x8xf32, #tpu.memory_space<vmem>>)
        %dma_wait3A_176 = arith.constant 12 : i32
        %dma_wait3A_177 = arith.constant 1536 : i32
        %dma_wait3A_178 = arith.constant 0 : i32
        %dma_wait3A_179 = tpu.memref_slice %arg21[%dma_wait3A_177, %dma_wait3A_178] : memref<1920x8xf32, #tpu.memory_space<vmem>> -> memref<128x8xf32, #tpu.memory_space<vmem>>
        %dma_wait3A_180 = arith.constant 0 : i32
        %dma_wait3A_181 = tpu.memref_slice %arg20[%dma_wait3A_176, %dma_wait3A_180] : memref<15x128xi32, #tpu.memory_space<vmem>> -> memref<1x128xi32, #tpu.memory_space<vmem>>
        %dma_wait3A_182 = tpu.memref_squeeze %dma_wait3A_181 : memref<1x128xi32, #tpu.memory_space<vmem>> -> memref<128xi32, #tpu.memory_space<vmem>>
        %dma_wait3A_183 = arith.constant 0 : i32
        %dma_wait3A_184 = arith.constant 0 : i32
        %dma_wait3A_185 = tpu.memref_slice %arg2[%dma_wait3A_183, %dma_wait3A_184] : memref<1000000x8xf32, #tpu.memory_space<hbm>> -> memref<1000000x8xf32, #tpu.memory_space<hbm>>
        tpu.wait_indirect_dma semaphore(%arg27 : memref<!tpu.dma_semaphore, #tpu.memory_space<semaphore_mem>>) src(%dma_wait3A_185 : memref<1000000x8xf32, #tpu.memory_space<hbm>>) dst(%dma_wait3A_179 : memref<128x8xf32, #tpu.memory_space<vmem>>)
        %scan3A_186 = arith.constant 0 : i32
        %scan3A_187 = arith.constant 16 : i32
        %scan3A_188 = arith.constant 8 : i32
        %scan3A_189 = arith.addi %scan3A_187, %scan3A_188 : i32
        %scan3A_190 = arith.constant 1 : i32
        %scan3A_191 = scf.for %scan3A_284 = %scan3A_187 to %scan3A_189 step %scan3A_190 iter_args(%scan3A_285 = %scan3A_186) -> (i32)  : i32 {
          %mul3A_286 = arith.constant 16 : i32
          %mul3A_287 = arith.muli %scan3A_284, %mul3A_286 : i32
          %add3A_288 = vector.broadcast %mul3A_287 : i32 to vector<16xi32>
          %add3A_289 = arith.addi %add3A_288, %iota3A : vector<16xi32>
          %add3A_290 = arith.constant 0 : i32
          %add3A_291 = vector.broadcast %add3A_290 : i32 to vector<16xi32>
          %add3A_292 = arith.addi %add3A_289, %add3A_291 : vector<16xi32>
          %add3A_293 = arith.constant 0 : i32
          %add3A_294 = vector.broadcast %add3A_293 : i32 to vector<16xi32>
          %add3A_295 = arith.addi %broadcast_in_dim3A_81, %add3A_294 : vector<16xi32>
          %gather3A = tpu.vector_load_idx %arg21[%add3A_292, %add3A_295] : memref<1920x8xf32, #tpu.memory_space<vmem>>[vector<16xi32>, vector<16xi32>], vector<16xf32>,
          %add3A_296 = arith.constant 1 : i32
          %add3A_297 = vector.broadcast %add3A_296 : i32 to vector<16xi32>
          %add3A_298 = arith.addi %broadcast_in_dim3A_81, %add3A_297 : vector<16xi32>
          %gather3A_299 = tpu.vector_load_idx %arg21[%add3A_292, %add3A_298] : memref<1920x8xf32, #tpu.memory_space<vmem>>[vector<16xi32>, vector<16xi32>], vector<16xf32>,
          %add3A_300 = arith.constant 2 : i32
          %add3A_301 = vector.broadcast %add3A_300 : i32 to vector<16xi32>
          %add3A_302 = arith.addi %broadcast_in_dim3A_81, %add3A_301 : vector<16xi32>
          %gather3A_303 = tpu.vector_load_idx %arg21[%add3A_292, %add3A_302] : memref<1920x8xf32, #tpu.memory_space<vmem>>[vector<16xi32>, vector<16xi32>], vector<16xf32>,
          %add3A_304 = arith.constant 640 : i32
          %add3A_305 = vector.broadcast %add3A_304 : i32 to vector<16xi32>
          %add3A_306 = arith.addi %add3A_289, %add3A_305 : vector<16xi32>
          %add3A_307 = arith.constant 0 : i32
          %add3A_308 = vector.broadcast %add3A_307 : i32 to vector<16xi32>
          %add3A_309 = arith.addi %broadcast_in_dim3A_81, %add3A_308 : vector<16xi32>
          %gather3A_310 = tpu.vector_load_idx %arg21[%add3A_306, %add3A_309] : memref<1920x8xf32, #tpu.memory_space<vmem>>[vector<16xi32>, vector<16xi32>], vector<16xf32>,
          %add3A_311 = arith.constant 1 : i32
          %add3A_312 = vector.broadcast %add3A_311 : i32 to vector<16xi32>
          %add3A_313 = arith.addi %broadcast_in_dim3A_81, %add3A_312 : vector<16xi32>
          %gather3A_314 = tpu.vector_load_idx %arg21[%add3A_306, %add3A_313] : memref<1920x8xf32, #tpu.memory_space<vmem>>[vector<16xi32>, vector<16xi32>], vector<16xf32>,
          %add3A_315 = arith.constant 2 : i32
          %add3A_316 = vector.broadcast %add3A_315 : i32 to vector<16xi32>
          %add3A_317 = arith.addi %broadcast_in_dim3A_81, %add3A_316 : vector<16xi32>
          %gather3A_318 = tpu.vector_load_idx %arg21[%add3A_306, %add3A_317] : memref<1920x8xf32, #tpu.memory_space<vmem>>[vector<16xi32>, vector<16xi32>], vector<16xf32>,
          %add3A_319 = arith.constant 1280 : i32
          %add3A_320 = vector.broadcast %add3A_319 : i32 to vector<16xi32>
          %add3A_321 = arith.addi %add3A_289, %add3A_320 : vector<16xi32>
          %add3A_322 = arith.constant 0 : i32
          %add3A_323 = vector.broadcast %add3A_322 : i32 to vector<16xi32>
          %add3A_324 = arith.addi %broadcast_in_dim3A_81, %add3A_323 : vector<16xi32>
          %gather3A_325 = tpu.vector_load_idx %arg21[%add3A_321, %add3A_324] : memref<1920x8xf32, #tpu.memory_space<vmem>>[vector<16xi32>, vector<16xi32>], vector<16xf32>,
          %add3A_326 = arith.constant 1 : i32
          %add3A_327 = vector.broadcast %add3A_326 : i32 to vector<16xi32>
          %add3A_328 = arith.addi %broadcast_in_dim3A_81, %add3A_327 : vector<16xi32>
          %gather3A_329 = tpu.vector_load_idx %arg21[%add3A_321, %add3A_328] : memref<1920x8xf32, #tpu.memory_space<vmem>>[vector<16xi32>, vector<16xi32>], vector<16xf32>,
          %add3A_330 = arith.constant 2 : i32
          %add3A_331 = vector.broadcast %add3A_330 : i32 to vector<16xi32>
          %add3A_332 = arith.addi %broadcast_in_dim3A_81, %add3A_331 : vector<16xi32>
          %gather3A_333 = tpu.vector_load_idx %arg21[%add3A_321, %add3A_332] : memref<1920x8xf32, #tpu.memory_space<vmem>>[vector<16xi32>, vector<16xi32>], vector<16xf32>,
          %shift_right_arithmetic3A = arith.constant 3 : i32
          %shift_right_arithmetic3A_334 = arith.shrsi %scan3A_284, %shift_right_arithmetic3A : i32
          %and3A = arith.constant 7 : i32
          %and3A_335 = arith.andi %scan3A_284, %and3A : i32
          %mul3A_336 = arith.constant 16 : i32
          %mul3A_337 = arith.muli %and3A_335, %mul3A_336 : i32
          %add3A_338 = arith.addf %gather3A, %gather3A_310 : vector<16xf32>
          %add3A_339 = arith.addf %add3A_338, %gather3A_325 : vector<16xf32>
          %mul3A_340 = arith.constant 0.333333343 : f32
          %mul3A_341 = vector.broadcast %mul3A_340 : f32 to vector<16xf32>
          %mul3A_342 = arith.mulf %add3A_339, %mul3A_341 : vector<16xf32>
          %swap3A = arith.constant 0 : i32
          %swap3A_343 = arith.index_cast %shift_right_arithmetic3A_334 : i32 to index
          %swap3A_344 = arith.index_cast %swap3A : i32 to index
          %swap3A_345 = arith.index_cast %mul3A_337 : i32 to index
          %swap3A_346 = tpu.vector_load %arg22[%swap3A_343, %swap3A_344, %swap3A_345] {strides = array<i32>} : memref<5x4x128xf32, #tpu.memory_space<vmem>>, vector<16xf32>,
          tpu.vector_store %arg22[%swap3A_343, %swap3A_344, %swap3A_345], %mul3A_342 {strides = array<i32>} : memref<5x4x128xf32, #tpu.memory_space<vmem>>, vector<16xf32>,
          %add3A_347 = arith.addf %gather3A_299, %gather3A_314 : vector<16xf32>
          %add3A_348 = arith.addf %add3A_347, %gather3A_329 : vector<16xf32>
          %mul3A_349 = arith.constant 0.333333343 : f32
          %mul3A_350 = vector.broadcast %mul3A_349 : f32 to vector<16xf32>
          %mul3A_351 = arith.mulf %add3A_348, %mul3A_350 : vector<16xf32>
          %swap3A_352 = arith.constant 1 : i32
          %swap3A_353 = arith.index_cast %shift_right_arithmetic3A_334 : i32 to index
          %swap3A_354 = arith.index_cast %swap3A_352 : i32 to index
          %swap3A_355 = arith.index_cast %mul3A_337 : i32 to index
          %swap3A_356 = tpu.vector_load %arg22[%swap3A_353, %swap3A_354, %swap3A_355] {strides = array<i32>} : memref<5x4x128xf32, #tpu.memory_space<vmem>>, vector<16xf32>,
          tpu.vector_store %arg22[%swap3A_353, %swap3A_354, %swap3A_355], %mul3A_351 {strides = array<i32>} : memref<5x4x128xf32, #tpu.memory_space<vmem>>, vector<16xf32>,
          %add3A_357 = arith.addf %gather3A_303, %gather3A_318 : vector<16xf32>
          %add3A_358 = arith.addf %add3A_357, %gather3A_333 : vector<16xf32>
          %mul3A_359 = arith.constant 0.333333343 : f32
          %mul3A_360 = vector.broadcast %mul3A_359 : f32 to vector<16xf32>
          %mul3A_361 = arith.mulf %add3A_358, %mul3A_360 : vector<16xf32>
          %swap3A_362 = arith.constant 2 : i32
          %swap3A_363 = arith.index_cast %shift_right_arithmetic3A_334 : i32 to index
          %swap3A_364 = arith.index_cast %swap3A_362 : i32 to index
          %swap3A_365 = arith.index_cast %mul3A_337 : i32 to index
          %swap3A_366 = tpu.vector_load %arg22[%swap3A_363, %swap3A_364, %swap3A_365] {strides = array<i32>} : memref<5x4x128xf32, #tpu.memory_space<vmem>>, vector<16xf32>,
          tpu.vector_store %arg22[%swap3A_363, %swap3A_364, %swap3A_365], %mul3A_361 {strides = array<i32>} : memref<5x4x128xf32, #tpu.memory_space<vmem>>, vector<16xf32>,
          %sub3A = arith.subf %gather3A_310, %gather3A : vector<16xf32>
          %sub3A_367 = arith.subf %gather3A_314, %gather3A_299 : vector<16xf32>
          %sub3A_368 = arith.subf %gather3A_318, %gather3A_303 : vector<16xf32>
          %sub3A_369 = arith.subf %gather3A_325, %gather3A_310 : vector<16xf32>
          %sub3A_370 = arith.subf %gather3A_329, %gather3A_314 : vector<16xf32>
          %sub3A_371 = arith.subf %gather3A_333, %gather3A_318 : vector<16xf32>
          %mul3A_372 = arith.mulf %sub3A_367, %sub3A_371 : vector<16xf32>
          %mul3A_373 = arith.mulf %sub3A_368, %sub3A_370 : vector<16xf32>
          %sub3A_374 = arith.subf %mul3A_372, %mul3A_373 : vector<16xf32>
          %mul3A_375 = arith.mulf %sub3A_368, %sub3A_369 : vector<16xf32>
          %mul3A_376 = arith.mulf %sub3A, %sub3A_371 : vector<16xf32>
          %sub3A_377 = arith.subf %mul3A_375, %mul3A_376 : vector<16xf32>
          %mul3A_378 = arith.mulf %sub3A, %sub3A_370 : vector<16xf32>
          %mul3A_379 = arith.mulf %sub3A_367, %sub3A_369 : vector<16xf32>
          %sub3A_380 = arith.subf %mul3A_378, %mul3A_379 : vector<16xf32>
          %mul3A_381 = arith.mulf %sub3A_374, %sub3A_374 : vector<16xf32>
          %mul3A_382 = arith.mulf %sub3A_377, %sub3A_377 : vector<16xf32>
          %add3A_383 = arith.addf %mul3A_381, %mul3A_382 : vector<16xf32>
          %mul3A_384 = arith.mulf %sub3A_380, %sub3A_380 : vector<16xf32>
          %add3A_385 = arith.addf %add3A_383, %mul3A_384 : vector<16xf32>
          %bitcast3A = vector.bitcast %add3A_385 : vector<16xf32> to vector<16xi32>
          %shift_right_arithmetic3A_386 = arith.constant 1 : i32
          %shift_right_arithmetic3A_387 = vector.broadcast %shift_right_arithmetic3A_386 : i32 to vector<16xi32>
          %shift_right_arithmetic3A_388 = arith.shrsi %bitcast3A, %shift_right_arithmetic3A_387 : vector<16xi32>
          %sub3A_389 = arith.constant 1597463007 : i32
          %sub3A_390 = vector.broadcast %sub3A_389 : i32 to vector<16xi32>
          %sub3A_391 = arith.subi %sub3A_390, %shift_right_arithmetic3A_388 : vector<16xi32>
          %bitcast3A_392 = vector.bitcast %sub3A_391 : vector<16xi32> to vector<16xf32>
          %mul3A_393 = arith.constant 5.000000e-01 : f32
          %mul3A_394 = vector.broadcast %mul3A_393 : f32 to vector<16xf32>
          %mul3A_395 = arith.mulf %add3A_385, %mul3A_394 : vector<16xf32>
          %mul3A_396 = arith.mulf %mul3A_395, %bitcast3A_392 : vector<16xf32>
          %mul3A_397 = arith.mulf %mul3A_396, %bitcast3A_392 : vector<16xf32>
          %sub3A_398 = arith.constant 1.500000e+00 : f32
          %sub3A_399 = vector.broadcast %sub3A_398 : f32 to vector<16xf32>
          %sub3A_400 = arith.subf %sub3A_399, %mul3A_397 : vector<16xf32>
          %mul3A_401 = arith.mulf %bitcast3A_392, %sub3A_400 : vector<16xf32>
          %mul3A_402 = arith.mulf %mul3A_395, %mul3A_401 : vector<16xf32>
          %mul3A_403 = arith.mulf %mul3A_402, %mul3A_401 : vector<16xf32>
          %sub3A_404 = arith.constant 1.500000e+00 : f32
          %sub3A_405 = vector.broadcast %sub3A_404 : f32 to vector<16xf32>
          %sub3A_406 = arith.subf %sub3A_405, %mul3A_403 : vector<16xf32>
          %mul3A_407 = arith.mulf %mul3A_401, %sub3A_406 : vector<16xf32>
          %mul3A_408 = arith.mulf %sub3A_374, %mul3A_407 : vector<16xf32>
          %swap3A_409 = arith.constant 0 : i32
          %swap3A_410 = arith.index_cast %shift_right_arithmetic3A_334 : i32 to index
          %swap3A_411 = arith.index_cast %swap3A_409 : i32 to index
          %swap3A_412 = arith.index_cast %mul3A_337 : i32 to index
          %swap3A_413 = tpu.vector_load %arg23[%swap3A_410, %swap3A_411, %swap3A_412] {strides = array<i32>} : memref<5x4x128xf32, #tpu.memory_space<vmem>>, vector<16xf32>,
          tpu.vector_store %arg23[%swap3A_410, %swap3A_411, %swap3A_412], %mul3A_408 {strides = array<i32>} : memref<5x4x128xf32, #tpu.memory_space<vmem>>, vector<16xf32>,
          %mul3A_414 = arith.mulf %sub3A_377, %mul3A_407 : vector<16xf32>
          %swap3A_415 = arith.constant 1 : i32
          %swap3A_416 = arith.index_cast %shift_right_arithmetic3A_334 : i32 to index
          %swap3A_417 = arith.index_cast %swap3A_415 : i32 to index
          %swap3A_418 = arith.index_cast %mul3A_337 : i32 to index
          %swap3A_419 = tpu.vector_load %arg23[%swap3A_416, %swap3A_417, %swap3A_418] {strides = array<i32>} : memref<5x4x128xf32, #tpu.memory_space<vmem>>, vector<16xf32>,
          tpu.vector_store %arg23[%swap3A_416, %swap3A_417, %swap3A_418], %mul3A_414 {strides = array<i32>} : memref<5x4x128xf32, #tpu.memory_space<vmem>>, vector<16xf32>,
          %mul3A_420 = arith.mulf %sub3A_380, %mul3A_407 : vector<16xf32>
          %swap3A_421 = arith.constant 2 : i32
          %swap3A_422 = arith.index_cast %shift_right_arithmetic3A_334 : i32 to index
          %swap3A_423 = arith.index_cast %swap3A_421 : i32 to index
          %swap3A_424 = arith.index_cast %mul3A_337 : i32 to index
          %swap3A_425 = tpu.vector_load %arg23[%swap3A_422, %swap3A_423, %swap3A_424] {strides = array<i32>} : memref<5x4x128xf32, #tpu.memory_space<vmem>>, vector<16xf32>,
          tpu.vector_store %arg23[%swap3A_422, %swap3A_423, %swap3A_424], %mul3A_420 {strides = array<i32>} : memref<5x4x128xf32, #tpu.memory_space<vmem>>, vector<16xf32>,
          %mul3A_426 = arith.mulf %add3A_385, %mul3A_407 : vector<16xf32>
          %mul3A_427 = arith.constant 5.000000e-01 : f32
          %mul3A_428 = vector.broadcast %mul3A_427 : f32 to vector<16xf32>
          %mul3A_429 = arith.mulf %mul3A_426, %mul3A_428 : vector<16xf32>
          %swap3A_430 = arith.index_cast %mul3A_287 : i32 to index
          %swap3A_431 = tpu.vector_load %arg24[%swap3A_430] {strides = array<i32>} : memref<640xf32, #tpu.memory_space<vmem>>, vector<16xf32>,
          tpu.vector_store %arg24[%swap3A_430], %mul3A_429 {strides = array<i32>} : memref<640xf32, #tpu.memory_space<vmem>>, vector<16xf32>,
          %scan3A_432 = arith.constant 0 : i32
          scf.yield %scan3A_432 : i32
        }
        %scan3A_192 = arith.constant 8 : i32
        %dma_wait3A_193 = arith.constant 3 : i32
        %dma_wait3A_194 = arith.constant 384 : i32
        %dma_wait3A_195 = arith.constant 0 : i32
        %dma_wait3A_196 = tpu.memref_slice %arg21[%dma_wait3A_194, %dma_wait3A_195] : memref<1920x8xf32, #tpu.memory_space<vmem>> -> memref<128x8xf32, #tpu.memory_space<vmem>>
        %dma_wait3A_197 = arith.constant 0 : i32
        %dma_wait3A_198 = tpu.memref_slice %arg20[%dma_wait3A_193, %dma_wait3A_197] : memref<15x128xi32, #tpu.memory_space<vmem>> -> memref<1x128xi32, #tpu.memory_space<vmem>>
        %dma_wait3A_199 = tpu.memref_squeeze %dma_wait3A_198 : memref<1x128xi32, #tpu.memory_space<vmem>> -> memref<128xi32, #tpu.memory_space<vmem>>
        %dma_wait3A_200 = arith.constant 0 : i32
        %dma_wait3A_201 = arith.constant 0 : i32
        %dma_wait3A_202 = tpu.memref_slice %arg2[%dma_wait3A_200, %dma_wait3A_201] : memref<1000000x8xf32, #tpu.memory_space<hbm>> -> memref<1000000x8xf32, #tpu.memory_space<hbm>>
        tpu.wait_indirect_dma semaphore(%arg28 : memref<!tpu.dma_semaphore, #tpu.memory_space<semaphore_mem>>) src(%dma_wait3A_202 : memref<1000000x8xf32, #tpu.memory_space<hbm>>) dst(%dma_wait3A_196 : memref<128x8xf32, #tpu.memory_space<vmem>>)
        %dma_wait3A_203 = arith.constant 8 : i32
        %dma_wait3A_204 = arith.constant 1024 : i32
        %dma_wait3A_205 = arith.constant 0 : i32
        %dma_wait3A_206 = tpu.memref_slice %arg21[%dma_wait3A_204, %dma_wait3A_205] : memref<1920x8xf32, #tpu.memory_space<vmem>> -> memref<128x8xf32, #tpu.memory_space<vmem>>
        %dma_wait3A_207 = arith.constant 0 : i32
        %dma_wait3A_208 = tpu.memref_slice %arg20[%dma_wait3A_203, %dma_wait3A_207] : memref<15x128xi32, #tpu.memory_space<vmem>> -> memref<1x128xi32, #tpu.memory_space<vmem>>
        %dma_wait3A_209 = tpu.memref_squeeze %dma_wait3A_208 : memref<1x128xi32, #tpu.memory_space<vmem>> -> memref<128xi32, #tpu.memory_space<vmem>>
        %dma_wait3A_210 = arith.constant 0 : i32
        %dma_wait3A_211 = arith.constant 0 : i32
        %dma_wait3A_212 = tpu.memref_slice %arg2[%dma_wait3A_210, %dma_wait3A_211] : memref<1000000x8xf32, #tpu.memory_space<hbm>> -> memref<1000000x8xf32, #tpu.memory_space<hbm>>
        tpu.wait_indirect_dma semaphore(%arg28 : memref<!tpu.dma_semaphore, #tpu.memory_space<semaphore_mem>>) src(%dma_wait3A_212 : memref<1000000x8xf32, #tpu.memory_space<hbm>>) dst(%dma_wait3A_206 : memref<128x8xf32, #tpu.memory_space<vmem>>)
        %dma_wait3A_213 = arith.constant 13 : i32
        %dma_wait3A_214 = arith.constant 1664 : i32
        %dma_wait3A_215 = arith.constant 0 : i32
        %dma_wait3A_216 = tpu.memref_slice %arg21[%dma_wait3A_214, %dma_wait3A_215] : memref<1920x8xf32, #tpu.memory_space<vmem>> -> memref<128x8xf32, #tpu.memory_space<vmem>>
        %dma_wait3A_217 = arith.constant 0 : i32
        %dma_wait3A_218 = tpu.memref_slice %arg20[%dma_wait3A_213, %dma_wait3A_217] : memref<15x128xi32, #tpu.memory_space<vmem>> -> memref<1x128xi32, #tpu.memory_space<vmem>>
        %dma_wait3A_219 = tpu.memref_squeeze %dma_wait3A_218 : memref<1x128xi32, #tpu.memory_space<vmem>> -> memref<128xi32, #tpu.memory_space<vmem>>
        %dma_wait3A_220 = arith.constant 0 : i32
        %dma_wait3A_221 = arith.constant 0 : i32
        %dma_wait3A_222 = tpu.memref_slice %arg2[%dma_wait3A_220, %dma_wait3A_221] : memref<1000000x8xf32, #tpu.memory_space<hbm>> -> memref<1000000x8xf32, #tpu.memory_space<hbm>>
        tpu.wait_indirect_dma semaphore(%arg28 : memref<!tpu.dma_semaphore, #tpu.memory_space<semaphore_mem>>) src(%dma_wait3A_222 : memref<1000000x8xf32, #tpu.memory_space<hbm>>) dst(%dma_wait3A_216 : memref<128x8xf32, #tpu.memory_space<vmem>>)
        %scan3A_223 = arith.constant 0 : i32
        %scan3A_224 = arith.constant 24 : i32
        %scan3A_225 = arith.constant 8 : i32
        %scan3A_226 = arith.addi %scan3A_224, %scan3A_225 : i32
        %scan3A_227 = arith.constant 1 : i32
        %scan3A_228 = scf.for %scan3A_284 = %scan3A_224 to %scan3A_226 step %scan3A_227 iter_args(%scan3A_285 = %scan3A_223) -> (i32)  : i32 {
          %mul3A_286 = arith.constant 16 : i32
          %mul3A_287 = arith.muli %scan3A_284, %mul3A_286 : i32
          %add3A_288 = vector.broadcast %mul3A_287 : i32 to vector<16xi32>
          %add3A_289 = arith.addi %add3A_288, %iota3A : vector<16xi32>
          %add3A_290 = arith.constant 0 : i32
          %add3A_291 = vector.broadcast %add3A_290 : i32 to vector<16xi32>
          %add3A_292 = arith.addi %add3A_289, %add3A_291 : vector<16xi32>
          %add3A_293 = arith.constant 0 : i32
          %add3A_294 = vector.broadcast %add3A_293 : i32 to vector<16xi32>
          %add3A_295 = arith.addi %broadcast_in_dim3A_81, %add3A_294 : vector<16xi32>
          %gather3A = tpu.vector_load_idx %arg21[%add3A_292, %add3A_295] : memref<1920x8xf32, #tpu.memory_space<vmem>>[vector<16xi32>, vector<16xi32>], vector<16xf32>,
          %add3A_296 = arith.constant 1 : i32
          %add3A_297 = vector.broadcast %add3A_296 : i32 to vector<16xi32>
          %add3A_298 = arith.addi %broadcast_in_dim3A_81, %add3A_297 : vector<16xi32>
          %gather3A_299 = tpu.vector_load_idx %arg21[%add3A_292, %add3A_298] : memref<1920x8xf32, #tpu.memory_space<vmem>>[vector<16xi32>, vector<16xi32>], vector<16xf32>,
          %add3A_300 = arith.constant 2 : i32
          %add3A_301 = vector.broadcast %add3A_300 : i32 to vector<16xi32>
          %add3A_302 = arith.addi %broadcast_in_dim3A_81, %add3A_301 : vector<16xi32>
          %gather3A_303 = tpu.vector_load_idx %arg21[%add3A_292, %add3A_302] : memref<1920x8xf32, #tpu.memory_space<vmem>>[vector<16xi32>, vector<16xi32>], vector<16xf32>,
          %add3A_304 = arith.constant 640 : i32
          %add3A_305 = vector.broadcast %add3A_304 : i32 to vector<16xi32>
          %add3A_306 = arith.addi %add3A_289, %add3A_305 : vector<16xi32>
          %add3A_307 = arith.constant 0 : i32
          %add3A_308 = vector.broadcast %add3A_307 : i32 to vector<16xi32>
          %add3A_309 = arith.addi %broadcast_in_dim3A_81, %add3A_308 : vector<16xi32>
          %gather3A_310 = tpu.vector_load_idx %arg21[%add3A_306, %add3A_309] : memref<1920x8xf32, #tpu.memory_space<vmem>>[vector<16xi32>, vector<16xi32>], vector<16xf32>,
          %add3A_311 = arith.constant 1 : i32
          %add3A_312 = vector.broadcast %add3A_311 : i32 to vector<16xi32>
          %add3A_313 = arith.addi %broadcast_in_dim3A_81, %add3A_312 : vector<16xi32>
          %gather3A_314 = tpu.vector_load_idx %arg21[%add3A_306, %add3A_313] : memref<1920x8xf32, #tpu.memory_space<vmem>>[vector<16xi32>, vector<16xi32>], vector<16xf32>,
          %add3A_315 = arith.constant 2 : i32
          %add3A_316 = vector.broadcast %add3A_315 : i32 to vector<16xi32>
          %add3A_317 = arith.addi %broadcast_in_dim3A_81, %add3A_316 : vector<16xi32>
          %gather3A_318 = tpu.vector_load_idx %arg21[%add3A_306, %add3A_317] : memref<1920x8xf32, #tpu.memory_space<vmem>>[vector<16xi32>, vector<16xi32>], vector<16xf32>,
          %add3A_319 = arith.constant 1280 : i32
          %add3A_320 = vector.broadcast %add3A_319 : i32 to vector<16xi32>
          %add3A_321 = arith.addi %add3A_289, %add3A_320 : vector<16xi32>
          %add3A_322 = arith.constant 0 : i32
          %add3A_323 = vector.broadcast %add3A_322 : i32 to vector<16xi32>
          %add3A_324 = arith.addi %broadcast_in_dim3A_81, %add3A_323 : vector<16xi32>
          %gather3A_325 = tpu.vector_load_idx %arg21[%add3A_321, %add3A_324] : memref<1920x8xf32, #tpu.memory_space<vmem>>[vector<16xi32>, vector<16xi32>], vector<16xf32>,
          %add3A_326 = arith.constant 1 : i32
          %add3A_327 = vector.broadcast %add3A_326 : i32 to vector<16xi32>
          %add3A_328 = arith.addi %broadcast_in_dim3A_81, %add3A_327 : vector<16xi32>
          %gather3A_329 = tpu.vector_load_idx %arg21[%add3A_321, %add3A_328] : memref<1920x8xf32, #tpu.memory_space<vmem>>[vector<16xi32>, vector<16xi32>], vector<16xf32>,
          %add3A_330 = arith.constant 2 : i32
          %add3A_331 = vector.broadcast %add3A_330 : i32 to vector<16xi32>
          %add3A_332 = arith.addi %broadcast_in_dim3A_81, %add3A_331 : vector<16xi32>
          %gather3A_333 = tpu.vector_load_idx %arg21[%add3A_321, %add3A_332] : memref<1920x8xf32, #tpu.memory_space<vmem>>[vector<16xi32>, vector<16xi32>], vector<16xf32>,
          %shift_right_arithmetic3A = arith.constant 3 : i32
          %shift_right_arithmetic3A_334 = arith.shrsi %scan3A_284, %shift_right_arithmetic3A : i32
          %and3A = arith.constant 7 : i32
          %and3A_335 = arith.andi %scan3A_284, %and3A : i32
          %mul3A_336 = arith.constant 16 : i32
          %mul3A_337 = arith.muli %and3A_335, %mul3A_336 : i32
          %add3A_338 = arith.addf %gather3A, %gather3A_310 : vector<16xf32>
          %add3A_339 = arith.addf %add3A_338, %gather3A_325 : vector<16xf32>
          %mul3A_340 = arith.constant 0.333333343 : f32
          %mul3A_341 = vector.broadcast %mul3A_340 : f32 to vector<16xf32>
          %mul3A_342 = arith.mulf %add3A_339, %mul3A_341 : vector<16xf32>
          %swap3A = arith.constant 0 : i32
          %swap3A_343 = arith.index_cast %shift_right_arithmetic3A_334 : i32 to index
          %swap3A_344 = arith.index_cast %swap3A : i32 to index
          %swap3A_345 = arith.index_cast %mul3A_337 : i32 to index
          %swap3A_346 = tpu.vector_load %arg22[%swap3A_343, %swap3A_344, %swap3A_345] {strides = array<i32>} : memref<5x4x128xf32, #tpu.memory_space<vmem>>, vector<16xf32>,
          tpu.vector_store %arg22[%swap3A_343, %swap3A_344, %swap3A_345], %mul3A_342 {strides = array<i32>} : memref<5x4x128xf32, #tpu.memory_space<vmem>>, vector<16xf32>,
          %add3A_347 = arith.addf %gather3A_299, %gather3A_314 : vector<16xf32>
          %add3A_348 = arith.addf %add3A_347, %gather3A_329 : vector<16xf32>
          %mul3A_349 = arith.constant 0.333333343 : f32
          %mul3A_350 = vector.broadcast %mul3A_349 : f32 to vector<16xf32>
          %mul3A_351 = arith.mulf %add3A_348, %mul3A_350 : vector<16xf32>
          %swap3A_352 = arith.constant 1 : i32
          %swap3A_353 = arith.index_cast %shift_right_arithmetic3A_334 : i32 to index
          %swap3A_354 = arith.index_cast %swap3A_352 : i32 to index
          %swap3A_355 = arith.index_cast %mul3A_337 : i32 to index
          %swap3A_356 = tpu.vector_load %arg22[%swap3A_353, %swap3A_354, %swap3A_355] {strides = array<i32>} : memref<5x4x128xf32, #tpu.memory_space<vmem>>, vector<16xf32>,
          tpu.vector_store %arg22[%swap3A_353, %swap3A_354, %swap3A_355], %mul3A_351 {strides = array<i32>} : memref<5x4x128xf32, #tpu.memory_space<vmem>>, vector<16xf32>,
          %add3A_357 = arith.addf %gather3A_303, %gather3A_318 : vector<16xf32>
          %add3A_358 = arith.addf %add3A_357, %gather3A_333 : vector<16xf32>
          %mul3A_359 = arith.constant 0.333333343 : f32
          %mul3A_360 = vector.broadcast %mul3A_359 : f32 to vector<16xf32>
          %mul3A_361 = arith.mulf %add3A_358, %mul3A_360 : vector<16xf32>
          %swap3A_362 = arith.constant 2 : i32
          %swap3A_363 = arith.index_cast %shift_right_arithmetic3A_334 : i32 to index
          %swap3A_364 = arith.index_cast %swap3A_362 : i32 to index
          %swap3A_365 = arith.index_cast %mul3A_337 : i32 to index
          %swap3A_366 = tpu.vector_load %arg22[%swap3A_363, %swap3A_364, %swap3A_365] {strides = array<i32>} : memref<5x4x128xf32, #tpu.memory_space<vmem>>, vector<16xf32>,
          tpu.vector_store %arg22[%swap3A_363, %swap3A_364, %swap3A_365], %mul3A_361 {strides = array<i32>} : memref<5x4x128xf32, #tpu.memory_space<vmem>>, vector<16xf32>,
          %sub3A = arith.subf %gather3A_310, %gather3A : vector<16xf32>
          %sub3A_367 = arith.subf %gather3A_314, %gather3A_299 : vector<16xf32>
          %sub3A_368 = arith.subf %gather3A_318, %gather3A_303 : vector<16xf32>
          %sub3A_369 = arith.subf %gather3A_325, %gather3A_310 : vector<16xf32>
          %sub3A_370 = arith.subf %gather3A_329, %gather3A_314 : vector<16xf32>
          %sub3A_371 = arith.subf %gather3A_333, %gather3A_318 : vector<16xf32>
          %mul3A_372 = arith.mulf %sub3A_367, %sub3A_371 : vector<16xf32>
          %mul3A_373 = arith.mulf %sub3A_368, %sub3A_370 : vector<16xf32>
          %sub3A_374 = arith.subf %mul3A_372, %mul3A_373 : vector<16xf32>
          %mul3A_375 = arith.mulf %sub3A_368, %sub3A_369 : vector<16xf32>
          %mul3A_376 = arith.mulf %sub3A, %sub3A_371 : vector<16xf32>
          %sub3A_377 = arith.subf %mul3A_375, %mul3A_376 : vector<16xf32>
          %mul3A_378 = arith.mulf %sub3A, %sub3A_370 : vector<16xf32>
          %mul3A_379 = arith.mulf %sub3A_367, %sub3A_369 : vector<16xf32>
          %sub3A_380 = arith.subf %mul3A_378, %mul3A_379 : vector<16xf32>
          %mul3A_381 = arith.mulf %sub3A_374, %sub3A_374 : vector<16xf32>
          %mul3A_382 = arith.mulf %sub3A_377, %sub3A_377 : vector<16xf32>
          %add3A_383 = arith.addf %mul3A_381, %mul3A_382 : vector<16xf32>
          %mul3A_384 = arith.mulf %sub3A_380, %sub3A_380 : vector<16xf32>
          %add3A_385 = arith.addf %add3A_383, %mul3A_384 : vector<16xf32>
          %bitcast3A = vector.bitcast %add3A_385 : vector<16xf32> to vector<16xi32>
          %shift_right_arithmetic3A_386 = arith.constant 1 : i32
          %shift_right_arithmetic3A_387 = vector.broadcast %shift_right_arithmetic3A_386 : i32 to vector<16xi32>
          %shift_right_arithmetic3A_388 = arith.shrsi %bitcast3A, %shift_right_arithmetic3A_387 : vector<16xi32>
          %sub3A_389 = arith.constant 1597463007 : i32
          %sub3A_390 = vector.broadcast %sub3A_389 : i32 to vector<16xi32>
          %sub3A_391 = arith.subi %sub3A_390, %shift_right_arithmetic3A_388 : vector<16xi32>
          %bitcast3A_392 = vector.bitcast %sub3A_391 : vector<16xi32> to vector<16xf32>
          %mul3A_393 = arith.constant 5.000000e-01 : f32
          %mul3A_394 = vector.broadcast %mul3A_393 : f32 to vector<16xf32>
          %mul3A_395 = arith.mulf %add3A_385, %mul3A_394 : vector<16xf32>
          %mul3A_396 = arith.mulf %mul3A_395, %bitcast3A_392 : vector<16xf32>
          %mul3A_397 = arith.mulf %mul3A_396, %bitcast3A_392 : vector<16xf32>
          %sub3A_398 = arith.constant 1.500000e+00 : f32
          %sub3A_399 = vector.broadcast %sub3A_398 : f32 to vector<16xf32>
          %sub3A_400 = arith.subf %sub3A_399, %mul3A_397 : vector<16xf32>
          %mul3A_401 = arith.mulf %bitcast3A_392, %sub3A_400 : vector<16xf32>
          %mul3A_402 = arith.mulf %mul3A_395, %mul3A_401 : vector<16xf32>
          %mul3A_403 = arith.mulf %mul3A_402, %mul3A_401 : vector<16xf32>
          %sub3A_404 = arith.constant 1.500000e+00 : f32
          %sub3A_405 = vector.broadcast %sub3A_404 : f32 to vector<16xf32>
          %sub3A_406 = arith.subf %sub3A_405, %mul3A_403 : vector<16xf32>
          %mul3A_407 = arith.mulf %mul3A_401, %sub3A_406 : vector<16xf32>
          %mul3A_408 = arith.mulf %sub3A_374, %mul3A_407 : vector<16xf32>
          %swap3A_409 = arith.constant 0 : i32
          %swap3A_410 = arith.index_cast %shift_right_arithmetic3A_334 : i32 to index
          %swap3A_411 = arith.index_cast %swap3A_409 : i32 to index
          %swap3A_412 = arith.index_cast %mul3A_337 : i32 to index
          %swap3A_413 = tpu.vector_load %arg23[%swap3A_410, %swap3A_411, %swap3A_412] {strides = array<i32>} : memref<5x4x128xf32, #tpu.memory_space<vmem>>, vector<16xf32>,
          tpu.vector_store %arg23[%swap3A_410, %swap3A_411, %swap3A_412], %mul3A_408 {strides = array<i32>} : memref<5x4x128xf32, #tpu.memory_space<vmem>>, vector<16xf32>,
          %mul3A_414 = arith.mulf %sub3A_377, %mul3A_407 : vector<16xf32>
          %swap3A_415 = arith.constant 1 : i32
          %swap3A_416 = arith.index_cast %shift_right_arithmetic3A_334 : i32 to index
          %swap3A_417 = arith.index_cast %swap3A_415 : i32 to index
          %swap3A_418 = arith.index_cast %mul3A_337 : i32 to index
          %swap3A_419 = tpu.vector_load %arg23[%swap3A_416, %swap3A_417, %swap3A_418] {strides = array<i32>} : memref<5x4x128xf32, #tpu.memory_space<vmem>>, vector<16xf32>,
          tpu.vector_store %arg23[%swap3A_416, %swap3A_417, %swap3A_418], %mul3A_414 {strides = array<i32>} : memref<5x4x128xf32, #tpu.memory_space<vmem>>, vector<16xf32>,
          %mul3A_420 = arith.mulf %sub3A_380, %mul3A_407 : vector<16xf32>
          %swap3A_421 = arith.constant 2 : i32
          %swap3A_422 = arith.index_cast %shift_right_arithmetic3A_334 : i32 to index
          %swap3A_423 = arith.index_cast %swap3A_421 : i32 to index
          %swap3A_424 = arith.index_cast %mul3A_337 : i32 to index
          %swap3A_425 = tpu.vector_load %arg23[%swap3A_422, %swap3A_423, %swap3A_424] {strides = array<i32>} : memref<5x4x128xf32, #tpu.memory_space<vmem>>, vector<16xf32>,
          tpu.vector_store %arg23[%swap3A_422, %swap3A_423, %swap3A_424], %mul3A_420 {strides = array<i32>} : memref<5x4x128xf32, #tpu.memory_space<vmem>>, vector<16xf32>,
          %mul3A_426 = arith.mulf %add3A_385, %mul3A_407 : vector<16xf32>
          %mul3A_427 = arith.constant 5.000000e-01 : f32
          %mul3A_428 = vector.broadcast %mul3A_427 : f32 to vector<16xf32>
          %mul3A_429 = arith.mulf %mul3A_426, %mul3A_428 : vector<16xf32>
          %swap3A_430 = arith.index_cast %mul3A_287 : i32 to index
          %swap3A_431 = tpu.vector_load %arg24[%swap3A_430] {strides = array<i32>} : memref<640xf32, #tpu.memory_space<vmem>>, vector<16xf32>,
          tpu.vector_store %arg24[%swap3A_430], %mul3A_429 {strides = array<i32>} : memref<640xf32, #tpu.memory_space<vmem>>, vector<16xf32>,
          %scan3A_432 = arith.constant 0 : i32
          scf.yield %scan3A_432 : i32
        }
        %scan3A_229 = arith.constant 8 : i32
        %dma_wait3A_230 = arith.constant 4 : i32
        %dma_wait3A_231 = arith.constant 512 : i32
        %dma_wait3A_232 = arith.constant 0 : i32
        %dma_wait3A_233 = tpu.memref_slice %arg21[%dma_wait3A_231, %dma_wait3A_232] : memref<1920x8xf32, #tpu.memory_space<vmem>> -> memref<128x8xf32, #tpu.memory_space<vmem>>
        %dma_wait3A_234 = arith.constant 0 : i32
        %dma_wait3A_235 = tpu.memref_slice %arg20[%dma_wait3A_230, %dma_wait3A_234] : memref<15x128xi32, #tpu.memory_space<vmem>> -> memref<1x128xi32, #tpu.memory_space<vmem>>
        %dma_wait3A_236 = tpu.memref_squeeze %dma_wait3A_235 : memref<1x128xi32, #tpu.memory_space<vmem>> -> memref<128xi32, #tpu.memory_space<vmem>>
        %dma_wait3A_237 = arith.constant 0 : i32
        %dma_wait3A_238 = arith.constant 0 : i32
        %dma_wait3A_239 = tpu.memref_slice %arg2[%dma_wait3A_237, %dma_wait3A_238] : memref<1000000x8xf32, #tpu.memory_space<hbm>> -> memref<1000000x8xf32, #tpu.memory_space<hbm>>
        tpu.wait_indirect_dma semaphore(%arg29 : memref<!tpu.dma_semaphore, #tpu.memory_space<semaphore_mem>>) src(%dma_wait3A_239 : memref<1000000x8xf32, #tpu.memory_space<hbm>>) dst(%dma_wait3A_233 : memref<128x8xf32, #tpu.memory_space<vmem>>)
        %dma_wait3A_240 = arith.constant 9 : i32
        %dma_wait3A_241 = arith.constant 1152 : i32
        %dma_wait3A_242 = arith.constant 0 : i32
        %dma_wait3A_243 = tpu.memref_slice %arg21[%dma_wait3A_241, %dma_wait3A_242] : memref<1920x8xf32, #tpu.memory_space<vmem>> -> memref<128x8xf32, #tpu.memory_space<vmem>>
        %dma_wait3A_244 = arith.constant 0 : i32
        %dma_wait3A_245 = tpu.memref_slice %arg20[%dma_wait3A_240, %dma_wait3A_244] : memref<15x128xi32, #tpu.memory_space<vmem>> -> memref<1x128xi32, #tpu.memory_space<vmem>>
        %dma_wait3A_246 = tpu.memref_squeeze %dma_wait3A_245 : memref<1x128xi32, #tpu.memory_space<vmem>> -> memref<128xi32, #tpu.memory_space<vmem>>
        %dma_wait3A_247 = arith.constant 0 : i32
        %dma_wait3A_248 = arith.constant 0 : i32
        %dma_wait3A_249 = tpu.memref_slice %arg2[%dma_wait3A_247, %dma_wait3A_248] : memref<1000000x8xf32, #tpu.memory_space<hbm>> -> memref<1000000x8xf32, #tpu.memory_space<hbm>>
        tpu.wait_indirect_dma semaphore(%arg29 : memref<!tpu.dma_semaphore, #tpu.memory_space<semaphore_mem>>) src(%dma_wait3A_249 : memref<1000000x8xf32, #tpu.memory_space<hbm>>) dst(%dma_wait3A_243 : memref<128x8xf32, #tpu.memory_space<vmem>>)
        %dma_wait3A_250 = arith.constant 14 : i32
        %dma_wait3A_251 = arith.constant 1792 : i32
        %dma_wait3A_252 = arith.constant 0 : i32
        %dma_wait3A_253 = tpu.memref_slice %arg21[%dma_wait3A_251, %dma_wait3A_252] : memref<1920x8xf32, #tpu.memory_space<vmem>> -> memref<128x8xf32, #tpu.memory_space<vmem>>
        %dma_wait3A_254 = arith.constant 0 : i32
        %dma_wait3A_255 = tpu.memref_slice %arg20[%dma_wait3A_250, %dma_wait3A_254] : memref<15x128xi32, #tpu.memory_space<vmem>> -> memref<1x128xi32, #tpu.memory_space<vmem>>
        %dma_wait3A_256 = tpu.memref_squeeze %dma_wait3A_255 : memref<1x128xi32, #tpu.memory_space<vmem>> -> memref<128xi32, #tpu.memory_space<vmem>>
        %dma_wait3A_257 = arith.constant 0 : i32
        %dma_wait3A_258 = arith.constant 0 : i32
        %dma_wait3A_259 = tpu.memref_slice %arg2[%dma_wait3A_257, %dma_wait3A_258] : memref<1000000x8xf32, #tpu.memory_space<hbm>> -> memref<1000000x8xf32, #tpu.memory_space<hbm>>
        tpu.wait_indirect_dma semaphore(%arg29 : memref<!tpu.dma_semaphore, #tpu.memory_space<semaphore_mem>>) src(%dma_wait3A_259 : memref<1000000x8xf32, #tpu.memory_space<hbm>>) dst(%dma_wait3A_253 : memref<128x8xf32, #tpu.memory_space<vmem>>)
        %scan3A_260 = arith.constant 0 : i32
        %scan3A_261 = arith.constant 32 : i32
        %scan3A_262 = arith.constant 8 : i32
        %scan3A_263 = arith.addi %scan3A_261, %scan3A_262 : i32
        %scan3A_264 = arith.constant 1 : i32
        %scan3A_265 = scf.for %scan3A_284 = %scan3A_261 to %scan3A_263 step %scan3A_264 iter_args(%scan3A_285 = %scan3A_260) -> (i32)  : i32 {
          %mul3A_286 = arith.constant 16 : i32
          %mul3A_287 = arith.muli %scan3A_284, %mul3A_286 : i32
          %add3A_288 = vector.broadcast %mul3A_287 : i32 to vector<16xi32>
          %add3A_289 = arith.addi %add3A_288, %iota3A : vector<16xi32>
          %add3A_290 = arith.constant 0 : i32
          %add3A_291 = vector.broadcast %add3A_290 : i32 to vector<16xi32>
          %add3A_292 = arith.addi %add3A_289, %add3A_291 : vector<16xi32>
          %add3A_293 = arith.constant 0 : i32
          %add3A_294 = vector.broadcast %add3A_293 : i32 to vector<16xi32>
          %add3A_295 = arith.addi %broadcast_in_dim3A_81, %add3A_294 : vector<16xi32>
          %gather3A = tpu.vector_load_idx %arg21[%add3A_292, %add3A_295] : memref<1920x8xf32, #tpu.memory_space<vmem>>[vector<16xi32>, vector<16xi32>], vector<16xf32>,
          %add3A_296 = arith.constant 1 : i32
          %add3A_297 = vector.broadcast %add3A_296 : i32 to vector<16xi32>
          %add3A_298 = arith.addi %broadcast_in_dim3A_81, %add3A_297 : vector<16xi32>
          %gather3A_299 = tpu.vector_load_idx %arg21[%add3A_292, %add3A_298] : memref<1920x8xf32, #tpu.memory_space<vmem>>[vector<16xi32>, vector<16xi32>], vector<16xf32>,
          %add3A_300 = arith.constant 2 : i32
          %add3A_301 = vector.broadcast %add3A_300 : i32 to vector<16xi32>
          %add3A_302 = arith.addi %broadcast_in_dim3A_81, %add3A_301 : vector<16xi32>
          %gather3A_303 = tpu.vector_load_idx %arg21[%add3A_292, %add3A_302] : memref<1920x8xf32, #tpu.memory_space<vmem>>[vector<16xi32>, vector<16xi32>], vector<16xf32>,
          %add3A_304 = arith.constant 640 : i32
          %add3A_305 = vector.broadcast %add3A_304 : i32 to vector<16xi32>
          %add3A_306 = arith.addi %add3A_289, %add3A_305 : vector<16xi32>
          %add3A_307 = arith.constant 0 : i32
          %add3A_308 = vector.broadcast %add3A_307 : i32 to vector<16xi32>
          %add3A_309 = arith.addi %broadcast_in_dim3A_81, %add3A_308 : vector<16xi32>
          %gather3A_310 = tpu.vector_load_idx %arg21[%add3A_306, %add3A_309] : memref<1920x8xf32, #tpu.memory_space<vmem>>[vector<16xi32>, vector<16xi32>], vector<16xf32>,
          %add3A_311 = arith.constant 1 : i32
          %add3A_312 = vector.broadcast %add3A_311 : i32 to vector<16xi32>
          %add3A_313 = arith.addi %broadcast_in_dim3A_81, %add3A_312 : vector<16xi32>
          %gather3A_314 = tpu.vector_load_idx %arg21[%add3A_306, %add3A_313] : memref<1920x8xf32, #tpu.memory_space<vmem>>[vector<16xi32>, vector<16xi32>], vector<16xf32>,
          %add3A_315 = arith.constant 2 : i32
          %add3A_316 = vector.broadcast %add3A_315 : i32 to vector<16xi32>
          %add3A_317 = arith.addi %broadcast_in_dim3A_81, %add3A_316 : vector<16xi32>
          %gather3A_318 = tpu.vector_load_idx %arg21[%add3A_306, %add3A_317] : memref<1920x8xf32, #tpu.memory_space<vmem>>[vector<16xi32>, vector<16xi32>], vector<16xf32>,
          %add3A_319 = arith.constant 1280 : i32
          %add3A_320 = vector.broadcast %add3A_319 : i32 to vector<16xi32>
          %add3A_321 = arith.addi %add3A_289, %add3A_320 : vector<16xi32>
          %add3A_322 = arith.constant 0 : i32
          %add3A_323 = vector.broadcast %add3A_322 : i32 to vector<16xi32>
          %add3A_324 = arith.addi %broadcast_in_dim3A_81, %add3A_323 : vector<16xi32>
          %gather3A_325 = tpu.vector_load_idx %arg21[%add3A_321, %add3A_324] : memref<1920x8xf32, #tpu.memory_space<vmem>>[vector<16xi32>, vector<16xi32>], vector<16xf32>,
          %add3A_326 = arith.constant 1 : i32
          %add3A_327 = vector.broadcast %add3A_326 : i32 to vector<16xi32>
          %add3A_328 = arith.addi %broadcast_in_dim3A_81, %add3A_327 : vector<16xi32>
          %gather3A_329 = tpu.vector_load_idx %arg21[%add3A_321, %add3A_328] : memref<1920x8xf32, #tpu.memory_space<vmem>>[vector<16xi32>, vector<16xi32>], vector<16xf32>,
          %add3A_330 = arith.constant 2 : i32
          %add3A_331 = vector.broadcast %add3A_330 : i32 to vector<16xi32>
          %add3A_332 = arith.addi %broadcast_in_dim3A_81, %add3A_331 : vector<16xi32>
          %gather3A_333 = tpu.vector_load_idx %arg21[%add3A_321, %add3A_332] : memref<1920x8xf32, #tpu.memory_space<vmem>>[vector<16xi32>, vector<16xi32>], vector<16xf32>,
          %shift_right_arithmetic3A = arith.constant 3 : i32
          %shift_right_arithmetic3A_334 = arith.shrsi %scan3A_284, %shift_right_arithmetic3A : i32
          %and3A = arith.constant 7 : i32
          %and3A_335 = arith.andi %scan3A_284, %and3A : i32
          %mul3A_336 = arith.constant 16 : i32
          %mul3A_337 = arith.muli %and3A_335, %mul3A_336 : i32
          %add3A_338 = arith.addf %gather3A, %gather3A_310 : vector<16xf32>
          %add3A_339 = arith.addf %add3A_338, %gather3A_325 : vector<16xf32>
          %mul3A_340 = arith.constant 0.333333343 : f32
          %mul3A_341 = vector.broadcast %mul3A_340 : f32 to vector<16xf32>
          %mul3A_342 = arith.mulf %add3A_339, %mul3A_341 : vector<16xf32>
          %swap3A = arith.constant 0 : i32
          %swap3A_343 = arith.index_cast %shift_right_arithmetic3A_334 : i32 to index
          %swap3A_344 = arith.index_cast %swap3A : i32 to index
          %swap3A_345 = arith.index_cast %mul3A_337 : i32 to index
          %swap3A_346 = tpu.vector_load %arg22[%swap3A_343, %swap3A_344, %swap3A_345] {strides = array<i32>} : memref<5x4x128xf32, #tpu.memory_space<vmem>>, vector<16xf32>,
          tpu.vector_store %arg22[%swap3A_343, %swap3A_344, %swap3A_345], %mul3A_342 {strides = array<i32>} : memref<5x4x128xf32, #tpu.memory_space<vmem>>, vector<16xf32>,
          %add3A_347 = arith.addf %gather3A_299, %gather3A_314 : vector<16xf32>
          %add3A_348 = arith.addf %add3A_347, %gather3A_329 : vector<16xf32>
          %mul3A_349 = arith.constant 0.333333343 : f32
          %mul3A_350 = vector.broadcast %mul3A_349 : f32 to vector<16xf32>
          %mul3A_351 = arith.mulf %add3A_348, %mul3A_350 : vector<16xf32>
          %swap3A_352 = arith.constant 1 : i32
          %swap3A_353 = arith.index_cast %shift_right_arithmetic3A_334 : i32 to index
          %swap3A_354 = arith.index_cast %swap3A_352 : i32 to index
          %swap3A_355 = arith.index_cast %mul3A_337 : i32 to index
          %swap3A_356 = tpu.vector_load %arg22[%swap3A_353, %swap3A_354, %swap3A_355] {strides = array<i32>} : memref<5x4x128xf32, #tpu.memory_space<vmem>>, vector<16xf32>,
          tpu.vector_store %arg22[%swap3A_353, %swap3A_354, %swap3A_355], %mul3A_351 {strides = array<i32>} : memref<5x4x128xf32, #tpu.memory_space<vmem>>, vector<16xf32>,
          %add3A_357 = arith.addf %gather3A_303, %gather3A_318 : vector<16xf32>
          %add3A_358 = arith.addf %add3A_357, %gather3A_333 : vector<16xf32>
          %mul3A_359 = arith.constant 0.333333343 : f32
          %mul3A_360 = vector.broadcast %mul3A_359 : f32 to vector<16xf32>
          %mul3A_361 = arith.mulf %add3A_358, %mul3A_360 : vector<16xf32>
          %swap3A_362 = arith.constant 2 : i32
          %swap3A_363 = arith.index_cast %shift_right_arithmetic3A_334 : i32 to index
          %swap3A_364 = arith.index_cast %swap3A_362 : i32 to index
          %swap3A_365 = arith.index_cast %mul3A_337 : i32 to index
          %swap3A_366 = tpu.vector_load %arg22[%swap3A_363, %swap3A_364, %swap3A_365] {strides = array<i32>} : memref<5x4x128xf32, #tpu.memory_space<vmem>>, vector<16xf32>,
          tpu.vector_store %arg22[%swap3A_363, %swap3A_364, %swap3A_365], %mul3A_361 {strides = array<i32>} : memref<5x4x128xf32, #tpu.memory_space<vmem>>, vector<16xf32>,
          %sub3A = arith.subf %gather3A_310, %gather3A : vector<16xf32>
          %sub3A_367 = arith.subf %gather3A_314, %gather3A_299 : vector<16xf32>
          %sub3A_368 = arith.subf %gather3A_318, %gather3A_303 : vector<16xf32>
          %sub3A_369 = arith.subf %gather3A_325, %gather3A_310 : vector<16xf32>
          %sub3A_370 = arith.subf %gather3A_329, %gather3A_314 : vector<16xf32>
          %sub3A_371 = arith.subf %gather3A_333, %gather3A_318 : vector<16xf32>
          %mul3A_372 = arith.mulf %sub3A_367, %sub3A_371 : vector<16xf32>
          %mul3A_373 = arith.mulf %sub3A_368, %sub3A_370 : vector<16xf32>
          %sub3A_374 = arith.subf %mul3A_372, %mul3A_373 : vector<16xf32>
          %mul3A_375 = arith.mulf %sub3A_368, %sub3A_369 : vector<16xf32>
          %mul3A_376 = arith.mulf %sub3A, %sub3A_371 : vector<16xf32>
          %sub3A_377 = arith.subf %mul3A_375, %mul3A_376 : vector<16xf32>
          %mul3A_378 = arith.mulf %sub3A, %sub3A_370 : vector<16xf32>
          %mul3A_379 = arith.mulf %sub3A_367, %sub3A_369 : vector<16xf32>
          %sub3A_380 = arith.subf %mul3A_378, %mul3A_379 : vector<16xf32>
          %mul3A_381 = arith.mulf %sub3A_374, %sub3A_374 : vector<16xf32>
          %mul3A_382 = arith.mulf %sub3A_377, %sub3A_377 : vector<16xf32>
          %add3A_383 = arith.addf %mul3A_381, %mul3A_382 : vector<16xf32>
          %mul3A_384 = arith.mulf %sub3A_380, %sub3A_380 : vector<16xf32>
          %add3A_385 = arith.addf %add3A_383, %mul3A_384 : vector<16xf32>
          %bitcast3A = vector.bitcast %add3A_385 : vector<16xf32> to vector<16xi32>
          %shift_right_arithmetic3A_386 = arith.constant 1 : i32
          %shift_right_arithmetic3A_387 = vector.broadcast %shift_right_arithmetic3A_386 : i32 to vector<16xi32>
          %shift_right_arithmetic3A_388 = arith.shrsi %bitcast3A, %shift_right_arithmetic3A_387 : vector<16xi32>
          %sub3A_389 = arith.constant 1597463007 : i32
          %sub3A_390 = vector.broadcast %sub3A_389 : i32 to vector<16xi32>
          %sub3A_391 = arith.subi %sub3A_390, %shift_right_arithmetic3A_388 : vector<16xi32>
          %bitcast3A_392 = vector.bitcast %sub3A_391 : vector<16xi32> to vector<16xf32>
          %mul3A_393 = arith.constant 5.000000e-01 : f32
          %mul3A_394 = vector.broadcast %mul3A_393 : f32 to vector<16xf32>
          %mul3A_395 = arith.mulf %add3A_385, %mul3A_394 : vector<16xf32>
          %mul3A_396 = arith.mulf %mul3A_395, %bitcast3A_392 : vector<16xf32>
          %mul3A_397 = arith.mulf %mul3A_396, %bitcast3A_392 : vector<16xf32>
          %sub3A_398 = arith.constant 1.500000e+00 : f32
          %sub3A_399 = vector.broadcast %sub3A_398 : f32 to vector<16xf32>
          %sub3A_400 = arith.subf %sub3A_399, %mul3A_397 : vector<16xf32>
          %mul3A_401 = arith.mulf %bitcast3A_392, %sub3A_400 : vector<16xf32>
          %mul3A_402 = arith.mulf %mul3A_395, %mul3A_401 : vector<16xf32>
          %mul3A_403 = arith.mulf %mul3A_402, %mul3A_401 : vector<16xf32>
          %sub3A_404 = arith.constant 1.500000e+00 : f32
          %sub3A_405 = vector.broadcast %sub3A_404 : f32 to vector<16xf32>
          %sub3A_406 = arith.subf %sub3A_405, %mul3A_403 : vector<16xf32>
          %mul3A_407 = arith.mulf %mul3A_401, %sub3A_406 : vector<16xf32>
          %mul3A_408 = arith.mulf %sub3A_374, %mul3A_407 : vector<16xf32>
          %swap3A_409 = arith.constant 0 : i32
          %swap3A_410 = arith.index_cast %shift_right_arithmetic3A_334 : i32 to index
          %swap3A_411 = arith.index_cast %swap3A_409 : i32 to index
          %swap3A_412 = arith.index_cast %mul3A_337 : i32 to index
          %swap3A_413 = tpu.vector_load %arg23[%swap3A_410, %swap3A_411, %swap3A_412] {strides = array<i32>} : memref<5x4x128xf32, #tpu.memory_space<vmem>>, vector<16xf32>,
          tpu.vector_store %arg23[%swap3A_410, %swap3A_411, %swap3A_412], %mul3A_408 {strides = array<i32>} : memref<5x4x128xf32, #tpu.memory_space<vmem>>, vector<16xf32>,
          %mul3A_414 = arith.mulf %sub3A_377, %mul3A_407 : vector<16xf32>
          %swap3A_415 = arith.constant 1 : i32
          %swap3A_416 = arith.index_cast %shift_right_arithmetic3A_334 : i32 to index
          %swap3A_417 = arith.index_cast %swap3A_415 : i32 to index
          %swap3A_418 = arith.index_cast %mul3A_337 : i32 to index
          %swap3A_419 = tpu.vector_load %arg23[%swap3A_416, %swap3A_417, %swap3A_418] {strides = array<i32>} : memref<5x4x128xf32, #tpu.memory_space<vmem>>, vector<16xf32>,
          tpu.vector_store %arg23[%swap3A_416, %swap3A_417, %swap3A_418], %mul3A_414 {strides = array<i32>} : memref<5x4x128xf32, #tpu.memory_space<vmem>>, vector<16xf32>,
          %mul3A_420 = arith.mulf %sub3A_380, %mul3A_407 : vector<16xf32>
          %swap3A_421 = arith.constant 2 : i32
          %swap3A_422 = arith.index_cast %shift_right_arithmetic3A_334 : i32 to index
          %swap3A_423 = arith.index_cast %swap3A_421 : i32 to index
          %swap3A_424 = arith.index_cast %mul3A_337 : i32 to index
          %swap3A_425 = tpu.vector_load %arg23[%swap3A_422, %swap3A_423, %swap3A_424] {strides = array<i32>} : memref<5x4x128xf32, #tpu.memory_space<vmem>>, vector<16xf32>,
          tpu.vector_store %arg23[%swap3A_422, %swap3A_423, %swap3A_424], %mul3A_420 {strides = array<i32>} : memref<5x4x128xf32, #tpu.memory_space<vmem>>, vector<16xf32>,
          %mul3A_426 = arith.mulf %add3A_385, %mul3A_407 : vector<16xf32>
          %mul3A_427 = arith.constant 5.000000e-01 : f32
          %mul3A_428 = vector.broadcast %mul3A_427 : f32 to vector<16xf32>
          %mul3A_429 = arith.mulf %mul3A_426, %mul3A_428 : vector<16xf32>
          %swap3A_430 = arith.index_cast %mul3A_287 : i32 to index
          %swap3A_431 = tpu.vector_load %arg24[%swap3A_430] {strides = array<i32>} : memref<640xf32, #tpu.memory_space<vmem>>, vector<16xf32>,
          tpu.vector_store %arg24[%swap3A_430], %mul3A_429 {strides = array<i32>} : memref<640xf32, #tpu.memory_space<vmem>>, vector<16xf32>,
          %scan3A_432 = arith.constant 0 : i32
          scf.yield %scan3A_432 : i32
        }
        %scan3A_266 = arith.constant 8 : i32
        %mul3A_267 = arith.constant 640 : i32
        %mul3A_268 = arith.muli %add3A_52, %mul3A_267 : i32
        %mul3A_269 = arith.constant 5 : i32
        %mul3A_270 = arith.muli %add3A_52, %mul3A_269 : i32
        %dma_start3A = arith.constant 0 : i32
        %dma_start3A_271 = arith.constant 0 : i32
        %dma_start3A_272 = tpu.memref_slice %arg6[%mul3A_270, %dma_start3A, %dma_start3A_271] : memref<15625x4x128xf32, #tpu.memory_space<hbm>> -> memref<5x4x128xf32, #tpu.memory_space<hbm>>
        %dma_start3A_273 = arith.constant 0 : i32
        %dma_start3A_274 = arith.constant 0 : i32
        %dma_start3A_275 = tpu.memref_slice %arg6[%mul3A_270, %dma_start3A_273, %dma_start3A_274] : memref<15625x4x128xf32, #tpu.memory_space<hbm>> -> memref<5x4x128xf32, #tpu.memory_space<hbm>>
        tpu.enqueue_dma source(%arg22 : memref<5x4x128xf32, #tpu.memory_space<vmem>>) target(%dma_start3A_275 : memref<5x4x128xf32, #tpu.memory_space<hbm>>) target_semaphore(%arg30 : memref<!tpu.dma_semaphore, #tpu.memory_space<semaphore_mem>>)
        %dma_start3A_276 = arith.constant 0 : i32
        %dma_start3A_277 = arith.constant 0 : i32
        %dma_start3A_278 = tpu.memref_slice %arg7[%mul3A_270, %dma_start3A_276, %dma_start3A_277] : memref<15625x4x128xf32, #tpu.memory_space<hbm>> -> memref<5x4x128xf32, #tpu.memory_space<hbm>>
        %dma_start3A_279 = arith.constant 0 : i32
        %dma_start3A_280 = arith.constant 0 : i32
        %dma_start3A_281 = tpu.memref_slice %arg7[%mul3A_270, %dma_start3A_279, %dma_start3A_280] : memref<15625x4x128xf32, #tpu.memory_space<hbm>> -> memref<5x4x128xf32, #tpu.memory_space<hbm>>
        tpu.enqueue_dma source(%arg23 : memref<5x4x128xf32, #tpu.memory_space<vmem>>) target(%dma_start3A_281 : memref<5x4x128xf32, #tpu.memory_space<hbm>>) target_semaphore(%arg30 : memref<!tpu.dma_semaphore, #tpu.memory_space<semaphore_mem>>)
        %dma_start3A_282 = tpu.memref_slice %arg8[%mul3A_268] : memref<2000000xf32, #tpu.memory_space<hbm>> -> memref<640xf32, #tpu.memory_space<hbm>>
        %dma_start3A_283 = tpu.memref_slice %arg8[%mul3A_268] : memref<2000000xf32, #tpu.memory_space<hbm>> -> memref<640xf32, #tpu.memory_space<hbm>>
        tpu.enqueue_dma source(%arg24 : memref<640xf32, #tpu.memory_space<vmem>>) target(%dma_start3A_283 : memref<640xf32, #tpu.memory_space<hbm>>) target_semaphore(%arg30 : memref<!tpu.dma_semaphore, #tpu.memory_space<semaphore_mem>>)
      } else {
      }
      %scan3A_75 = arith.constant 0 : i32
      scf.yield %scan3A_75 : i32
    }
    %scan3A_8 = arith.constant 49 : i32
    %mul3A_9 = arith.constant 640 : i32
    %mul3A_10 = arith.muli %add3A, %mul3A_9 : i32
    %mul3A_11 = arith.constant 5 : i32
    %mul3A_12 = arith.muli %add3A, %mul3A_11 : i32
    %dma_wait3A = arith.constant 0 : i32
    %dma_wait3A_13 = arith.constant 0 : i32
    %dma_wait3A_14 = tpu.memref_slice %arg6[%mul3A_12, %dma_wait3A, %dma_wait3A_13] : memref<15625x4x128xf32, #tpu.memory_space<hbm>> -> memref<5x4x128xf32, #tpu.memory_space<hbm>>
    %dma_wait3A_15 = arith.constant 0 : i32
    %dma_wait3A_16 = arith.constant 0 : i32
    %dma_wait3A_17 = tpu.memref_slice %arg6[%mul3A_12, %dma_wait3A_15, %dma_wait3A_16] : memref<15625x4x128xf32, #tpu.memory_space<hbm>> -> memref<5x4x128xf32, #tpu.memory_space<hbm>>
    tpu.wait_dma2 semaphore(%arg19 : memref<!tpu.dma_semaphore, #tpu.memory_space<semaphore_mem>>) src(%arg11 : memref<5x4x128xf32, #tpu.memory_space<vmem>>) dst(%dma_wait3A_17 : memref<5x4x128xf32, #tpu.memory_space<hbm>>)
    %dma_wait3A_18 = arith.constant 0 : i32
    %dma_wait3A_19 = arith.constant 0 : i32
    %dma_wait3A_20 = tpu.memref_slice %arg7[%mul3A_12, %dma_wait3A_18, %dma_wait3A_19] : memref<15625x4x128xf32, #tpu.memory_space<hbm>> -> memref<5x4x128xf32, #tpu.memory_space<hbm>>
    %dma_wait3A_21 = arith.constant 0 : i32
    %dma_wait3A_22 = arith.constant 0 : i32
    %dma_wait3A_23 = tpu.memref_slice %arg7[%mul3A_12, %dma_wait3A_21, %dma_wait3A_22] : memref<15625x4x128xf32, #tpu.memory_space<hbm>> -> memref<5x4x128xf32, #tpu.memory_space<hbm>>
    tpu.wait_dma2 semaphore(%arg19 : memref<!tpu.dma_semaphore, #tpu.memory_space<semaphore_mem>>) src(%arg12 : memref<5x4x128xf32, #tpu.memory_space<vmem>>) dst(%dma_wait3A_23 : memref<5x4x128xf32, #tpu.memory_space<hbm>>)
    %dma_wait3A_24 = tpu.memref_slice %arg8[%mul3A_10] : memref<2000000xf32, #tpu.memory_space<hbm>> -> memref<640xf32, #tpu.memory_space<hbm>>
    %dma_wait3A_25 = tpu.memref_slice %arg8[%mul3A_10] : memref<2000000xf32, #tpu.memory_space<hbm>> -> memref<640xf32, #tpu.memory_space<hbm>>
    tpu.wait_dma2 semaphore(%arg19 : memref<!tpu.dma_semaphore, #tpu.memory_space<semaphore_mem>>) src(%arg13 : memref<640xf32, #tpu.memory_space<vmem>>) dst(%dma_wait3A_25 : memref<640xf32, #tpu.memory_space<hbm>>)
    %mul3A_26 = arith.constant 640 : i32
    %mul3A_27 = arith.muli %add3A, %mul3A_26 : i32
    %mul3A_28 = arith.constant 5 : i32
    %mul3A_29 = arith.muli %add3A, %mul3A_28 : i32
    %dma_wait3A_30 = arith.constant 0 : i32
    %dma_wait3A_31 = arith.constant 0 : i32
    %dma_wait3A_32 = tpu.memref_slice %arg6[%mul3A_29, %dma_wait3A_30, %dma_wait3A_31] : memref<15625x4x128xf32, #tpu.memory_space<hbm>> -> memref<5x4x128xf32, #tpu.memory_space<hbm>>
    %dma_wait3A_33 = arith.constant 0 : i32
    %dma_wait3A_34 = arith.constant 0 : i32
    %dma_wait3A_35 = tpu.memref_slice %arg6[%mul3A_29, %dma_wait3A_33, %dma_wait3A_34] : memref<15625x4x128xf32, #tpu.memory_space<hbm>> -> memref<5x4x128xf32, #tpu.memory_space<hbm>>
    tpu.wait_dma2 semaphore(%arg30 : memref<!tpu.dma_semaphore, #tpu.memory_space<semaphore_mem>>) src(%arg22 : memref<5x4x128xf32, #tpu.memory_space<vmem>>) dst(%dma_wait3A_35 : memref<5x4x128xf32, #tpu.memory_space<hbm>>)
    %dma_wait3A_36 = arith.constant 0 : i32
    %dma_wait3A_37 = arith.constant 0 : i32
    %dma_wait3A_38 = tpu.memref_slice %arg7[%mul3A_29, %dma_wait3A_36, %dma_wait3A_37] : memref<15625x4x128xf32, #tpu.memory_space<hbm>> -> memref<5x4x128xf32, #tpu.memory_space<hbm>>
    %dma_wait3A_39 = arith.constant 0 : i32
    %dma_wait3A_40 = arith.constant 0 : i32
    %dma_wait3A_41 = tpu.memref_slice %arg7[%mul3A_29, %dma_wait3A_39, %dma_wait3A_40] : memref<15625x4x128xf32, #tpu.memory_space<hbm>> -> memref<5x4x128xf32, #tpu.memory_space<hbm>>
    tpu.wait_dma2 semaphore(%arg30 : memref<!tpu.dma_semaphore, #tpu.memory_space<semaphore_mem>>) src(%arg23 : memref<5x4x128xf32, #tpu.memory_space<vmem>>) dst(%dma_wait3A_41 : memref<5x4x128xf32, #tpu.memory_space<hbm>>)
    %dma_wait3A_42 = tpu.memref_slice %arg8[%mul3A_27] : memref<2000000xf32, #tpu.memory_space<hbm>> -> memref<640xf32, #tpu.memory_space<hbm>>
    %dma_wait3A_43 = tpu.memref_slice %arg8[%mul3A_27] : memref<2000000xf32, #tpu.memory_space<hbm>> -> memref<640xf32, #tpu.memory_space<hbm>>
    tpu.wait_dma2 semaphore(%arg30 : memref<!tpu.dma_semaphore, #tpu.memory_space<semaphore_mem>>) src(%arg24 : memref<640xf32, #tpu.memory_space<vmem>>) dst(%dma_wait3A_43 : memref<640xf32, #tpu.memory_space<hbm>>)
    return
  }
}

</mosaic_0001>

<sc_bundles>
// kernel: kernel.4.cloned.1.call-start
scs
__scs_entry_jumppad:
0x0: {  	(pc) =	sbr.rel $0x88, $3  }
0x1: {  	(tag) =	ssettag $0x0;
	lr =	simm.s32 $0x1  }
0x2: {  	[smem:$0x3F9F] =	sst lr;
	_ =	strace $0xD0000000  }
0x3: {  	_ = 	snop  }
0x4: {  	_ = 	snop  }
0x5: {  	_ = 	snop  }
0x6: {  	_ = 	snop  }
0x7: {  	_ = 	snop  }
__scs_overlays_trampoline_lowered:
0x8: {  	[smem:$0x3FAE] =	sst s0  }
0x9: {  	[smem:$0x3FAF] =	sst s1  }
0xa: {  	[smem:$0x3FB0] =	sst s2  }
0xb: {  	[smem:$0x3FB1] =	sst s3  }
0xc: {  	[smem:$0x3FB2] =	sst s4  }
0xd: {  	[smem:$0x3FB3] =	sst s5  }
0xe: {  	[smem:$0x3FB4] =	sst s6  }
0xf: {  	[smem:$0x3FB5] =	sst s7  }
0x10: {  	[smem:$0x3FB6] =	sst s8  }
0x11: {  	[smem:$0x3FB7] =	sst s9;
	s0 =	simm.s32 @!p0 $0x0  }
0x12: {  	s1 =	sld [smem:$0x3F9D];
	s0 =	simm.s32 @p0 $0x1  }
0x13: {  	[smem:$0x3FB8] =	sst s0;
	s0 =	simm.s32 @!p1 $0x0  }
0x14: {  	s2 =	sld [smem:$0x3F9C];
	s0 =	simm.s32 @p1 $0x1  }
0x15: {  	[smem:$0x3FB9] =	sst s0;
	s0 =	simm.s32 @!p2 $0x0  }
0x16: {  	s3 =	sld [smem:$0x3FDB];
	s0 =	simm.s32 @p2 $0x1  }
0x17: {  	s4 =	simm.s32 $0x1BF5;
	[smem:$0x3FBB] =	sst s0  }
0x18: {  	s0 =	sld [smem:$0x3F9E];
	_ =	swait.ge [sflag:s4], $0x0  }
0x19: {  	s7 =	sld [smem:$0x3F9F]  }
0x1a: {  	s8 =	sadd.s32 $0xFFFFE003, lr  }
0x1b: {  	s9 =	sadd.s32 $0xFFFFFEF7, lr;
	s5 =	simm.s32 $0xFFFFFFFF;
	p2 =	slt.u32 s8, $0xFFFFF086  }
0x1c: {  	p1 =	slt.u32 s9, $0xF7A;
	s5 =	simm.s32 @!p2 $0x0  }
0x1d: {  	s5 =	simm.s32 @p1 $0x1;
	p0 =	seq.s32 s7, s2  }
0x1e: {  	s7 =	smul.u32 @!p0 $0xF7A, s2;
	p2 =	seq.s32 @!p0 s5, $0x0  }
0x1f: {  	s9 =	smul.u32 $0xF7A, s1;
	s8 =	simm.s32 @!p0 $0x1BF5;
	p2 =	por !p2, p0  }
0x20: {  	[sflag:s8] =	ssyncset.s32 @!p0 $0xFFFFF086;
	s6 =	sadd.s32 @!p0 s3, s7;
	s7 =	simm.s32 @!p0 $0x108  }
0x21: {  	s3 =	sadd.s32 s3, s9;
	s6 =	sadd.s32 @!p0 $0x88, s6;
	s7 =	simm.s32 @p2 $0x1082  }
0x22: {  	[simem:s7], [sflag:s8] =	dma.local @!p0 [hbm:s6], $0xF7A  }
0x23: {  	s9 =	sor.u32 $0xD0000000, s2;
	s6 =	simm.s32 $0x108;
	_ =	swait.ge @!p0 [sflag:s8], $0x0  }
0x24: {  	s3 =	sadd.s32 $0x88, s3;
	s6 =	simm.s32 @!p1 $0x1082;
	[sflag:s4] =	ssyncset.s32 $0xFFFFF086  }
0x25: {  	[simem:s6], [sflag:s4] =	dma.local [hbm:s3], $0xF7A  }
0x26: {  	[smem:$0x3F9F] =	sst s1;
	(tag) =	ssettag s2;
	_ =	strace s9  }
0x27: {  	s1 =	sld [smem:$0x3FAF]  }
0x28: {  	s2 =	sld [smem:$0x3FB0]  }
0x29: {  	s4 =	sld [smem:$0x3FB2]  }
0x2a: {  	p0 =	seq.s32 s5, $0x0;
	s5 =	sld [smem:$0x3FB3]  }
0x2b: {  	s6 =	sld [smem:$0x3FB4]  }
0x2c: {  	s7 =	sld [smem:$0x3FB5]  }
0x2d: {  	s3 =	simm.s32 $0x108;
	s8 =	sld [smem:$0x3FB6]  }
0x2e: {  	s3 =	simm.s32 @!p0 $0x1082;
	s9 =	sld [smem:$0x3FB7]  }
0x2f: {  	lr =	sadd.s32 s0, s3;
	s0 =	sld [smem:$0x3FAE]  }
0x30: {  	s3 =	sld [smem:$0x3FB1]  }
0x31: {  	[smem:$0x3FBA] =	sst s10  }
0x32: {  	s10 =	sld [smem:$0x3FB8];
	_ =	sdelay $0x3  }
0x33: {  	p0 =	seq.s32 s10, $0x1;
	s10 =	sld [smem:$0x3FBA];
	_ =	sdelay $0x3  }
0x34: {  	[smem:$0x3FBA] =	sst s10  }
0x35: {  	s10 =	sld [smem:$0x3FB9];
	_ =	sdelay $0x3  }
0x36: {  	p1 =	seq.s32 s10, $0x1;
	s10 =	sld [smem:$0x3FBA];
	_ =	sdelay $0x3  }
0x37: {  	[smem:$0x3FBA] =	sst s10  }
0x38: {  	s10 =	sld [smem:$0x3FBB]  }
0x39: {  	_ = 	snop;
	(pc) =	sbr.ind lr, $3  }
0x3a: {  	_ = 	snop  }
0x3b: {  	_ = 	snop  }
0x3c: {  	p2 =	seq.s32 s10, $0x1;
	s10 =	sld [smem:$0x3FBA]  }
0x3d: {  	_ =	shalt  }
0x3e: {  	_ =	shalt  }
0x3f: {  	_ =	shalt  }
0x40: {  	_ =	shalt  }
0x41: {  	_ =	shalt  }
0x42: {  	_ =	shalt  }
0x43: {  	_ =	shalt  }
0x44: {  	_ =	shalt  }
0x45: {  	_ =	shalt  }
0x46: {  	_ =	shalt  }
0x47: {  	_ =	shalt  }
0x48: {  	_ =	shalt  }
0x49: {  	_ =	shalt  }
0x4a: {  	_ =	shalt  }
0x4b: {  	_ =	shalt  }
0x4c: {  	_ =	shalt  }
0x4d: {  	_ =	shalt  }
0x4e: {  	_ =	shalt  }
0x4f: {  	_ =	shalt  }
0x50: {  	_ =	shalt  }
0x51: {  	_ =	shalt  }
0x52: {  	_ =	shalt  }
0x53: {  	_ =	shalt  }
0x54: {  	_ =	shalt  }
0x55: {  	_ =	shalt  }
0x56: {  	_ =	shalt  }
0x57: {  	_ =	shalt  }
0x58: {  	_ =	shalt  }
0x59: {  	_ =	shalt  }
0x5a: {  	_ =	shalt  }
0x5b: {  	_ =	shalt  }
0x5c: {  	_ =	shalt  }
0x5d: {  	_ =	shalt  }
0x5e: {  	_ =	shalt  }
0x5f: {  	_ =	shalt  }
0x60: {  	_ =	shalt  }
0x61: {  	_ =	shalt  }
0x62: {  	_ =	shalt  }
0x63: {  	_ =	shalt  }
0x64: {  	_ =	shalt  }
0x65: {  	_ =	shalt  }
0x66: {  	_ =	shalt  }
0x67: {  	_ =	shalt  }
0x68: {  	_ =	shalt  }
0x69: {  	_ =	shalt  }
0x6a: {  	_ =	shalt  }
0x6b: {  	_ =	shalt  }
0x6c: {  	_ =	shalt  }
0x6d: {  	_ =	shalt  }
0x6e: {  	_ =	shalt  }
0x6f: {  	_ =	shalt  }
0x70: {  	_ =	shalt  }
0x71: {  	_ =	shalt  }
0x72: {  	_ =	shalt  }
0x73: {  	_ =	shalt  }
0x74: {  	_ =	shalt  }
0x75: {  	_ =	shalt  }
0x76: {  	_ =	shalt  }
0x77: {  	_ =	shalt  }
0x78: {  	_ =	shalt  }
0x79: {  	_ =	shalt  }
0x7a: {  	_ =	shalt  }
0x7b: {  	_ =	shalt  }
0x7c: {  	_ =	shalt  }
0x7d: {  	_ =	shalt  }
0x7e: {  	_ =	shalt  }
0x7f: {  	_ =	shalt  }
0x80: {  	_ =	shalt  }
0x81: {  	_ =	shalt  }
0x82: {  	_ =	shalt  }
0x83: {  	_ =	shalt  }
0x84: {  	_ =	shalt  }
0x85: {  	_ =	shalt  }
0x86: {  	_ =	shalt  }
0x87: {  	_ =	shalt  }
.Lfunc_end0:
.L_simem_size_0:
called_computation_lowered:
.L_overlay_start_0:
0x88: {  	s2 =	sld [smem:$0x3FD9]  }
0x89: {  	s3 =	sld [smem:$0x3FFE];
	_ =	sdelay $0x1  }
0x8a: {  	s1 =	srdreg.scid  }
0x8b: {  	s0 =	sand.u32 $0x1, s1  }
0x8c: {  	s14 =	sshll.u32 s0, $0xA;
	s2 =	sadd.s32 s3, s2  }
0x8d: {  	s2 =	sadd.s32 s2, s14  }
0x8e: {  	[smem:$0x3FC6] =	sst s2  }
0x8f: {  	_ = 	snop  }
0x90: {  	s2 =	sld [smem:$0x3FD0];
	_ =	sdelay $0x2  }
0x91: {  	s15 =	simm.s32 $0xA;
	s4 =	simm.s32 $0x10  }
0x92: {  	[smem:s4], [sflag:s15] =	dma.local [hbm:s2], $0x1  }
0x93: {  	_ =	swait.eq [sflag:s15], $0x1  }
0x94: {  	[sflag:s15] =	ssyncset.done $0x0  }
0x95: {  	[sflag:s15] =	ssyncadd.s32 $0xFFFFFFFF  }
0x96: {  	s16 =	sld [smem:$0x12];
	(tm) =	ssettm $0x1  }
0x97: {  	s17 =	sld [smem:$0x3FFB];
	_ =	sdelay $0x3  }
0x98: {  	_ =	strace s17  }
0x99: {  	s3 =	sld [smem:$0x3FFC];
	_ =	sdelay $0x3  }
0x9a: {  	_ =	strace s3  }
0x9b: {  	s3 =	sld [smem:$0x3FFD];
	_ =	sdelay $0x3  }
0x9c: {  	_ =	strace s3  }
0x9d: {  	_ =	strace $0x8FFFFFFF  }
0x9e: {  	s18 =	sld [smem:$0x3FDB];
	_ =	sdelay $0x1  }
0x9f: {  	s19 =	simm.s32 $_scs_section_size  }
0xa0: {  	s5 =	simm.s32 $_size__tile_overlayer_lowered;
	s6 =	simm.s32 $_tile_overlayer_lowered  }
0xa1: {  	s22 =	simm.s32 $0x1BFF;
	s21 =	sshll.u32 s6, $0x1;
	s3 =	sadd.s32 s19, s18  }
0xa2: {  	s7 =	simm.s32 $0x0;
	s20 =	sshll.u32 s5, $0x1;
	s5 =	sadd.s32 s21, s3  }
0xa3: {  	[timem:s7], [sflag:s22] =	dma.local [hbm:s5], s20  }
0xa4: {  	_ =	swait.ge [sflag:s22], s20  }
0xa5: {  	s4 =	ssub.s32 $0x0, s20;
	[sflag:s22] =	ssyncset.done $0x0  }
0xa6: {  	[sflag:s22] =	ssyncadd.s32 s4;
	_ =	sdelay $0x1  }
0xa7: {  	s23 =	simm.s32 $0x1B8B  }
0xa8: {  	_ =	swait.ge [sflag:s23], $0x1  }
0xa9: {  	[sflag:s23] =	ssyncset.done $0x0  }
0xaa: {  	s25 =	simm.s32 $0x1B8E;
	s24 =	sld [smem:$0x3FFE];
	[sflag:s23] =	ssyncadd.s32 $0xFFFFFFFF  }
0xab: {  	s26 =	simm.s32 $execute0_lowered;
	[smem:$0x3FD2] =	sst s25  }
0xac: {  	s5 =	sshll.u32 s26, $0x1;
	_ =	strace $0x80000046;
	[dreg:$0x1] =	wrdreg $0xFFFFFFFF  }
0xad: {  	s28 =	simm.s32 $_size_execute0_lowered;
	s3 =	sadd.s32 s3, s5;
	[dreg:$0x0] =	wrdreg $0x0  }
0xae: {  	s5 =	sshll.u32 s28, $0x1;
	[dreg:$0x2] =	wrdreg s3  }
0xaf: {  	[dreg:$0x3] =	wrdreg s5  }
0xb0: {  	[dreg:$0x4] =	wrdreg $0xC0  }
0xb1: {  	_ =	task [dreg:s7], $0x5FFFF  }
0xb2: {  	[dreg:$0x1] =	wrdreg $0xFFFFFFFF  }
0xb3: {  	[dreg:$0x0] =	wrdreg $0x60  }
0xb4: {  	[dreg:$0x2] =	wrdreg s24  }
0xb5: {  	[dreg:$0x3] =	wrdreg s16  }
0xb6: {  	[dreg:$0x4] =	wrdreg $0x9  }
0xb7: {  	_ =	task.clear_ibuf [dreg:s7], $0x5FFFF;
	_ =	strace $0x90000046  }
0xb8: {  	s29 =	simm.s32 $0x9;
	_ =	strace $0x80000048  }
0xb9: {  	_ =	swait.ge [sflag:s29], $0x1  }
0xba: {  	[sflag:s29] =	ssyncadd.s32 $0xFFFFFFFF  }
0xbb: {  	_ =	strace $0x90000048  }
0xbc: {  	_ =	sfence  }
0xbd: {  	s30 =	sld [smem:$0x0];
	_ =	sdelay $0x2  }
0xbe: {  	s31 =	sshll.u32 s1, $0xD;
	s1 =	sshrl.u32 s1, $0x2  }
0xbf: {  	s3 =	sand.u32 $0x4000, s31;
	s1 =	sadd.s32 s1, s30  }
0xc0: {  	s0 =	sor.u32 s3, s0;
	s1 =	sshll.u32 s1, $0x11  }
0xc1: {  	s0 =	sor.u32 s1, s0  }
0xc2: {  	s0 =	sadd.s32 $0x8F2B, s0  }
0xc3: {  	[sflag:s0] =	ssyncadd.remote.s32 $0x1  }
0xc4: {  	_ =	sfence.sel $0xFFFF  }
0xc5: {  	[dreg:$0x0] =	wrdreg $0xFFFFFFFF;
	(pc) =	sbr.abs _section_cstart, $3  }
0xc6: {  	[dreg:$0x1] =	wrdreg $0xFFFFFFFF  }
0xc7: {  	_ =	task.clear_ibuf [dreg:s7], $0x2FFFF;
	_ =	strace $0x9FFFFFFF  }
0xc8: {  	(tm) =	ssettm $0x7FFFFFFF  }
0xc9: {  	_ =	shalt  }
tec
execute0_lowered:
.L_overlay_start_1:
0x0: {  	(tag) =	ssettag $0x1  }
0x1: {  	s8 =	rddreg [dreg:$0x0]  }
0x2: {  	s2 =	rddreg [dreg:$0x1]  }
0x3: {  	s0 =	rddreg [dreg:$0x2]  }
0x4: {  	s4 =	srdreg.scid;
	s1 =	stileid.u32;
	s3 =	simm.s32 $0x0  }
0x5: {  	s11 =	simm.s32 $0x1;
	s12 =	simm.s32 $0x1770;
	s13 =	simm.s32 $0x55F0  }
0x6: {  	s14 =	simm.s32 $0x0;
	s7 =	sand.u32 $0x1, s4;
	s29 =	sshll.u32 s1, $0x1  }
0x7: {  	[smem:$0x7FF] =	sst s3;
	s5 =	sadd.s32 $0x1F600, s8;
	s4 =	sor.u32 s7, s29  }
0x8: {  	s6 =	sadd.s32 $0xC00, s8;
	s10 =	ssub.s32 $0x2, s7;
	s9 =	smul.u32 $0xC, s4  }
0x9: {  	_ =	strace $0x80000047;
	s7 =	sadd.s32 $0x3E200, s8;
	s30 =	sshrl.u32 s10, $0x1  }
0xa: {  	v0 =	vlaneseq.u32;
	s31 =	ssub.s32 $0x1F3, s4;
	s10 =	ssub.s32 s10, s30;
	s8 =	sadd.s32 s9, s8  }
0xb: {  	v0 =	vmul.u32 $0x8, v0;
	s9 =	sshrl.u32 s31, $0x5;
	s10 =	smax.u32 s10, $0x1;
	s8 =	sadd.s32 $0x3E000, s8  }
.LBB2_1:
0xc: {  	v2 =	vimm.f32 $+Inf;
	v1 =	vimm.f32 $-Inf;
	v5 =	vimm.f32 $-Inf  }
0xd: {  	v4 =	vimm.f32 $-Inf;
	v6 =	vimm.f32 $+Inf;
	v3 =	vimm.f32 $+Inf;
	s15 =	simm.s32 $0x0  }
.LBB2_2:
0xe: {  	s16 =	sshll.u32 s15, $0x5  }
0xf: {  	s16 =	sor.u32 s4, s16  }
0x10: {  	s17 =	smul.u32 $0x7D0, s16;
	_ =	sdelay $0x1  }
0x11: {  	s19 =	sshrl.u32 s17, $0x3  }
0x12: {  	s17 =	simm.s32 $0x0;
	s18 =	sadd.s32 s5, s19  }
0x13: {  	[tilespmem:s17], [sflag:$0x1] =	stream.linear.gather [hbm4b:s18+s17], $0x7D0, $0x38;
	[tilespmem:$0x5650] =	vst v63  }
0x14: {  	_ =	swait.ge [sflag:s11], $0x7D0  }
0x15: {  	[sflag:s11] =	ssyncset.done $0x0  }
0x16: {  	s20 =	sadd.s32 s6, s19;
	s18 =	simm.s32 $0x7D0;
	[sflag:s11] =	ssyncadd.s32 $0xFFFFF830  }
0x17: {  	[tilespmem:s18], [sflag:$0x1] =	stream.linear.gather [hbm4b:s20+s17], $0x7D0, $0x38;
	[tilespmem:$0x5650] =	vst v63  }
0x18: {  	_ =	swait.ge [sflag:s11], $0x7D0  }
0x19: {  	[sflag:s11] =	ssyncset.done $0x0  }
0x1a: {  	s30 =	simm.s32 $0xFA0;
	s19 =	sadd.s32 s2, s19;
	[sflag:s11] =	ssyncadd.s32 $0xFFFFF830  }
0x1b: {  	[tilespmem:s30], [sflag:$0x1] =	stream.linear.gather [hbm4b:s19+s17], $0x7D0, $0x38;
	[tilespmem:$0x5650] =	vst v63  }
0x1c: {  	_ =	swait.ge [sflag:s11], $0x7D0  }
0x1d: {  	v7 =	vmov s17;
	[sflag:s11] =	ssyncset.done $0x0  }
0x1e: {  	v7 =	vshll.u32 v7, $0x3;
	[sflag:s11] =	ssyncadd.s32 $0xFFFFF830  }
0x1f: {  	v10 =	vor.u32 v0, v7;
	v9 =	vld [tilespmem:s17+$0x0]  }
0x20: {  	v12 =	vor.u32 $0x1, v10;
	v11 =	vld [tilespmem:s18+$0x0];
	_ =	sdelay $0x1  }
0x21: {  	v8 =	vor.u32 $0x2, v10;
	v7 =	vld [tilespmem:s30+$0x0];
	_ =	sdelay $0x1  }
0x22: {  	s31 =	simm.s32 $0x10;
	[tilespmem:v10+s12+$0x0] =	vst.idx.msk $0xffff, v9;
	v3 =	vmin.f32 v3, v9;
	v4 =	vmax.f32 v4, v9  }
0x23: {  	s20 =	simm.s32 $0x20;
	s19 =	simm.s32 $0xFB0;
	v9 =	vmov s31;
	v6 =	vmin.f32 v6, v11;
	v5 =	vmax.f32 v5, v11;
	[tilespmem:v12+s12+$0x0] =	vst.idx.msk $0xffff, v11  }
.LBB2_3:
0x24: {  	s17 =	sadd.s32 $0x10, s17  }
0x25: {  	v9 =	vshll.u32 v9, $0x3;
	[tilespmem:v8+s12+$0x0] =	vst.idx.msk $0xffff, v7;
	v2 =	vmin.f32 v2, v7;
	v1 =	vmax.f32 v1, v7;
	s18 =	sadd.s32 $0x10, s18;
	s21 =	smov.u32 s20;
	s22 =	sadd.s32 $0x10, s20  }
0x26: {  	p0 =	sne.s32 s20, $0x7C0;
	v10 =	vld [tilespmem:s17+$0x0];
	v9 =	vor.u32 v0, v9  }
0x27: {  	v11 =	vld [tilespmem:s18+$0x0];
	v12 =	vor.u32 $0x1, v9  }
.Ltmp0:
0x28: {  	v8 =	vor.u32 $0x2, v9;
	v7 =	vld [tilespmem:s19+$0x0];
	(pc) =	sbr.rel @p0 .LBB2_3-.Ltmp0, $3  }
0x29: {  	_ =	sdelay $0x1  }
0x2a: {  	[tilespmem:v9+s12+$0x0] =	vst.idx.msk $0xffff, v10;
	v3 =	vmin.f32 v3, v10;
	v4 =	vmax.f32 v4, v10  }
0x2b: {  	s20 =	smov.u32 s22;
	s19 =	sadd.s32 $0x10, s19;
	v9 =	vmov s21;
	[tilespmem:v12+s12+$0x0] =	vst.idx.msk $0xffff, v11;
	v6 =	vmin.f32 v6, v11;
	v5 =	vmax.f32 v5, v11  }
0x2c: {  	_ =	sdelay $0x3  }
0x2d: {  	v9 =	vshll.u32 v9, $0x3;
	[tilespmem:v8+s12+$0x0] =	vst.idx.msk $0xffff, v7;
	s17 =	sadd.s32 $0x10, s17  }
0x2e: {  	s18 =	sadd.s32 $0x10, s18;
	v8 =	vld [tilespmem:s17+$0x0];
	v9 =	vor.u32 v0, v9  }
0x2f: {  	v10 =	vld [tilespmem:s18+$0x0];
	v11 =	vor.u32 $0x1, v9  }
0x30: {  	v12 =	vld [tilespmem:s19+$0x0];
	v13 =	vor.u32 $0x2, v9;
	_ =	sdelay $0x1  }
0x31: {  	s16 =	smul.u32 $0x3E80, s16  }
0x32: {  	[tilespmem:v9+s12+$0x0] =	vst.idx.msk $0xffff, v8  }
0x33: {  	p0 =	sne.s32 s15, s9;
	s16 =	sshrl.u32 s16, $0x3;
	[tilespmem:v11+s12+$0x0] =	vst.idx.msk $0xffff, v10  }
.Ltmp1:
0x34: {  	s16 =	sadd.s32 s7, s16;
	[tilespmem:v13+s12+$0x0] =	vst.idx.msk $0xffff, v12;
	(pc) =	sbr.rel @p0 .LBB2_2-.Ltmp1, $4  }
0x35: {  	[hbm4b:s16+s3] =	stream.linear.scatter [tilespmem:s12], [sflag:$0x1], $0x3E80, $0x38;
	[tilespmem:$0x5650] =	vst v63  }
0x36: {  	v2 =	vmin.f32 v2, v7;
	v1 =	vmax.f32 v1, v7;
	_ =	swait.ge [sflag:s11], $0x3E80  }
0x37: {  	s31 =	sadd.s32 $0x1, s15;
	v3 =	vmin.f32 v3, v8;
	v4 =	vmax.f32 v4, v8;
	v6 =	vmin.f32 v6, v10;
	[sflag:s11] =	ssyncset.done $0x0  }
0x38: {  	s15 =	smov.u32 s31;
	v5 =	vmax.f32 v5, v10;
	v2 =	vmin.f32 v2, v12;
	v1 =	vmax.f32 v1, v12;
	[sflag:s11] =	ssyncadd.s32 $0xFFFFC180  }
0x39: {  	[tilespmem:$0x55F0] =	vst v3  }
0x3a: {  	[tilespmem:$0x5600] =	vst v6  }
0x3b: {  	[tilespmem:$0x5610] =	vst v2  }
0x3c: {  	[tilespmem:$0x5620] =	vst v4;
	s14 =	sadd.s32 $0x1, s14  }
0x3d: {  	[tilespmem:$0x5630] =	vst v5;
	p0 =	sne.s32 s14, s10  }
.Ltmp2:
0x3e: {  	[tilespmem:$0x5640] =	vst v1;
	(pc) =	sbr.rel @p0 .LBB2_1-.Ltmp2, $4  }
0x3f: {  	[hbm4b:s8+s3] =	stream.linear.scatter [tilespmem:s13], [sflag:$0x1], $0x60, $0x38;
	[tilespmem:$0x5650] =	vst v63  }
0x40: {  	_ =	swait.ge [sflag:s11], $0x60  }
0x41: {  	[sflag:s11] =	ssyncset.done $0x0  }
0x42: {  	[sflag:s11] =	ssyncadd.s32 $0xFFFFFFA0  }
0x43: {  	_ =	sfence.sel $0x180000  }
0x44: {  	[bflag:$0x0] =	sbarrier.arrive $0xFFFF  }
0x45: {  	p0 =	sne.s32 s1, $0x0;
	_ =	strace $0x90000047  }
0x46: {  	s0 =	sadd.s32 @!p0 $0x100000, s0;
	[bflag:$0x2] =	sbarrier.arrive $0xFFFF  }
0x47: {  	[sflag:s0] =	ssyncadd.tile.s32 @!p0 $0x1;
	_ =	shalt  }
.Lfunc_end2:
_tile_overlayer_lowered:
.L_overlay_start_2:
0x48: {  	(tag) =	ssettag $0x2  }
0x49: {  	s0 =	rddreg [dreg:$0x0];
	s2 =	stileid.u32  }
0x4a: {  	s1 =	rddreg [dreg:$0x1];
	p0 =	sne.s32 s2, $0x0  }
0x4b: {  	s3 =	rddreg [dreg:$0x2];
	[bflag:$0x3] =	sbarrier.arrive $0xFFFF;
	s2 =	simm.s32 @!p0 $0x1C01  }
0x4c: {  	[timem:s3], [sflag:s2] =	dma.local @!p0 [hbm:s0], s1  }
0x4d: {  	s0 =	simm.s32 @!p0 $0x1  }
0x4e: {  	_ =	swait.ge @!p0 [sflag:s0], s1  }
0x4f: {  	s1 =	ssub.s32 @!p0 $0x0, s1;
	[sflag:s0] =	ssyncset.done @!p0 $0x0  }
0x50: {  	[sflag:s0] =	ssyncadd.s32 @!p0 s1  }
0x51: {  	[bflag:$0x3] =	sbarrier.arrive $0xFFFF  }
0x52: {  	_ =	shalt  }

// kernel: kernel.7.cloned.1.call-start
scs
__scs_entry_jumppad:
0x0: {  	(pc) =	sbr.rel $0x88, $3  }
0x1: {  	(tag) =	ssettag $0x0;
	lr =	simm.s32 $0x1  }
0x2: {  	[smem:$0x3F9F] =	sst lr;
	_ =	strace $0xD0000000  }
0x3: {  	_ = 	snop  }
0x4: {  	_ = 	snop  }
0x5: {  	_ = 	snop  }
0x6: {  	_ = 	snop  }
0x7: {  	_ = 	snop  }
__scs_overlays_trampoline_lowered:
0x8: {  	[smem:$0x3FAE] =	sst s0  }
0x9: {  	[smem:$0x3FAF] =	sst s1  }
0xa: {  	[smem:$0x3FB0] =	sst s2  }
0xb: {  	[smem:$0x3FB1] =	sst s3  }
0xc: {  	[smem:$0x3FB2] =	sst s4  }
0xd: {  	[smem:$0x3FB3] =	sst s5  }
0xe: {  	[smem:$0x3FB4] =	sst s6  }
0xf: {  	[smem:$0x3FB5] =	sst s7  }
0x10: {  	[smem:$0x3FB6] =	sst s8  }
0x11: {  	[smem:$0x3FB7] =	sst s9;
	s0 =	simm.s32 @!p0 $0x0  }
0x12: {  	s1 =	sld [smem:$0x3F9D];
	s0 =	simm.s32 @p0 $0x1  }
0x13: {  	[smem:$0x3FB8] =	sst s0;
	s0 =	simm.s32 @!p1 $0x0  }
0x14: {  	s2 =	sld [smem:$0x3F9C];
	s0 =	simm.s32 @p1 $0x1  }
0x15: {  	[smem:$0x3FB9] =	sst s0;
	s0 =	simm.s32 @!p2 $0x0  }
0x16: {  	s3 =	sld [smem:$0x3FDB];
	s0 =	simm.s32 @p2 $0x1  }
0x17: {  	s4 =	simm.s32 $0x1BF5;
	[smem:$0x3FBB] =	sst s0  }
0x18: {  	s0 =	sld [smem:$0x3F9E];
	_ =	swait.ge [sflag:s4], $0x0  }
0x19: {  	s7 =	sld [smem:$0x3F9F]  }
0x1a: {  	s8 =	sadd.s32 $0xFFFFE003, lr  }
0x1b: {  	s9 =	sadd.s32 $0xFFFFFEF7, lr;
	s5 =	simm.s32 $0xFFFFFFFF;
	p2 =	slt.u32 s8, $0xFFFFF086  }
0x1c: {  	p1 =	slt.u32 s9, $0xF7A;
	s5 =	simm.s32 @!p2 $0x0  }
0x1d: {  	s5 =	simm.s32 @p1 $0x1;
	p0 =	seq.s32 s7, s2  }
0x1e: {  	s7 =	smul.u32 @!p0 $0xF7A, s2;
	p2 =	seq.s32 @!p0 s5, $0x0  }
0x1f: {  	s9 =	smul.u32 $0xF7A, s1;
	s8 =	simm.s32 @!p0 $0x1BF5;
	p2 =	por !p2, p0  }
0x20: {  	[sflag:s8] =	ssyncset.s32 @!p0 $0xFFFFF086;
	s6 =	sadd.s32 @!p0 s3, s7;
	s7 =	simm.s32 @!p0 $0x108  }
0x21: {  	s3 =	sadd.s32 s3, s9;
	s6 =	sadd.s32 @!p0 $0x88, s6;
	s7 =	simm.s32 @p2 $0x1082  }
0x22: {  	[simem:s7], [sflag:s8] =	dma.local @!p0 [hbm:s6], $0xF7A  }
0x23: {  	s9 =	sor.u32 $0xD0000000, s2;
	s6 =	simm.s32 $0x108;
	_ =	swait.ge @!p0 [sflag:s8], $0x0  }
0x24: {  	s3 =	sadd.s32 $0x88, s3;
	s6 =	simm.s32 @!p1 $0x1082;
	[sflag:s4] =	ssyncset.s32 $0xFFFFF086  }
0x25: {  	[simem:s6], [sflag:s4] =	dma.local [hbm:s3], $0xF7A  }
0x26: {  	[smem:$0x3F9F] =	sst s1;
	(tag) =	ssettag s2;
	_ =	strace s9  }
0x27: {  	s1 =	sld [smem:$0x3FAF]  }
0x28: {  	s2 =	sld [smem:$0x3FB0]  }
0x29: {  	s4 =	sld [smem:$0x3FB2]  }
0x2a: {  	p0 =	seq.s32 s5, $0x0;
	s5 =	sld [smem:$0x3FB3]  }
0x2b: {  	s6 =	sld [smem:$0x3FB4]  }
0x2c: {  	s7 =	sld [smem:$0x3FB5]  }
0x2d: {  	s3 =	simm.s32 $0x108;
	s8 =	sld [smem:$0x3FB6]  }
0x2e: {  	s3 =	simm.s32 @!p0 $0x1082;
	s9 =	sld [smem:$0x3FB7]  }
0x2f: {  	lr =	sadd.s32 s0, s3;
	s0 =	sld [smem:$0x3FAE]  }
0x30: {  	s3 =	sld [smem:$0x3FB1]  }
0x31: {  	[smem:$0x3FBA] =	sst s10  }
0x32: {  	s10 =	sld [smem:$0x3FB8];
	_ =	sdelay $0x3  }
0x33: {  	p0 =	seq.s32 s10, $0x1;
	s10 =	sld [smem:$0x3FBA];
	_ =	sdelay $0x3  }
0x34: {  	[smem:$0x3FBA] =	sst s10  }
0x35: {  	s10 =	sld [smem:$0x3FB9];
	_ =	sdelay $0x3  }
0x36: {  	p1 =	seq.s32 s10, $0x1;
	s10 =	sld [smem:$0x3FBA];
	_ =	sdelay $0x3  }
0x37: {  	[smem:$0x3FBA] =	sst s10  }
0x38: {  	s10 =	sld [smem:$0x3FBB]  }
0x39: {  	_ = 	snop;
	(pc) =	sbr.ind lr, $3  }
0x3a: {  	_ = 	snop  }
0x3b: {  	_ = 	snop  }
0x3c: {  	p2 =	seq.s32 s10, $0x1;
	s10 =	sld [smem:$0x3FBA]  }
0x3d: {  	_ =	shalt  }
0x3e: {  	_ =	shalt  }
0x3f: {  	_ =	shalt  }
0x40: {  	_ =	shalt  }
0x41: {  	_ =	shalt  }
0x42: {  	_ =	shalt  }
0x43: {  	_ =	shalt  }
0x44: {  	_ =	shalt  }
0x45: {  	_ =	shalt  }
0x46: {  	_ =	shalt  }
0x47: {  	_ =	shalt  }
0x48: {  	_ =	shalt  }
0x49: {  	_ =	shalt  }
0x4a: {  	_ =	shalt  }
0x4b: {  	_ =	shalt  }
0x4c: {  	_ =	shalt  }
0x4d: {  	_ =	shalt  }
0x4e: {  	_ =	shalt  }
0x4f: {  	_ =	shalt  }
0x50: {  	_ =	shalt  }
0x51: {  	_ =	shalt  }
0x52: {  	_ =	shalt  }
0x53: {  	_ =	shalt  }
0x54: {  	_ =	shalt  }
0x55: {  	_ =	shalt  }
0x56: {  	_ =	shalt  }
0x57: {  	_ =	shalt  }
0x58: {  	_ =	shalt  }
0x59: {  	_ =	shalt  }
0x5a: {  	_ =	shalt  }
0x5b: {  	_ =	shalt  }
0x5c: {  	_ =	shalt  }
0x5d: {  	_ =	shalt  }
0x5e: {  	_ =	shalt  }
0x5f: {  	_ =	shalt  }
0x60: {  	_ =	shalt  }
0x61: {  	_ =	shalt  }
0x62: {  	_ =	shalt  }
0x63: {  	_ =	shalt  }
0x64: {  	_ =	shalt  }
0x65: {  	_ =	shalt  }
0x66: {  	_ =	shalt  }
0x67: {  	_ =	shalt  }
0x68: {  	_ =	shalt  }
0x69: {  	_ =	shalt  }
0x6a: {  	_ =	shalt  }
0x6b: {  	_ =	shalt  }
0x6c: {  	_ =	shalt  }
0x6d: {  	_ =	shalt  }
0x6e: {  	_ =	shalt  }
0x6f: {  	_ =	shalt  }
0x70: {  	_ =	shalt  }
0x71: {  	_ =	shalt  }
0x72: {  	_ =	shalt  }
0x73: {  	_ =	shalt  }
0x74: {  	_ =	shalt  }
0x75: {  	_ =	shalt  }
0x76: {  	_ =	shalt  }
0x77: {  	_ =	shalt  }
0x78: {  	_ =	shalt  }
0x79: {  	_ =	shalt  }
0x7a: {  	_ =	shalt  }
0x7b: {  	_ =	shalt  }
0x7c: {  	_ =	shalt  }
0x7d: {  	_ =	shalt  }
0x7e: {  	_ =	shalt  }
0x7f: {  	_ =	shalt  }
0x80: {  	_ =	shalt  }
0x81: {  	_ =	shalt  }
0x82: {  	_ =	shalt  }
0x83: {  	_ =	shalt  }
0x84: {  	_ =	shalt  }
0x85: {  	_ =	shalt  }
0x86: {  	_ =	shalt  }
0x87: {  	_ =	shalt  }
.Lfunc_end0:
.L_simem_size_0:
called_computation.1_lowered:
.L_overlay_start_0:
0x88: {  	s2 =	sld [smem:$0x3FD9]  }
0x89: {  	s3 =	sld [smem:$0x3FFE];
	_ =	sdelay $0x1  }
0x8a: {  	s1 =	srdreg.scid  }
0x8b: {  	s0 =	sand.u32 $0x1, s1  }
0x8c: {  	s14 =	sshll.u32 s0, $0xA;
	s2 =	sadd.s32 s3, s2  }
0x8d: {  	s2 =	sadd.s32 s2, s14  }
0x8e: {  	[smem:$0x3FC6] =	sst s2  }
0x8f: {  	_ = 	snop  }
0x90: {  	s2 =	sld [smem:$0x3FD0];
	_ =	sdelay $0x2  }
0x91: {  	s15 =	simm.s32 $0xA;
	s4 =	simm.s32 $0x10  }
0x92: {  	[smem:s4], [sflag:s15] =	dma.local [hbm:s2], $0x1  }
0x93: {  	_ =	swait.eq [sflag:s15], $0x1  }
0x94: {  	s16 =	sld [smem:$0x10];
	[sflag:s15] =	ssyncset.done $0x0  }
0x95: {  	s17 =	sld [smem:$0x11];
	[sflag:s15] =	ssyncadd.s32 $0xFFFFFFFF  }
0x96: {  	s18 =	sld [smem:$0x12];
	(tm) =	ssettm $0x1  }
0x97: {  	s5 =	sld [smem:$0x3FFB];
	_ =	sdelay $0x3  }
0x98: {  	_ =	strace s5  }
0x99: {  	s5 =	sld [smem:$0x3FFC];
	_ =	sdelay $0x3  }
0x9a: {  	_ =	strace s5  }
0x9b: {  	s5 =	sld [smem:$0x3FFD];
	_ =	sdelay $0x3  }
0x9c: {  	_ =	strace s5  }
0x9d: {  	_ =	strace $0x8FFFFFFF  }
0x9e: {  	s19 =	sld [smem:$0x3FDB];
	_ =	sdelay $0x1  }
0x9f: {  	s6 =	simm.s32 $_scs_section_size  }
0xa0: {  	s7 =	simm.s32 $_size__tile_overlayer_lowered;
	s8 =	simm.s32 $_tile_overlayer_lowered  }
0xa1: {  	s22 =	simm.s32 $0x1BFF;
	s21 =	sshll.u32 s8, $0x1;
	s5 =	sadd.s32 s6, s19  }
0xa2: {  	s9 =	simm.s32 $0x0;
	s20 =	sshll.u32 s7, $0x1;
	s7 =	sadd.s32 s21, s5  }
0xa3: {  	[timem:s9], [sflag:s22] =	dma.local [hbm:s7], s20  }
0xa4: {  	_ =	swait.ge [sflag:s22], s20  }
0xa5: {  	s6 =	ssub.s32 $0x0, s20;
	[sflag:s22] =	ssyncset.done $0x0  }
0xa6: {  	[sflag:s22] =	ssyncadd.s32 s6;
	_ =	sdelay $0x1  }
0xa7: {  	s23 =	simm.s32 $0x1B8B  }
0xa8: {  	_ =	swait.ge [sflag:s23], $0x1  }
0xa9: {  	[sflag:s23] =	ssyncset.done $0x0  }
0xaa: {  	s25 =	simm.s32 $0x1B8E;
	s24 =	sld [smem:$0x3FFE];
	[sflag:s23] =	ssyncadd.s32 $0xFFFFFFFF  }
0xab: {  	s26 =	simm.s32 $execute0_lowered;
	[smem:$0x3FD2] =	sst s25  }
0xac: {  	s7 =	sshll.u32 s26, $0x1;
	_ =	strace $0x80000049;
	[dreg:$0x1] =	wrdreg $0xFFFFFFFF  }
0xad: {  	s28 =	simm.s32 $_size_execute0_lowered;
	s5 =	sadd.s32 s5, s7;
	[dreg:$0x0] =	wrdreg $0x0  }
0xae: {  	s7 =	sshll.u32 s28, $0x1;
	[dreg:$0x2] =	wrdreg s5  }
0xaf: {  	[dreg:$0x3] =	wrdreg s7  }
0xb0: {  	[dreg:$0x4] =	wrdreg $0xC0  }
0xb1: {  	_ =	task [dreg:s9], $0x5FFFF  }
0xb2: {  	[dreg:$0x1] =	wrdreg $0xFFFFFFFF  }
0xb3: {  	[dreg:$0x0] =	wrdreg $0x60  }
0xb4: {  	[dreg:$0x2] =	wrdreg s24  }
0xb5: {  	[dreg:$0x3] =	wrdreg s16  }
0xb6: {  	[dreg:$0x4] =	wrdreg s17  }
0xb7: {  	[dreg:$0x5] =	wrdreg s18  }
0xb8: {  	[dreg:$0x6] =	wrdreg $0x9  }
0xb9: {  	_ =	task.clear_ibuf [dreg:s9], $0x7FFFF;
	_ =	strace $0x90000049  }
0xba: {  	s29 =	simm.s32 $0x9;
	_ =	strace $0x8000004B  }
0xbb: {  	_ =	swait.ge [sflag:s29], $0x1  }
0xbc: {  	[sflag:s29] =	ssyncadd.s32 $0xFFFFFFFF  }
0xbd: {  	_ =	strace $0x9000004B  }
0xbe: {  	_ =	sfence  }
0xbf: {  	s30 =	sld [smem:$0x0];
	_ =	sdelay $0x2  }
0xc0: {  	s31 =	sshll.u32 s1, $0xD;
	s1 =	sshrl.u32 s1, $0x2  }
0xc1: {  	s3 =	sand.u32 $0x4000, s31;
	s1 =	sadd.s32 s1, s30  }
0xc2: {  	s0 =	sor.u32 s3, s0;
	s1 =	sshll.u32 s1, $0x11  }
0xc3: {  	s0 =	sor.u32 s1, s0  }
0xc4: {  	s0 =	sadd.s32 $0x8F2B, s0  }
0xc5: {  	[sflag:s0] =	ssyncadd.remote.s32 $0x1  }
0xc6: {  	_ =	sfence.sel $0xFFFF  }
0xc7: {  	[dreg:$0x0] =	wrdreg $0xFFFFFFFF;
	(pc) =	sbr.abs _section_cstart, $3  }
0xc8: {  	[dreg:$0x1] =	wrdreg $0xFFFFFFFF  }
0xc9: {  	_ =	task.clear_ibuf [dreg:s9], $0x2FFFF;
	_ =	strace $0x9FFFFFFF  }
0xca: {  	(tm) =	ssettm $0x7FFFFFFF  }
0xcb: {  	_ =	shalt  }
tec
execute0_lowered:
.L_overlay_start_1:
0x0: {  	(tag) =	ssettag $0x1  }
0x1: {  	s0 =	rddreg [dreg:$0x0]  }
0x2: {  	s4 =	rddreg [dreg:$0x1]  }
0x3: {  	s6 =	rddreg [dreg:$0x2];
	s5 =	simm.s32 $0x0;
	s1 =	srdreg.scid  }
0x4: {  	s2 =	stileid.u32;
	s16 =	simm.s32 $0xD;
	s19 =	simm.s32 $0x80  }
0x5: {  	s20 =	simm.s32 $0x780;
	s31 =	simm.s32 $0x1;
	s12 =	simm.s32 $0x5  }
0x6: {  	s22 =	simm.s32 $0x7;
	s23 =	simm.s32 $0x6180;
	s28 =	simm.s32 $0xB  }
0x7: {  	[smem:$0x7FF] =	sst s5;
	s1 =	sand.u32 $0x1, s1;
	s7 =	sadd.s32 $0x3E200, s0  }
0x8: {  	s2 =	sshll.u32 s2, $0x1;
	s11 =	sadd.s32 $0x132600, s0;
	s9 =	sadd.s32 $0x16F800, s0  }
0x9: {  	s10 =	sadd.s32 $0x263C00, s0;
	_ =	strace $0x8000004A;
	s8 =	sor.u32 s1, s2  }
0xa: {  	s1 =	ssub.s32 $0x2, s1;
	[dreg:$0x6] =	wrdreg s11;
	s2 =	smul.u32 $0x50, s8  }
0xb: {  	s3 =	sshrl.u32 s1, $0x1;
	[dreg:$0x5] =	wrdreg s8;
	s30 =	sor.u32 $0x40, s8  }
0xc: {  	s24 =	ssub.s32 s1, s3;
	[dreg:$0xa] =	wrdreg s30;
	s25 =	sadd.s32 s11, s2  }
.Ltmp0:
0xd: {  	s26 =	sadd.s32 s4, s2;
	[dreg:$0x7] =	wrdreg s25;
	(pc) =	sbr.rel .LBB2_1-.Ltmp0, $4  }
0xe: {  	v0 =	vlaneseq.u32;
	s3 =	simm.s32 $0x3;
	s29 =	sadd.s32 s6, s2;
	[dreg:$0x8] =	wrdreg s26  }
0xf: {  	v0 =	vmul.u32 $0x8, v0;
	s0 =	smax.u32 s24, $0x1;
	s11 =	simm.s32 $0x4;
	[dreg:$0x9] =	wrdreg s29  }
0x10: {  	s24 =	simm.s32 $0x8;
	s4 =	simm.s32 $0x0;
	[dreg:$0xb] =	wrdreg s0  }
0x11: {  	v1 =	vor.u32 $0x2800, v0;
	v2 =	vor.u32 $0x1400, v0;
	s0 =	simm.s32 $0x2;
	s25 =	simm.s32 $0x9;
	s26 =	simm.s32 $0xA  }
.LBB2_27:
0x12: {  	s1 =	simm.s32 $0x6  }
0x13: {  	_ =	swait.ge [sflag:s1], $0xA00  }
0x14: {  	[sflag:s1] =	ssyncset.done $0x0  }
0x15: {  	[sflag:s1] =	ssyncadd.s32 $0xFFFFF600  }
0x16: {  	_ =	swait.ge [sflag:s1], $0xA00  }
0x17: {  	[sflag:s1] =	ssyncset.done $0x0  }
0x18: {  	[sflag:s1] =	ssyncadd.s32 $0xFFFFF600  }
0x19: {  	_ =	swait.ge [sflag:s1], $0x280  }
0x1a: {  	[sflag:s1] =	ssyncset.done $0x0  }
0x1b: {  	s2 =	simm.s32 $0xC;
	[sflag:s1] =	ssyncadd.s32 $0xFFFFFD80  }
0x1c: {  	_ =	swait.ge [sflag:s2], $0xA00  }
0x1d: {  	[sflag:s2] =	ssyncset.done $0x0  }
0x1e: {  	[sflag:s2] =	ssyncadd.s32 $0xFFFFF600  }
0x1f: {  	_ =	swait.ge [sflag:s2], $0xA00  }
0x20: {  	[sflag:s2] =	ssyncset.done $0x0  }
0x21: {  	[sflag:s2] =	ssyncadd.s32 $0xFFFFF600  }
0x22: {  	_ =	swait.ge [sflag:s2], $0x280  }
0x23: {  	s4 =	rddreg [dreg:$0xc]  }
0x24: {  	s30 =	rddreg [dreg:$0xb];
	s4 =	sadd.s32 $0x1, s4  }
0x25: {  	p0 =	sne.s32 s4, s30  }
.Ltmp1:
0x26: {  	_ = 	snop;
	(pc) =	sbr.rel @!p0 .LBB2_28-.Ltmp1, $3  }
0x27: {  	_ =	sdelay $0x1  }
0x28: {  	[sflag:s2] =	ssyncset.done $0x0  }
0x29: {  	[sflag:s2] =	ssyncadd.s32 $0xFFFFFD80  }
.LBB2_1:
0x2a: {  	[dreg:$0xc] =	wrdreg s4  }
0x2b: {  	s1 =	rddreg [dreg:$0x7]  }
0x2c: {  	[tilespmem:s5], [sflag:$0xD] =	stream.linear.gather [hbm4b:s1+s5], $0x280, $0x38;
	[tilespmem:$0xB400] =	vst v63  }
0x2d: {  	_ =	swait.ge [sflag:s16], $0x280  }
0x2e: {  	[sflag:s16] =	ssyncset.done $0x0  }
0x2f: {  	s2 =	simm.s32 $0x280;
	s8 =	rddreg [dreg:$0x8];
	[sflag:s16] =	ssyncadd.s32 $0xFFFFFD80  }
0x30: {  	[tilespmem:s2], [sflag:$0xD] =	stream.linear.gather [hbm4b:s8+s5], $0x280, $0x38;
	[tilespmem:$0xB400] =	vst v63  }
0x31: {  	_ =	swait.ge [sflag:s16], $0x280  }
0x32: {  	[sflag:s16] =	ssyncset.done $0x0  }
0x33: {  	s14 =	simm.s32 $0x500;
	s13 =	rddreg [dreg:$0x9];
	[sflag:s16] =	ssyncadd.s32 $0xFFFFFD80  }
0x34: {  	[tilespmem:s14], [sflag:$0xD] =	stream.linear.gather [hbm4b:s13+s5], $0x280, $0x38;
	[tilespmem:$0xB400] =	vst v63  }
0x35: {  	_ =	swait.ge [sflag:s16], $0x280  }
0x36: {  	[sflag:s16] =	ssyncset.done $0x0  }
0x37: {  	[sflag:s16] =	ssyncadd.s32 $0xFFFFFD80  }
0x38: {  	[tilespmem:s20], [sflag:$0x1] =	stream.indirect.gather [hbm4b:s7+s19], $0x8, s5, s19, $0xb8;
	[tilespmem:$0xB400] =	vst v63  }
0x39: {  	s15 =	simm.s32 $0x1B80  }
0x3a: {  	[tilespmem:s15], [sflag:$0x1] =	stream.indirect.gather [hbm4b:s7+s19], $0x8, s2, s19, $0xb8;
	[tilespmem:$0xB400] =	vst v63  }
0x3b: {  	s17 =	simm.s32 $0x2F80  }
0x3c: {  	[tilespmem:s17], [sflag:$0x1] =	stream.indirect.gather [hbm4b:s7+s19], $0x8, s14, s19, $0xb8;
	[tilespmem:$0xB400] =	vst v63  }
0x3d: {  	s18 =	simm.s32 $0xB80  }
0x3e: {  	[tilespmem:s18], [sflag:$0x2] =	stream.indirect.gather [hbm4b:s7+s19], $0x8, s19, s19, $0xb8;
	[tilespmem:$0xB400] =	vst v63  }
0x3f: {  	s21 =	simm.s32 $0x300;
	s29 =	simm.s32 $0x1F80  }
0x40: {  	[tilespmem:s29], [sflag:$0x2] =	stream.indirect.gather [hbm4b:s7+s19], $0x8, s21, s19, $0xb8;
	[tilespmem:$0xB400] =	vst v63  }
0x41: {  	s4 =	simm.s32 $0x580;
	s6 =	simm.s32 $0x3380  }
0x42: {  	[tilespmem:s6], [sflag:$0x2] =	stream.indirect.gather [hbm4b:s7+s19], $0x8, s4, s19, $0xb8;
	[tilespmem:$0xB400] =	vst v63  }
0x43: {  	s8 =	simm.s32 $0x100;
	s13 =	simm.s32 $0xF80  }
0x44: {  	[tilespmem:s13], [sflag:$0x3] =	stream.indirect.gather [hbm4b:s7+s19], $0x8, s8, s19, $0xb8;
	[tilespmem:$0xB400] =	vst v63  }
0x45: {  	s15 =	simm.s32 $0x2380;
	s14 =	simm.s32 $0x380  }
0x46: {  	[tilespmem:s15], [sflag:$0x3] =	stream.indirect.gather [hbm4b:s7+s19], $0x8, s14, s19, $0xb8;
	[tilespmem:$0xB400] =	vst v63  }
0x47: {  	s17 =	simm.s32 $0x600;
	s18 =	simm.s32 $0x3780  }
0x48: {  	[tilespmem:s18], [sflag:$0x3] =	stream.indirect.gather [hbm4b:s7+s19], $0x8, s17, s19, $0xb8;
	[tilespmem:$0xB400] =	vst v63  }
0x49: {  	s21 =	simm.s32 $0x180;
	s29 =	simm.s32 $0x1380  }
0x4a: {  	[tilespmem:s29], [sflag:$0x4] =	stream.indirect.gather [hbm4b:s7+s19], $0x8, s21, s19, $0xb8;
	[tilespmem:$0xB400] =	vst v63  }
0x4b: {  	s4 =	simm.s32 $0x400;
	s6 =	simm.s32 $0x2780  }
0x4c: {  	[tilespmem:s6], [sflag:$0x4] =	stream.indirect.gather [hbm4b:s7+s19], $0x8, s4, s19, $0xb8;
	[tilespmem:$0xB400] =	vst v63  }
0x4d: {  	s8 =	simm.s32 $0x680;
	s13 =	simm.s32 $0x3B80  }
0x4e: {  	[tilespmem:s13], [sflag:$0x4] =	stream.indirect.gather [hbm4b:s7+s19], $0x8, s8, s19, $0xb8;
	[tilespmem:$0xB400] =	vst v63  }
0x4f: {  	s14 =	simm.s32 $0x200;
	s15 =	simm.s32 $0x1780  }
0x50: {  	[tilespmem:s15], [sflag:$0x5] =	stream.indirect.gather [hbm4b:s7+s19], $0x8, s14, s19, $0xb8;
	[tilespmem:$0xB400] =	vst v63  }
.Ltmp2:
0x51: {  	_ = 	snop;
	(pc) =	sbr.rel .LBB2_2-.Ltmp2, $4  }
0x52: {  	s17 =	simm.s32 $0x480;
	s18 =	simm.s32 $0x2B80  }
0x53: {  	[tilespmem:s18], [sflag:$0x5] =	stream.indirect.gather [hbm4b:s7+s19], $0x8, s17, s19, $0xb8;
	[tilespmem:$0xB400] =	vst v63  }
0x54: {  	s30 =	simm.s32 $0x0;
	s21 =	simm.s32 $0x700;
	s29 =	simm.s32 $0x3F80  }
0x55: {  	[tilespmem:s29], [sflag:$0x5] =	stream.indirect.gather [hbm4b:s7+s19], $0x8, s21, s19, $0xb8;
	[tilespmem:$0xB400] =	vst v63  }
.LBB2_26:
0x56: {  	s30 =	sadd.s32 $0x1, s30  }
0x57: {  	p0 =	sne.s32 s30, $0x31  }
.Ltmp3:
0x58: {  	_ = 	snop;
	(pc) =	sbr.rel @!p0 .LBB2_27-.Ltmp3, $1  }
0x59: {  	_ =	sdelay $0x3  }
.LBB2_2:
0x5a: {  	s1 =	sshll.u32 s30, $0x6;
	s2 =	rddreg [dreg:$0x5]  }
0x5b: {  	s13 =	sor.u32 s2, s1  }
0x5c: {  	s29 =	sor.u32 $0x20, s13  }
0x5d: {  	p0 =	sgt.u32 s29, $0xC34  }
0x5e: {  	s1 =	smul.u32 @!p0 $0x50, s29  }
0x5f: {  	s2 =	rddreg [dreg:$0x6]  }
0x60: {  	s4 =	simm.s32 @!p0 $0x0;
	s6 =	simm.s32 @!p0 $0x5A00;
	s2 =	sadd.s32 @!p0 s2, s1  }
0x61: {  	[tilespmem:s6], [sflag:$0xD] =	stream.linear.gather @!p0 [hbm4b:s2+s4], $0x280, $0x38;
	[tilespmem:$0xB400] =	vst v63  }
0x62: {  	s2 =	simm.s32 @!p0 $0xD  }
0x63: {  	_ =	swait.ge @!p0 [sflag:s2], $0x280  }
0x64: {  	[sflag:s2] =	ssyncset.done @!p0 $0x0  }
0x65: {  	[sflag:s2] =	ssyncadd.s32 @!p0 $0xFFFFFD80  }
0x66: {  	s8 =	rddreg [dreg:$0x1]  }
0x67: {  	s15 =	simm.s32 @!p0 $0x5C80;
	s14 =	sadd.s32 @!p0 s8, s1  }
0x68: {  	[tilespmem:s15], [sflag:$0xD] =	stream.linear.gather @!p0 [hbm4b:s14+s4], $0x280, $0x38;
	[tilespmem:$0xB400] =	vst v63  }
0x69: {  	_ =	swait.ge @!p0 [sflag:s2], $0x280  }
0x6a: {  	[sflag:s2] =	ssyncset.done @!p0 $0x0  }
0x6b: {  	[sflag:s2] =	ssyncadd.s32 @!p0 $0xFFFFFD80  }
0x6c: {  	s8 =	rddreg [dreg:$0x2]  }
0x6d: {  	s14 =	simm.s32 @!p0 $0x5F00;
	s1 =	sadd.s32 @!p0 s8, s1  }
0x6e: {  	[tilespmem:s14], [sflag:$0xD] =	stream.linear.gather @!p0 [hbm4b:s1+s4], $0x280, $0x38;
	[tilespmem:$0xB400] =	vst v63  }
0x6f: {  	_ =	swait.ge @!p0 [sflag:s2], $0x280  }
0x70: {  	[sflag:s2] =	ssyncset.done @!p0 $0x0  }
0x71: {  	s1 =	simm.s32 @!p0 $0x80;
	[sflag:s2] =	ssyncadd.s32 @!p0 $0xFFFFFD80;
	s2 =	simm.s32 @!p0 $0x6180  }
0x72: {  	[tilespmem:s2], [sflag:$0x7] =	stream.indirect.gather @!p0 [hbm4b:s7+s1], $0x8, s6, s1, $0xb8;
	[tilespmem:$0xB400] =	vst v63  }
0x73: {  	s2 =	simm.s32 @!p0 $0x7580  }
0x74: {  	[tilespmem:s2], [sflag:$0x7] =	stream.indirect.gather @!p0 [hbm4b:s7+s1], $0x8, s15, s1, $0xb8;
	[tilespmem:$0xB400] =	vst v63  }
0x75: {  	s2 =	simm.s32 @!p0 $0x8980  }
0x76: {  	[tilespmem:s2], [sflag:$0x7] =	stream.indirect.gather @!p0 [hbm4b:s7+s1], $0x8, s14, s1, $0xb8;
	[tilespmem:$0xB400] =	vst v63  }
0x77: {  	s4 =	simm.s32 @!p0 $0x6580;
	s2 =	simm.s32 @!p0 $0x5A80  }
0x78: {  	[tilespmem:s4], [sflag:$0x8] =	stream.indirect.gather @!p0 [hbm4b:s7+s1], $0x8, s2, s1, $0xb8;
	[tilespmem:$0xB400] =	vst v63  }
0x79: {  	s2 =	simm.s32 @!p0 $0x5D00;
	s4 =	simm.s32 @!p0 $0x7980  }
0x7a: {  	[tilespmem:s4], [sflag:$0x8] =	stream.indirect.gather @!p0 [hbm4b:s7+s1], $0x8, s2, s1, $0xb8;
	[tilespmem:$0xB400] =	vst v63  }
0x7b: {  	s2 =	simm.s32 @!p0 $0x5F80;
	s4 =	simm.s32 @!p0 $0x8D80  }
0x7c: {  	[tilespmem:s4], [sflag:$0x8] =	stream.indirect.gather @!p0 [hbm4b:s7+s1], $0x8, s2, s1, $0xb8;
	[tilespmem:$0xB400] =	vst v63  }
0x7d: {  	s2 =	simm.s32 @!p0 $0x5B00;
	s4 =	simm.s32 @!p0 $0x6980  }
0x7e: {  	[tilespmem:s4], [sflag:$0x9] =	stream.indirect.gather @!p0 [hbm4b:s7+s1], $0x8, s2, s1, $0xb8;
	[tilespmem:$0xB400] =	vst v63  }
0x7f: {  	s2 =	simm.s32 @!p0 $0x5D80;
	s4 =	simm.s32 @!p0 $0x7D80  }
0x80: {  	[tilespmem:s4], [sflag:$0x9] =	stream.indirect.gather @!p0 [hbm4b:s7+s1], $0x8, s2, s1, $0xb8;
	[tilespmem:$0xB400] =	vst v63  }
0x81: {  	s2 =	simm.s32 @!p0 $0x6000;
	s4 =	simm.s32 @!p0 $0x9180  }
0x82: {  	[tilespmem:s4], [sflag:$0x9] =	stream.indirect.gather @!p0 [hbm4b:s7+s1], $0x8, s2, s1, $0xb8;
	[tilespmem:$0xB400] =	vst v63  }
0x83: {  	s2 =	simm.s32 @!p0 $0x5B80;
	s4 =	simm.s32 @!p0 $0x6D80  }
0x84: {  	[tilespmem:s4], [sflag:$0xA] =	stream.indirect.gather @!p0 [hbm4b:s7+s1], $0x8, s2, s1, $0xb8;
	[tilespmem:$0xB400] =	vst v63  }
0x85: {  	s2 =	simm.s32 @!p0 $0x5E00;
	s4 =	simm.s32 @!p0 $0x8180  }
0x86: {  	[tilespmem:s4], [sflag:$0xA] =	stream.indirect.gather @!p0 [hbm4b:s7+s1], $0x8, s2, s1, $0xb8;
	[tilespmem:$0xB400] =	vst v63  }
0x87: {  	s2 =	simm.s32 @!p0 $0x6080;
	s4 =	simm.s32 @!p0 $0x9580  }
0x88: {  	[tilespmem:s4], [sflag:$0xA] =	stream.indirect.gather @!p0 [hbm4b:s7+s1], $0x8, s2, s1, $0xb8;
	[tilespmem:$0xB400] =	vst v63  }
0x89: {  	s2 =	simm.s32 @!p0 $0x5C00;
	s4 =	simm.s32 @!p0 $0x7180  }
0x8a: {  	[tilespmem:s4], [sflag:$0xB] =	stream.indirect.gather @!p0 [hbm4b:s7+s1], $0x8, s2, s1, $0xb8;
	[tilespmem:$0xB400] =	vst v63  }
0x8b: {  	s2 =	simm.s32 @!p0 $0x5E80;
	s4 =	simm.s32 @!p0 $0x8580  }
0x8c: {  	[tilespmem:s4], [sflag:$0xB] =	stream.indirect.gather @!p0 [hbm4b:s7+s1], $0x8, s2, s1, $0xb8;
	[tilespmem:$0xB400] =	vst v63  }
0x8d: {  	p1 =	seq.s32 s30, $0x0;
	s2 =	simm.s32 @!p0 $0x6100;
	s4 =	simm.s32 @!p0 $0x9980  }
0x8e: {  	[tilespmem:s4], [sflag:$0xB] =	stream.indirect.gather @!p0 [hbm4b:s7+s1], $0x8, s2, s1, $0xb8;
	[tilespmem:$0xB400] =	vst v63  }
0x8f: {  	s1 =	simm.s32 @!p1 $0x6  }
0x90: {  	_ =	swait.ge @!p1 [sflag:s1], $0xA00  }
0x91: {  	[sflag:s1] =	ssyncset.done @!p1 $0x0  }
0x92: {  	[sflag:s1] =	ssyncadd.s32 @!p1 $0xFFFFF600  }
0x93: {  	_ =	swait.ge @!p1 [sflag:s1], $0xA00  }
0x94: {  	[sflag:s1] =	ssyncset.done @!p1 $0x0  }
0x95: {  	[sflag:s1] =	ssyncadd.s32 @!p1 $0xFFFFF600  }
0x96: {  	_ =	swait.ge @!p1 [sflag:s1], $0x280  }
0x97: {  	[sflag:s1] =	ssyncset.done @!p1 $0x0  }
0x98: {  	[sflag:s1] =	ssyncadd.s32 @!p1 $0xFFFFFD80  }
0x99: {  	s21 =	simm.s32 $0x0;
	_ =	swait.ge [sflag:s31], $0x400  }
0x9a: {  	v3 =	vmov s21;
	[sflag:s31] =	ssyncset.done $0x0  }
0x9b: {  	v3 =	vshll.u32 v3, $0x3;
	[sflag:s31] =	ssyncadd.s32 $0xFFFFFC00  }
0x9c: {  	v8 =	vor.u32 v0, v3;
	_ =	swait.ge [sflag:s31], $0x400  }
0x9d: {  	v4 =	vor.u32 v2, v3;
	v5 =	vor.u32 $0x1, v8;
	[sflag:s31] =	ssyncset.done $0x0  }
0x9e: {  	v6 =	vor.u32 $0x1, v4;
	[sflag:s31] =	ssyncadd.s32 $0xFFFFFC00  }
0x9f: {  	v13 =	vor.u32 v1, v3;
	v7 =	vor.u32 $0x2, v8;
	_ =	swait.ge [sflag:s31], $0x400  }
0xa0: {  	v3 =	vor.u32 $0x1, v13;
	[sflag:s31] =	ssyncset.done $0x0  }
0xa1: {  	v10 =	vor.u32 $0x2, v4;
	[sflag:s31] =	ssyncadd.s32 $0xFFFFFC00  }
0xa2: {  	v14 =	vor.u32 $0x2, v13;
	v11 =	vld.idx.msk [tilespmem:v5+s20+$0x0], $0xffff  }
0xa3: {  	v12 =	vld.idx.msk [tilespmem:v6+s20+$0x0], $0xffff  }
0xa4: {  	v9 =	vld.idx.msk [tilespmem:v7+s20+$0x0], $0xffff  }
0xa5: {  	v3 =	vld.idx.msk [tilespmem:v3+s20+$0x0], $0xffff  }
0xa6: {  	v10 =	vld.idx.msk [tilespmem:v10+s20+$0x0], $0xffff  }
0xa7: {  	v6 =	vld.idx.msk [tilespmem:v14+s20+$0x0], $0xffff  }
0xa8: {  	s18 =	simm.s32 $0x5780;
	v5 =	vld.idx.msk [tilespmem:v13+s20+$0x0], $0xffff  }
0xa9: {  	s17 =	simm.s32 $0x4480;
	s21 =	simm.s32 $0x5780;
	s15 =	simm.s32 $0x4E00;
	v7 =	vld.idx.msk [tilespmem:v4+s20+$0x0], $0xffff  }
0xaa: {  	s14 =	simm.s32 $0x10;
	s2 =	simm.s32 $0x4E00;
	s1 =	simm.s32 $0x4480;
	v8 =	vld.idx.msk [tilespmem:v8+s20+$0x0], $0xffff;
	v4 =	vadd.f32 v12, v11  }
.LBB2_3:
0xab: {  	s18 =	sadd.s32 $0x10, s18;
	s1 =	sadd.s32 $0x10, s1;
	s2 =	sadd.s32 $0x10, s2  }
0xac: {  	p1 =	sne.s32 s14, $0x70;
	v13 =	vsub.f32 v10, v9;
	v14 =	vsub.f32 v3, v12;
	s4 =	smov.u32 s14;
	s14 =	sadd.s32 $0x10, s14  }
0xad: {  	v9 =	vadd.f32 v10, v9;
	v11 =	vsub.f32 v12, v11;
	v15 =	vmov s4  }
0xae: {  	v10 =	vsub.f32 v6, v10;
	v12 =	vshll.u32 v15, $0x3;
	v15 =	vmul.f32 v14, v13  }
0xaf: {  	v16 =	vor.u32 v0, v12;
	v17 =	vor.u32 v2, v12;
	v18 =	vsub.f32 v5, v7  }
0xb0: {  	v19 =	vor.u32 $0x1, v16;
	v20 =	vor.u32 $0x2, v16;
	v21 =	vsub.f32 v7, v8  }
0xb1: {  	v22 =	vor.u32 $0x1, v17;
	v23 =	vor.u32 $0x2, v17;
	v13 =	vmul.f32 v18, v13  }
0xb2: {  	v24 =	vor.u32 v1, v12;
	v12 =	vmul.f32 v10, v11;
	v10 =	vmul.f32 v10, v21  }
0xb3: {  	v25 =	vor.u32 $0x1, v24;
	v26 =	vor.u32 $0x2, v24;
	v14 =	vmul.f32 v14, v21  }
0xb4: {  	v12 =	vsub.f32 v12, v15;
	v11 =	vmul.f32 v18, v11;
	v10 =	vsub.f32 v13, v10  }
0xb5: {  	v6 =	vadd.f32 v6, v9;
	v7 =	vadd.f32 v7, v8  }
0xb6: {  	v9 =	vmul.f32 v12, v12;
	v8 =	vsub.f32 v14, v11;
	v11 =	vmul.f32 v10, v10  }
0xb7: {  	v6 =	vmul.f32 $3.333333430e-01, v6;
	v5 =	vadd.f32 v5, v7  }
0xb8: {  	v7 =	vadd.f32 v11, v9;
	v9 =	vmul.f32 v8, v8  }
0xb9: {  	v5 =	vmul.f32 $3.333333430e-01, v5;
	[tilespmem:s17+$0x0] =	vst v6  }
0xba: {  	v6 =	vadd.f32 v7, v9  }
0xbb: {  	[tilespmem:s17+$0xFFFFFF00] =	vst v5  }
0xbc: {  	v5 =	vshra.s32 v6, $0x1;
	v7 =	vmul.f32 $5.000000000e-01, v6  }
0xbd: {  	v5 =	vsub.s32 $0x5F3759DF, v5  }
0xbe: {  	v9 =	vmul.f32 v5, v7;
	_ =	sdelay $0x1  }
0xbf: {  	v9 =	vmul.f32 v5, v9;
	_ =	sdelay $0x1  }
0xc0: {  	v9 =	vsub.f32 $1.500000000e+00, v9;
	_ =	sdelay $0x1  }
0xc1: {  	v5 =	vmul.f32 v5, v9;
	_ =	sdelay $0x1  }
0xc2: {  	v7 =	vmul.f32 v5, v7;
	_ =	sdelay $0x1  }
0xc3: {  	v7 =	vmul.f32 v7, v5;
	_ =	sdelay $0x1  }
0xc4: {  	v7 =	vsub.f32 $1.500000000e+00, v7  }
0xc5: {  	v3 =	vadd.f32 v3, v4  }
0xc6: {  	v4 =	vmul.f32 v7, v5  }
0xc7: {  	v3 =	vmul.f32 $3.333333430e-01, v3  }
0xc8: {  	v5 =	vmul.f32 v4, v12;
	v6 =	vmul.f32 v4, v6  }
0xc9: {  	[tilespmem:s17+$0xFFFFFF80] =	vst v3;
	v3 =	vmul.f32 v4, v10;
	v4 =	vmul.f32 v4, v8;
	s17 =	smov.u32 s1  }
0xca: {  	[tilespmem:s15+$0xFFFFFF80] =	vst v5;
	v5 =	vmul.f32 $5.000000000e-01, v6  }
0xcb: {  	[tilespmem:s15+$0x80] =	vst v4  }
0xcc: {  	[tilespmem:s15+$0x0] =	vst v3;
	s15 =	smov.u32 s2  }
0xcd: {  	[tilespmem:s21+$0x0] =	vst v5;
	s21 =	smov.u32 s18  }
0xce: {  	v11 =	vld.idx.msk [tilespmem:v19+s20+$0x0], $0xffff  }
0xcf: {  	v12 =	vld.idx.msk [tilespmem:v22+s20+$0x0], $0xffff  }
0xd0: {  	v9 =	vld.idx.msk [tilespmem:v20+s20+$0x0], $0xffff  }
0xd1: {  	v3 =	vld.idx.msk [tilespmem:v25+s20+$0x0], $0xffff  }
.Ltmp4:
0xd2: {  	v10 =	vld.idx.msk [tilespmem:v23+s20+$0x0], $0xffff;
	(pc) =	sbr.rel @p1 .LBB2_3-.Ltmp4, $4  }
0xd3: {  	v6 =	vld.idx.msk [tilespmem:v26+s20+$0x0], $0xffff  }
0xd4: {  	v5 =	vld.idx.msk [tilespmem:v24+s20+$0x0], $0xffff  }
0xd5: {  	v4 =	vadd.f32 v12, v11;
	v7 =	vld.idx.msk [tilespmem:v17+s20+$0x0], $0xffff  }
0xd6: {  	v8 =	vld.idx.msk [tilespmem:v16+s20+$0x0], $0xffff  }
0xd7: {  	_ =	sdelay $0x1  }
0xd8: {  	v13 =	vsub.f32 v10, v9;
	v14 =	vsub.f32 v3, v12  }
0xd9: {  	v11 =	vsub.f32 v12, v11;
	v15 =	vsub.f32 v6, v10  }
0xda: {  	v46 =	vsub.f32 v5, v7;
	v16 =	vsub.f32 v7, v8  }
0xdb: {  	v17 =	vmul.f32 v14, v13;
	v18 =	vmul.f32 v15, v11  }
0xdc: {  	v13 =	vmul.f32 v46, v13;
	v15 =	vmul.f32 v15, v16  }
0xdd: {  	v47 =	vsub.f32 v18, v17  }
0xde: {  	v11 =	vmul.f32 v46, v11;
	v14 =	vmul.f32 v14, v16;
	v13 =	vsub.f32 v13, v15;
	_ =	sdelay $0x1  }
0xdf: {  	v48 =	vmul.f32 v47, v47;
	v11 =	vsub.f32 v14, v11;
	v49 =	vmul.f32 v13, v13;
	_ =	sdelay $0x1  }
0xe0: {  	v50 =	vmul.f32 v11, v11;
	v12 =	vadd.f32 v49, v48;
	_ =	sdelay $0x1  }
0xe1: {  	v12 =	vadd.f32 v12, v50;
	_ =	sdelay $0x1  }
0xe2: {  	v14 =	vshra.s32 v12, $0x1;
	v51 =	vmul.f32 $5.000000000e-01, v12  }
0xe3: {  	v14 =	vsub.s32 $0x5F3759DF, v14  }
0xe4: {  	v52 =	vmul.f32 v14, v51;
	_ =	sdelay $0x1  }
0xe5: {  	v17 =	vmul.f32 v14, v52;
	_ =	sdelay $0x1  }
0xe6: {  	v17 =	vsub.f32 $1.500000000e+00, v17;
	_ =	sdelay $0x1  }
0xe7: {  	v14 =	vmul.f32 v14, v17;
	_ =	sdelay $0x1  }
0xe8: {  	v15 =	vmul.f32 v14, v51;
	_ =	sdelay $0x1  }
0xe9: {  	v7 =	vadd.f32 v7, v8;
	v8 =	vmul.f32 v15, v14  }
0xea: {  	v9 =	vadd.f32 v10, v9;
	v3 =	vadd.f32 v3, v4  }
0xeb: {  	v5 =	vadd.f32 v5, v7;
	v7 =	vsub.f32 $1.500000000e+00, v8  }
0xec: {  	v6 =	vadd.f32 v6, v9;
	v3 =	vmul.f32 $3.333333430e-01, v3  }
0xed: {  	v4 =	vmul.f32 $3.333333430e-01, v5;
	v5 =	vmul.f32 v7, v14  }
0xee: {  	v6 =	vmul.f32 $3.333333430e-01, v6;
	[tilespmem:s17+$0xFFFFFF80] =	vst v3  }
0xef: {  	[tilespmem:s17+$0xFFFFFF00] =	vst v4;
	v4 =	vmul.f32 v5, v47  }
0xf0: {  	[tilespmem:s17+$0x0] =	vst v6;
	v6 =	vmul.f32 v5, v12;
	v3 =	vmul.f32 v5, v11  }
0xf1: {  	v5 =	vmul.f32 v5, v13;
	[tilespmem:s15+$0xFFFFFF80] =	vst v4  }
0xf2: {  	v4 =	vmul.f32 $5.000000000e-01, v6;
	[tilespmem:s15+$0x80] =	vst v3  }
0xf3: {  	[tilespmem:s15+$0x0] =	vst v5  }
0xf4: {  	[tilespmem:s21+$0x0] =	vst v4  }
0xf5: {  	_ =	swait.ge [sflag:s0], $0x400  }
0xf6: {  	s1 =	simm.s32 $0x80;
	[sflag:s0] =	ssyncset.done $0x0  }
0xf7: {  	v3 =	vmov s1;
	[sflag:s0] =	ssyncadd.s32 $0xFFFFFC00  }
0xf8: {  	v3 =	vshll.u32 v3, $0x3;
	_ =	swait.ge [sflag:s0], $0x400  }
0xf9: {  	v4 =	vor.u32 v1, v3;
	[sflag:s0] =	ssyncset.done $0x0  }
0xfa: {  	v5 =	vor.u32 v0, v3;
	v3 =	vadd.s32 v2, v3;
	[sflag:s0] =	ssyncadd.s32 $0xFFFFFC00  }
0xfb: {  	v6 =	vor.u32 $0x1, v5;
	_ =	swait.ge [sflag:s0], $0x400  }
0xfc: {  	v7 =	vor.u32 $0x2, v4;
	[sflag:s0] =	ssyncset.done $0x0  }
0xfd: {  	[sflag:s0] =	ssyncadd.s32 $0xFFFFFC00  }
0xfe: {  	v8 =	vor.u32 $0x2, v5;
	v9 =	vld.idx.msk [tilespmem:v4+s20+$0x0], $0xffff  }
0xff: {  	v10 =	vor.u32 $0x2, v3;
	v11 =	vld.idx.msk [tilespmem:v3+s20+$0x0], $0xffff  }
0x100: {  	v3 =	vor.u32 $0x1, v3;
	v53 =	vld.idx.msk [tilespmem:v6+s20+$0x0], $0xffff  }
0x101: {  	v4 =	vor.u32 $0x1, v4;
	v7 =	vld.idx.msk [tilespmem:v7+s20+$0x0], $0xffff  }
0x102: {  	v54 =	vld.idx.msk [tilespmem:v5+s20+$0x0], $0xffff  }
0x103: {  	v8 =	vld.idx.msk [tilespmem:v8+s20+$0x0], $0xffff  }
0x104: {  	v10 =	vld.idx.msk [tilespmem:v10+s20+$0x0], $0xffff  }
0x105: {  	v55 =	vld.idx.msk [tilespmem:v3+s20+$0x0], $0xffff  }
0x106: {  	v56 =	vld.idx.msk [tilespmem:v4+s20+$0x0], $0xffff;
	_ =	sdelay $0x2  }
0x107: {  	v4 =	vsub.f32 v9, v11;
	v5 =	vsub.f32 v11, v54  }
0x108: {  	v3 =	vsub.f32 v10, v8;
	v6 =	vsub.f32 v7, v10  }
0x109: {  	v57 =	vsub.f32 v55, v53;
	v58 =	vsub.f32 v56, v55  }
0x10a: {  	v59 =	vmul.f32 v4, v3;
	v19 =	vmul.f32 v6, v5  }
0x10b: {  	v6 =	vmul.f32 v6, v57;
	v20 =	vmul.f32 v58, v3  }
0x10c: {  	v3 =	vsub.f32 v59, v19  }
0x10d: {  	v17 =	vmul.f32 v58, v5;
	v4 =	vmul.f32 v4, v57;
	v5 =	vsub.f32 v6, v20;
	_ =	sdelay $0x1  }
0x10e: {  	v4 =	vsub.f32 v17, v4;
	v6 =	vmul.f32 v3, v3;
	v60 =	vmul.f32 v5, v5;
	_ =	sdelay $0x1  }
0x10f: {  	v61 =	vmul.f32 v4, v4;
	v6 =	vadd.f32 v6, v60;
	_ =	sdelay $0x1  }
0x110: {  	v6 =	vadd.f32 v6, v61;
	_ =	sdelay $0x1  }
0x111: {  	v16 =	vshra.s32 v6, $0x1;
	v62 =	vmul.f32 $5.000000000e-01, v6  }
0x112: {  	v16 =	vsub.s32 $0x5F3759DF, v16  }
0x113: {  	v11 =	vadd.f32 v11, v54;
	v63 =	vmul.f32 v16, v62  }
0x114: {  	v12 =	vadd.f32 v55, v53  }
0x115: {  	s15 =	simm.s32 $0x200;
	v8 =	vadd.f32 v10, v8;
	v9 =	vadd.f32 v9, v11;
	v10 =	vmul.f32 v16, v63  }
0x116: {  	s14 =	sand.u32 $0x3FFFFE00, s15;
	v11 =	vadd.f32 v56, v12  }
0x117: {  	s2 =	sand.u32 $0x200, s15;
	v7 =	vadd.f32 v7, v8;
	v9 =	vmul.f32 $3.333333430e-01, v9;
	v8 =	vsub.f32 $1.500000000e+00, v10  }
0x118: {  	s4 =	sadd.s32 $0x4480, s14;
	s1 =	sor.u32 s2, s1;
	v10 =	vmul.f32 $3.333333430e-01, v11  }
0x119: {  	s6 =	sor.u32 $0x80, s1;
	[tilespmem:s4+$0xFFFFFF00] =	vst v9;
	v9 =	vmul.f32 $3.333333430e-01, v7;
	v7 =	vmul.f32 v16, v8  }
0x11a: {  	s18 =	simm.s32 $0x4E80;
	s17 =	simm.s32 $0x200;
	[tilespmem:s6+$0x4380] =	vst v10  }
0x11b: {  	s21 =	simm.s32 $0x4480;
	s2 =	simm.s32 $0x90;
	s1 =	simm.s32 $0x4E80;
	[tilespmem:s4+$0x0] =	vst v9;
	v8 =	vmul.f32 v7, v62  }
.LBB2_5:
0x11c: {  	_ = 	snop  }
0x11d: {  	s15 =	sadd.s32 $0x40, s15;
	s21 =	sadd.s32 $0x10, s21;
	s18 =	sadd.s32 $0x10, s18;
	v8 =	vmul.f32 v8, v7  }
0x11e: {  	v9 =	vmov s2;
	p1 =	sne.s32 s2, $0xF0;
	s4 =	smov.u32 s2;
	s2 =	sadd.s32 $0x10, s2  }
0x11f: {  	v9 =	vshll.u32 v9, $0x3;
	v8 =	vsub.f32 $1.500000000e+00, v8  }
0x120: {  	v10 =	vor.u32 v0, v9;
	v11 =	vadd.s32 v2, v9  }
0x121: {  	v12 =	vor.u32 $0x1, v10;
	v13 =	vor.u32 $0x2, v10;
	v7 =	vmul.f32 v8, v7  }
0x122: {  	v14 =	vor.u32 $0x2, v11;
	v8 =	vor.u32 $0x1, v11  }
0x123: {  	v9 =	vor.u32 v1, v9;
	v5 =	vmul.f32 v7, v5;
	v3 =	vmul.f32 v7, v3  }
0x124: {  	s14 =	sadd.s32 s14, s1;
	s1 =	smov.u32 s18;
	v15 =	vor.u32 $0x1, v9;
	v4 =	vmul.f32 v7, v4;
	v6 =	vmul.f32 v7, v6  }
0x125: {  	v7 =	vor.u32 $0x2, v9;
	[tilespmem:s14+$0xFFFFFF00] =	vst v5  }
0x126: {  	[tilespmem:s6+$0x4D80] =	vst v3;
	v3 =	vmul.f32 $5.000000000e-01, v6  }
0x127: {  	s6 =	sshra.s32 s17, $0x2;
	s17 =	smov.u32 s15;
	[tilespmem:s14+$0x0] =	vst v4  }
0x128: {  	[tilespmem:s6+$0x5780] =	vst v3  }
0x129: {  	v3 =	vld.idx.msk [tilespmem:v9+s20+$0x0], $0xffff  }
0x12a: {  	v4 =	vld.idx.msk [tilespmem:v11+s20+$0x0], $0xffff  }
0x12b: {  	v5 =	vld.idx.msk [tilespmem:v12+s20+$0x0], $0xffff  }
0x12c: {  	v6 =	vld.idx.msk [tilespmem:v7+s20+$0x0], $0xffff  }
0x12d: {  	v7 =	vld.idx.msk [tilespmem:v10+s20+$0x0], $0xffff  }
0x12e: {  	v9 =	vld.idx.msk [tilespmem:v13+s20+$0x0], $0xffff  }
0x12f: {  	v10 =	vld.idx.msk [tilespmem:v14+s20+$0x0], $0xffff  }
0x130: {  	v8 =	vld.idx.msk [tilespmem:v8+s20+$0x0], $0xffff  }
0x131: {  	v11 =	vld.idx.msk [tilespmem:v15+s20+$0x0], $0xffff  }
0x132: {  	v12 =	vsub.f32 v3, v4  }
0x133: {  	v13 =	vadd.f32 v4, v7;
	v4 =	vsub.f32 v4, v7;
	_ =	sdelay $0x1  }
0x134: {  	v3 =	vadd.f32 v3, v13;
	v7 =	vadd.f32 v10, v9  }
0x135: {  	v9 =	vsub.f32 v10, v9;
	v10 =	vsub.f32 v6, v10  }
0x136: {  	s14 =	sand.u32 $0x3FFFFE00, s15;
	v13 =	vsub.f32 v8, v5;
	v3 =	vmul.f32 $3.333333430e-01, v3;
	v14 =	vsub.f32 v11, v8  }
0x137: {  	s8 =	sadd.s32 s14, s21;
	v5 =	vadd.f32 v8, v5;
	v8 =	vmul.f32 v12, v9;
	v15 =	vmul.f32 v10, v4  }
0x138: {  	v6 =	vadd.f32 v6, v7;
	v7 =	vmul.f32 v10, v13;
	v9 =	vmul.f32 v14, v9;
	[tilespmem:s8+$0xFFFFFF00] =	vst v3  }
0x139: {  	v4 =	vmul.f32 v14, v4;
	v3 =	vsub.f32 v8, v15;
	v8 =	vmul.f32 v12, v13  }
0x13a: {  	v10 =	vadd.f32 v11, v5;
	v5 =	vsub.f32 v7, v9  }
0x13b: {  	s6 =	sand.u32 $0x200, s15;
	v4 =	vsub.f32 v4, v8;
	v7 =	vmul.f32 v3, v3  }
0x13c: {  	s4 =	sor.u32 s6, s4;
	v8 =	vmul.f32 $3.333333430e-01, v10;
	v9 =	vmul.f32 v5, v5  }
0x13d: {  	s6 =	sor.u32 $0x80, s4;
	v6 =	vmul.f32 $3.333333430e-01, v6  }
0x13e: {  	v7 =	vadd.f32 v7, v9;
	[tilespmem:s6+$0x4380] =	vst v8;
	v8 =	vmul.f32 v4, v4  }
0x13f: {  	[tilespmem:s8+$0x0] =	vst v6  }
0x140: {  	v6 =	vadd.f32 v7, v8;
	_ =	sdelay $0x1  }
0x141: {  	v7 =	vshra.s32 v6, $0x1;
	v8 =	vmul.f32 $5.000000000e-01, v6  }
0x142: {  	v7 =	vsub.s32 $0x5F3759DF, v7  }
0x143: {  	v9 =	vmul.f32 v7, v8;
	_ =	sdelay $0x1  }
0x144: {  	v9 =	vmul.f32 v7, v9;
	_ =	sdelay $0x1  }
.Ltmp5:
0x145: {  	v9 =	vsub.f32 $1.500000000e+00, v9;
	(pc) =	sbr.rel @p1 .LBB2_5-.Ltmp5, $3  }
0x146: {  	_ = 	snop  }
0x147: {  	v7 =	vmul.f32 v7, v9;
	_ =	sdelay $0x1  }
0x148: {  	v8 =	vmul.f32 v7, v8  }
0x149: {  	_ = 	snop  }
0x14a: {  	v8 =	vmul.f32 v8, v7;
	_ =	sdelay $0x1  }
0x14b: {  	v8 =	vsub.f32 $1.500000000e+00, v8;
	_ =	sdelay $0x1  }
0x14c: {  	v7 =	vmul.f32 v8, v7;
	_ =	sdelay $0x1  }
0x14d: {  	v5 =	vmul.f32 v7, v5  }
0x14e: {  	s1 =	sadd.s32 s14, s1;
	v3 =	vmul.f32 v7, v3;
	v6 =	vmul.f32 v7, v6  }
0x14f: {  	v4 =	vmul.f32 v7, v4;
	[tilespmem:s1+$0xFFFFFF00] =	vst v5  }
0x150: {  	[tilespmem:s6+$0x4D80] =	vst v3;
	v3 =	vmul.f32 $5.000000000e-01, v6  }
0x151: {  	s21 =	sshra.s32 s17, $0x2;
	[tilespmem:s1+$0x0] =	vst v4  }
0x152: {  	[tilespmem:s21+$0x5780] =	vst v3  }
0x153: {  	s17 =	simm.s32 $0x100;
	_ =	swait.ge [sflag:s3], $0x400  }
0x154: {  	v3 =	vmov s17;
	[sflag:s3] =	ssyncset.done $0x0  }
0x155: {  	v3 =	vshll.u32 v3, $0x3;
	[sflag:s3] =	ssyncadd.s32 $0xFFFFFC00  }
0x156: {  	v8 =	vadd.s32 v1, v3;
	_ =	swait.ge [sflag:s3], $0x400  }
0x157: {  	v4 =	vadd.s32 v2, v3;
	v5 =	vor.u32 $0x1, v8;
	[sflag:s3] =	ssyncset.done $0x0  }
0x158: {  	v6 =	vor.u32 $0x1, v4;
	[sflag:s3] =	ssyncadd.s32 $0xFFFFFC00  }
0x159: {  	v7 =	vor.u32 v0, v3;
	_ =	swait.ge [sflag:s3], $0x400  }
0x15a: {  	v9 =	vor.u32 $0x2, v7;
	[sflag:s3] =	ssyncset.done $0x0  }
0x15b: {  	[sflag:s3] =	ssyncadd.s32 $0xFFFFFC00  }
0x15c: {  	v12 =	vor.u32 $0x2, v4;
	v3 =	vld.idx.msk [tilespmem:v5+s20+$0x0], $0xffff  }
0x15d: {  	v13 =	vor.u32 $0x2, v8;
	v5 =	vld.idx.msk [tilespmem:v6+s20+$0x0], $0xffff  }
0x15e: {  	v14 =	vor.u32 $0x1, v7;
	v10 =	vld.idx.msk [tilespmem:v4+s20+$0x0], $0xffff  }
0x15f: {  	v6 =	vld.idx.msk [tilespmem:v9+s20+$0x0], $0xffff  }
0x160: {  	v11 =	vld.idx.msk [tilespmem:v7+s20+$0x0], $0xffff  }
0x161: {  	v7 =	vld.idx.msk [tilespmem:v12+s20+$0x0], $0xffff  }
0x162: {  	v4 =	vld.idx.msk [tilespmem:v13+s20+$0x0], $0xffff  }
0x163: {  	v9 =	vld.idx.msk [tilespmem:v14+s20+$0x0], $0xffff  }
0x164: {  	s15 =	simm.s32 $0x400;
	s1 =	simm.s32 $0x440;
	v8 =	vld.idx.msk [tilespmem:v8+s20+$0x0], $0xffff  }
.LBB2_7:
0x165: {  	p1 =	sne.s32 s1, $0x5C0  }
0x166: {  	s17 =	sadd.s32 $0x10, s17;
	s2 =	smov.u32 s1;
	s1 =	sadd.s32 $0x40, s1  }
0x167: {  	v12 =	vadd.f32 v10, v11;
	v11 =	vsub.f32 v10, v11  }
0x168: {  	v13 =	vsub.f32 v7, v6;
	v14 =	vsub.f32 v4, v7  }
0x169: {  	v17 =	vsub.f32 v3, v5;
	v15 =	vmov s17;
	v16 =	vsub.f32 v5, v9  }
0x16a: {  	v15 =	vshll.u32 v15, $0x3;
	v10 =	vsub.f32 v8, v10;
	v18 =	vmul.f32 v14, v11  }
0x16b: {  	v19 =	vor.u32 v0, v15;
	v20 =	vadd.s32 v2, v15;
	v21 =	vmul.f32 v17, v13  }
0x16c: {  	v22 =	vor.u32 $0x1, v19;
	v23 =	vor.u32 $0x2, v19;
	v13 =	vmul.f32 v10, v13  }
0x16d: {  	v24 =	vor.u32 $0x1, v20;
	v25 =	vor.u32 $0x2, v20;
	v14 =	vmul.f32 v14, v16  }
0x16e: {  	v15 =	vadd.s32 v1, v15;
	v10 =	vmul.f32 v10, v16;
	v13 =	vsub.f32 v13, v18  }
0x16f: {  	v5 =	vadd.f32 v5, v9;
	v11 =	vmul.f32 v17, v11;
	v9 =	vsub.f32 v14, v21  }
0x170: {  	v6 =	vadd.f32 v7, v6;
	v8 =	vadd.f32 v8, v12;
	v7 =	vmul.f32 v13, v13  }
0x171: {  	v3 =	vadd.f32 v3, v5;
	v5 =	vsub.f32 v11, v10;
	v10 =	vmul.f32 v9, v9  }
0x172: {  	s4 =	sand.u32 $0x3FFFFE00, s15;
	s6 =	sshra.s32 s15, $0x2;
	s15 =	smov.u32 s2;
	v4 =	vadd.f32 v4, v6;
	v8 =	vmul.f32 $3.333333430e-01, v8  }
0x173: {  	s2 =	sadd.s32 s6, s4;
	v3 =	vmul.f32 $3.333333430e-01, v3;
	v6 =	vadd.f32 v7, v10;
	v7 =	vmul.f32 v5, v5  }
0x174: {  	v4 =	vmul.f32 $3.333333430e-01, v4;
	[tilespmem:s2+$0x4280] =	vst v8  }
0x175: {  	[tilespmem:s2+$0x4300] =	vst v3;
	v3 =	vadd.f32 v6, v7  }
0x176: {  	[tilespmem:s2+$0x4380] =	vst v4  }
0x177: {  	v4 =	vshra.s32 v3, $0x1;
	v6 =	vmul.f32 $5.000000000e-01, v3  }
0x178: {  	v4 =	vsub.s32 $0x5F3759DF, v4  }
0x179: {  	v7 =	vmul.f32 v4, v6;
	_ =	sdelay $0x1  }
0x17a: {  	v7 =	vmul.f32 v4, v7;
	_ =	sdelay $0x1  }
0x17b: {  	v7 =	vsub.f32 $1.500000000e+00, v7;
	_ =	sdelay $0x1  }
0x17c: {  	v4 =	vmul.f32 v4, v7;
	_ =	sdelay $0x1  }
0x17d: {  	v6 =	vmul.f32 v4, v6;
	_ =	sdelay $0x1  }
0x17e: {  	v6 =	vmul.f32 v6, v4;
	_ =	sdelay $0x1  }
0x17f: {  	v6 =	vsub.f32 $1.500000000e+00, v6;
	_ =	sdelay $0x1  }
0x180: {  	v4 =	vmul.f32 v6, v4;
	_ =	sdelay $0x1  }
0x181: {  	v5 =	vmul.f32 v4, v5;
	v3 =	vmul.f32 v4, v3  }
0x182: {  	v6 =	vor.u32 $0x1, v15;
	v7 =	vmul.f32 v4, v9;
	v4 =	vmul.f32 v4, v13  }
0x183: {  	[tilespmem:s2+$0x4D80] =	vst v5;
	v3 =	vmul.f32 $5.000000000e-01, v3  }
0x184: {  	[tilespmem:s2+$0x4C80] =	vst v7  }
0x185: {  	[tilespmem:s2+$0x4D00] =	vst v4  }
0x186: {  	[tilespmem:s6+$0x5780] =	vst v3  }
0x187: {  	v3 =	vld.idx.msk [tilespmem:v6+s20+$0x0], $0xffff  }
0x188: {  	v4 =	vor.u32 $0x2, v15;
	v5 =	vld.idx.msk [tilespmem:v24+s20+$0x0], $0xffff  }
0x189: {  	v10 =	vld.idx.msk [tilespmem:v20+s20+$0x0], $0xffff  }
0x18a: {  	v6 =	vld.idx.msk [tilespmem:v23+s20+$0x0], $0xffff  }
.Ltmp6:
0x18b: {  	v11 =	vld.idx.msk [tilespmem:v19+s20+$0x0], $0xffff;
	(pc) =	sbr.rel @p1 .LBB2_7-.Ltmp6, $4  }
0x18c: {  	v7 =	vld.idx.msk [tilespmem:v25+s20+$0x0], $0xffff  }
0x18d: {  	v4 =	vld.idx.msk [tilespmem:v4+s20+$0x0], $0xffff  }
0x18e: {  	v9 =	vld.idx.msk [tilespmem:v22+s20+$0x0], $0xffff  }
0x18f: {  	v8 =	vld.idx.msk [tilespmem:v15+s20+$0x0], $0xffff  }
0x190: {  	_ =	sdelay $0x1  }
0x191: {  	v12 =	vsub.f32 v10, v11;
	v17 =	vsub.f32 v3, v5  }
0x192: {  	v14 =	vsub.f32 v4, v7;
	v16 =	vsub.f32 v5, v9  }
0x193: {  	v13 =	vsub.f32 v7, v6;
	v15 =	vsub.f32 v8, v10  }
0x194: {  	v18 =	vmul.f32 v14, v12;
	v14 =	vmul.f32 v14, v16  }
0x195: {  	v19 =	vmul.f32 v15, v13;
	v13 =	vmul.f32 v17, v13  }
0x196: {  	v12 =	vmul.f32 v17, v12  }
0x197: {  	v15 =	vmul.f32 v15, v16;
	v18 =	vsub.f32 v19, v18;
	v13 =	vsub.f32 v14, v13;
	_ =	sdelay $0x1  }
0x198: {  	v12 =	vsub.f32 v12, v15;
	v56 =	vmul.f32 v18, v18;
	v57 =	vmul.f32 v13, v13;
	_ =	sdelay $0x1  }
0x199: {  	v58 =	vmul.f32 v12, v12;
	v14 =	vadd.f32 v56, v57;
	_ =	sdelay $0x1  }
0x19a: {  	v14 =	vadd.f32 v14, v58;
	_ =	sdelay $0x1  }
0x19b: {  	v15 =	vshra.s32 v14, $0x1;
	v59 =	vmul.f32 $5.000000000e-01, v14  }
0x19c: {  	v15 =	vsub.s32 $0x5F3759DF, v15  }
0x19d: {  	v60 =	vmul.f32 v15, v59;
	_ =	sdelay $0x1  }
0x19e: {  	v17 =	vmul.f32 v15, v60;
	_ =	sdelay $0x1  }
0x19f: {  	v17 =	vsub.f32 $1.500000000e+00, v17;
	_ =	sdelay $0x1  }
0x1a0: {  	v15 =	vmul.f32 v15, v17;
	_ =	sdelay $0x1  }
0x1a1: {  	v16 =	vmul.f32 v15, v59  }
0x1a2: {  	v6 =	vadd.f32 v7, v6  }
0x1a3: {  	v5 =	vadd.f32 v5, v9;
	v9 =	vmul.f32 v16, v15  }
0x1a4: {  	v4 =	vadd.f32 v4, v6;
	v10 =	vadd.f32 v10, v11  }
0x1a5: {  	v3 =	vadd.f32 v3, v5;
	v5 =	vsub.f32 $1.500000000e+00, v9  }
0x1a6: {  	s1 =	sand.u32 $0x3FFFFE00, s15;
	s2 =	sshra.s32 s15, $0x2;
	v4 =	vmul.f32 $3.333333430e-01, v4;
	v8 =	vadd.f32 v8, v10  }
0x1a7: {  	s1 =	sadd.s32 s2, s1;
	v3 =	vmul.f32 $3.333333430e-01, v3;
	v5 =	vmul.f32 v5, v15  }
0x1a8: {  	[tilespmem:s1+$0x4380] =	vst v4;
	v7 =	vmul.f32 $3.333333430e-01, v8  }
0x1a9: {  	[tilespmem:s1+$0x4300] =	vst v3;
	v3 =	vmul.f32 v5, v12  }
0x1aa: {  	[tilespmem:s1+$0x4280] =	vst v7;
	v4 =	vmul.f32 v5, v14;
	v6 =	vmul.f32 v5, v13  }
0x1ab: {  	v5 =	vmul.f32 v5, v18;
	[tilespmem:s1+$0x4D80] =	vst v3  }
0x1ac: {  	v3 =	vmul.f32 $5.000000000e-01, v4;
	[tilespmem:s1+$0x4C80] =	vst v6  }
0x1ad: {  	[tilespmem:s1+$0x4D00] =	vst v5  }
0x1ae: {  	[tilespmem:s2+$0x5780] =	vst v3  }
0x1af: {  	s17 =	simm.s32 $0x180;
	_ =	swait.ge [sflag:s11], $0x400  }
0x1b0: {  	v3 =	vmov s17;
	[sflag:s11] =	ssyncset.done $0x0  }
0x1b1: {  	v3 =	vshll.u32 v3, $0x3;
	[sflag:s11] =	ssyncadd.s32 $0xFFFFFC00  }
0x1b2: {  	v8 =	vadd.s32 v1, v3;
	_ =	swait.ge [sflag:s11], $0x400  }
0x1b3: {  	v4 =	vadd.s32 v2, v3;
	v5 =	vor.u32 $0x1, v8;
	[sflag:s11] =	ssyncset.done $0x0  }
0x1b4: {  	v6 =	vor.u32 $0x1, v4;
	[sflag:s11] =	ssyncadd.s32 $0xFFFFFC00  }
0x1b5: {  	v7 =	vor.u32 v0, v3;
	_ =	swait.ge [sflag:s11], $0x400  }
0x1b6: {  	v9 =	vor.u32 $0x2, v7;
	[sflag:s11] =	ssyncset.done $0x0  }
0x1b7: {  	[sflag:s11] =	ssyncadd.s32 $0xFFFFFC00  }
0x1b8: {  	v61 =	vor.u32 $0x2, v4;
	v3 =	vld.idx.msk [tilespmem:v5+s20+$0x0], $0xffff  }
0x1b9: {  	v62 =	vor.u32 $0x2, v8;
	v5 =	vld.idx.msk [tilespmem:v6+s20+$0x0], $0xffff  }
0x1ba: {  	v63 =	vor.u32 $0x1, v7;
	v10 =	vld.idx.msk [tilespmem:v4+s20+$0x0], $0xffff  }
0x1bb: {  	v6 =	vld.idx.msk [tilespmem:v9+s20+$0x0], $0xffff  }
0x1bc: {  	v11 =	vld.idx.msk [tilespmem:v7+s20+$0x0], $0xffff  }
0x1bd: {  	v7 =	vld.idx.msk [tilespmem:v61+s20+$0x0], $0xffff  }
0x1be: {  	v4 =	vld.idx.msk [tilespmem:v62+s20+$0x0], $0xffff  }
0x1bf: {  	v9 =	vld.idx.msk [tilespmem:v63+s20+$0x0], $0xffff  }
0x1c0: {  	s15 =	simm.s32 $0x600;
	s1 =	simm.s32 $0x640;
	v8 =	vld.idx.msk [tilespmem:v8+s20+$0x0], $0xffff  }
.LBB2_9:
0x1c1: {  	p1 =	sne.s32 s1, $0x7C0  }
0x1c2: {  	s17 =	sadd.s32 $0x10, s17;
	s2 =	smov.u32 s1;
	s1 =	sadd.s32 $0x40, s1  }
0x1c3: {  	v12 =	vadd.f32 v10, v11;
	v11 =	vsub.f32 v10, v11  }
0x1c4: {  	v13 =	vsub.f32 v7, v6;
	v14 =	vsub.f32 v4, v7  }
0x1c5: {  	v17 =	vsub.f32 v3, v5;
	v15 =	vmov s17;
	v16 =	vsub.f32 v5, v9  }
0x1c6: {  	v15 =	vshll.u32 v15, $0x3;
	v10 =	vsub.f32 v8, v10;
	v18 =	vmul.f32 v14, v11  }
0x1c7: {  	v19 =	vor.u32 v0, v15;
	v20 =	vadd.s32 v2, v15;
	v21 =	vmul.f32 v17, v13  }
0x1c8: {  	v22 =	vor.u32 $0x1, v19;
	v23 =	vor.u32 $0x2, v19;
	v13 =	vmul.f32 v10, v13  }
0x1c9: {  	v24 =	vor.u32 $0x1, v20;
	v25 =	vor.u32 $0x2, v20;
	v14 =	vmul.f32 v14, v16  }
0x1ca: {  	v15 =	vadd.s32 v1, v15;
	v10 =	vmul.f32 v10, v16;
	v13 =	vsub.f32 v13, v18  }
0x1cb: {  	v5 =	vadd.f32 v5, v9;
	v11 =	vmul.f32 v17, v11;
	v9 =	vsub.f32 v14, v21  }
0x1cc: {  	v6 =	vadd.f32 v7, v6;
	v8 =	vadd.f32 v8, v12;
	v7 =	vmul.f32 v13, v13  }
0x1cd: {  	v3 =	vadd.f32 v3, v5;
	v5 =	vsub.f32 v11, v10;
	v10 =	vmul.f32 v9, v9  }
0x1ce: {  	s4 =	sand.u32 $0x3FFFFE00, s15;
	s6 =	sshra.s32 s15, $0x2;
	s15 =	smov.u32 s2;
	v4 =	vadd.f32 v4, v6;
	v8 =	vmul.f32 $3.333333430e-01, v8  }
0x1cf: {  	s2 =	sadd.s32 s6, s4;
	v3 =	vmul.f32 $3.333333430e-01, v3;
	v6 =	vadd.f32 v7, v10;
	v7 =	vmul.f32 v5, v5  }
0x1d0: {  	v4 =	vmul.f32 $3.333333430e-01, v4;
	[tilespmem:s2+$0x4200] =	vst v8  }
0x1d1: {  	[tilespmem:s2+$0x4280] =	vst v3;
	v3 =	vadd.f32 v6, v7  }
0x1d2: {  	[tilespmem:s2+$0x4300] =	vst v4  }
0x1d3: {  	v4 =	vshra.s32 v3, $0x1;
	v6 =	vmul.f32 $5.000000000e-01, v3  }
0x1d4: {  	v4 =	vsub.s32 $0x5F3759DF, v4  }
0x1d5: {  	v7 =	vmul.f32 v4, v6;
	_ =	sdelay $0x1  }
0x1d6: {  	v7 =	vmul.f32 v4, v7;
	_ =	sdelay $0x1  }
0x1d7: {  	v7 =	vsub.f32 $1.500000000e+00, v7;
	_ =	sdelay $0x1  }
0x1d8: {  	v4 =	vmul.f32 v4, v7;
	_ =	sdelay $0x1  }
0x1d9: {  	v6 =	vmul.f32 v4, v6;
	_ =	sdelay $0x1  }
0x1da: {  	v6 =	vmul.f32 v6, v4;
	_ =	sdelay $0x1  }
0x1db: {  	v6 =	vsub.f32 $1.500000000e+00, v6;
	_ =	sdelay $0x1  }
0x1dc: {  	v4 =	vmul.f32 v6, v4;
	_ =	sdelay $0x1  }
0x1dd: {  	v5 =	vmul.f32 v4, v5;
	v3 =	vmul.f32 v4, v3  }
0x1de: {  	v6 =	vor.u32 $0x1, v15;
	v7 =	vmul.f32 v4, v9;
	v4 =	vmul.f32 v4, v13  }
0x1df: {  	[tilespmem:s2+$0x4D00] =	vst v5;
	v3 =	vmul.f32 $5.000000000e-01, v3  }
0x1e0: {  	[tilespmem:s2+$0x4C00] =	vst v7  }
0x1e1: {  	[tilespmem:s2+$0x4C80] =	vst v4  }
0x1e2: {  	[tilespmem:s6+$0x5780] =	vst v3  }
0x1e3: {  	v3 =	vld.idx.msk [tilespmem:v6+s20+$0x0], $0xffff  }
0x1e4: {  	v4 =	vor.u32 $0x2, v15;
	v5 =	vld.idx.msk [tilespmem:v24+s20+$0x0], $0xffff  }
0x1e5: {  	v10 =	vld.idx.msk [tilespmem:v20+s20+$0x0], $0xffff  }
0x1e6: {  	v6 =	vld.idx.msk [tilespmem:v23+s20+$0x0], $0xffff  }
.Ltmp7:
0x1e7: {  	v11 =	vld.idx.msk [tilespmem:v19+s20+$0x0], $0xffff;
	(pc) =	sbr.rel @p1 .LBB2_9-.Ltmp7, $4  }
0x1e8: {  	v7 =	vld.idx.msk [tilespmem:v25+s20+$0x0], $0xffff  }
0x1e9: {  	v4 =	vld.idx.msk [tilespmem:v4+s20+$0x0], $0xffff  }
0x1ea: {  	v9 =	vld.idx.msk [tilespmem:v22+s20+$0x0], $0xffff  }
0x1eb: {  	v8 =	vld.idx.msk [tilespmem:v15+s20+$0x0], $0xffff  }
0x1ec: {  	_ =	sdelay $0x1  }
0x1ed: {  	v12 =	vsub.f32 v10, v11;
	v17 =	vsub.f32 v3, v5  }
0x1ee: {  	v14 =	vsub.f32 v4, v7;
	v16 =	vsub.f32 v5, v9  }
0x1ef: {  	v13 =	vsub.f32 v7, v6;
	v15 =	vsub.f32 v8, v10  }
0x1f0: {  	v18 =	vmul.f32 v14, v12;
	v14 =	vmul.f32 v14, v16  }
0x1f1: {  	v19 =	vmul.f32 v15, v13;
	v13 =	vmul.f32 v17, v13  }
0x1f2: {  	v12 =	vmul.f32 v17, v12  }
0x1f3: {  	v15 =	vmul.f32 v15, v16;
	v18 =	vsub.f32 v19, v18;
	v13 =	vsub.f32 v14, v13;
	_ =	sdelay $0x1  }
0x1f4: {  	v12 =	vsub.f32 v12, v15;
	v56 =	vmul.f32 v18, v18;
	v57 =	vmul.f32 v13, v13;
	_ =	sdelay $0x1  }
0x1f5: {  	v58 =	vmul.f32 v12, v12;
	v14 =	vadd.f32 v56, v57;
	_ =	sdelay $0x1  }
0x1f6: {  	v14 =	vadd.f32 v14, v58;
	_ =	sdelay $0x1  }
0x1f7: {  	v15 =	vshra.s32 v14, $0x1;
	v59 =	vmul.f32 $5.000000000e-01, v14  }
0x1f8: {  	v15 =	vsub.s32 $0x5F3759DF, v15  }
0x1f9: {  	v60 =	vmul.f32 v15, v59;
	_ =	sdelay $0x1  }
0x1fa: {  	v17 =	vmul.f32 v15, v60;
	_ =	sdelay $0x1  }
0x1fb: {  	v17 =	vsub.f32 $1.500000000e+00, v17;
	_ =	sdelay $0x1  }
0x1fc: {  	v15 =	vmul.f32 v15, v17;
	_ =	sdelay $0x1  }
0x1fd: {  	v16 =	vmul.f32 v15, v59  }
0x1fe: {  	v6 =	vadd.f32 v7, v6  }
0x1ff: {  	v5 =	vadd.f32 v5, v9;
	v9 =	vmul.f32 v16, v15  }
0x200: {  	v4 =	vadd.f32 v4, v6;
	v10 =	vadd.f32 v10, v11  }
0x201: {  	v3 =	vadd.f32 v3, v5;
	v5 =	vsub.f32 $1.500000000e+00, v9  }
0x202: {  	s1 =	sand.u32 $0x3FFFFE00, s15;
	s2 =	sshra.s32 s15, $0x2;
	v4 =	vmul.f32 $3.333333430e-01, v4;
	v8 =	vadd.f32 v8, v10  }
0x203: {  	s1 =	sadd.s32 s2, s1;
	v3 =	vmul.f32 $3.333333430e-01, v3;
	v5 =	vmul.f32 v5, v15  }
0x204: {  	[tilespmem:s1+$0x4300] =	vst v4;
	v7 =	vmul.f32 $3.333333430e-01, v8  }
0x205: {  	[tilespmem:s1+$0x4280] =	vst v3;
	v3 =	vmul.f32 v5, v12  }
0x206: {  	[tilespmem:s1+$0x4200] =	vst v7;
	v4 =	vmul.f32 v5, v14;
	v6 =	vmul.f32 v5, v13  }
0x207: {  	v5 =	vmul.f32 v5, v18;
	[tilespmem:s1+$0x4D00] =	vst v3  }
0x208: {  	v3 =	vmul.f32 $5.000000000e-01, v4;
	[tilespmem:s1+$0x4C00] =	vst v6  }
0x209: {  	[tilespmem:s1+$0x4C80] =	vst v5  }
0x20a: {  	[tilespmem:s2+$0x5780] =	vst v3  }
0x20b: {  	s17 =	simm.s32 $0x200;
	_ =	swait.ge [sflag:s12], $0x400  }
0x20c: {  	v3 =	vmov s17;
	[sflag:s12] =	ssyncset.done $0x0  }
0x20d: {  	v3 =	vshll.u32 v3, $0x3;
	[sflag:s12] =	ssyncadd.s32 $0xFFFFFC00  }
0x20e: {  	v8 =	vadd.s32 v1, v3;
	_ =	swait.ge [sflag:s12], $0x400  }
0x20f: {  	v4 =	vadd.s32 v2, v3;
	v5 =	vor.u32 $0x1, v8;
	[sflag:s12] =	ssyncset.done $0x0  }
0x210: {  	v6 =	vor.u32 $0x1, v4;
	[sflag:s12] =	ssyncadd.s32 $0xFFFFFC00  }
0x211: {  	v7 =	vor.u32 v0, v3;
	_ =	swait.ge [sflag:s12], $0x400  }
0x212: {  	v9 =	vor.u32 $0x2, v7;
	[sflag:s12] =	ssyncset.done $0x0  }
0x213: {  	[sflag:s12] =	ssyncadd.s32 $0xFFFFFC00  }
0x214: {  	v61 =	vor.u32 $0x2, v4;
	v3 =	vld.idx.msk [tilespmem:v5+s20+$0x0], $0xffff  }
0x215: {  	v62 =	vor.u32 $0x2, v8;
	v5 =	vld.idx.msk [tilespmem:v6+s20+$0x0], $0xffff  }
0x216: {  	v63 =	vor.u32 $0x1, v7;
	v10 =	vld.idx.msk [tilespmem:v4+s20+$0x0], $0xffff  }
0x217: {  	v6 =	vld.idx.msk [tilespmem:v9+s20+$0x0], $0xffff  }
0x218: {  	v11 =	vld.idx.msk [tilespmem:v7+s20+$0x0], $0xffff  }
0x219: {  	v7 =	vld.idx.msk [tilespmem:v61+s20+$0x0], $0xffff  }
0x21a: {  	v4 =	vld.idx.msk [tilespmem:v62+s20+$0x0], $0xffff  }
0x21b: {  	v9 =	vld.idx.msk [tilespmem:v63+s20+$0x0], $0xffff  }
0x21c: {  	s15 =	simm.s32 $0x800;
	s1 =	simm.s32 $0x840;
	v8 =	vld.idx.msk [tilespmem:v8+s20+$0x0], $0xffff  }
.LBB2_11:
0x21d: {  	p1 =	sne.s32 s1, $0x9C0  }
0x21e: {  	s17 =	sadd.s32 $0x10, s17;
	s2 =	smov.u32 s1;
	s1 =	sadd.s32 $0x40, s1  }
0x21f: {  	v12 =	vadd.f32 v10, v11;
	v11 =	vsub.f32 v10, v11  }
0x220: {  	v13 =	vsub.f32 v7, v6;
	v14 =	vsub.f32 v4, v7  }
0x221: {  	v17 =	vsub.f32 v3, v5;
	v15 =	vmov s17;
	v16 =	vsub.f32 v5, v9  }
0x222: {  	v15 =	vshll.u32 v15, $0x3;
	v10 =	vsub.f32 v8, v10;
	v18 =	vmul.f32 v14, v11  }
0x223: {  	v19 =	vor.u32 v0, v15;
	v20 =	vadd.s32 v2, v15;
	v21 =	vmul.f32 v17, v13  }
0x224: {  	v22 =	vor.u32 $0x1, v19;
	v23 =	vor.u32 $0x2, v19;
	v13 =	vmul.f32 v10, v13  }
0x225: {  	v24 =	vor.u32 $0x1, v20;
	v25 =	vor.u32 $0x2, v20;
	v14 =	vmul.f32 v14, v16  }
0x226: {  	v15 =	vadd.s32 v1, v15;
	v10 =	vmul.f32 v10, v16;
	v13 =	vsub.f32 v13, v18  }
0x227: {  	v5 =	vadd.f32 v5, v9;
	v11 =	vmul.f32 v17, v11;
	v9 =	vsub.f32 v14, v21  }
0x228: {  	v6 =	vadd.f32 v7, v6;
	v8 =	vadd.f32 v8, v12;
	v7 =	vmul.f32 v13, v13  }
0x229: {  	v3 =	vadd.f32 v3, v5;
	v5 =	vsub.f32 v11, v10;
	v10 =	vmul.f32 v9, v9  }
0x22a: {  	s4 =	sand.u32 $0x3FFFFE00, s15;
	s6 =	sshra.s32 s15, $0x2;
	s15 =	smov.u32 s2;
	v4 =	vadd.f32 v4, v6;
	v8 =	vmul.f32 $3.333333430e-01, v8  }
0x22b: {  	s2 =	sadd.s32 s6, s4;
	v3 =	vmul.f32 $3.333333430e-01, v3;
	v6 =	vadd.f32 v7, v10;
	v7 =	vmul.f32 v5, v5  }
0x22c: {  	v4 =	vmul.f32 $3.333333430e-01, v4;
	[tilespmem:s2+$0x4180] =	vst v8  }
0x22d: {  	[tilespmem:s2+$0x4200] =	vst v3;
	v3 =	vadd.f32 v6, v7  }
0x22e: {  	[tilespmem:s2+$0x4280] =	vst v4  }
0x22f: {  	v4 =	vshra.s32 v3, $0x1;
	v6 =	vmul.f32 $5.000000000e-01, v3  }
0x230: {  	v4 =	vsub.s32 $0x5F3759DF, v4  }
0x231: {  	v7 =	vmul.f32 v4, v6;
	_ =	sdelay $0x1  }
0x232: {  	v7 =	vmul.f32 v4, v7;
	_ =	sdelay $0x1  }
0x233: {  	v7 =	vsub.f32 $1.500000000e+00, v7;
	_ =	sdelay $0x1  }
0x234: {  	v4 =	vmul.f32 v4, v7;
	_ =	sdelay $0x1  }
0x235: {  	v6 =	vmul.f32 v4, v6;
	_ =	sdelay $0x1  }
0x236: {  	v6 =	vmul.f32 v6, v4;
	_ =	sdelay $0x1  }
0x237: {  	v6 =	vsub.f32 $1.500000000e+00, v6;
	_ =	sdelay $0x1  }
0x238: {  	v4 =	vmul.f32 v6, v4;
	_ =	sdelay $0x1  }
0x239: {  	v5 =	vmul.f32 v4, v5;
	v3 =	vmul.f32 v4, v3  }
0x23a: {  	v6 =	vor.u32 $0x1, v15;
	v7 =	vmul.f32 v4, v9;
	v4 =	vmul.f32 v4, v13  }
0x23b: {  	[tilespmem:s2+$0x4C80] =	vst v5;
	v3 =	vmul.f32 $5.000000000e-01, v3  }
0x23c: {  	[tilespmem:s2+$0x4B80] =	vst v7  }
0x23d: {  	[tilespmem:s2+$0x4C00] =	vst v4  }
0x23e: {  	[tilespmem:s6+$0x5780] =	vst v3  }
0x23f: {  	v3 =	vld.idx.msk [tilespmem:v6+s20+$0x0], $0xffff  }
0x240: {  	v4 =	vor.u32 $0x2, v15;
	v5 =	vld.idx.msk [tilespmem:v24+s20+$0x0], $0xffff  }
0x241: {  	v10 =	vld.idx.msk [tilespmem:v20+s20+$0x0], $0xffff  }
0x242: {  	v6 =	vld.idx.msk [tilespmem:v23+s20+$0x0], $0xffff  }
.Ltmp8:
0x243: {  	v11 =	vld.idx.msk [tilespmem:v19+s20+$0x0], $0xffff;
	(pc) =	sbr.rel @p1 .LBB2_11-.Ltmp8, $4  }
0x244: {  	v7 =	vld.idx.msk [tilespmem:v25+s20+$0x0], $0xffff  }
0x245: {  	v4 =	vld.idx.msk [tilespmem:v4+s20+$0x0], $0xffff  }
0x246: {  	v9 =	vld.idx.msk [tilespmem:v22+s20+$0x0], $0xffff  }
0x247: {  	v8 =	vld.idx.msk [tilespmem:v15+s20+$0x0], $0xffff  }
0x248: {  	_ =	sdelay $0x1  }
0x249: {  	v12 =	vsub.f32 v10, v11;
	v17 =	vsub.f32 v3, v5  }
0x24a: {  	v14 =	vsub.f32 v4, v7;
	v16 =	vsub.f32 v5, v9  }
0x24b: {  	v13 =	vsub.f32 v7, v6;
	v15 =	vsub.f32 v8, v10  }
0x24c: {  	v18 =	vmul.f32 v14, v12;
	v14 =	vmul.f32 v14, v16  }
0x24d: {  	v19 =	vmul.f32 v15, v13;
	v13 =	vmul.f32 v17, v13  }
0x24e: {  	v12 =	vmul.f32 v17, v12  }
0x24f: {  	v15 =	vmul.f32 v15, v16;
	v18 =	vsub.f32 v19, v18;
	v13 =	vsub.f32 v14, v13;
	_ =	sdelay $0x1  }
0x250: {  	v12 =	vsub.f32 v12, v15;
	v49 =	vmul.f32 v18, v18;
	v50 =	vmul.f32 v13, v13;
	_ =	sdelay $0x1  }
0x251: {  	v51 =	vmul.f32 v12, v12;
	v14 =	vadd.f32 v49, v50;
	_ =	sdelay $0x1  }
0x252: {  	v14 =	vadd.f32 v14, v51;
	_ =	sdelay $0x1  }
0x253: {  	v15 =	vshra.s32 v14, $0x1;
	v52 =	vmul.f32 $5.000000000e-01, v14  }
0x254: {  	v15 =	vsub.s32 $0x5F3759DF, v15  }
0x255: {  	v53 =	vmul.f32 v15, v52;
	_ =	sdelay $0x1  }
0x256: {  	v17 =	vmul.f32 v15, v53;
	_ =	sdelay $0x1  }
0x257: {  	v17 =	vsub.f32 $1.500000000e+00, v17;
	_ =	sdelay $0x1  }
0x258: {  	v15 =	vmul.f32 v15, v17;
	_ =	sdelay $0x1  }
0x259: {  	v16 =	vmul.f32 v15, v52  }
0x25a: {  	v58 =	vadd.f32 v7, v6  }
0x25b: {  	v55 =	vadd.f32 v5, v9;
	v56 =	vmul.f32 v16, v15  }
0x25c: {  	v54 =	vadd.f32 v10, v11;
	v61 =	vadd.f32 v4, v58  }
0x25d: {  	v3 =	vadd.f32 v3, v55;
	v59 =	vsub.f32 $1.500000000e+00, v56  }
0x25e: {  	s1 =	sand.u32 $0x3FFFFE00, s15;
	s2 =	sshra.s32 s15, $0x2;
	v57 =	vadd.f32 v8, v54;
	v4 =	vmul.f32 $3.333333430e-01, v61  }
0x25f: {  	s1 =	sadd.s32 s2, s1;
	v3 =	vmul.f32 $3.333333430e-01, v3;
	v5 =	vmul.f32 v59, v15  }
0x260: {  	v60 =	vmul.f32 $3.333333430e-01, v57;
	[tilespmem:s1+$0x4280] =	vst v4  }
0x261: {  	[tilespmem:s1+$0x4200] =	vst v3;
	v3 =	vmul.f32 v5, v12  }
0x262: {  	[tilespmem:s1+$0x4180] =	vst v60;
	v62 =	vmul.f32 v5, v14;
	v63 =	vmul.f32 v5, v13  }
0x263: {  	v5 =	vmul.f32 v5, v18;
	[tilespmem:s1+$0x4C80] =	vst v3  }
0x264: {  	s4 =	smul.u32 $0x140, s13;
	v3 =	vmul.f32 $5.000000000e-01, v62;
	[tilespmem:s1+$0x4B80] =	vst v63  }
0x265: {  	s8 =	simm.s32 $0x4380;
	[tilespmem:s1+$0x4C00] =	vst v5  }
0x266: {  	s15 =	smul.u32 $0x50, s13;
	p1 =	sgt.u32 s13, $0xBF4;
	s6 =	sadd.s32 s9, s4;
	[tilespmem:s2+$0x5780] =	vst v3  }
0x267: {  	[hbm4b:s6+s5] =	stream.linear.scatter [tilespmem:s8], [sflag:$0x6], $0xA00, $0x38;
	[tilespmem:$0xB400] =	vst v63  }
.Ltmp9:
0x268: {  	_ = 	snop;
	(pc) =	sbr.rel @p1 .LBB2_14-.Ltmp9, $4  }
0x269: {  	s17 =	simm.s32 $0x4D80;
	s18 =	rddreg [dreg:$0x3];
	s14 =	sadd.s32 s10, s4  }
0x26a: {  	[hbm4b:s14+s5] =	stream.linear.scatter [tilespmem:s17], [sflag:$0x6], $0xA00, $0x38;
	[tilespmem:$0xB400] =	vst v63  }
0x26b: {  	s21 =	simm.s32 $0x5780;
	s1 =	sadd.s32 s18, s15  }
0x26c: {  	[hbm4b:s1+s5] =	stream.linear.scatter [tilespmem:s21], [sflag:$0x6], $0x280, $0x38;
	[tilespmem:$0xB400] =	vst v63  }
0x26d: {  	s1 =	smul.u32 $0x280, s13;
	_ =	sdelay $0x1  }
0x26e: {  	s1 =	sshrl.u32 s1, $0x3  }
0x26f: {  	s2 =	rddreg [dreg:$0x6];
	s1 =	sadd.s32 $0x1400, s1  }
0x270: {  	s2 =	sadd.s32 s2, s1  }
0x271: {  	[tilespmem:s5], [sflag:$0xD] =	stream.linear.gather [hbm4b:s2+s5], $0x280, $0x38;
	[tilespmem:$0xB400] =	vst v63  }
0x272: {  	_ =	swait.ge [sflag:s16], $0x280  }
0x273: {  	[sflag:s16] =	ssyncset.done $0x0  }
0x274: {  	[sflag:s16] =	ssyncadd.s32 $0xFFFFFD80  }
0x275: {  	s6 =	rddreg [dreg:$0x1]  }
0x276: {  	s4 =	simm.s32 $0x280;
	s2 =	sadd.s32 s6, s1  }
0x277: {  	[tilespmem:s4], [sflag:$0xD] =	stream.linear.gather [hbm4b:s2+s5], $0x280, $0x38;
	[tilespmem:$0xB400] =	vst v63  }
0x278: {  	_ =	swait.ge [sflag:s16], $0x280  }
0x279: {  	[sflag:s16] =	ssyncset.done $0x0  }
0x27a: {  	[sflag:s16] =	ssyncadd.s32 $0xFFFFFD80  }
0x27b: {  	s8 =	rddreg [dreg:$0x2]  }
0x27c: {  	s13 =	simm.s32 $0x500;
	s1 =	sadd.s32 s8, s1  }
0x27d: {  	[tilespmem:s13], [sflag:$0xD] =	stream.linear.gather [hbm4b:s1+s5], $0x280, $0x38;
	[tilespmem:$0xB400] =	vst v63  }
0x27e: {  	_ =	swait.ge [sflag:s16], $0x280  }
0x27f: {  	[sflag:s16] =	ssyncset.done $0x0  }
0x280: {  	[sflag:s16] =	ssyncadd.s32 $0xFFFFFD80  }
0x281: {  	[tilespmem:s20], [sflag:$0x1] =	stream.indirect.gather [hbm4b:s7+s19], $0x8, s5, s19, $0xb8;
	[tilespmem:$0xB400] =	vst v63  }
0x282: {  	s14 =	simm.s32 $0x1B80  }
0x283: {  	[tilespmem:s14], [sflag:$0x1] =	stream.indirect.gather [hbm4b:s7+s19], $0x8, s4, s19, $0xb8;
	[tilespmem:$0xB400] =	vst v63  }
0x284: {  	s15 =	simm.s32 $0x2F80  }
0x285: {  	[tilespmem:s15], [sflag:$0x1] =	stream.indirect.gather [hbm4b:s7+s19], $0x8, s13, s19, $0xb8;
	[tilespmem:$0xB400] =	vst v63  }
0x286: {  	s17 =	simm.s32 $0xB80  }
0x287: {  	[tilespmem:s17], [sflag:$0x2] =	stream.indirect.gather [hbm4b:s7+s19], $0x8, s19, s19, $0xb8;
	[tilespmem:$0xB400] =	vst v63  }
0x288: {  	s18 =	simm.s32 $0x300;
	s21 =	simm.s32 $0x1F80  }
0x289: {  	[tilespmem:s21], [sflag:$0x2] =	stream.indirect.gather [hbm4b:s7+s19], $0x8, s18, s19, $0xb8;
	[tilespmem:$0xB400] =	vst v63  }
0x28a: {  	s2 =	simm.s32 $0x580;
	s4 =	simm.s32 $0x3380  }
0x28b: {  	[tilespmem:s4], [sflag:$0x2] =	stream.indirect.gather [hbm4b:s7+s19], $0x8, s2, s19, $0xb8;
	[tilespmem:$0xB400] =	vst v63  }
0x28c: {  	s6 =	simm.s32 $0x100;
	s8 =	simm.s32 $0xF80  }
0x28d: {  	[tilespmem:s8], [sflag:$0x3] =	stream.indirect.gather [hbm4b:s7+s19], $0x8, s6, s19, $0xb8;
	[tilespmem:$0xB400] =	vst v63  }
0x28e: {  	s14 =	simm.s32 $0x2380;
	s13 =	simm.s32 $0x380  }
0x28f: {  	[tilespmem:s14], [sflag:$0x3] =	stream.indirect.gather [hbm4b:s7+s19], $0x8, s13, s19, $0xb8;
	[tilespmem:$0xB400] =	vst v63  }
0x290: {  	s15 =	simm.s32 $0x600;
	s17 =	simm.s32 $0x3780  }
0x291: {  	[tilespmem:s17], [sflag:$0x3] =	stream.indirect.gather [hbm4b:s7+s19], $0x8, s15, s19, $0xb8;
	[tilespmem:$0xB400] =	vst v63  }
0x292: {  	s18 =	simm.s32 $0x180;
	s21 =	simm.s32 $0x1380  }
0x293: {  	[tilespmem:s21], [sflag:$0x4] =	stream.indirect.gather [hbm4b:s7+s19], $0x8, s18, s19, $0xb8;
	[tilespmem:$0xB400] =	vst v63  }
0x294: {  	s2 =	simm.s32 $0x400;
	s4 =	simm.s32 $0x2780  }
0x295: {  	[tilespmem:s4], [sflag:$0x4] =	stream.indirect.gather [hbm4b:s7+s19], $0x8, s2, s19, $0xb8;
	[tilespmem:$0xB400] =	vst v63  }
0x296: {  	s6 =	simm.s32 $0x680;
	s8 =	simm.s32 $0x3B80  }
0x297: {  	[tilespmem:s8], [sflag:$0x4] =	stream.indirect.gather [hbm4b:s7+s19], $0x8, s6, s19, $0xb8;
	[tilespmem:$0xB400] =	vst v63  }
0x298: {  	s13 =	simm.s32 $0x200;
	s14 =	simm.s32 $0x1780  }
0x299: {  	[tilespmem:s14], [sflag:$0x5] =	stream.indirect.gather [hbm4b:s7+s19], $0x8, s13, s19, $0xb8;
	[tilespmem:$0xB400] =	vst v63  }
.Ltmp10:
0x29a: {  	_ = 	snop;
	(pc) =	sbr.rel .LBB2_15-.Ltmp10, $4  }
0x29b: {  	s15 =	simm.s32 $0x480;
	s17 =	simm.s32 $0x2B80  }
0x29c: {  	[tilespmem:s17], [sflag:$0x5] =	stream.indirect.gather [hbm4b:s7+s19], $0x8, s15, s19, $0xb8;
	[tilespmem:$0xB400] =	vst v63  }
0x29d: {  	s18 =	simm.s32 $0x700;
	s21 =	simm.s32 $0x3F80  }
0x29e: {  	[tilespmem:s21], [sflag:$0x5] =	stream.indirect.gather [hbm4b:s7+s19], $0x8, s18, s19, $0xb8;
	[tilespmem:$0xB400] =	vst v63  }
.LBB2_14:
.Ltmp11:
0x29f: {  	(pc) =	sbr.rel @p0 .LBB2_26-.Ltmp11, $1  }
0x2a0: {  	_ =	sdelay $0x3  }
.LBB2_15:
0x2a1: {  	s1 =	rddreg [dreg:$0xa]  }
0x2a2: {  	p0 =	slt.u32 s29, s1  }
0x2a3: {  	s1 =	simm.s32 @!p0 $0xC  }
0x2a4: {  	_ =	swait.ge @!p0 [sflag:s1], $0xA00  }
0x2a5: {  	[sflag:s1] =	ssyncset.done @!p0 $0x0  }
0x2a6: {  	[sflag:s1] =	ssyncadd.s32 @!p0 $0xFFFFF600  }
0x2a7: {  	_ =	swait.ge @!p0 [sflag:s1], $0xA00  }
0x2a8: {  	[sflag:s1] =	ssyncset.done @!p0 $0x0  }
0x2a9: {  	[sflag:s1] =	ssyncadd.s32 @!p0 $0xFFFFF600  }
0x2aa: {  	_ =	swait.ge @!p0 [sflag:s1], $0x280  }
0x2ab: {  	[sflag:s1] =	ssyncset.done @!p0 $0x0  }
0x2ac: {  	[sflag:s1] =	ssyncadd.s32 @!p0 $0xFFFFFD80  }
0x2ad: {  	s21 =	simm.s32 $0x0;
	_ =	swait.ge [sflag:s22], $0x400  }
0x2ae: {  	v3 =	vmov s21;
	[sflag:s22] =	ssyncset.done $0x0  }
0x2af: {  	v3 =	vshll.u32 v3, $0x3;
	[sflag:s22] =	ssyncadd.s32 $0xFFFFFC00  }
0x2b0: {  	v8 =	vor.u32 v0, v3;
	_ =	swait.ge [sflag:s22], $0x400  }
0x2b1: {  	v4 =	vor.u32 v2, v3;
	v5 =	vor.u32 $0x1, v8;
	[sflag:s22] =	ssyncset.done $0x0  }
0x2b2: {  	v6 =	vor.u32 $0x1, v4;
	[sflag:s22] =	ssyncadd.s32 $0xFFFFFC00  }
0x2b3: {  	v13 =	vor.u32 v1, v3;
	v7 =	vor.u32 $0x2, v8;
	_ =	swait.ge [sflag:s22], $0x400  }
0x2b4: {  	v3 =	vor.u32 $0x1, v13;
	[sflag:s22] =	ssyncset.done $0x0  }
0x2b5: {  	v10 =	vor.u32 $0x2, v4;
	[sflag:s22] =	ssyncadd.s32 $0xFFFFFC00  }
0x2b6: {  	v14 =	vor.u32 $0x2, v13;
	v11 =	vld.idx.msk [tilespmem:v5+s23+$0x0], $0xffff  }
0x2b7: {  	v12 =	vld.idx.msk [tilespmem:v6+s23+$0x0], $0xffff  }
0x2b8: {  	v9 =	vld.idx.msk [tilespmem:v7+s23+$0x0], $0xffff  }
0x2b9: {  	v3 =	vld.idx.msk [tilespmem:v3+s23+$0x0], $0xffff  }
0x2ba: {  	v10 =	vld.idx.msk [tilespmem:v10+s23+$0x0], $0xffff  }
0x2bb: {  	v6 =	vld.idx.msk [tilespmem:v14+s23+$0x0], $0xffff  }
0x2bc: {  	s18 =	simm.s32 $0xB180;
	v5 =	vld.idx.msk [tilespmem:v13+s23+$0x0], $0xffff  }
0x2bd: {  	s2 =	simm.s32 $0xA800;
	s14 =	simm.s32 $0x10;
	s17 =	simm.s32 $0x9E80;
	v7 =	vld.idx.msk [tilespmem:v4+s23+$0x0], $0xffff  }
0x2be: {  	s13 =	simm.s32 $0xA800;
	s15 =	simm.s32 $0xB180;
	s1 =	simm.s32 $0x9E80;
	v8 =	vld.idx.msk [tilespmem:v8+s23+$0x0], $0xffff;
	v4 =	vadd.f32 v12, v11  }
.LBB2_16:
0x2bf: {  	s18 =	sadd.s32 $0x10, s18;
	s1 =	sadd.s32 $0x10, s1;
	s2 =	sadd.s32 $0x10, s2  }
0x2c0: {  	p0 =	sne.s32 s14, $0x70;
	v13 =	vsub.f32 v10, v9;
	v14 =	vsub.f32 v3, v12;
	s4 =	smov.u32 s14;
	s14 =	sadd.s32 $0x10, s14  }
0x2c1: {  	v9 =	vadd.f32 v10, v9;
	v11 =	vsub.f32 v12, v11;
	v15 =	vmov s4  }
0x2c2: {  	v10 =	vsub.f32 v6, v10;
	v12 =	vshll.u32 v15, $0x3;
	v15 =	vmul.f32 v14, v13  }
0x2c3: {  	v16 =	vor.u32 v0, v12;
	v17 =	vor.u32 v2, v12;
	v18 =	vsub.f32 v5, v7  }
0x2c4: {  	v19 =	vor.u32 $0x1, v16;
	v20 =	vor.u32 $0x2, v16;
	v21 =	vsub.f32 v7, v8  }
0x2c5: {  	v22 =	vor.u32 $0x1, v17;
	v23 =	vor.u32 $0x2, v17;
	v13 =	vmul.f32 v18, v13  }
0x2c6: {  	v24 =	vor.u32 v1, v12;
	v12 =	vmul.f32 v10, v11;
	v10 =	vmul.f32 v10, v21  }
0x2c7: {  	v25 =	vor.u32 $0x1, v24;
	v26 =	vor.u32 $0x2, v24;
	v14 =	vmul.f32 v14, v21  }
0x2c8: {  	v12 =	vsub.f32 v12, v15;
	v11 =	vmul.f32 v18, v11;
	v10 =	vsub.f32 v13, v10  }
0x2c9: {  	v6 =	vadd.f32 v6, v9;
	v7 =	vadd.f32 v7, v8  }
0x2ca: {  	v9 =	vmul.f32 v12, v12;
	v8 =	vsub.f32 v14, v11;
	v11 =	vmul.f32 v10, v10  }
0x2cb: {  	v6 =	vmul.f32 $3.333333430e-01, v6;
	v5 =	vadd.f32 v5, v7  }
0x2cc: {  	v7 =	vadd.f32 v11, v9;
	v9 =	vmul.f32 v8, v8  }
0x2cd: {  	v5 =	vmul.f32 $3.333333430e-01, v5;
	[tilespmem:s17+$0x0] =	vst v6  }
0x2ce: {  	v6 =	vadd.f32 v7, v9  }
0x2cf: {  	[tilespmem:s17+$0xFFFFFF00] =	vst v5  }
0x2d0: {  	v5 =	vshra.s32 v6, $0x1;
	v7 =	vmul.f32 $5.000000000e-01, v6  }
0x2d1: {  	v5 =	vsub.s32 $0x5F3759DF, v5  }
0x2d2: {  	v9 =	vmul.f32 v5, v7;
	_ =	sdelay $0x1  }
0x2d3: {  	v9 =	vmul.f32 v5, v9;
	_ =	sdelay $0x1  }
0x2d4: {  	v9 =	vsub.f32 $1.500000000e+00, v9;
	_ =	sdelay $0x1  }
0x2d5: {  	v5 =	vmul.f32 v5, v9;
	_ =	sdelay $0x1  }
0x2d6: {  	v7 =	vmul.f32 v5, v7;
	_ =	sdelay $0x1  }
0x2d7: {  	v7 =	vmul.f32 v7, v5;
	_ =	sdelay $0x1  }
0x2d8: {  	v7 =	vsub.f32 $1.500000000e+00, v7  }
0x2d9: {  	v3 =	vadd.f32 v3, v4  }
0x2da: {  	v4 =	vmul.f32 v7, v5  }
0x2db: {  	v3 =	vmul.f32 $3.333333430e-01, v3  }
0x2dc: {  	v5 =	vmul.f32 v4, v12;
	v6 =	vmul.f32 v4, v6  }
0x2dd: {  	[tilespmem:s17+$0xFFFFFF80] =	vst v3;
	v3 =	vmul.f32 v4, v10;
	v4 =	vmul.f32 v4, v8;
	s17 =	smov.u32 s1  }
0x2de: {  	[tilespmem:s13+$0xFFFFFF80] =	vst v5;
	v5 =	vmul.f32 $5.000000000e-01, v6  }
0x2df: {  	[tilespmem:s13+$0x80] =	vst v4  }
0x2e0: {  	[tilespmem:s13+$0x0] =	vst v3;
	s13 =	smov.u32 s2  }
0x2e1: {  	[tilespmem:s15+$0x0] =	vst v5;
	s15 =	smov.u32 s18  }
0x2e2: {  	v11 =	vld.idx.msk [tilespmem:v19+s23+$0x0], $0xffff  }
0x2e3: {  	v12 =	vld.idx.msk [tilespmem:v22+s23+$0x0], $0xffff  }
0x2e4: {  	v9 =	vld.idx.msk [tilespmem:v20+s23+$0x0], $0xffff  }
0x2e5: {  	v3 =	vld.idx.msk [tilespmem:v25+s23+$0x0], $0xffff  }
.Ltmp12:
0x2e6: {  	v10 =	vld.idx.msk [tilespmem:v23+s23+$0x0], $0xffff;
	(pc) =	sbr.rel @p0 .LBB2_16-.Ltmp12, $4  }
0x2e7: {  	v6 =	vld.idx.msk [tilespmem:v26+s23+$0x0], $0xffff  }
0x2e8: {  	v5 =	vld.idx.msk [tilespmem:v24+s23+$0x0], $0xffff  }
0x2e9: {  	v4 =	vadd.f32 v12, v11;
	v7 =	vld.idx.msk [tilespmem:v17+s23+$0x0], $0xffff  }
0x2ea: {  	v8 =	vld.idx.msk [tilespmem:v16+s23+$0x0], $0xffff  }
0x2eb: {  	_ =	sdelay $0x1  }
0x2ec: {  	v13 =	vsub.f32 v10, v9;
	v14 =	vsub.f32 v3, v12  }
0x2ed: {  	v11 =	vsub.f32 v12, v11;
	v15 =	vsub.f32 v6, v10  }
0x2ee: {  	v46 =	vsub.f32 v5, v7;
	v16 =	vsub.f32 v7, v8  }
0x2ef: {  	v17 =	vmul.f32 v14, v13;
	v18 =	vmul.f32 v15, v11  }
0x2f0: {  	v13 =	vmul.f32 v46, v13;
	v15 =	vmul.f32 v15, v16  }
0x2f1: {  	v47 =	vsub.f32 v18, v17  }
0x2f2: {  	v11 =	vmul.f32 v46, v11;
	v14 =	vmul.f32 v14, v16;
	v13 =	vsub.f32 v13, v15;
	_ =	sdelay $0x1  }
0x2f3: {  	v48 =	vmul.f32 v47, v47;
	v11 =	vsub.f32 v14, v11;
	v49 =	vmul.f32 v13, v13;
	_ =	sdelay $0x1  }
0x2f4: {  	v50 =	vmul.f32 v11, v11;
	v12 =	vadd.f32 v49, v48;
	_ =	sdelay $0x1  }
0x2f5: {  	v12 =	vadd.f32 v12, v50;
	_ =	sdelay $0x1  }
0x2f6: {  	v14 =	vshra.s32 v12, $0x1;
	v51 =	vmul.f32 $5.000000000e-01, v12  }
0x2f7: {  	v14 =	vsub.s32 $0x5F3759DF, v14  }
0x2f8: {  	v52 =	vmul.f32 v14, v51;
	_ =	sdelay $0x1  }
0x2f9: {  	v17 =	vmul.f32 v14, v52;
	_ =	sdelay $0x1  }
0x2fa: {  	v17 =	vsub.f32 $1.500000000e+00, v17;
	_ =	sdelay $0x1  }
0x2fb: {  	v14 =	vmul.f32 v14, v17;
	_ =	sdelay $0x1  }
0x2fc: {  	v15 =	vmul.f32 v14, v51;
	_ =	sdelay $0x1  }
0x2fd: {  	v7 =	vadd.f32 v7, v8;
	v8 =	vmul.f32 v15, v14  }
0x2fe: {  	v9 =	vadd.f32 v10, v9;
	v3 =	vadd.f32 v3, v4  }
0x2ff: {  	v5 =	vadd.f32 v5, v7;
	v7 =	vsub.f32 $1.500000000e+00, v8  }
0x300: {  	v6 =	vadd.f32 v6, v9;
	v3 =	vmul.f32 $3.333333430e-01, v3  }
0x301: {  	v4 =	vmul.f32 $3.333333430e-01, v5;
	v5 =	vmul.f32 v7, v14  }
0x302: {  	v6 =	vmul.f32 $3.333333430e-01, v6;
	[tilespmem:s17+$0xFFFFFF80] =	vst v3  }
0x303: {  	[tilespmem:s17+$0xFFFFFF00] =	vst v4;
	v4 =	vmul.f32 v5, v47  }
0x304: {  	[tilespmem:s17+$0x0] =	vst v6;
	v6 =	vmul.f32 v5, v12;
	v3 =	vmul.f32 v5, v11  }
0x305: {  	v5 =	vmul.f32 v5, v13;
	[tilespmem:s13+$0xFFFFFF80] =	vst v4  }
0x306: {  	v4 =	vmul.f32 $5.000000000e-01, v6;
	[tilespmem:s13+$0x80] =	vst v3  }
0x307: {  	[tilespmem:s13+$0x0] =	vst v5  }
0x308: {  	[tilespmem:s15+$0x0] =	vst v4  }
0x309: {  	_ =	swait.ge [sflag:s24], $0x400  }
0x30a: {  	s1 =	simm.s32 $0x80;
	[sflag:s24] =	ssyncset.done $0x0  }
0x30b: {  	v3 =	vmov s1;
	[sflag:s24] =	ssyncadd.s32 $0xFFFFFC00  }
0x30c: {  	v3 =	vshll.u32 v3, $0x3;
	_ =	swait.ge [sflag:s24], $0x400  }
0x30d: {  	v4 =	vor.u32 v1, v3;
	[sflag:s24] =	ssyncset.done $0x0  }
0x30e: {  	v5 =	vor.u32 v0, v3;
	v3 =	vadd.s32 v2, v3;
	[sflag:s24] =	ssyncadd.s32 $0xFFFFFC00  }
0x30f: {  	v6 =	vor.u32 $0x1, v5;
	_ =	swait.ge [sflag:s24], $0x400  }
0x310: {  	v7 =	vor.u32 $0x2, v4;
	[sflag:s24] =	ssyncset.done $0x0  }
0x311: {  	[sflag:s24] =	ssyncadd.s32 $0xFFFFFC00  }
0x312: {  	v8 =	vor.u32 $0x2, v5;
	v9 =	vld.idx.msk [tilespmem:v4+s23+$0x0], $0xffff  }
0x313: {  	v10 =	vor.u32 $0x2, v3;
	v11 =	vld.idx.msk [tilespmem:v3+s23+$0x0], $0xffff  }
0x314: {  	v3 =	vor.u32 $0x1, v3;
	v53 =	vld.idx.msk [tilespmem:v6+s23+$0x0], $0xffff  }
0x315: {  	v4 =	vor.u32 $0x1, v4;
	v7 =	vld.idx.msk [tilespmem:v7+s23+$0x0], $0xffff  }
0x316: {  	v54 =	vld.idx.msk [tilespmem:v5+s23+$0x0], $0xffff  }
0x317: {  	v8 =	vld.idx.msk [tilespmem:v8+s23+$0x0], $0xffff  }
0x318: {  	v10 =	vld.idx.msk [tilespmem:v10+s23+$0x0], $0xffff  }
0x319: {  	v55 =	vld.idx.msk [tilespmem:v3+s23+$0x0], $0xffff  }
0x31a: {  	v56 =	vld.idx.msk [tilespmem:v4+s23+$0x0], $0xffff;
	_ =	sdelay $0x2  }
0x31b: {  	v4 =	vsub.f32 v9, v11;
	v5 =	vsub.f32 v11, v54  }
0x31c: {  	v3 =	vsub.f32 v10, v8;
	v6 =	vsub.f32 v7, v10  }
0x31d: {  	v57 =	vsub.f32 v55, v53;
	v58 =	vsub.f32 v56, v55  }
0x31e: {  	v59 =	vmul.f32 v4, v3;
	v19 =	vmul.f32 v6, v5  }
0x31f: {  	v6 =	vmul.f32 v6, v57;
	v20 =	vmul.f32 v58, v3  }
0x320: {  	v3 =	vsub.f32 v59, v19  }
0x321: {  	v17 =	vmul.f32 v58, v5;
	v4 =	vmul.f32 v4, v57;
	v5 =	vsub.f32 v6, v20;
	_ =	sdelay $0x1  }
0x322: {  	v4 =	vsub.f32 v17, v4;
	v6 =	vmul.f32 v3, v3;
	v60 =	vmul.f32 v5, v5;
	_ =	sdelay $0x1  }
0x323: {  	v61 =	vmul.f32 v4, v4;
	v6 =	vadd.f32 v6, v60;
	_ =	sdelay $0x1  }
0x324: {  	v6 =	vadd.f32 v6, v61;
	_ =	sdelay $0x1  }
0x325: {  	v16 =	vshra.s32 v6, $0x1;
	v62 =	vmul.f32 $5.000000000e-01, v6  }
0x326: {  	v16 =	vsub.s32 $0x5F3759DF, v16  }
0x327: {  	v11 =	vadd.f32 v11, v54;
	v63 =	vmul.f32 v16, v62  }
0x328: {  	v12 =	vadd.f32 v55, v53  }
0x329: {  	s13 =	simm.s32 $0x200;
	v8 =	vadd.f32 v10, v8;
	v9 =	vadd.f32 v9, v11;
	v10 =	vmul.f32 v16, v63  }
0x32a: {  	s14 =	sand.u32 $0x3FFFFE00, s13;
	v11 =	vadd.f32 v56, v12  }
0x32b: {  	s2 =	sand.u32 $0x200, s13;
	v7 =	vadd.f32 v7, v8;
	v9 =	vmul.f32 $3.333333430e-01, v9;
	v8 =	vsub.f32 $1.500000000e+00, v10  }
0x32c: {  	s4 =	sadd.s32 $0x9E80, s14;
	s1 =	sor.u32 s2, s1;
	v10 =	vmul.f32 $3.333333430e-01, v11  }
0x32d: {  	s6 =	sor.u32 $0x80, s1;
	[tilespmem:s4+$0xFFFFFF00] =	vst v9;
	v9 =	vmul.f32 $3.333333430e-01, v7;
	v7 =	vmul.f32 v16, v8  }
0x32e: {  	s18 =	simm.s32 $0xA880;
	s17 =	simm.s32 $0x9E80;
	[tilespmem:s6+$0x9D80] =	vst v10  }
0x32f: {  	s2 =	simm.s32 $0x90;
	s15 =	simm.s32 $0x200;
	s1 =	simm.s32 $0xA880;
	[tilespmem:s4+$0x0] =	vst v9;
	v8 =	vmul.f32 v7, v62  }
.LBB2_18:
0x330: {  	_ = 	snop  }
0x331: {  	s13 =	sadd.s32 $0x40, s13;
	s17 =	sadd.s32 $0x10, s17;
	s18 =	sadd.s32 $0x10, s18;
	v8 =	vmul.f32 v8, v7  }
0x332: {  	v9 =	vmov s2;
	p0 =	sne.s32 s2, $0xF0;
	s4 =	smov.u32 s2;
	s2 =	sadd.s32 $0x10, s2  }
0x333: {  	v9 =	vshll.u32 v9, $0x3;
	v8 =	vsub.f32 $1.500000000e+00, v8  }
0x334: {  	v10 =	vor.u32 v0, v9;
	v11 =	vadd.s32 v2, v9  }
0x335: {  	v12 =	vor.u32 $0x1, v10;
	v13 =	vor.u32 $0x2, v10;
	v7 =	vmul.f32 v8, v7  }
0x336: {  	v14 =	vor.u32 $0x2, v11;
	v8 =	vor.u32 $0x1, v11  }
0x337: {  	v9 =	vor.u32 v1, v9;
	v5 =	vmul.f32 v7, v5;
	v3 =	vmul.f32 v7, v3  }
0x338: {  	s8 =	sadd.s32 s14, s1;
	s1 =	smov.u32 s18;
	v15 =	vor.u32 $0x1, v9;
	v4 =	vmul.f32 v7, v4;
	v6 =	vmul.f32 v7, v6  }
0x339: {  	v7 =	vor.u32 $0x2, v9;
	[tilespmem:s8+$0xFFFFFF00] =	vst v5  }
0x33a: {  	[tilespmem:s6+$0xA780] =	vst v3;
	v3 =	vmul.f32 $5.000000000e-01, v6  }
0x33b: {  	s6 =	sshra.s32 s15, $0x2;
	s15 =	smov.u32 s13;
	[tilespmem:s8+$0x0] =	vst v4  }
0x33c: {  	[tilespmem:s6+$0xB180] =	vst v3  }
0x33d: {  	v3 =	vld.idx.msk [tilespmem:v9+s23+$0x0], $0xffff  }
0x33e: {  	v4 =	vld.idx.msk [tilespmem:v11+s23+$0x0], $0xffff  }
0x33f: {  	v5 =	vld.idx.msk [tilespmem:v12+s23+$0x0], $0xffff  }
0x340: {  	v6 =	vld.idx.msk [tilespmem:v7+s23+$0x0], $0xffff  }
0x341: {  	v7 =	vld.idx.msk [tilespmem:v10+s23+$0x0], $0xffff  }
0x342: {  	v9 =	vld.idx.msk [tilespmem:v13+s23+$0x0], $0xffff  }
0x343: {  	v10 =	vld.idx.msk [tilespmem:v14+s23+$0x0], $0xffff  }
0x344: {  	v8 =	vld.idx.msk [tilespmem:v8+s23+$0x0], $0xffff  }
0x345: {  	v11 =	vld.idx.msk [tilespmem:v15+s23+$0x0], $0xffff  }
0x346: {  	v12 =	vsub.f32 v3, v4  }
0x347: {  	v13 =	vadd.f32 v4, v7;
	v4 =	vsub.f32 v4, v7;
	_ =	sdelay $0x1  }
0x348: {  	v3 =	vadd.f32 v3, v13;
	v7 =	vadd.f32 v10, v9  }
0x349: {  	v9 =	vsub.f32 v10, v9;
	v10 =	vsub.f32 v6, v10  }
0x34a: {  	s14 =	sand.u32 $0x3FFFFE00, s13;
	v13 =	vsub.f32 v8, v5;
	v3 =	vmul.f32 $3.333333430e-01, v3;
	v14 =	vsub.f32 v11, v8  }
0x34b: {  	s8 =	sadd.s32 s14, s17;
	v5 =	vadd.f32 v8, v5;
	v8 =	vmul.f32 v12, v9;
	v15 =	vmul.f32 v10, v4  }
0x34c: {  	v6 =	vadd.f32 v6, v7;
	v7 =	vmul.f32 v10, v13;
	v9 =	vmul.f32 v14, v9;
	[tilespmem:s8+$0xFFFFFF00] =	vst v3  }
0x34d: {  	v4 =	vmul.f32 v14, v4;
	v3 =	vsub.f32 v8, v15;
	v8 =	vmul.f32 v12, v13  }
0x34e: {  	v10 =	vadd.f32 v11, v5;
	v5 =	vsub.f32 v7, v9  }
0x34f: {  	s6 =	sand.u32 $0x200, s13;
	v4 =	vsub.f32 v4, v8;
	v7 =	vmul.f32 v3, v3  }
0x350: {  	s4 =	sor.u32 s6, s4;
	v8 =	vmul.f32 $3.333333430e-01, v10;
	v9 =	vmul.f32 v5, v5  }
0x351: {  	s6 =	sor.u32 $0x80, s4;
	v6 =	vmul.f32 $3.333333430e-01, v6  }
0x352: {  	v7 =	vadd.f32 v7, v9;
	[tilespmem:s6+$0x9D80] =	vst v8;
	v8 =	vmul.f32 v4, v4  }
0x353: {  	[tilespmem:s8+$0x0] =	vst v6  }
0x354: {  	v6 =	vadd.f32 v7, v8;
	_ =	sdelay $0x1  }
0x355: {  	v7 =	vshra.s32 v6, $0x1;
	v8 =	vmul.f32 $5.000000000e-01, v6  }
0x356: {  	v7 =	vsub.s32 $0x5F3759DF, v7  }
0x357: {  	v9 =	vmul.f32 v7, v8;
	_ =	sdelay $0x1  }
0x358: {  	v9 =	vmul.f32 v7, v9;
	_ =	sdelay $0x1  }
.Ltmp13:
0x359: {  	v9 =	vsub.f32 $1.500000000e+00, v9;
	(pc) =	sbr.rel @p0 .LBB2_18-.Ltmp13, $3  }
0x35a: {  	_ = 	snop  }
0x35b: {  	v7 =	vmul.f32 v7, v9;
	_ =	sdelay $0x1  }
0x35c: {  	v8 =	vmul.f32 v7, v8  }
0x35d: {  	_ = 	snop  }
0x35e: {  	v8 =	vmul.f32 v8, v7;
	_ =	sdelay $0x1  }
0x35f: {  	v8 =	vsub.f32 $1.500000000e+00, v8;
	_ =	sdelay $0x1  }
0x360: {  	v7 =	vmul.f32 v8, v7;
	_ =	sdelay $0x1  }
0x361: {  	v5 =	vmul.f32 v7, v5  }
0x362: {  	s1 =	sadd.s32 s14, s1;
	v3 =	vmul.f32 v7, v3;
	v6 =	vmul.f32 v7, v6  }
0x363: {  	v4 =	vmul.f32 v7, v4;
	[tilespmem:s1+$0xFFFFFF00] =	vst v5  }
0x364: {  	[tilespmem:s6+$0xA780] =	vst v3;
	v3 =	vmul.f32 $5.000000000e-01, v6  }
0x365: {  	s21 =	sshra.s32 s15, $0x2;
	[tilespmem:s1+$0x0] =	vst v4  }
0x366: {  	[tilespmem:s21+$0xB180] =	vst v3  }
0x367: {  	s15 =	simm.s32 $0x100;
	_ =	swait.ge [sflag:s25], $0x400  }
0x368: {  	v3 =	vmov s15;
	[sflag:s25] =	ssyncset.done $0x0  }
0x369: {  	v3 =	vshll.u32 v3, $0x3;
	[sflag:s25] =	ssyncadd.s32 $0xFFFFFC00  }
0x36a: {  	v8 =	vadd.s32 v1, v3;
	_ =	swait.ge [sflag:s25], $0x400  }
0x36b: {  	v4 =	vadd.s32 v2, v3;
	v5 =	vor.u32 $0x1, v8;
	[sflag:s25] =	ssyncset.done $0x0  }
0x36c: {  	v6 =	vor.u32 $0x1, v4;
	[sflag:s25] =	ssyncadd.s32 $0xFFFFFC00  }
0x36d: {  	v7 =	vor.u32 v0, v3;
	_ =	swait.ge [sflag:s25], $0x400  }
0x36e: {  	v9 =	vor.u32 $0x2, v7;
	[sflag:s25] =	ssyncset.done $0x0  }
0x36f: {  	[sflag:s25] =	ssyncadd.s32 $0xFFFFFC00  }
0x370: {  	v12 =	vor.u32 $0x2, v4;
	v3 =	vld.idx.msk [tilespmem:v5+s23+$0x0], $0xffff  }
0x371: {  	v13 =	vor.u32 $0x2, v8;
	v5 =	vld.idx.msk [tilespmem:v6+s23+$0x0], $0xffff  }
0x372: {  	v14 =	vor.u32 $0x1, v7;
	v10 =	vld.idx.msk [tilespmem:v4+s23+$0x0], $0xffff  }
0x373: {  	v6 =	vld.idx.msk [tilespmem:v9+s23+$0x0], $0xffff  }
0x374: {  	v11 =	vld.idx.msk [tilespmem:v7+s23+$0x0], $0xffff  }
0x375: {  	v7 =	vld.idx.msk [tilespmem:v12+s23+$0x0], $0xffff  }
0x376: {  	v4 =	vld.idx.msk [tilespmem:v13+s23+$0x0], $0xffff  }
0x377: {  	v9 =	vld.idx.msk [tilespmem:v14+s23+$0x0], $0xffff  }
0x378: {  	s13 =	simm.s32 $0x400;
	s1 =	simm.s32 $0x440;
	v8 =	vld.idx.msk [tilespmem:v8+s23+$0x0], $0xffff  }
.LBB2_20:
0x379: {  	p0 =	sne.s32 s1, $0x5C0  }
0x37a: {  	s15 =	sadd.s32 $0x10, s15;
	s2 =	smov.u32 s1;
	s1 =	sadd.s32 $0x40, s1  }
0x37b: {  	v12 =	vadd.f32 v10, v11;
	v11 =	vsub.f32 v10, v11  }
0x37c: {  	v13 =	vsub.f32 v7, v6;
	v14 =	vsub.f32 v4, v7  }
0x37d: {  	v17 =	vsub.f32 v3, v5;
	v15 =	vmov s15;
	v16 =	vsub.f32 v5, v9  }
0x37e: {  	v15 =	vshll.u32 v15, $0x3;
	v10 =	vsub.f32 v8, v10;
	v18 =	vmul.f32 v14, v11  }
0x37f: {  	v19 =	vor.u32 v0, v15;
	v20 =	vadd.s32 v2, v15;
	v21 =	vmul.f32 v17, v13  }
0x380: {  	v22 =	vor.u32 $0x1, v19;
	v23 =	vor.u32 $0x2, v19;
	v13 =	vmul.f32 v10, v13  }
0x381: {  	v24 =	vor.u32 $0x1, v20;
	v25 =	vor.u32 $0x2, v20;
	v14 =	vmul.f32 v14, v16  }
0x382: {  	v15 =	vadd.s32 v1, v15;
	v10 =	vmul.f32 v10, v16;
	v13 =	vsub.f32 v13, v18  }
0x383: {  	v5 =	vadd.f32 v5, v9;
	v11 =	vmul.f32 v17, v11;
	v9 =	vsub.f32 v14, v21  }
0x384: {  	v6 =	vadd.f32 v7, v6;
	v8 =	vadd.f32 v8, v12;
	v7 =	vmul.f32 v13, v13  }
0x385: {  	v3 =	vadd.f32 v3, v5;
	v5 =	vsub.f32 v11, v10;
	v10 =	vmul.f32 v9, v9  }
0x386: {  	s4 =	sand.u32 $0x3FFFFE00, s13;
	s6 =	sshra.s32 s13, $0x2;
	s13 =	smov.u32 s2;
	v4 =	vadd.f32 v4, v6;
	v8 =	vmul.f32 $3.333333430e-01, v8  }
0x387: {  	s2 =	sadd.s32 s6, s4;
	v3 =	vmul.f32 $3.333333430e-01, v3;
	v6 =	vadd.f32 v7, v10;
	v7 =	vmul.f32 v5, v5  }
0x388: {  	v4 =	vmul.f32 $3.333333430e-01, v4;
	[tilespmem:s2+$0x9C80] =	vst v8  }
0x389: {  	[tilespmem:s2+$0x9D00] =	vst v3;
	v3 =	vadd.f32 v6, v7  }
0x38a: {  	[tilespmem:s2+$0x9D80] =	vst v4  }
0x38b: {  	v4 =	vshra.s32 v3, $0x1;
	v6 =	vmul.f32 $5.000000000e-01, v3  }
0x38c: {  	v4 =	vsub.s32 $0x5F3759DF, v4  }
0x38d: {  	v7 =	vmul.f32 v4, v6;
	_ =	sdelay $0x1  }
0x38e: {  	v7 =	vmul.f32 v4, v7;
	_ =	sdelay $0x1  }
0x38f: {  	v7 =	vsub.f32 $1.500000000e+00, v7;
	_ =	sdelay $0x1  }
0x390: {  	v4 =	vmul.f32 v4, v7;
	_ =	sdelay $0x1  }
0x391: {  	v6 =	vmul.f32 v4, v6;
	_ =	sdelay $0x1  }
0x392: {  	v6 =	vmul.f32 v6, v4;
	_ =	sdelay $0x1  }
0x393: {  	v6 =	vsub.f32 $1.500000000e+00, v6;
	_ =	sdelay $0x1  }
0x394: {  	v4 =	vmul.f32 v6, v4;
	_ =	sdelay $0x1  }
0x395: {  	v5 =	vmul.f32 v4, v5;
	v3 =	vmul.f32 v4, v3  }
0x396: {  	v6 =	vor.u32 $0x1, v15;
	v7 =	vmul.f32 v4, v9;
	v4 =	vmul.f32 v4, v13  }
0x397: {  	[tilespmem:s2+$0xA780] =	vst v5;
	v3 =	vmul.f32 $5.000000000e-01, v3  }
0x398: {  	[tilespmem:s2+$0xA680] =	vst v7  }
0x399: {  	[tilespmem:s2+$0xA700] =	vst v4  }
0x39a: {  	[tilespmem:s6+$0xB180] =	vst v3  }
0x39b: {  	v3 =	vld.idx.msk [tilespmem:v6+s23+$0x0], $0xffff  }
0x39c: {  	v4 =	vor.u32 $0x2, v15;
	v5 =	vld.idx.msk [tilespmem:v24+s23+$0x0], $0xffff  }
0x39d: {  	v10 =	vld.idx.msk [tilespmem:v20+s23+$0x0], $0xffff  }
0x39e: {  	v6 =	vld.idx.msk [tilespmem:v23+s23+$0x0], $0xffff  }
.Ltmp14:
0x39f: {  	v11 =	vld.idx.msk [tilespmem:v19+s23+$0x0], $0xffff;
	(pc) =	sbr.rel @p0 .LBB2_20-.Ltmp14, $4  }
0x3a0: {  	v7 =	vld.idx.msk [tilespmem:v25+s23+$0x0], $0xffff  }
0x3a1: {  	v4 =	vld.idx.msk [tilespmem:v4+s23+$0x0], $0xffff  }
0x3a2: {  	v9 =	vld.idx.msk [tilespmem:v22+s23+$0x0], $0xffff  }
0x3a3: {  	v8 =	vld.idx.msk [tilespmem:v15+s23+$0x0], $0xffff  }
0x3a4: {  	_ =	sdelay $0x1  }
0x3a5: {  	v12 =	vsub.f32 v10, v11;
	v17 =	vsub.f32 v3, v5  }
0x3a6: {  	v14 =	vsub.f32 v4, v7;
	v16 =	vsub.f32 v5, v9  }
0x3a7: {  	v13 =	vsub.f32 v7, v6;
	v15 =	vsub.f32 v8, v10  }
0x3a8: {  	v18 =	vmul.f32 v14, v12;
	v14 =	vmul.f32 v14, v16  }
0x3a9: {  	v19 =	vmul.f32 v15, v13;
	v13 =	vmul.f32 v17, v13  }
0x3aa: {  	v12 =	vmul.f32 v17, v12  }
0x3ab: {  	v15 =	vmul.f32 v15, v16;
	v18 =	vsub.f32 v19, v18;
	v13 =	vsub.f32 v14, v13;
	_ =	sdelay $0x1  }
0x3ac: {  	v12 =	vsub.f32 v12, v15;
	v56 =	vmul.f32 v18, v18;
	v57 =	vmul.f32 v13, v13;
	_ =	sdelay $0x1  }
0x3ad: {  	v58 =	vmul.f32 v12, v12;
	v14 =	vadd.f32 v56, v57;
	_ =	sdelay $0x1  }
0x3ae: {  	v14 =	vadd.f32 v14, v58;
	_ =	sdelay $0x1  }
0x3af: {  	v15 =	vshra.s32 v14, $0x1;
	v59 =	vmul.f32 $5.000000000e-01, v14  }
0x3b0: {  	v15 =	vsub.s32 $0x5F3759DF, v15  }
0x3b1: {  	v60 =	vmul.f32 v15, v59;
	_ =	sdelay $0x1  }
0x3b2: {  	v17 =	vmul.f32 v15, v60;
	_ =	sdelay $0x1  }
0x3b3: {  	v17 =	vsub.f32 $1.500000000e+00, v17;
	_ =	sdelay $0x1  }
0x3b4: {  	v15 =	vmul.f32 v15, v17;
	_ =	sdelay $0x1  }
0x3b5: {  	v16 =	vmul.f32 v15, v59  }
0x3b6: {  	v6 =	vadd.f32 v7, v6  }
0x3b7: {  	v5 =	vadd.f32 v5, v9;
	v9 =	vmul.f32 v16, v15  }
0x3b8: {  	v4 =	vadd.f32 v4, v6;
	v10 =	vadd.f32 v10, v11  }
0x3b9: {  	v3 =	vadd.f32 v3, v5;
	v5 =	vsub.f32 $1.500000000e+00, v9  }
0x3ba: {  	s1 =	sand.u32 $0x3FFFFE00, s13;
	s2 =	sshra.s32 s13, $0x2;
	v4 =	vmul.f32 $3.333333430e-01, v4;
	v8 =	vadd.f32 v8, v10  }
0x3bb: {  	s1 =	sadd.s32 s2, s1;
	v3 =	vmul.f32 $3.333333430e-01, v3;
	v5 =	vmul.f32 v5, v15  }
0x3bc: {  	[tilespmem:s1+$0x9D80] =	vst v4;
	v7 =	vmul.f32 $3.333333430e-01, v8  }
0x3bd: {  	[tilespmem:s1+$0x9D00] =	vst v3;
	v3 =	vmul.f32 v5, v12  }
0x3be: {  	[tilespmem:s1+$0x9C80] =	vst v7;
	v4 =	vmul.f32 v5, v14;
	v6 =	vmul.f32 v5, v13  }
0x3bf: {  	v5 =	vmul.f32 v5, v18;
	[tilespmem:s1+$0xA780] =	vst v3  }
0x3c0: {  	v3 =	vmul.f32 $5.000000000e-01, v4;
	[tilespmem:s1+$0xA680] =	vst v6  }
0x3c1: {  	[tilespmem:s1+$0xA700] =	vst v5  }
0x3c2: {  	[tilespmem:s2+$0xB180] =	vst v3  }
0x3c3: {  	s15 =	simm.s32 $0x180;
	_ =	swait.ge [sflag:s26], $0x400  }
0x3c4: {  	v3 =	vmov s15;
	[sflag:s26] =	ssyncset.done $0x0  }
0x3c5: {  	v3 =	vshll.u32 v3, $0x3;
	[sflag:s26] =	ssyncadd.s32 $0xFFFFFC00  }
0x3c6: {  	v8 =	vadd.s32 v1, v3;
	_ =	swait.ge [sflag:s26], $0x400  }
0x3c7: {  	v4 =	vadd.s32 v2, v3;
	v5 =	vor.u32 $0x1, v8;
	[sflag:s26] =	ssyncset.done $0x0  }
0x3c8: {  	v6 =	vor.u32 $0x1, v4;
	[sflag:s26] =	ssyncadd.s32 $0xFFFFFC00  }
0x3c9: {  	v7 =	vor.u32 v0, v3;
	_ =	swait.ge [sflag:s26], $0x400  }
0x3ca: {  	v9 =	vor.u32 $0x2, v7;
	[sflag:s26] =	ssyncset.done $0x0  }
0x3cb: {  	[sflag:s26] =	ssyncadd.s32 $0xFFFFFC00  }
0x3cc: {  	v61 =	vor.u32 $0x2, v4;
	v3 =	vld.idx.msk [tilespmem:v5+s23+$0x0], $0xffff  }
0x3cd: {  	v62 =	vor.u32 $0x2, v8;
	v5 =	vld.idx.msk [tilespmem:v6+s23+$0x0], $0xffff  }
0x3ce: {  	v63 =	vor.u32 $0x1, v7;
	v10 =	vld.idx.msk [tilespmem:v4+s23+$0x0], $0xffff  }
0x3cf: {  	v6 =	vld.idx.msk [tilespmem:v9+s23+$0x0], $0xffff  }
0x3d0: {  	v11 =	vld.idx.msk [tilespmem:v7+s23+$0x0], $0xffff  }
0x3d1: {  	v7 =	vld.idx.msk [tilespmem:v61+s23+$0x0], $0xffff  }
0x3d2: {  	v4 =	vld.idx.msk [tilespmem:v62+s23+$0x0], $0xffff  }
0x3d3: {  	v9 =	vld.idx.msk [tilespmem:v63+s23+$0x0], $0xffff  }
0x3d4: {  	s13 =	simm.s32 $0x600;
	s1 =	simm.s32 $0x640;
	v8 =	vld.idx.msk [tilespmem:v8+s23+$0x0], $0xffff  }
.LBB2_22:
0x3d5: {  	p0 =	sne.s32 s1, $0x7C0  }
0x3d6: {  	s15 =	sadd.s32 $0x10, s15;
	s2 =	smov.u32 s1;
	s1 =	sadd.s32 $0x40, s1  }
0x3d7: {  	v12 =	vadd.f32 v10, v11;
	v11 =	vsub.f32 v10, v11  }
0x3d8: {  	v13 =	vsub.f32 v7, v6;
	v14 =	vsub.f32 v4, v7  }
0x3d9: {  	v17 =	vsub.f32 v3, v5;
	v15 =	vmov s15;
	v16 =	vsub.f32 v5, v9  }
0x3da: {  	v15 =	vshll.u32 v15, $0x3;
	v10 =	vsub.f32 v8, v10;
	v18 =	vmul.f32 v14, v11  }
0x3db: {  	v19 =	vor.u32 v0, v15;
	v20 =	vadd.s32 v2, v15;
	v21 =	vmul.f32 v17, v13  }
0x3dc: {  	v22 =	vor.u32 $0x1, v19;
	v23 =	vor.u32 $0x2, v19;
	v13 =	vmul.f32 v10, v13  }
0x3dd: {  	v24 =	vor.u32 $0x1, v20;
	v25 =	vor.u32 $0x2, v20;
	v14 =	vmul.f32 v14, v16  }
0x3de: {  	v15 =	vadd.s32 v1, v15;
	v10 =	vmul.f32 v10, v16;
	v13 =	vsub.f32 v13, v18  }
0x3df: {  	v5 =	vadd.f32 v5, v9;
	v11 =	vmul.f32 v17, v11;
	v9 =	vsub.f32 v14, v21  }
0x3e0: {  	v6 =	vadd.f32 v7, v6;
	v8 =	vadd.f32 v8, v12;
	v7 =	vmul.f32 v13, v13  }
0x3e1: {  	v3 =	vadd.f32 v3, v5;
	v5 =	vsub.f32 v11, v10;
	v10 =	vmul.f32 v9, v9  }
0x3e2: {  	s4 =	sand.u32 $0x3FFFFE00, s13;
	s6 =	sshra.s32 s13, $0x2;
	s13 =	smov.u32 s2;
	v4 =	vadd.f32 v4, v6;
	v8 =	vmul.f32 $3.333333430e-01, v8  }
0x3e3: {  	s2 =	sadd.s32 s6, s4;
	v3 =	vmul.f32 $3.333333430e-01, v3;
	v6 =	vadd.f32 v7, v10;
	v7 =	vmul.f32 v5, v5  }
0x3e4: {  	v4 =	vmul.f32 $3.333333430e-01, v4;
	[tilespmem:s2+$0x9C00] =	vst v8  }
0x3e5: {  	[tilespmem:s2+$0x9C80] =	vst v3;
	v3 =	vadd.f32 v6, v7  }
0x3e6: {  	[tilespmem:s2+$0x9D00] =	vst v4  }
0x3e7: {  	v4 =	vshra.s32 v3, $0x1;
	v6 =	vmul.f32 $5.000000000e-01, v3  }
0x3e8: {  	v4 =	vsub.s32 $0x5F3759DF, v4  }
0x3e9: {  	v7 =	vmul.f32 v4, v6;
	_ =	sdelay $0x1  }
0x3ea: {  	v7 =	vmul.f32 v4, v7;
	_ =	sdelay $0x1  }
0x3eb: {  	v7 =	vsub.f32 $1.500000000e+00, v7;
	_ =	sdelay $0x1  }
0x3ec: {  	v4 =	vmul.f32 v4, v7;
	_ =	sdelay $0x1  }
0x3ed: {  	v6 =	vmul.f32 v4, v6;
	_ =	sdelay $0x1  }
0x3ee: {  	v6 =	vmul.f32 v6, v4;
	_ =	sdelay $0x1  }
0x3ef: {  	v6 =	vsub.f32 $1.500000000e+00, v6;
	_ =	sdelay $0x1  }
0x3f0: {  	v4 =	vmul.f32 v6, v4;
	_ =	sdelay $0x1  }
0x3f1: {  	v5 =	vmul.f32 v4, v5;
	v3 =	vmul.f32 v4, v3  }
0x3f2: {  	v6 =	vor.u32 $0x1, v15;
	v7 =	vmul.f32 v4, v9;
	v4 =	vmul.f32 v4, v13  }
0x3f3: {  	[tilespmem:s2+$0xA700] =	vst v5;
	v3 =	vmul.f32 $5.000000000e-01, v3  }
0x3f4: {  	[tilespmem:s2+$0xA600] =	vst v7  }
0x3f5: {  	[tilespmem:s2+$0xA680] =	vst v4  }
0x3f6: {  	[tilespmem:s6+$0xB180] =	vst v3  }
0x3f7: {  	v3 =	vld.idx.msk [tilespmem:v6+s23+$0x0], $0xffff  }
0x3f8: {  	v4 =	vor.u32 $0x2, v15;
	v5 =	vld.idx.msk [tilespmem:v24+s23+$0x0], $0xffff  }
0x3f9: {  	v10 =	vld.idx.msk [tilespmem:v20+s23+$0x0], $0xffff  }
0x3fa: {  	v6 =	vld.idx.msk [tilespmem:v23+s23+$0x0], $0xffff  }
.Ltmp15:
0x3fb: {  	v11 =	vld.idx.msk [tilespmem:v19+s23+$0x0], $0xffff;
	(pc) =	sbr.rel @p0 .LBB2_22-.Ltmp15, $4  }
0x3fc: {  	v7 =	vld.idx.msk [tilespmem:v25+s23+$0x0], $0xffff  }
0x3fd: {  	v4 =	vld.idx.msk [tilespmem:v4+s23+$0x0], $0xffff  }
0x3fe: {  	v9 =	vld.idx.msk [tilespmem:v22+s23+$0x0], $0xffff  }
0x3ff: {  	v8 =	vld.idx.msk [tilespmem:v15+s23+$0x0], $0xffff  }
0x400: {  	_ =	sdelay $0x1  }
0x401: {  	v12 =	vsub.f32 v10, v11;
	v17 =	vsub.f32 v3, v5  }
0x402: {  	v14 =	vsub.f32 v4, v7;
	v16 =	vsub.f32 v5, v9  }
0x403: {  	v13 =	vsub.f32 v7, v6;
	v15 =	vsub.f32 v8, v10  }
0x404: {  	v18 =	vmul.f32 v14, v12;
	v14 =	vmul.f32 v14, v16  }
0x405: {  	v19 =	vmul.f32 v15, v13;
	v13 =	vmul.f32 v17, v13  }
0x406: {  	v12 =	vmul.f32 v17, v12  }
0x407: {  	v15 =	vmul.f32 v15, v16;
	v18 =	vsub.f32 v19, v18;
	v13 =	vsub.f32 v14, v13;
	_ =	sdelay $0x1  }
0x408: {  	v12 =	vsub.f32 v12, v15;
	v56 =	vmul.f32 v18, v18;
	v57 =	vmul.f32 v13, v13;
	_ =	sdelay $0x1  }
0x409: {  	v58 =	vmul.f32 v12, v12;
	v14 =	vadd.f32 v56, v57;
	_ =	sdelay $0x1  }
0x40a: {  	v14 =	vadd.f32 v14, v58;
	_ =	sdelay $0x1  }
0x40b: {  	v15 =	vshra.s32 v14, $0x1;
	v59 =	vmul.f32 $5.000000000e-01, v14  }
0x40c: {  	v15 =	vsub.s32 $0x5F3759DF, v15  }
0x40d: {  	v60 =	vmul.f32 v15, v59;
	_ =	sdelay $0x1  }
0x40e: {  	v17 =	vmul.f32 v15, v60;
	_ =	sdelay $0x1  }
0x40f: {  	v17 =	vsub.f32 $1.500000000e+00, v17;
	_ =	sdelay $0x1  }
0x410: {  	v15 =	vmul.f32 v15, v17;
	_ =	sdelay $0x1  }
0x411: {  	v16 =	vmul.f32 v15, v59  }
0x412: {  	v6 =	vadd.f32 v7, v6  }
0x413: {  	v5 =	vadd.f32 v5, v9;
	v9 =	vmul.f32 v16, v15  }
0x414: {  	v4 =	vadd.f32 v4, v6;
	v10 =	vadd.f32 v10, v11  }
0x415: {  	v3 =	vadd.f32 v3, v5;
	v5 =	vsub.f32 $1.500000000e+00, v9  }
0x416: {  	s1 =	sand.u32 $0x3FFFFE00, s13;
	s2 =	sshra.s32 s13, $0x2;
	v4 =	vmul.f32 $3.333333430e-01, v4;
	v8 =	vadd.f32 v8, v10  }
0x417: {  	s1 =	sadd.s32 s2, s1;
	v3 =	vmul.f32 $3.333333430e-01, v3;
	v5 =	vmul.f32 v5, v15  }
0x418: {  	[tilespmem:s1+$0x9D00] =	vst v4;
	v7 =	vmul.f32 $3.333333430e-01, v8  }
0x419: {  	[tilespmem:s1+$0x9C80] =	vst v3;
	v3 =	vmul.f32 v5, v12  }
0x41a: {  	[tilespmem:s1+$0x9C00] =	vst v7;
	v4 =	vmul.f32 v5, v14;
	v6 =	vmul.f32 v5, v13  }
0x41b: {  	v5 =	vmul.f32 v5, v18;
	[tilespmem:s1+$0xA700] =	vst v3  }
0x41c: {  	v3 =	vmul.f32 $5.000000000e-01, v4;
	[tilespmem:s1+$0xA600] =	vst v6  }
0x41d: {  	[tilespmem:s1+$0xA680] =	vst v5  }
0x41e: {  	[tilespmem:s2+$0xB180] =	vst v3  }
0x41f: {  	s15 =	simm.s32 $0x200;
	_ =	swait.ge [sflag:s28], $0x400  }
0x420: {  	v3 =	vmov s15;
	[sflag:s28] =	ssyncset.done $0x0  }
0x421: {  	v3 =	vshll.u32 v3, $0x3;
	[sflag:s28] =	ssyncadd.s32 $0xFFFFFC00  }
0x422: {  	v8 =	vadd.s32 v1, v3;
	_ =	swait.ge [sflag:s28], $0x400  }
0x423: {  	v4 =	vadd.s32 v2, v3;
	v5 =	vor.u32 $0x1, v8;
	[sflag:s28] =	ssyncset.done $0x0  }
0x424: {  	v6 =	vor.u32 $0x1, v4;
	[sflag:s28] =	ssyncadd.s32 $0xFFFFFC00  }
0x425: {  	v7 =	vor.u32 v0, v3;
	_ =	swait.ge [sflag:s28], $0x400  }
0x426: {  	v9 =	vor.u32 $0x2, v7;
	[sflag:s28] =	ssyncset.done $0x0  }
0x427: {  	[sflag:s28] =	ssyncadd.s32 $0xFFFFFC00  }
0x428: {  	v61 =	vor.u32 $0x2, v4;
	v3 =	vld.idx.msk [tilespmem:v5+s23+$0x0], $0xffff  }
0x429: {  	v62 =	vor.u32 $0x2, v8;
	v5 =	vld.idx.msk [tilespmem:v6+s23+$0x0], $0xffff  }
0x42a: {  	v63 =	vor.u32 $0x1, v7;
	v10 =	vld.idx.msk [tilespmem:v4+s23+$0x0], $0xffff  }
0x42b: {  	v6 =	vld.idx.msk [tilespmem:v9+s23+$0x0], $0xffff  }
0x42c: {  	v11 =	vld.idx.msk [tilespmem:v7+s23+$0x0], $0xffff  }
0x42d: {  	v7 =	vld.idx.msk [tilespmem:v61+s23+$0x0], $0xffff  }
0x42e: {  	v4 =	vld.idx.msk [tilespmem:v62+s23+$0x0], $0xffff  }
0x42f: {  	v9 =	vld.idx.msk [tilespmem:v63+s23+$0x0], $0xffff  }
0x430: {  	s13 =	simm.s32 $0x800;
	s1 =	simm.s32 $0x840;
	v8 =	vld.idx.msk [tilespmem:v8+s23+$0x0], $0xffff  }
.LBB2_24:
0x431: {  	p0 =	sne.s32 s1, $0x9C0  }
0x432: {  	s15 =	sadd.s32 $0x10, s15;
	s2 =	smov.u32 s1;
	s1 =	sadd.s32 $0x40, s1  }
0x433: {  	v12 =	vadd.f32 v10, v11;
	v11 =	vsub.f32 v10, v11  }
0x434: {  	v13 =	vsub.f32 v7, v6;
	v14 =	vsub.f32 v4, v7  }
0x435: {  	v17 =	vsub.f32 v3, v5;
	v15 =	vmov s15;
	v16 =	vsub.f32 v5, v9  }
0x436: {  	v15 =	vshll.u32 v15, $0x3;
	v10 =	vsub.f32 v8, v10;
	v18 =	vmul.f32 v14, v11  }
0x437: {  	v19 =	vor.u32 v0, v15;
	v20 =	vadd.s32 v2, v15;
	v21 =	vmul.f32 v17, v13  }
0x438: {  	v22 =	vor.u32 $0x1, v19;
	v23 =	vor.u32 $0x2, v19;
	v13 =	vmul.f32 v10, v13  }
0x439: {  	v24 =	vor.u32 $0x1, v20;
	v25 =	vor.u32 $0x2, v20;
	v14 =	vmul.f32 v14, v16  }
0x43a: {  	v15 =	vadd.s32 v1, v15;
	v10 =	vmul.f32 v10, v16;
	v13 =	vsub.f32 v13, v18  }
0x43b: {  	v5 =	vadd.f32 v5, v9;
	v11 =	vmul.f32 v17, v11;
	v9 =	vsub.f32 v14, v21  }
0x43c: {  	v6 =	vadd.f32 v7, v6;
	v8 =	vadd.f32 v8, v12;
	v7 =	vmul.f32 v13, v13  }
0x43d: {  	v3 =	vadd.f32 v3, v5;
	v5 =	vsub.f32 v11, v10;
	v10 =	vmul.f32 v9, v9  }
0x43e: {  	s4 =	sand.u32 $0x3FFFFE00, s13;
	s6 =	sshra.s32 s13, $0x2;
	s13 =	smov.u32 s2;
	v4 =	vadd.f32 v4, v6;
	v8 =	vmul.f32 $3.333333430e-01, v8  }
0x43f: {  	s2 =	sadd.s32 s6, s4;
	v3 =	vmul.f32 $3.333333430e-01, v3;
	v6 =	vadd.f32 v7, v10;
	v7 =	vmul.f32 v5, v5  }
0x440: {  	v4 =	vmul.f32 $3.333333430e-01, v4;
	[tilespmem:s2+$0x9B80] =	vst v8  }
0x441: {  	[tilespmem:s2+$0x9C00] =	vst v3;
	v3 =	vadd.f32 v6, v7  }
0x442: {  	[tilespmem:s2+$0x9C80] =	vst v4  }
0x443: {  	v4 =	vshra.s32 v3, $0x1;
	v6 =	vmul.f32 $5.000000000e-01, v3  }
0x444: {  	v4 =	vsub.s32 $0x5F3759DF, v4  }
0x445: {  	v7 =	vmul.f32 v4, v6;
	_ =	sdelay $0x1  }
0x446: {  	v7 =	vmul.f32 v4, v7;
	_ =	sdelay $0x1  }
0x447: {  	v7 =	vsub.f32 $1.500000000e+00, v7;
	_ =	sdelay $0x1  }
0x448: {  	v4 =	vmul.f32 v4, v7;
	_ =	sdelay $0x1  }
0x449: {  	v6 =	vmul.f32 v4, v6;
	_ =	sdelay $0x1  }
0x44a: {  	v6 =	vmul.f32 v6, v4;
	_ =	sdelay $0x1  }
0x44b: {  	v6 =	vsub.f32 $1.500000000e+00, v6;
	_ =	sdelay $0x1  }
0x44c: {  	v4 =	vmul.f32 v6, v4;
	_ =	sdelay $0x1  }
0x44d: {  	v5 =	vmul.f32 v4, v5;
	v3 =	vmul.f32 v4, v3  }
0x44e: {  	v6 =	vor.u32 $0x1, v15;
	v7 =	vmul.f32 v4, v9;
	v4 =	vmul.f32 v4, v13  }
0x44f: {  	[tilespmem:s2+$0xA680] =	vst v5;
	v3 =	vmul.f32 $5.000000000e-01, v3  }
0x450: {  	[tilespmem:s2+$0xA580] =	vst v7  }
0x451: {  	[tilespmem:s2+$0xA600] =	vst v4  }
0x452: {  	[tilespmem:s6+$0xB180] =	vst v3  }
0x453: {  	v3 =	vld.idx.msk [tilespmem:v6+s23+$0x0], $0xffff  }
0x454: {  	v4 =	vor.u32 $0x2, v15;
	v5 =	vld.idx.msk [tilespmem:v24+s23+$0x0], $0xffff  }
0x455: {  	v10 =	vld.idx.msk [tilespmem:v20+s23+$0x0], $0xffff  }
0x456: {  	v6 =	vld.idx.msk [tilespmem:v23+s23+$0x0], $0xffff  }
.Ltmp16:
0x457: {  	v11 =	vld.idx.msk [tilespmem:v19+s23+$0x0], $0xffff;
	(pc) =	sbr.rel @p0 .LBB2_24-.Ltmp16, $4  }
0x458: {  	v7 =	vld.idx.msk [tilespmem:v25+s23+$0x0], $0xffff  }
0x459: {  	v4 =	vld.idx.msk [tilespmem:v4+s23+$0x0], $0xffff  }
0x45a: {  	v9 =	vld.idx.msk [tilespmem:v22+s23+$0x0], $0xffff  }
0x45b: {  	v8 =	vld.idx.msk [tilespmem:v15+s23+$0x0], $0xffff  }
0x45c: {  	_ =	sdelay $0x1  }
0x45d: {  	v12 =	vsub.f32 v10, v11;
	v17 =	vsub.f32 v3, v5  }
0x45e: {  	v14 =	vsub.f32 v4, v7;
	v16 =	vsub.f32 v5, v9  }
0x45f: {  	v13 =	vsub.f32 v7, v6;
	v15 =	vsub.f32 v8, v10  }
0x460: {  	v18 =	vmul.f32 v14, v12;
	v14 =	vmul.f32 v14, v16  }
0x461: {  	v19 =	vmul.f32 v15, v13;
	v13 =	vmul.f32 v17, v13  }
0x462: {  	v12 =	vmul.f32 v17, v12  }
0x463: {  	v15 =	vmul.f32 v15, v16;
	v18 =	vsub.f32 v19, v18;
	v13 =	vsub.f32 v14, v13;
	_ =	sdelay $0x1  }
0x464: {  	v12 =	vsub.f32 v12, v15;
	v49 =	vmul.f32 v18, v18;
	v50 =	vmul.f32 v13, v13;
	_ =	sdelay $0x1  }
0x465: {  	v51 =	vmul.f32 v12, v12;
	v14 =	vadd.f32 v49, v50;
	_ =	sdelay $0x1  }
0x466: {  	v14 =	vadd.f32 v14, v51;
	_ =	sdelay $0x1  }
0x467: {  	v15 =	vshra.s32 v14, $0x1;
	v52 =	vmul.f32 $5.000000000e-01, v14  }
0x468: {  	v15 =	vsub.s32 $0x5F3759DF, v15  }
0x469: {  	v53 =	vmul.f32 v15, v52;
	_ =	sdelay $0x1  }
0x46a: {  	v17 =	vmul.f32 v15, v53;
	_ =	sdelay $0x1  }
0x46b: {  	v17 =	vsub.f32 $1.500000000e+00, v17;
	_ =	sdelay $0x1  }
0x46c: {  	v15 =	vmul.f32 v15, v17;
	_ =	sdelay $0x1  }
0x46d: {  	v16 =	vmul.f32 v15, v52  }
0x46e: {  	v58 =	vadd.f32 v7, v6  }
0x46f: {  	v55 =	vadd.f32 v5, v9;
	v56 =	vmul.f32 v16, v15  }
0x470: {  	v54 =	vadd.f32 v10, v11;
	v61 =	vadd.f32 v4, v58  }
0x471: {  	v3 =	vadd.f32 v3, v55;
	v59 =	vsub.f32 $1.500000000e+00, v56  }
0x472: {  	s1 =	sand.u32 $0x3FFFFE00, s13;
	s2 =	sshra.s32 s13, $0x2;
	v57 =	vadd.f32 v8, v54;
	v4 =	vmul.f32 $3.333333430e-01, v61  }
0x473: {  	s1 =	sadd.s32 s2, s1;
	v3 =	vmul.f32 $3.333333430e-01, v3;
	v5 =	vmul.f32 v59, v15  }
0x474: {  	v60 =	vmul.f32 $3.333333430e-01, v57;
	[tilespmem:s1+$0x9C80] =	vst v4  }
0x475: {  	[tilespmem:s1+$0x9C00] =	vst v3;
	v3 =	vmul.f32 v5, v12  }
0x476: {  	[tilespmem:s1+$0x9B80] =	vst v60;
	v62 =	vmul.f32 v5, v14;
	v63 =	vmul.f32 v5, v13  }
0x477: {  	v5 =	vmul.f32 v5, v18;
	[tilespmem:s1+$0xA680] =	vst v3  }
0x478: {  	s4 =	smul.u32 $0x140, s29;
	v3 =	vmul.f32 $5.000000000e-01, v62;
	[tilespmem:s1+$0xA580] =	vst v63  }
0x479: {  	[tilespmem:s1+$0xA600] =	vst v5  }
0x47a: {  	s14 =	simm.s32 $0x9D80;
	s17 =	smul.u32 $0x50, s29;
	s13 =	sadd.s32 s9, s4;
	[tilespmem:s2+$0xB180] =	vst v3  }
0x47b: {  	[hbm4b:s13+s5] =	stream.linear.scatter [tilespmem:s14], [sflag:$0xC], $0xA00, $0x38;
	[tilespmem:$0xB400] =	vst v63  }
.Ltmp17:
0x47c: {  	_ = 	snop;
	(pc) =	sbr.rel .LBB2_26-.Ltmp17, $4  }
0x47d: {  	s18 =	simm.s32 $0xA780;
	s21 =	rddreg [dreg:$0x3];
	s15 =	sadd.s32 s10, s4  }
0x47e: {  	[hbm4b:s15+s5] =	stream.linear.scatter [tilespmem:s18], [sflag:$0xC], $0xA00, $0x38;
	[tilespmem:$0xB400] =	vst v63  }
0x47f: {  	s29 =	simm.s32 $0xB180;
	s1 =	sadd.s32 s21, s17  }
0x480: {  	[hbm4b:s1+s5] =	stream.linear.scatter [tilespmem:s29], [sflag:$0xC], $0x280, $0x38;
	[tilespmem:$0xB400] =	vst v63  }
.LBB2_28:
0x481: {  	_ =	sfence.sel $0x180000  }
0x482: {  	[bflag:$0x0] =	sbarrier.arrive $0xFFFF  }
0x483: {  	_ =	strace $0x9000004A  }
0x484: {  	s0 =	stileid.u32;
	[bflag:$0x2] =	sbarrier.arrive $0xFFFF  }
0x485: {  	p0 =	sne.s32 s0, $0x0;
	s0 =	rddreg [dreg:$0x4]  }
0x486: {  	s0 =	sadd.s32 @!p0 $0x100000, s0  }
0x487: {  	[sflag:s0] =	ssyncadd.tile.s32 @!p0 $0x1;
	_ =	shalt  }
.Lfunc_end2:
_tile_overlayer_lowered:
.L_overlay_start_2:
0x488: {  	(tag) =	ssettag $0x2  }
0x489: {  	s0 =	rddreg [dreg:$0x0];
	s2 =	stileid.u32  }
0x48a: {  	s1 =	rddreg [dreg:$0x1];
	p0 =	sne.s32 s2, $0x0  }
0x48b: {  	s3 =	rddreg [dreg:$0x2];
	[bflag:$0x3] =	sbarrier.arrive $0xFFFF;
	s2 =	simm.s32 @!p0 $0x1C0D  }
0x48c: {  	[timem:s3], [sflag:s2] =	dma.local @!p0 [hbm:s0], s1  }
0x48d: {  	s0 =	simm.s32 @!p0 $0xD  }
0x48e: {  	_ =	swait.ge @!p0 [sflag:s0], s1  }
0x48f: {  	s1 =	ssub.s32 @!p0 $0x0, s1;
	[sflag:s0] =	ssyncset.done @!p0 $0x0  }
0x490: {  	[sflag:s0] =	ssyncadd.s32 @!p0 s1  }
0x491: {  	[bflag:$0x3] =	sbarrier.arrive $0xFFFF  }
0x492: {  	_ =	shalt  }

</sc_bundles>
